<compile_context>
chip_gen: v7x
topology: tpu7x:2x2x1
jax: 0.10.2.dev20260603
libtpu: 0.0.44.dev20260713+nightly
codegen_flags: <defaults>
</compile_context>

<pallas_src>
import functools

import jax
import jax.numpy as jnp
from jax import lax
from jax.experimental import pallas as pl
from jax.experimental.pallas import tpu as pltpu
from jax.experimental.pallas import tpu_sc as plsc

N = 8192
K = 16
ROWS = 256
GRID_A = N // ROWS
NLEV = 6
NT = N // 128
FROWS = 1024
DPAD = 128

SC_NC = 2
SC_NS = 16
SC_NW = SC_NC * SC_NS
PW = N // SC_NW
CHUNK_PTS = 8
CHUNK_ROWS = CHUNK_PTS * K
CHUNKS = PW // CHUNK_PTS
IDX_ROWS_W = CHUNKS


def _knn_body(dd_ref, idx_ref):
    maxi = jnp.int32(0x7FFFFFFF)
    d = dd_ref[...]
    b = lax.bitcast_convert_type(d, jnp.int32)
    key = jnp.where(b < 0, b ^ maxi, b)

    levs = [jnp.full((ROWS, 128), maxi, jnp.int32) for _ in range(NLEV)]
    lids = [jnp.zeros((ROWS, 128), jnp.int32) for _ in range(NLEV)]
    for t in range(NT):
        p = key[:, t * 128:(t + 1) * 128]
        pid = jnp.int32(t)
        for v in range(NLEV):
            lo = jnp.minimum(levs[v], p)
            hi = jnp.maximum(levs[v], p)
            m = lo == levs[v]
            loid = jnp.where(m, lids[v], pid)
            hiid = jnp.where(m, pid, lids[v])
            levs[v], lids[v], p, pid = lo, loid, hi, hiid

    lane = lax.broadcasted_iota(jnp.int32, (ROWS, 128), 1)
    cols = []
    for _ in range(K):
        g = jnp.min(levs[0], axis=1, keepdims=True)
        colidx = lids[0] * 128 + lane
        j = jnp.min(jnp.where(levs[0] == g, colidx, maxi),
                    axis=1, keepdims=True)
        hit = (levs[0] == g) & (colidx == j)
        cols.append(j)
        for v in range(NLEV - 1):
            levs[v] = jnp.where(hit, levs[v + 1], levs[v])
            lids[v] = jnp.where(hit, lids[v + 1], lids[v])
        levs[NLEV - 1] = jnp.where(hit, maxi, levs[NLEV - 1])
    idx_ref[...] = jnp.concatenate(cols, axis=1)


def _final_body(p_ref, s_ref, wp_ref, ws_ref, b_ref, pt_ref, img_ref):
    hp = lax.Precision.HIGHEST
    ptb = lax.dot_general(p_ref[...], wp_ref[...], (((1,), (0,)), ((), ())),
                          precision=hp, preferred_element_type=jnp.float32)
    imgb = lax.dot_general(s_ref[...], ws_ref[...], (((1,), (0,)), ((), ())),
                           precision=hp, preferred_element_type=jnp.float32)
    pt_ref[...] = ptb + b_ref[0:1, :]
    img_ref[...] = imgb + b_ref[1:2, :]


def _sc_gather_sum_body(table_hbm, idx_hbm, out_hbm,
                        idx_v, buf0, buf1, out_v, sem0, sem1):
    wid = lax.axis_index("s") * SC_NC + lax.axis_index("c")
    base_row = wid * IDX_ROWS_W

    pltpu.sync_copy(idx_hbm.at[pl.ds(base_row, IDX_ROWS_W)], idx_v)

    coord_mask = lax.iota(jnp.int32, 16) < 3
    kf = jnp.float32(K)

    def reduce_chunk(buf, chunk):
        def point_body(p, _):
            r0 = p * K
            orow = chunk * CHUNK_PTS + p
            for v in range(DPAD // 16):
                sl = pl.ds(v * 16, 16)
                acc = buf[r0, sl]
                for r in range(1, K):
                    acc = acc + buf[r0 + r, sl]
                if v == 4:
                    acc = jnp.where(coord_mask, acc - kf * buf[r0, sl], acc)
                out_v[orow, sl] = acc
            return 0
        lax.fori_loop(0, CHUNK_PTS, point_body, 0)

    pltpu.async_copy(table_hbm.at[idx_v.at[0]], buf0, sem0)

    def pair_body(i, _):
        c0 = 2 * i
        pltpu.async_copy(table_hbm.at[idx_v.at[c0 + 1]], buf1, sem1)
        pltpu.make_async_copy(table_hbm.at[idx_v.at[c0]], buf0, sem0).wait()
        reduce_chunk(buf0, c0)

        @pl.when(i < CHUNKS // 2 - 1)
        def _():
            pltpu.async_copy(table_hbm.at[idx_v.at[c0 + 2]], buf0, sem0)

        pltpu.make_async_copy(table_hbm.at[idx_v.at[c0 + 1]], buf1, sem1).wait()
        reduce_chunk(buf1, c0 + 1)
        return 0

    lax.fori_loop(0, CHUNKS // 2, pair_body, 0)

    pltpu.sync_copy(out_v, out_hbm.at[pl.ds(wid * PW, PW)])


def _sc_gather_sum(table, idx2d):
    mesh = plsc.VectorSubcoreMesh(core_axis_name="c", subcore_axis_name="s")
    k = functools.partial(
        pl.kernel,
        mesh=mesh,
        out_type=jax.ShapeDtypeStruct((N, DPAD), jnp.float32),
        scratch_types=[
            pltpu.VMEM((IDX_ROWS_W, CHUNK_ROWS), jnp.int32),
            pltpu.VMEM((CHUNK_ROWS, DPAD), jnp.float32),
            pltpu.VMEM((CHUNK_ROWS, DPAD), jnp.float32),
            pltpu.VMEM((PW, DPAD), jnp.float32),
            pltpu.SemaphoreType.DMA,
            pltpu.SemaphoreType.DMA,
        ],
    )(_sc_gather_sum_body)
    return k(table, idx2d)


def _knn_indices(dd):
    return pl.pallas_call(
        _knn_body,
        grid=(GRID_A,),
        in_specs=[pl.BlockSpec((ROWS, N), lambda i: (i, 0))],
        out_specs=pl.BlockSpec((ROWS, K), lambda i: (i, 0)),
        out_shape=jax.ShapeDtypeStruct((N, K), jnp.int32),
    )(dd)


def _final_matmuls(pts, s, WpT, WsT, biases):
    return pl.pallas_call(
        _final_body,
        grid=(N // FROWS,),
        in_specs=[
            pl.BlockSpec((FROWS, 128), lambda i: (i, 0)),
            pl.BlockSpec((FROWS, DPAD), lambda i: (i, 0)),
            pl.BlockSpec((128, 128), lambda i: (0, 0)),
            pl.BlockSpec((DPAD, 128), lambda i: (0, 0)),
            pl.BlockSpec((8, 128), lambda i: (0, 0)),
        ],
        out_specs=[
            pl.BlockSpec((FROWS, 128), lambda i: (i, 0)),
            pl.BlockSpec((FROWS, 128), lambda i: (i, 0)),
        ],
        out_shape=[
            jax.ShapeDtypeStruct((N, 128), jnp.float32),
            jax.ShapeDtypeStruct((N, 128), jnp.float32),
        ],
    )(pts, s, WpT, WsT, biases)


def kernel(pts_image_features, point_features, coords, W1, b1, W2, b2, W3, b3,
           Wp, bp, Wi, bi):
    img = pts_image_features[0]
    pts = point_features[0]
    c = coords[0]

    x2 = jnp.sum(coords * coords, axis=-1)
    dist = x2[:, :, None] + x2[:, None, :] - 2.0 * jnp.einsum(
        'bnd,bmd->bnm', coords, coords)
    dist = jax.lax.stop_gradient(dist)

    idx = _knn_indices(dist[0])
    idx2d = idx.reshape(N * K // CHUNK_ROWS, CHUNK_ROWS)

    table = jnp.pad(jnp.concatenate([img, c], axis=1), ((0, 0), (0, 61)))
    s = _sc_gather_sum(table, idx2d)

    M = W3 @ (W2 @ W1)
    cvec = b3 + W3 @ b2 + W3 @ (W2 @ b1)
    Mf = Wi @ M
    WsT = jnp.pad(Mf, ((0, 0), (0, 61))).T
    const_img = float(K) * (Wi @ cvec) + bi
    biases = jnp.pad(jnp.stack([bp, const_img]), ((0, 6), (0, 0)))

    pt_out, img_out = _final_matmuls(pts, s, Wp.T, WsT, biases)
    return jnp.concatenate([pt_out, img_out], axis=-1)[None]

# --- scband reference (transcript-rebuilt; emitter-appended) ---
"""Pipeline reference for scband-cont-conv-fuse-module-23888608100535 (READ-ONLY COPY).

The authoritative reference and input builder live on the scoring server;
editing this copy changes nothing except your own understanding.
"""

import jax, jax.numpy as jnp
import numpy as np

B, N, K = 1, 8192, 16
C_IMG, C_PT, C_COORD, C_OUT = 64, 128, 3, 128


def setup_inputs(seed: int = 0) -> dict:
    key = jax.random.key(seed)
    ks = jax.random.split(key, 12)
    inp = {
        'pts_image_features': jax.random.normal(ks[0], (B, N, C_IMG), dtype=jnp.float32),
        'point_features': jax.random.normal(ks[1], (B, N, C_PT), dtype=jnp.float32),
        'coords': jax.random.uniform(ks[2], (B, N, C_COORD), dtype=jnp.float32, minval=0.0, maxval=70.0),
        # ContinuousConvolution kernel MLP (1x1 convs): [67] -> 64 -> 128 -> 128, no activation (act_func=None)
        'W1': jax.random.normal(ks[3], (64, C_IMG + C_COORD), dtype=jnp.float32) * 0.05,
        'b1': jnp.zeros((64,), dtype=jnp.float32),
        'W2': jax.random.normal(ks[4], (128, 64), dtype=jnp.float32) * 0.05,
        'b2': jnp.zeros((128,), dtype=jnp.float32),
        'W3': jax.random.normal(ks[5], (C_OUT, 128), dtype=jnp.float32) * 0.05,
        'b3': jnp.zeros((C_OUT,), dtype=jnp.float32),
        # point_feature_reshape_layer: Conv1d 128 -> 128
        'Wp': jax.random.normal(ks[6], (C_OUT, C_PT), dtype=jnp.float32) * 0.05,
        'bp': jnp.zeros((C_OUT,), dtype=jnp.float32),
        # image_feature_reshape_layer: Conv1d num_output_features(=128) -> 128
        'Wi': jax.random.normal(ks[7], (C_OUT, C_OUT), dtype=jnp.float32) * 0.05,
        'bi': jnp.zeros((C_OUT,), dtype=jnp.float32),
    }
    return inp


def reference(pts_image_features, point_features, coords, W1, b1, W2, b2, W3, b3, Wp, bp, Wi, bi):
    # --- KNN(k=K, transpose_mode=True): self is the nearest neighbor (index 0) ---
    x2 = jnp.sum(coords * coords, axis=-1)                       # [B, N]
    dist = x2[:, :, None] + x2[:, None, :] - 2.0 * jnp.einsum('bnd,bmd->bnm', coords, coords)
    dist = jax.lax.stop_gradient(dist)
    _, neighbor_idx = jax.lax.top_k(-dist, K)                    # [B, N, K], nearest-first

    # --- gather neighbor features (batched_index_select / index_select) ---
    feats = jnp.concatenate([pts_image_features, coords], axis=-1)   # [B, N, C_IMG+3]
    gathered = jax.vmap(lambda f, i: jnp.take(f, i, axis=0))(feats, neighbor_idx)  # [B, N, K, C_IMG+3]

    # --- relative coords: subtract neighbor 0 (self) coords ---
    rel = gathered[..., -C_COORD:] - gathered[:, :, 0:1, -C_COORD:]
    g = jnp.concatenate([gathered[..., :-C_COORD], rel], axis=-1)    # [B, N, K, 67]

    # --- kernel MLP (1x1 convs over [B, C, N, K]) == per-(point,neighbor) linear layers ---
    h = g @ W1.T + b1
    h = h @ W2.T + b2
    h = h @ W3.T + b3                                            # [B, N, K, C_OUT]

    # --- sum aggregation over K ---
    cont = jnp.sum(h, axis=2)                                    # [B, N, C_OUT]

    # --- reshape layers (1x1 Conv1d) + concat fuse ---
    img_branch = cont @ Wi.T + bi                                # [B, N, 128]
    pt_branch = point_features @ Wp.T + bp                       # [B, N, 128]
    out = jnp.concatenate([pt_branch, img_branch], axis=-1)      # [B, N, 256]
    return out

if __name__ == "__main__":
    import jax
    _d = setup_inputs()
    print(jax.jit(kernel)(*tuple(_d.values())))

</pallas_src>

<mosaic_0001>
#map = affine_map<(d0, d1) -> (0, 0)>
module attributes {stable_mosaic.version = 14 : i64} {
  func.func @_sc_gather_sum_body(%arg0: i32, %arg1: i32, %arg2: memref<8192x128xf32, #tpu.memory_space<hbm>>, %arg3: memref<1024x128xi32, #tpu.memory_space<hbm>>, %arg4: memref<8192x128xf32, #tpu.memory_space<hbm>>, %arg5: memref<32x128xi32, #tpu.memory_space<vmem>>, %arg6: memref<128x128xf32, #tpu.memory_space<vmem>>, %arg7: memref<128x128xf32, #tpu.memory_space<vmem>>, %arg8: memref<256x128xf32, #tpu.memory_space<vmem>>, %arg9: memref<!tpu.dma_semaphore, #tpu.memory_space<semaphore_mem>>, %arg10: memref<!tpu.dma_semaphore, #tpu.memory_space<semaphore_mem>>) attributes {dimension_semantics = [#tpu.dimension_semantics<core_parallel>, #tpu.dimension_semantics<subcore_parallel>], iteration_bounds = array<i64: 2, 16>, scalar_prefetch = 0 : i64, scratch_operands = 6 : i64, tpu.core_type = #tpu.core_type<sc_vector_subcore>, window_params = [{transform_indices = #map}, {transform_indices = #map}, {transform_indices = #map}]} {
    %mul3A = arith.constant 2 : i32
    %mul3A_0 = arith.muli %arg1, %mul3A : i32
    %add3A = arith.addi %mul3A_0, %arg0 : i32
    %mul3A_1 = arith.constant 32 : i32
    %mul3A_2 = arith.muli %add3A, %mul3A_1 : i32
    "tpu.region"() ({
      %run_scoped3A = tpu.sem_alloc : memref<!tpu.dma_semaphore, #tpu.memory_space<semaphore_mem>>
      %dma_start3A_20 = arith.constant 0 : i32
      %dma_start3A_21 = tpu.memref_slice %arg3[%mul3A_2, %dma_start3A_20] : memref<1024x128xi32, #tpu.memory_space<hbm>> -> memref<32x128xi32, #tpu.memory_space<hbm>>
      %dma_start3A_22 = arith.constant 0 : i32
      %dma_start3A_23 = tpu.memref_slice %arg3[%mul3A_2, %dma_start3A_22] : memref<1024x128xi32, #tpu.memory_space<hbm>> -> memref<32x128xi32, #tpu.memory_space<hbm>>
      tpu.enqueue_dma source(%dma_start3A_23 : memref<32x128xi32, #tpu.memory_space<hbm>>) target(%arg5 : memref<32x128xi32, #tpu.memory_space<vmem>>) target_semaphore(%run_scoped3A : memref<!tpu.dma_semaphore, #tpu.memory_space<semaphore_mem>>)
      %dma_wait3A = arith.constant 0 : i32
      %dma_wait3A_24 = tpu.memref_slice %arg3[%mul3A_2, %dma_wait3A] : memref<1024x128xi32, #tpu.memory_space<hbm>> -> memref<32x128xi32, #tpu.memory_space<hbm>>
      %dma_wait3A_25 = arith.constant 0 : i32
      %dma_wait3A_26 = tpu.memref_slice %arg3[%mul3A_2, %dma_wait3A_25] : memref<1024x128xi32, #tpu.memory_space<hbm>> -> memref<32x128xi32, #tpu.memory_space<hbm>>
      tpu.wait_dma2 semaphore(%run_scoped3A : memref<!tpu.dma_semaphore, #tpu.memory_space<semaphore_mem>>) src(%dma_wait3A_26 : memref<32x128xi32, #tpu.memory_space<hbm>>) dst(%arg5 : memref<32x128xi32, #tpu.memory_space<vmem>>)
      tpu.yield
    }) : () -> ()
    %iota3A = tpu.iota {dimensions = array<i32: 0>} : vector<16xi32>
    %lt3A = arith.constant 3 : i32
    %lt3A_3 = vector.broadcast %lt3A : i32 to vector<16xi32>
    %lt3A_4 = arith.cmpi slt, %iota3A, %lt3A_3 : vector<16xi32>
    %dma_start3A = arith.constant 0 : i32
    %dma_start3A_5 = arith.constant 0 : i32
    %dma_start3A_6 = tpu.memref_slice %arg5[%dma_start3A, %dma_start3A_5] : memref<32x128xi32, #tpu.memory_space<vmem>> -> memref<1x128xi32, #tpu.memory_space<vmem>>
    %dma_start3A_7 = tpu.memref_squeeze %dma_start3A_6 : memref<1x128xi32, #tpu.memory_space<vmem>> -> memref<128xi32, #tpu.memory_space<vmem>>
    %dma_start3A_8 = arith.constant 0 : i32
    %dma_start3A_9 = arith.constant 0 : i32
    %dma_start3A_10 = tpu.memref_slice %arg2[%dma_start3A_8, %dma_start3A_9] : memref<8192x128xf32, #tpu.memory_space<hbm>> -> memref<8192x128xf32, #tpu.memory_space<hbm>>
    tpu.enqueue_indirect_dma source(%dma_start3A_10 : memref<8192x128xf32, #tpu.memory_space<hbm>>) target(%arg6 : memref<128x128xf32, #tpu.memory_space<vmem>>) offsets(%dma_start3A_7 : memref<128xi32, #tpu.memory_space<vmem>>) semaphore(%arg9 : memref<!tpu.dma_semaphore, #tpu.memory_space<semaphore_mem>>)
    %scan3A = arith.constant 1.600000e+01 : f32
    %scan3A_11 = arith.constant 0 : i32
    %scan3A_12 = arith.constant 0 : i32
    %scan3A_13 = arith.constant 16 : i32
    %scan3A_14 = arith.addi %scan3A_12, %scan3A_13 : i32
    %scan3A_15 = arith.constant 1 : i32
    %scan3A_16 = scf.for %scan3A_20 = %scan3A_12 to %scan3A_14 step %scan3A_15 iter_args(%scan3A_21 = %scan3A_11) -> (i32)  : i32 {
      %mul3A_22 = arith.constant 2 : i32
      %mul3A_23 = arith.muli %mul3A_22, %scan3A_20 : i32
      %add3A_24 = arith.constant 1 : i32
      %add3A_25 = arith.addi %mul3A_23, %add3A_24 : i32
      %dma_start3A_26 = arith.constant 0 : i32
      %dma_start3A_27 = tpu.memref_slice %arg5[%add3A_25, %dma_start3A_26] : memref<32x128xi32, #tpu.memory_space<vmem>> -> memref<1x128xi32, #tpu.memory_space<vmem>>
      %dma_start3A_28 = tpu.memref_squeeze %dma_start3A_27 : memref<1x128xi32, #tpu.memory_space<vmem>> -> memref<128xi32, #tpu.memory_space<vmem>>
      %dma_start3A_29 = arith.constant 0 : i32
      %dma_start3A_30 = arith.constant 0 : i32
      %dma_start3A_31 = tpu.memref_slice %arg2[%dma_start3A_29, %dma_start3A_30] : memref<8192x128xf32, #tpu.memory_space<hbm>> -> memref<8192x128xf32, #tpu.memory_space<hbm>>
      tpu.enqueue_indirect_dma source(%dma_start3A_31 : memref<8192x128xf32, #tpu.memory_space<hbm>>) target(%arg7 : memref<128x128xf32, #tpu.memory_space<vmem>>) offsets(%dma_start3A_28 : memref<128xi32, #tpu.memory_space<vmem>>) semaphore(%arg10 : memref<!tpu.dma_semaphore, #tpu.memory_space<semaphore_mem>>)
      %dma_wait3A = arith.constant 0 : i32
      %dma_wait3A_32 = tpu.memref_slice %arg5[%mul3A_23, %dma_wait3A] : memref<32x128xi32, #tpu.memory_space<vmem>> -> memref<1x128xi32, #tpu.memory_space<vmem>>
      %dma_wait3A_33 = tpu.memref_squeeze %dma_wait3A_32 : memref<1x128xi32, #tpu.memory_space<vmem>> -> memref<128xi32, #tpu.memory_space<vmem>>
      %dma_wait3A_34 = arith.constant 0 : i32
      %dma_wait3A_35 = arith.constant 0 : i32
      %dma_wait3A_36 = tpu.memref_slice %arg2[%dma_wait3A_34, %dma_wait3A_35] : memref<8192x128xf32, #tpu.memory_space<hbm>> -> memref<8192x128xf32, #tpu.memory_space<hbm>>
      tpu.wait_indirect_dma semaphore(%arg9 : memref<!tpu.dma_semaphore, #tpu.memory_space<semaphore_mem>>) src(%dma_wait3A_36 : memref<8192x128xf32, #tpu.memory_space<hbm>>) dst(%arg6 : memref<128x128xf32, #tpu.memory_space<vmem>>)
      %scan3A_37 = arith.constant 0 : i32
      %scan3A_38 = arith.constant 0 : i32
      %scan3A_39 = arith.constant 8 : i32
      %scan3A_40 = arith.addi %scan3A_38, %scan3A_39 : i32
      %scan3A_41 = arith.constant 1 : i32
      %scan3A_42 = scf.for %scan3A_65 = %scan3A_38 to %scan3A_40 step %scan3A_41 iter_args(%scan3A_66 = %scan3A_37) -> (i32)  : i32 {
        %mul3A_67 = arith.constant 16 : i32
        %mul3A_68 = arith.muli %scan3A_65, %mul3A_67 : i32
        %mul3A_69 = arith.constant 8 : i32
        %mul3A_70 = arith.muli %mul3A_23, %mul3A_69 : i32
        %add3A_71 = arith.addi %mul3A_70, %scan3A_65 : i32
        %get3A = arith.index_cast %mul3A_68 : i32 to index
        %get3A_72 = arith.constant 0 : index
        %get3A_73 = tpu.vector_load %arg6[%get3A, %get3A_72] {strides = array<i32>} : memref<128x128xf32, #tpu.memory_space<vmem>>, vector<1x16xf32>,
        %get3A_74 = vector.shape_cast %get3A_73 : vector<1x16xf32> to vector<16xf32>
        %add3A_75 = arith.constant 1 : i32
        %add3A_76 = arith.addi %mul3A_68, %add3A_75 : i32
        %get3A_77 = arith.index_cast %add3A_76 : i32 to index
        %get3A_78 = arith.constant 0 : index
        %get3A_79 = tpu.vector_load %arg6[%get3A_77, %get3A_78] {strides = array<i32>} : memref<128x128xf32, #tpu.memory_space<vmem>>, vector<1x16xf32>,
        %get3A_80 = vector.shape_cast %get3A_79 : vector<1x16xf32> to vector<16xf32>
        %add3A_81 = arith.addf %get3A_74, %get3A_80 : vector<16xf32>
        %add3A_82 = arith.constant 2 : i32
        %add3A_83 = arith.addi %mul3A_68, %add3A_82 : i32
        %get3A_84 = arith.index_cast %add3A_83 : i32 to index
        %get3A_85 = arith.constant 0 : index
        %get3A_86 = tpu.vector_load %arg6[%get3A_84, %get3A_85] {strides = array<i32>} : memref<128x128xf32, #tpu.memory_space<vmem>>, vector<1x16xf32>,
        %get3A_87 = vector.shape_cast %get3A_86 : vector<1x16xf32> to vector<16xf32>
        %add3A_88 = arith.addf %add3A_81, %get3A_87 : vector<16xf32>
        %add3A_89 = arith.constant 3 : i32
        %add3A_90 = arith.addi %mul3A_68, %add3A_89 : i32
        %get3A_91 = arith.index_cast %add3A_90 : i32 to index
        %get3A_92 = arith.constant 0 : index
        %get3A_93 = tpu.vector_load %arg6[%get3A_91, %get3A_92] {strides = array<i32>} : memref<128x128xf32, #tpu.memory_space<vmem>>, vector<1x16xf32>,
        %get3A_94 = vector.shape_cast %get3A_93 : vector<1x16xf32> to vector<16xf32>
        %add3A_95 = arith.addf %add3A_88, %get3A_94 : vector<16xf32>
        %add3A_96 = arith.constant 4 : i32
        %add3A_97 = arith.addi %mul3A_68, %add3A_96 : i32
        %get3A_98 = arith.index_cast %add3A_97 : i32 to index
        %get3A_99 = arith.constant 0 : index
        %get3A_100 = tpu.vector_load %arg6[%get3A_98, %get3A_99] {strides = array<i32>} : memref<128x128xf32, #tpu.memory_space<vmem>>, vector<1x16xf32>,
        %get3A_101 = vector.shape_cast %get3A_100 : vector<1x16xf32> to vector<16xf32>
        %add3A_102 = arith.addf %add3A_95, %get3A_101 : vector<16xf32>
        %add3A_103 = arith.constant 5 : i32
        %add3A_104 = arith.addi %mul3A_68, %add3A_103 : i32
        %get3A_105 = arith.index_cast %add3A_104 : i32 to index
        %get3A_106 = arith.constant 0 : index
        %get3A_107 = tpu.vector_load %arg6[%get3A_105, %get3A_106] {strides = array<i32>} : memref<128x128xf32, #tpu.memory_space<vmem>>, vector<1x16xf32>,
        %get3A_108 = vector.shape_cast %get3A_107 : vector<1x16xf32> to vector<16xf32>
        %add3A_109 = arith.addf %add3A_102, %get3A_108 : vector<16xf32>
        %add3A_110 = arith.constant 6 : i32
        %add3A_111 = arith.addi %mul3A_68, %add3A_110 : i32
        %get3A_112 = arith.index_cast %add3A_111 : i32 to index
        %get3A_113 = arith.constant 0 : index
        %get3A_114 = tpu.vector_load %arg6[%get3A_112, %get3A_113] {strides = array<i32>} : memref<128x128xf32, #tpu.memory_space<vmem>>, vector<1x16xf32>,
        %get3A_115 = vector.shape_cast %get3A_114 : vector<1x16xf32> to vector<16xf32>
        %add3A_116 = arith.addf %add3A_109, %get3A_115 : vector<16xf32>
        %add3A_117 = arith.constant 7 : i32
        %add3A_118 = arith.addi %mul3A_68, %add3A_117 : i32
        %get3A_119 = arith.index_cast %add3A_118 : i32 to index
        %get3A_120 = arith.constant 0 : index
        %get3A_121 = tpu.vector_load %arg6[%get3A_119, %get3A_120] {strides = array<i32>} : memref<128x128xf32, #tpu.memory_space<vmem>>, vector<1x16xf32>,
        %get3A_122 = vector.shape_cast %get3A_121 : vector<1x16xf32> to vector<16xf32>
        %add3A_123 = arith.addf %add3A_116, %get3A_122 : vector<16xf32>
        %add3A_124 = arith.constant 8 : i32
        %add3A_125 = arith.addi %mul3A_68, %add3A_124 : i32
        %get3A_126 = arith.index_cast %add3A_125 : i32 to index
        %get3A_127 = arith.constant 0 : index
        %get3A_128 = tpu.vector_load %arg6[%get3A_126, %get3A_127] {strides = array<i32>} : memref<128x128xf32, #tpu.memory_space<vmem>>, vector<1x16xf32>,
        %get3A_129 = vector.shape_cast %get3A_128 : vector<1x16xf32> to vector<16xf32>
        %add3A_130 = arith.addf %add3A_123, %get3A_129 : vector<16xf32>
        %add3A_131 = arith.constant 9 : i32
        %add3A_132 = arith.addi %mul3A_68, %add3A_131 : i32
        %get3A_133 = arith.index_cast %add3A_132 : i32 to index
        %get3A_134 = arith.constant 0 : index
        %get3A_135 = tpu.vector_load %arg6[%get3A_133, %get3A_134] {strides = array<i32>} : memref<128x128xf32, #tpu.memory_space<vmem>>, vector<1x16xf32>,
        %get3A_136 = vector.shape_cast %get3A_135 : vector<1x16xf32> to vector<16xf32>
        %add3A_137 = arith.addf %add3A_130, %get3A_136 : vector<16xf32>
        %add3A_138 = arith.constant 10 : i32
        %add3A_139 = arith.addi %mul3A_68, %add3A_138 : i32
        %get3A_140 = arith.index_cast %add3A_139 : i32 to index
        %get3A_141 = arith.constant 0 : index
        %get3A_142 = tpu.vector_load %arg6[%get3A_140, %get3A_141] {strides = array<i32>} : memref<128x128xf32, #tpu.memory_space<vmem>>, vector<1x16xf32>,
        %get3A_143 = vector.shape_cast %get3A_142 : vector<1x16xf32> to vector<16xf32>
        %add3A_144 = arith.addf %add3A_137, %get3A_143 : vector<16xf32>
        %add3A_145 = arith.constant 11 : i32
        %add3A_146 = arith.addi %mul3A_68, %add3A_145 : i32
        %get3A_147 = arith.index_cast %add3A_146 : i32 to index
        %get3A_148 = arith.constant 0 : index
        %get3A_149 = tpu.vector_load %arg6[%get3A_147, %get3A_148] {strides = array<i32>} : memref<128x128xf32, #tpu.memory_space<vmem>>, vector<1x16xf32>,
        %get3A_150 = vector.shape_cast %get3A_149 : vector<1x16xf32> to vector<16xf32>
        %add3A_151 = arith.addf %add3A_144, %get3A_150 : vector<16xf32>
        %add3A_152 = arith.constant 12 : i32
        %add3A_153 = arith.addi %mul3A_68, %add3A_152 : i32
        %get3A_154 = arith.index_cast %add3A_153 : i32 to index
        %get3A_155 = arith.constant 0 : index
        %get3A_156 = tpu.vector_load %arg6[%get3A_154, %get3A_155] {strides = array<i32>} : memref<128x128xf32, #tpu.memory_space<vmem>>, vector<1x16xf32>,
        %get3A_157 = vector.shape_cast %get3A_156 : vector<1x16xf32> to vector<16xf32>
        %add3A_158 = arith.addf %add3A_151, %get3A_157 : vector<16xf32>
        %add3A_159 = arith.constant 13 : i32
        %add3A_160 = arith.addi %mul3A_68, %add3A_159 : i32
        %get3A_161 = arith.index_cast %add3A_160 : i32 to index
        %get3A_162 = arith.constant 0 : index
        %get3A_163 = tpu.vector_load %arg6[%get3A_161, %get3A_162] {strides = array<i32>} : memref<128x128xf32, #tpu.memory_space<vmem>>, vector<1x16xf32>,
        %get3A_164 = vector.shape_cast %get3A_163 : vector<1x16xf32> to vector<16xf32>
        %add3A_165 = arith.addf %add3A_158, %get3A_164 : vector<16xf32>
        %add3A_166 = arith.constant 14 : i32
        %add3A_167 = arith.addi %mul3A_68, %add3A_166 : i32
        %get3A_168 = arith.index_cast %add3A_167 : i32 to index
        %get3A_169 = arith.constant 0 : index
        %get3A_170 = tpu.vector_load %arg6[%get3A_168, %get3A_169] {strides = array<i32>} : memref<128x128xf32, #tpu.memory_space<vmem>>, vector<1x16xf32>,
        %get3A_171 = vector.shape_cast %get3A_170 : vector<1x16xf32> to vector<16xf32>
        %add3A_172 = arith.addf %add3A_165, %get3A_171 : vector<16xf32>
        %add3A_173 = arith.constant 15 : i32
        %add3A_174 = arith.addi %mul3A_68, %add3A_173 : i32
        %get3A_175 = arith.index_cast %add3A_174 : i32 to index
        %get3A_176 = arith.constant 0 : index
        %get3A_177 = tpu.vector_load %arg6[%get3A_175, %get3A_176] {strides = array<i32>} : memref<128x128xf32, #tpu.memory_space<vmem>>, vector<1x16xf32>,
        %get3A_178 = vector.shape_cast %get3A_177 : vector<1x16xf32> to vector<16xf32>
        %add3A_179 = arith.addf %add3A_172, %get3A_178 : vector<16xf32>
        %swap3A = arith.index_cast %add3A_71 : i32 to index
        %swap3A_180 = arith.constant 0 : index
        %swap3A_181 = tpu.vector_load %arg8[%swap3A, %swap3A_180] {strides = array<i32>} : memref<256x128xf32, #tpu.memory_space<vmem>>, vector<1x16xf32>,
        %swap3A_182 = vector.shape_cast %swap3A_181 : vector<1x16xf32> to vector<16xf32>
        %swap3A_183 = vector.shape_cast %add3A_179 : vector<16xf32> to vector<1x16xf32>
        tpu.vector_store %arg8[%swap3A, %swap3A_180], %swap3A_183 {strides = array<i32>} : memref<256x128xf32, #tpu.memory_space<vmem>>, vector<1x16xf32>,
        %get3A_184 = arith.index_cast %mul3A_68 : i32 to index
        %get3A_185 = arith.constant 16 : index
        %get3A_186 = tpu.vector_load %arg6[%get3A_184, %get3A_185] {strides = array<i32>} : memref<128x128xf32, #tpu.memory_space<vmem>>, vector<1x16xf32>,
        %get3A_187 = vector.shape_cast %get3A_186 : vector<1x16xf32> to vector<16xf32>
        %add3A_188 = arith.constant 1 : i32
        %add3A_189 = arith.addi %mul3A_68, %add3A_188 : i32
        %get3A_190 = arith.index_cast %add3A_189 : i32 to index
        %get3A_191 = arith.constant 16 : index
        %get3A_192 = tpu.vector_load %arg6[%get3A_190, %get3A_191] {strides = array<i32>} : memref<128x128xf32, #tpu.memory_space<vmem>>, vector<1x16xf32>,
        %get3A_193 = vector.shape_cast %get3A_192 : vector<1x16xf32> to vector<16xf32>
        %add3A_194 = arith.addf %get3A_187, %get3A_193 : vector<16xf32>
        %add3A_195 = arith.constant 2 : i32
        %add3A_196 = arith.addi %mul3A_68, %add3A_195 : i32
        %get3A_197 = arith.index_cast %add3A_196 : i32 to index
        %get3A_198 = arith.constant 16 : index
        %get3A_199 = tpu.vector_load %arg6[%get3A_197, %get3A_198] {strides = array<i32>} : memref<128x128xf32, #tpu.memory_space<vmem>>, vector<1x16xf32>,
        %get3A_200 = vector.shape_cast %get3A_199 : vector<1x16xf32> to vector<16xf32>
        %add3A_201 = arith.addf %add3A_194, %get3A_200 : vector<16xf32>
        %add3A_202 = arith.constant 3 : i32
        %add3A_203 = arith.addi %mul3A_68, %add3A_202 : i32
        %get3A_204 = arith.index_cast %add3A_203 : i32 to index
        %get3A_205 = arith.constant 16 : index
        %get3A_206 = tpu.vector_load %arg6[%get3A_204, %get3A_205] {strides = array<i32>} : memref<128x128xf32, #tpu.memory_space<vmem>>, vector<1x16xf32>,
        %get3A_207 = vector.shape_cast %get3A_206 : vector<1x16xf32> to vector<16xf32>
        %add3A_208 = arith.addf %add3A_201, %get3A_207 : vector<16xf32>
        %add3A_209 = arith.constant 4 : i32
        %add3A_210 = arith.addi %mul3A_68, %add3A_209 : i32
        %get3A_211 = arith.index_cast %add3A_210 : i32 to index
        %get3A_212 = arith.constant 16 : index
        %get3A_213 = tpu.vector_load %arg6[%get3A_211, %get3A_212] {strides = array<i32>} : memref<128x128xf32, #tpu.memory_space<vmem>>, vector<1x16xf32>,
        %get3A_214 = vector.shape_cast %get3A_213 : vector<1x16xf32> to vector<16xf32>
        %add3A_215 = arith.addf %add3A_208, %get3A_214 : vector<16xf32>
        %add3A_216 = arith.constant 5 : i32
        %add3A_217 = arith.addi %mul3A_68, %add3A_216 : i32
        %get3A_218 = arith.index_cast %add3A_217 : i32 to index
        %get3A_219 = arith.constant 16 : index
        %get3A_220 = tpu.vector_load %arg6[%get3A_218, %get3A_219] {strides = array<i32>} : memref<128x128xf32, #tpu.memory_space<vmem>>, vector<1x16xf32>,
        %get3A_221 = vector.shape_cast %get3A_220 : vector<1x16xf32> to vector<16xf32>
        %add3A_222 = arith.addf %add3A_215, %get3A_221 : vector<16xf32>
        %add3A_223 = arith.constant 6 : i32
        %add3A_224 = arith.addi %mul3A_68, %add3A_223 : i32
        %get3A_225 = arith.index_cast %add3A_224 : i32 to index
        %get3A_226 = arith.constant 16 : index
        %get3A_227 = tpu.vector_load %arg6[%get3A_225, %get3A_226] {strides = array<i32>} : memref<128x128xf32, #tpu.memory_space<vmem>>, vector<1x16xf32>,
        %get3A_228 = vector.shape_cast %get3A_227 : vector<1x16xf32> to vector<16xf32>
        %add3A_229 = arith.addf %add3A_222, %get3A_228 : vector<16xf32>
        %add3A_230 = arith.constant 7 : i32
        %add3A_231 = arith.addi %mul3A_68, %add3A_230 : i32
        %get3A_232 = arith.index_cast %add3A_231 : i32 to index
        %get3A_233 = arith.constant 16 : index
        %get3A_234 = tpu.vector_load %arg6[%get3A_232, %get3A_233] {strides = array<i32>} : memref<128x128xf32, #tpu.memory_space<vmem>>, vector<1x16xf32>,
        %get3A_235 = vector.shape_cast %get3A_234 : vector<1x16xf32> to vector<16xf32>
        %add3A_236 = arith.addf %add3A_229, %get3A_235 : vector<16xf32>
        %add3A_237 = arith.constant 8 : i32
        %add3A_238 = arith.addi %mul3A_68, %add3A_237 : i32
        %get3A_239 = arith.index_cast %add3A_238 : i32 to index
        %get3A_240 = arith.constant 16 : index
        %get3A_241 = tpu.vector_load %arg6[%get3A_239, %get3A_240] {strides = array<i32>} : memref<128x128xf32, #tpu.memory_space<vmem>>, vector<1x16xf32>,
        %get3A_242 = vector.shape_cast %get3A_241 : vector<1x16xf32> to vector<16xf32>
        %add3A_243 = arith.addf %add3A_236, %get3A_242 : vector<16xf32>
        %add3A_244 = arith.constant 9 : i32
        %add3A_245 = arith.addi %mul3A_68, %add3A_244 : i32
        %get3A_246 = arith.index_cast %add3A_245 : i32 to index
        %get3A_247 = arith.constant 16 : index
        %get3A_248 = tpu.vector_load %arg6[%get3A_246, %get3A_247] {strides = array<i32>} : memref<128x128xf32, #tpu.memory_space<vmem>>, vector<1x16xf32>,
        %get3A_249 = vector.shape_cast %get3A_248 : vector<1x16xf32> to vector<16xf32>
        %add3A_250 = arith.addf %add3A_243, %get3A_249 : vector<16xf32>
        %add3A_251 = arith.constant 10 : i32
        %add3A_252 = arith.addi %mul3A_68, %add3A_251 : i32
        %get3A_253 = arith.index_cast %add3A_252 : i32 to index
        %get3A_254 = arith.constant 16 : index
        %get3A_255 = tpu.vector_load %arg6[%get3A_253, %get3A_254] {strides = array<i32>} : memref<128x128xf32, #tpu.memory_space<vmem>>, vector<1x16xf32>,
        %get3A_256 = vector.shape_cast %get3A_255 : vector<1x16xf32> to vector<16xf32>
        %add3A_257 = arith.addf %add3A_250, %get3A_256 : vector<16xf32>
        %add3A_258 = arith.constant 11 : i32
        %add3A_259 = arith.addi %mul3A_68, %add3A_258 : i32
        %get3A_260 = arith.index_cast %add3A_259 : i32 to index
        %get3A_261 = arith.constant 16 : index
        %get3A_262 = tpu.vector_load %arg6[%get3A_260, %get3A_261] {strides = array<i32>} : memref<128x128xf32, #tpu.memory_space<vmem>>, vector<1x16xf32>,
        %get3A_263 = vector.shape_cast %get3A_262 : vector<1x16xf32> to vector<16xf32>
        %add3A_264 = arith.addf %add3A_257, %get3A_263 : vector<16xf32>
        %add3A_265 = arith.constant 12 : i32
        %add3A_266 = arith.addi %mul3A_68, %add3A_265 : i32
        %get3A_267 = arith.index_cast %add3A_266 : i32 to index
        %get3A_268 = arith.constant 16 : index
        %get3A_269 = tpu.vector_load %arg6[%get3A_267, %get3A_268] {strides = array<i32>} : memref<128x128xf32, #tpu.memory_space<vmem>>, vector<1x16xf32>,
        %get3A_270 = vector.shape_cast %get3A_269 : vector<1x16xf32> to vector<16xf32>
        %add3A_271 = arith.addf %add3A_264, %get3A_270 : vector<16xf32>
        %add3A_272 = arith.constant 13 : i32
        %add3A_273 = arith.addi %mul3A_68, %add3A_272 : i32
        %get3A_274 = arith.index_cast %add3A_273 : i32 to index
        %get3A_275 = arith.constant 16 : index
        %get3A_276 = tpu.vector_load %arg6[%get3A_274, %get3A_275] {strides = array<i32>} : memref<128x128xf32, #tpu.memory_space<vmem>>, vector<1x16xf32>,
        %get3A_277 = vector.shape_cast %get3A_276 : vector<1x16xf32> to vector<16xf32>
        %add3A_278 = arith.addf %add3A_271, %get3A_277 : vector<16xf32>
        %add3A_279 = arith.constant 14 : i32
        %add3A_280 = arith.addi %mul3A_68, %add3A_279 : i32
        %get3A_281 = arith.index_cast %add3A_280 : i32 to index
        %get3A_282 = arith.constant 16 : index
        %get3A_283 = tpu.vector_load %arg6[%get3A_281, %get3A_282] {strides = array<i32>} : memref<128x128xf32, #tpu.memory_space<vmem>>, vector<1x16xf32>,
        %get3A_284 = vector.shape_cast %get3A_283 : vector<1x16xf32> to vector<16xf32>
        %add3A_285 = arith.addf %add3A_278, %get3A_284 : vector<16xf32>
        %add3A_286 = arith.constant 15 : i32
        %add3A_287 = arith.addi %mul3A_68, %add3A_286 : i32
        %get3A_288 = arith.index_cast %add3A_287 : i32 to index
        %get3A_289 = arith.constant 16 : index
        %get3A_290 = tpu.vector_load %arg6[%get3A_288, %get3A_289] {strides = array<i32>} : memref<128x128xf32, #tpu.memory_space<vmem>>, vector<1x16xf32>,
        %get3A_291 = vector.shape_cast %get3A_290 : vector<1x16xf32> to vector<16xf32>
        %add3A_292 = arith.addf %add3A_285, %get3A_291 : vector<16xf32>
        %swap3A_293 = arith.index_cast %add3A_71 : i32 to index
        %swap3A_294 = arith.constant 16 : index
        %swap3A_295 = tpu.vector_load %arg8[%swap3A_293, %swap3A_294] {strides = array<i32>} : memref<256x128xf32, #tpu.memory_space<vmem>>, vector<1x16xf32>,
        %swap3A_296 = vector.shape_cast %swap3A_295 : vector<1x16xf32> to vector<16xf32>
        %swap3A_297 = vector.shape_cast %add3A_292 : vector<16xf32> to vector<1x16xf32>
        tpu.vector_store %arg8[%swap3A_293, %swap3A_294], %swap3A_297 {strides = array<i32>} : memref<256x128xf32, #tpu.memory_space<vmem>>, vector<1x16xf32>,
        %get3A_298 = arith.index_cast %mul3A_68 : i32 to index
        %get3A_299 = arith.constant 32 : index
        %get3A_300 = tpu.vector_load %arg6[%get3A_298, %get3A_299] {strides = array<i32>} : memref<128x128xf32, #tpu.memory_space<vmem>>, vector<1x16xf32>,
        %get3A_301 = vector.shape_cast %get3A_300 : vector<1x16xf32> to vector<16xf32>
        %add3A_302 = arith.constant 1 : i32
        %add3A_303 = arith.addi %mul3A_68, %add3A_302 : i32
        %get3A_304 = arith.index_cast %add3A_303 : i32 to index
        %get3A_305 = arith.constant 32 : index
        %get3A_306 = tpu.vector_load %arg6[%get3A_304, %get3A_305] {strides = array<i32>} : memref<128x128xf32, #tpu.memory_space<vmem>>, vector<1x16xf32>,
        %get3A_307 = vector.shape_cast %get3A_306 : vector<1x16xf32> to vector<16xf32>
        %add3A_308 = arith.addf %get3A_301, %get3A_307 : vector<16xf32>
        %add3A_309 = arith.constant 2 : i32
        %add3A_310 = arith.addi %mul3A_68, %add3A_309 : i32
        %get3A_311 = arith.index_cast %add3A_310 : i32 to index
        %get3A_312 = arith.constant 32 : index
        %get3A_313 = tpu.vector_load %arg6[%get3A_311, %get3A_312] {strides = array<i32>} : memref<128x128xf32, #tpu.memory_space<vmem>>, vector<1x16xf32>,
        %get3A_314 = vector.shape_cast %get3A_313 : vector<1x16xf32> to vector<16xf32>
        %add3A_315 = arith.addf %add3A_308, %get3A_314 : vector<16xf32>
        %add3A_316 = arith.constant 3 : i32
        %add3A_317 = arith.addi %mul3A_68, %add3A_316 : i32
        %get3A_318 = arith.index_cast %add3A_317 : i32 to index
        %get3A_319 = arith.constant 32 : index
        %get3A_320 = tpu.vector_load %arg6[%get3A_318, %get3A_319] {strides = array<i32>} : memref<128x128xf32, #tpu.memory_space<vmem>>, vector<1x16xf32>,
        %get3A_321 = vector.shape_cast %get3A_320 : vector<1x16xf32> to vector<16xf32>
        %add3A_322 = arith.addf %add3A_315, %get3A_321 : vector<16xf32>
        %add3A_323 = arith.constant 4 : i32
        %add3A_324 = arith.addi %mul3A_68, %add3A_323 : i32
        %get3A_325 = arith.index_cast %add3A_324 : i32 to index
        %get3A_326 = arith.constant 32 : index
        %get3A_327 = tpu.vector_load %arg6[%get3A_325, %get3A_326] {strides = array<i32>} : memref<128x128xf32, #tpu.memory_space<vmem>>, vector<1x16xf32>,
        %get3A_328 = vector.shape_cast %get3A_327 : vector<1x16xf32> to vector<16xf32>
        %add3A_329 = arith.addf %add3A_322, %get3A_328 : vector<16xf32>
        %add3A_330 = arith.constant 5 : i32
        %add3A_331 = arith.addi %mul3A_68, %add3A_330 : i32
        %get3A_332 = arith.index_cast %add3A_331 : i32 to index
        %get3A_333 = arith.constant 32 : index
        %get3A_334 = tpu.vector_load %arg6[%get3A_332, %get3A_333] {strides = array<i32>} : memref<128x128xf32, #tpu.memory_space<vmem>>, vector<1x16xf32>,
        %get3A_335 = vector.shape_cast %get3A_334 : vector<1x16xf32> to vector<16xf32>
        %add3A_336 = arith.addf %add3A_329, %get3A_335 : vector<16xf32>
        %add3A_337 = arith.constant 6 : i32
        %add3A_338 = arith.addi %mul3A_68, %add3A_337 : i32
        %get3A_339 = arith.index_cast %add3A_338 : i32 to index
        %get3A_340 = arith.constant 32 : index
        %get3A_341 = tpu.vector_load %arg6[%get3A_339, %get3A_340] {strides = array<i32>} : memref<128x128xf32, #tpu.memory_space<vmem>>, vector<1x16xf32>,
        %get3A_342 = vector.shape_cast %get3A_341 : vector<1x16xf32> to vector<16xf32>
        %add3A_343 = arith.addf %add3A_336, %get3A_342 : vector<16xf32>
        %add3A_344 = arith.constant 7 : i32
        %add3A_345 = arith.addi %mul3A_68, %add3A_344 : i32
        %get3A_346 = arith.index_cast %add3A_345 : i32 to index
        %get3A_347 = arith.constant 32 : index
        %get3A_348 = tpu.vector_load %arg6[%get3A_346, %get3A_347] {strides = array<i32>} : memref<128x128xf32, #tpu.memory_space<vmem>>, vector<1x16xf32>,
        %get3A_349 = vector.shape_cast %get3A_348 : vector<1x16xf32> to vector<16xf32>
        %add3A_350 = arith.addf %add3A_343, %get3A_349 : vector<16xf32>
        %add3A_351 = arith.constant 8 : i32
        %add3A_352 = arith.addi %mul3A_68, %add3A_351 : i32
        %get3A_353 = arith.index_cast %add3A_352 : i32 to index
        %get3A_354 = arith.constant 32 : index
        %get3A_355 = tpu.vector_load %arg6[%get3A_353, %get3A_354] {strides = array<i32>} : memref<128x128xf32, #tpu.memory_space<vmem>>, vector<1x16xf32>,
        %get3A_356 = vector.shape_cast %get3A_355 : vector<1x16xf32> to vector<16xf32>
        %add3A_357 = arith.addf %add3A_350, %get3A_356 : vector<16xf32>
        %add3A_358 = arith.constant 9 : i32
        %add3A_359 = arith.addi %mul3A_68, %add3A_358 : i32
        %get3A_360 = arith.index_cast %add3A_359 : i32 to index
        %get3A_361 = arith.constant 32 : index
        %get3A_362 = tpu.vector_load %arg6[%get3A_360, %get3A_361] {strides = array<i32>} : memref<128x128xf32, #tpu.memory_space<vmem>>, vector<1x16xf32>,
        %get3A_363 = vector.shape_cast %get3A_362 : vector<1x16xf32> to vector<16xf32>
        %add3A_364 = arith.addf %add3A_357, %get3A_363 : vector<16xf32>
        %add3A_365 = arith.constant 10 : i32
        %add3A_366 = arith.addi %mul3A_68, %add3A_365 : i32
        %get3A_367 = arith.index_cast %add3A_366 : i32 to index
        %get3A_368 = arith.constant 32 : index
        %get3A_369 = tpu.vector_load %arg6[%get3A_367, %get3A_368] {strides = array<i32>} : memref<128x128xf32, #tpu.memory_space<vmem>>, vector<1x16xf32>,
        %get3A_370 = vector.shape_cast %get3A_369 : vector<1x16xf32> to vector<16xf32>
        %add3A_371 = arith.addf %add3A_364, %get3A_370 : vector<16xf32>
        %add3A_372 = arith.constant 11 : i32
        %add3A_373 = arith.addi %mul3A_68, %add3A_372 : i32
        %get3A_374 = arith.index_cast %add3A_373 : i32 to index
        %get3A_375 = arith.constant 32 : index
        %get3A_376 = tpu.vector_load %arg6[%get3A_374, %get3A_375] {strides = array<i32>} : memref<128x128xf32, #tpu.memory_space<vmem>>, vector<1x16xf32>,
        %get3A_377 = vector.shape_cast %get3A_376 : vector<1x16xf32> to vector<16xf32>
        %add3A_378 = arith.addf %add3A_371, %get3A_377 : vector<16xf32>
        %add3A_379 = arith.constant 12 : i32
        %add3A_380 = arith.addi %mul3A_68, %add3A_379 : i32
        %get3A_381 = arith.index_cast %add3A_380 : i32 to index
        %get3A_382 = arith.constant 32 : index
        %get3A_383 = tpu.vector_load %arg6[%get3A_381, %get3A_382] {strides = array<i32>} : memref<128x128xf32, #tpu.memory_space<vmem>>, vector<1x16xf32>,
        %get3A_384 = vector.shape_cast %get3A_383 : vector<1x16xf32> to vector<16xf32>
        %add3A_385 = arith.addf %add3A_378, %get3A_384 : vector<16xf32>
        %add3A_386 = arith.constant 13 : i32
        %add3A_387 = arith.addi %mul3A_68, %add3A_386 : i32
        %get3A_388 = arith.index_cast %add3A_387 : i32 to index
        %get3A_389 = arith.constant 32 : index
        %get3A_390 = tpu.vector_load %arg6[%get3A_388, %get3A_389] {strides = array<i32>} : memref<128x128xf32, #tpu.memory_space<vmem>>, vector<1x16xf32>,
        %get3A_391 = vector.shape_cast %get3A_390 : vector<1x16xf32> to vector<16xf32>
        %add3A_392 = arith.addf %add3A_385, %get3A_391 : vector<16xf32>
        %add3A_393 = arith.constant 14 : i32
        %add3A_394 = arith.addi %mul3A_68, %add3A_393 : i32
        %get3A_395 = arith.index_cast %add3A_394 : i32 to index
        %get3A_396 = arith.constant 32 : index
        %get3A_397 = tpu.vector_load %arg6[%get3A_395, %get3A_396] {strides = array<i32>} : memref<128x128xf32, #tpu.memory_space<vmem>>, vector<1x16xf32>,
        %get3A_398 = vector.shape_cast %get3A_397 : vector<1x16xf32> to vector<16xf32>
        %add3A_399 = arith.addf %add3A_392, %get3A_398 : vector<16xf32>
        %add3A_400 = arith.constant 15 : i32
        %add3A_401 = arith.addi %mul3A_68, %add3A_400 : i32
        %get3A_402 = arith.index_cast %add3A_401 : i32 to index
        %get3A_403 = arith.constant 32 : index
        %get3A_404 = tpu.vector_load %arg6[%get3A_402, %get3A_403] {strides = array<i32>} : memref<128x128xf32, #tpu.memory_space<vmem>>, vector<1x16xf32>,
        %get3A_405 = vector.shape_cast %get3A_404 : vector<1x16xf32> to vector<16xf32>
        %add3A_406 = arith.addf %add3A_399, %get3A_405 : vector<16xf32>
        %swap3A_407 = arith.index_cast %add3A_71 : i32 to index
        %swap3A_408 = arith.constant 32 : index
        %swap3A_409 = tpu.vector_load %arg8[%swap3A_407, %swap3A_408] {strides = array<i32>} : memref<256x128xf32, #tpu.memory_space<vmem>>, vector<1x16xf32>,
        %swap3A_410 = vector.shape_cast %swap3A_409 : vector<1x16xf32> to vector<16xf32>
        %swap3A_411 = vector.shape_cast %add3A_406 : vector<16xf32> to vector<1x16xf32>
        tpu.vector_store %arg8[%swap3A_407, %swap3A_408], %swap3A_411 {strides = array<i32>} : memref<256x128xf32, #tpu.memory_space<vmem>>, vector<1x16xf32>,
        %get3A_412 = arith.index_cast %mul3A_68 : i32 to index
        %get3A_413 = arith.constant 48 : index
        %get3A_414 = tpu.vector_load %arg6[%get3A_412, %get3A_413] {strides = array<i32>} : memref<128x128xf32, #tpu.memory_space<vmem>>, vector<1x16xf32>,
        %get3A_415 = vector.shape_cast %get3A_414 : vector<1x16xf32> to vector<16xf32>
        %add3A_416 = arith.constant 1 : i32
        %add3A_417 = arith.addi %mul3A_68, %add3A_416 : i32
        %get3A_418 = arith.index_cast %add3A_417 : i32 to index
        %get3A_419 = arith.constant 48 : index
        %get3A_420 = tpu.vector_load %arg6[%get3A_418, %get3A_419] {strides = array<i32>} : memref<128x128xf32, #tpu.memory_space<vmem>>, vector<1x16xf32>,
        %get3A_421 = vector.shape_cast %get3A_420 : vector<1x16xf32> to vector<16xf32>
        %add3A_422 = arith.addf %get3A_415, %get3A_421 : vector<16xf32>
        %add3A_423 = arith.constant 2 : i32
        %add3A_424 = arith.addi %mul3A_68, %add3A_423 : i32
        %get3A_425 = arith.index_cast %add3A_424 : i32 to index
        %get3A_426 = arith.constant 48 : index
        %get3A_427 = tpu.vector_load %arg6[%get3A_425, %get3A_426] {strides = array<i32>} : memref<128x128xf32, #tpu.memory_space<vmem>>, vector<1x16xf32>,
        %get3A_428 = vector.shape_cast %get3A_427 : vector<1x16xf32> to vector<16xf32>
        %add3A_429 = arith.addf %add3A_422, %get3A_428 : vector<16xf32>
        %add3A_430 = arith.constant 3 : i32
        %add3A_431 = arith.addi %mul3A_68, %add3A_430 : i32
        %get3A_432 = arith.index_cast %add3A_431 : i32 to index
        %get3A_433 = arith.constant 48 : index
        %get3A_434 = tpu.vector_load %arg6[%get3A_432, %get3A_433] {strides = array<i32>} : memref<128x128xf32, #tpu.memory_space<vmem>>, vector<1x16xf32>,
        %get3A_435 = vector.shape_cast %get3A_434 : vector<1x16xf32> to vector<16xf32>
        %add3A_436 = arith.addf %add3A_429, %get3A_435 : vector<16xf32>
        %add3A_437 = arith.constant 4 : i32
        %add3A_438 = arith.addi %mul3A_68, %add3A_437 : i32
        %get3A_439 = arith.index_cast %add3A_438 : i32 to index
        %get3A_440 = arith.constant 48 : index
        %get3A_441 = tpu.vector_load %arg6[%get3A_439, %get3A_440] {strides = array<i32>} : memref<128x128xf32, #tpu.memory_space<vmem>>, vector<1x16xf32>,
        %get3A_442 = vector.shape_cast %get3A_441 : vector<1x16xf32> to vector<16xf32>
        %add3A_443 = arith.addf %add3A_436, %get3A_442 : vector<16xf32>
        %add3A_444 = arith.constant 5 : i32
        %add3A_445 = arith.addi %mul3A_68, %add3A_444 : i32
        %get3A_446 = arith.index_cast %add3A_445 : i32 to index
        %get3A_447 = arith.constant 48 : index
        %get3A_448 = tpu.vector_load %arg6[%get3A_446, %get3A_447] {strides = array<i32>} : memref<128x128xf32, #tpu.memory_space<vmem>>, vector<1x16xf32>,
        %get3A_449 = vector.shape_cast %get3A_448 : vector<1x16xf32> to vector<16xf32>
        %add3A_450 = arith.addf %add3A_443, %get3A_449 : vector<16xf32>
        %add3A_451 = arith.constant 6 : i32
        %add3A_452 = arith.addi %mul3A_68, %add3A_451 : i32
        %get3A_453 = arith.index_cast %add3A_452 : i32 to index
        %get3A_454 = arith.constant 48 : index
        %get3A_455 = tpu.vector_load %arg6[%get3A_453, %get3A_454] {strides = array<i32>} : memref<128x128xf32, #tpu.memory_space<vmem>>, vector<1x16xf32>,
        %get3A_456 = vector.shape_cast %get3A_455 : vector<1x16xf32> to vector<16xf32>
        %add3A_457 = arith.addf %add3A_450, %get3A_456 : vector<16xf32>
        %add3A_458 = arith.constant 7 : i32
        %add3A_459 = arith.addi %mul3A_68, %add3A_458 : i32
        %get3A_460 = arith.index_cast %add3A_459 : i32 to index
        %get3A_461 = arith.constant 48 : index
        %get3A_462 = tpu.vector_load %arg6[%get3A_460, %get3A_461] {strides = array<i32>} : memref<128x128xf32, #tpu.memory_space<vmem>>, vector<1x16xf32>,
        %get3A_463 = vector.shape_cast %get3A_462 : vector<1x16xf32> to vector<16xf32>
        %add3A_464 = arith.addf %add3A_457, %get3A_463 : vector<16xf32>
        %add3A_465 = arith.constant 8 : i32
        %add3A_466 = arith.addi %mul3A_68, %add3A_465 : i32
        %get3A_467 = arith.index_cast %add3A_466 : i32 to index
        %get3A_468 = arith.constant 48 : index
        %get3A_469 = tpu.vector_load %arg6[%get3A_467, %get3A_468] {strides = array<i32>} : memref<128x128xf32, #tpu.memory_space<vmem>>, vector<1x16xf32>,
        %get3A_470 = vector.shape_cast %get3A_469 : vector<1x16xf32> to vector<16xf32>
        %add3A_471 = arith.addf %add3A_464, %get3A_470 : vector<16xf32>
        %add3A_472 = arith.constant 9 : i32
        %add3A_473 = arith.addi %mul3A_68, %add3A_472 : i32
        %get3A_474 = arith.index_cast %add3A_473 : i32 to index
        %get3A_475 = arith.constant 48 : index
        %get3A_476 = tpu.vector_load %arg6[%get3A_474, %get3A_475] {strides = array<i32>} : memref<128x128xf32, #tpu.memory_space<vmem>>, vector<1x16xf32>,
        %get3A_477 = vector.shape_cast %get3A_476 : vector<1x16xf32> to vector<16xf32>
        %add3A_478 = arith.addf %add3A_471, %get3A_477 : vector<16xf32>
        %add3A_479 = arith.constant 10 : i32
        %add3A_480 = arith.addi %mul3A_68, %add3A_479 : i32
        %get3A_481 = arith.index_cast %add3A_480 : i32 to index
        %get3A_482 = arith.constant 48 : index
        %get3A_483 = tpu.vector_load %arg6[%get3A_481, %get3A_482] {strides = array<i32>} : memref<128x128xf32, #tpu.memory_space<vmem>>, vector<1x16xf32>,
        %get3A_484 = vector.shape_cast %get3A_483 : vector<1x16xf32> to vector<16xf32>
        %add3A_485 = arith.addf %add3A_478, %get3A_484 : vector<16xf32>
        %add3A_486 = arith.constant 11 : i32
        %add3A_487 = arith.addi %mul3A_68, %add3A_486 : i32
        %get3A_488 = arith.index_cast %add3A_487 : i32 to index
        %get3A_489 = arith.constant 48 : index
        %get3A_490 = tpu.vector_load %arg6[%get3A_488, %get3A_489] {strides = array<i32>} : memref<128x128xf32, #tpu.memory_space<vmem>>, vector<1x16xf32>,
        %get3A_491 = vector.shape_cast %get3A_490 : vector<1x16xf32> to vector<16xf32>
        %add3A_492 = arith.addf %add3A_485, %get3A_491 : vector<16xf32>
        %add3A_493 = arith.constant 12 : i32
        %add3A_494 = arith.addi %mul3A_68, %add3A_493 : i32
        %get3A_495 = arith.index_cast %add3A_494 : i32 to index
        %get3A_496 = arith.constant 48 : index
        %get3A_497 = tpu.vector_load %arg6[%get3A_495, %get3A_496] {strides = array<i32>} : memref<128x128xf32, #tpu.memory_space<vmem>>, vector<1x16xf32>,
        %get3A_498 = vector.shape_cast %get3A_497 : vector<1x16xf32> to vector<16xf32>
        %add3A_499 = arith.addf %add3A_492, %get3A_498 : vector<16xf32>
        %add3A_500 = arith.constant 13 : i32
        %add3A_501 = arith.addi %mul3A_68, %add3A_500 : i32
        %get3A_502 = arith.index_cast %add3A_501 : i32 to index
        %get3A_503 = arith.constant 48 : index
        %get3A_504 = tpu.vector_load %arg6[%get3A_502, %get3A_503] {strides = array<i32>} : memref<128x128xf32, #tpu.memory_space<vmem>>, vector<1x16xf32>,
        %get3A_505 = vector.shape_cast %get3A_504 : vector<1x16xf32> to vector<16xf32>
        %add3A_506 = arith.addf %add3A_499, %get3A_505 : vector<16xf32>
        %add3A_507 = arith.constant 14 : i32
        %add3A_508 = arith.addi %mul3A_68, %add3A_507 : i32
        %get3A_509 = arith.index_cast %add3A_508 : i32 to index
        %get3A_510 = arith.constant 48 : index
        %get3A_511 = tpu.vector_load %arg6[%get3A_509, %get3A_510] {strides = array<i32>} : memref<128x128xf32, #tpu.memory_space<vmem>>, vector<1x16xf32>,
        %get3A_512 = vector.shape_cast %get3A_511 : vector<1x16xf32> to vector<16xf32>
        %add3A_513 = arith.addf %add3A_506, %get3A_512 : vector<16xf32>
        %add3A_514 = arith.constant 15 : i32
        %add3A_515 = arith.addi %mul3A_68, %add3A_514 : i32
        %get3A_516 = arith.index_cast %add3A_515 : i32 to index
        %get3A_517 = arith.constant 48 : index
        %get3A_518 = tpu.vector_load %arg6[%get3A_516, %get3A_517] {strides = array<i32>} : memref<128x128xf32, #tpu.memory_space<vmem>>, vector<1x16xf32>,
        %get3A_519 = vector.shape_cast %get3A_518 : vector<1x16xf32> to vector<16xf32>
        %add3A_520 = arith.addf %add3A_513, %get3A_519 : vector<16xf32>
        %swap3A_521 = arith.index_cast %add3A_71 : i32 to index
        %swap3A_522 = arith.constant 48 : index
        %swap3A_523 = tpu.vector_load %arg8[%swap3A_521, %swap3A_522] {strides = array<i32>} : memref<256x128xf32, #tpu.memory_space<vmem>>, vector<1x16xf32>,
        %swap3A_524 = vector.shape_cast %swap3A_523 : vector<1x16xf32> to vector<16xf32>
        %swap3A_525 = vector.shape_cast %add3A_520 : vector<16xf32> to vector<1x16xf32>
        tpu.vector_store %arg8[%swap3A_521, %swap3A_522], %swap3A_525 {strides = array<i32>} : memref<256x128xf32, #tpu.memory_space<vmem>>, vector<1x16xf32>,
        %get3A_526 = arith.index_cast %mul3A_68 : i32 to index
        %get3A_527 = arith.constant 64 : index
        %get3A_528 = tpu.vector_load %arg6[%get3A_526, %get3A_527] {strides = array<i32>} : memref<128x128xf32, #tpu.memory_space<vmem>>, vector<1x16xf32>,
        %get3A_529 = vector.shape_cast %get3A_528 : vector<1x16xf32> to vector<16xf32>
        %add3A_530 = arith.constant 1 : i32
        %add3A_531 = arith.addi %mul3A_68, %add3A_530 : i32
        %get3A_532 = arith.index_cast %add3A_531 : i32 to index
        %get3A_533 = arith.constant 64 : index
        %get3A_534 = tpu.vector_load %arg6[%get3A_532, %get3A_533] {strides = array<i32>} : memref<128x128xf32, #tpu.memory_space<vmem>>, vector<1x16xf32>,
        %get3A_535 = vector.shape_cast %get3A_534 : vector<1x16xf32> to vector<16xf32>
        %add3A_536 = arith.addf %get3A_529, %get3A_535 : vector<16xf32>
        %add3A_537 = arith.constant 2 : i32
        %add3A_538 = arith.addi %mul3A_68, %add3A_537 : i32
        %get3A_539 = arith.index_cast %add3A_538 : i32 to index
        %get3A_540 = arith.constant 64 : index
        %get3A_541 = tpu.vector_load %arg6[%get3A_539, %get3A_540] {strides = array<i32>} : memref<128x128xf32, #tpu.memory_space<vmem>>, vector<1x16xf32>,
        %get3A_542 = vector.shape_cast %get3A_541 : vector<1x16xf32> to vector<16xf32>
        %add3A_543 = arith.addf %add3A_536, %get3A_542 : vector<16xf32>
        %add3A_544 = arith.constant 3 : i32
        %add3A_545 = arith.addi %mul3A_68, %add3A_544 : i32
        %get3A_546 = arith.index_cast %add3A_545 : i32 to index
        %get3A_547 = arith.constant 64 : index
        %get3A_548 = tpu.vector_load %arg6[%get3A_546, %get3A_547] {strides = array<i32>} : memref<128x128xf32, #tpu.memory_space<vmem>>, vector<1x16xf32>,
        %get3A_549 = vector.shape_cast %get3A_548 : vector<1x16xf32> to vector<16xf32>
        %add3A_550 = arith.addf %add3A_543, %get3A_549 : vector<16xf32>
        %add3A_551 = arith.constant 4 : i32
        %add3A_552 = arith.addi %mul3A_68, %add3A_551 : i32
        %get3A_553 = arith.index_cast %add3A_552 : i32 to index
        %get3A_554 = arith.constant 64 : index
        %get3A_555 = tpu.vector_load %arg6[%get3A_553, %get3A_554] {strides = array<i32>} : memref<128x128xf32, #tpu.memory_space<vmem>>, vector<1x16xf32>,
        %get3A_556 = vector.shape_cast %get3A_555 : vector<1x16xf32> to vector<16xf32>
        %add3A_557 = arith.addf %add3A_550, %get3A_556 : vector<16xf32>
        %add3A_558 = arith.constant 5 : i32
        %add3A_559 = arith.addi %mul3A_68, %add3A_558 : i32
        %get3A_560 = arith.index_cast %add3A_559 : i32 to index
        %get3A_561 = arith.constant 64 : index
        %get3A_562 = tpu.vector_load %arg6[%get3A_560, %get3A_561] {strides = array<i32>} : memref<128x128xf32, #tpu.memory_space<vmem>>, vector<1x16xf32>,
        %get3A_563 = vector.shape_cast %get3A_562 : vector<1x16xf32> to vector<16xf32>
        %add3A_564 = arith.addf %add3A_557, %get3A_563 : vector<16xf32>
        %add3A_565 = arith.constant 6 : i32
        %add3A_566 = arith.addi %mul3A_68, %add3A_565 : i32
        %get3A_567 = arith.index_cast %add3A_566 : i32 to index
        %get3A_568 = arith.constant 64 : index
        %get3A_569 = tpu.vector_load %arg6[%get3A_567, %get3A_568] {strides = array<i32>} : memref<128x128xf32, #tpu.memory_space<vmem>>, vector<1x16xf32>,
        %get3A_570 = vector.shape_cast %get3A_569 : vector<1x16xf32> to vector<16xf32>
        %add3A_571 = arith.addf %add3A_564, %get3A_570 : vector<16xf32>
        %add3A_572 = arith.constant 7 : i32
        %add3A_573 = arith.addi %mul3A_68, %add3A_572 : i32
        %get3A_574 = arith.index_cast %add3A_573 : i32 to index
        %get3A_575 = arith.constant 64 : index
        %get3A_576 = tpu.vector_load %arg6[%get3A_574, %get3A_575] {strides = array<i32>} : memref<128x128xf32, #tpu.memory_space<vmem>>, vector<1x16xf32>,
        %get3A_577 = vector.shape_cast %get3A_576 : vector<1x16xf32> to vector<16xf32>
        %add3A_578 = arith.addf %add3A_571, %get3A_577 : vector<16xf32>
        %add3A_579 = arith.constant 8 : i32
        %add3A_580 = arith.addi %mul3A_68, %add3A_579 : i32
        %get3A_581 = arith.index_cast %add3A_580 : i32 to index
        %get3A_582 = arith.constant 64 : index
        %get3A_583 = tpu.vector_load %arg6[%get3A_581, %get3A_582] {strides = array<i32>} : memref<128x128xf32, #tpu.memory_space<vmem>>, vector<1x16xf32>,
        %get3A_584 = vector.shape_cast %get3A_583 : vector<1x16xf32> to vector<16xf32>
        %add3A_585 = arith.addf %add3A_578, %get3A_584 : vector<16xf32>
        %add3A_586 = arith.constant 9 : i32
        %add3A_587 = arith.addi %mul3A_68, %add3A_586 : i32
        %get3A_588 = arith.index_cast %add3A_587 : i32 to index
        %get3A_589 = arith.constant 64 : index
        %get3A_590 = tpu.vector_load %arg6[%get3A_588, %get3A_589] {strides = array<i32>} : memref<128x128xf32, #tpu.memory_space<vmem>>, vector<1x16xf32>,
        %get3A_591 = vector.shape_cast %get3A_590 : vector<1x16xf32> to vector<16xf32>
        %add3A_592 = arith.addf %add3A_585, %get3A_591 : vector<16xf32>
        %add3A_593 = arith.constant 10 : i32
        %add3A_594 = arith.addi %mul3A_68, %add3A_593 : i32
        %get3A_595 = arith.index_cast %add3A_594 : i32 to index
        %get3A_596 = arith.constant 64 : index
        %get3A_597 = tpu.vector_load %arg6[%get3A_595, %get3A_596] {strides = array<i32>} : memref<128x128xf32, #tpu.memory_space<vmem>>, vector<1x16xf32>,
        %get3A_598 = vector.shape_cast %get3A_597 : vector<1x16xf32> to vector<16xf32>
        %add3A_599 = arith.addf %add3A_592, %get3A_598 : vector<16xf32>
        %add3A_600 = arith.constant 11 : i32
        %add3A_601 = arith.addi %mul3A_68, %add3A_600 : i32
        %get3A_602 = arith.index_cast %add3A_601 : i32 to index
        %get3A_603 = arith.constant 64 : index
        %get3A_604 = tpu.vector_load %arg6[%get3A_602, %get3A_603] {strides = array<i32>} : memref<128x128xf32, #tpu.memory_space<vmem>>, vector<1x16xf32>,
        %get3A_605 = vector.shape_cast %get3A_604 : vector<1x16xf32> to vector<16xf32>
        %add3A_606 = arith.addf %add3A_599, %get3A_605 : vector<16xf32>
        %add3A_607 = arith.constant 12 : i32
        %add3A_608 = arith.addi %mul3A_68, %add3A_607 : i32
        %get3A_609 = arith.index_cast %add3A_608 : i32 to index
        %get3A_610 = arith.constant 64 : index
        %get3A_611 = tpu.vector_load %arg6[%get3A_609, %get3A_610] {strides = array<i32>} : memref<128x128xf32, #tpu.memory_space<vmem>>, vector<1x16xf32>,
        %get3A_612 = vector.shape_cast %get3A_611 : vector<1x16xf32> to vector<16xf32>
        %add3A_613 = arith.addf %add3A_606, %get3A_612 : vector<16xf32>
        %add3A_614 = arith.constant 13 : i32
        %add3A_615 = arith.addi %mul3A_68, %add3A_614 : i32
        %get3A_616 = arith.index_cast %add3A_615 : i32 to index
        %get3A_617 = arith.constant 64 : index
        %get3A_618 = tpu.vector_load %arg6[%get3A_616, %get3A_617] {strides = array<i32>} : memref<128x128xf32, #tpu.memory_space<vmem>>, vector<1x16xf32>,
        %get3A_619 = vector.shape_cast %get3A_618 : vector<1x16xf32> to vector<16xf32>
        %add3A_620 = arith.addf %add3A_613, %get3A_619 : vector<16xf32>
        %add3A_621 = arith.constant 14 : i32
        %add3A_622 = arith.addi %mul3A_68, %add3A_621 : i32
        %get3A_623 = arith.index_cast %add3A_622 : i32 to index
        %get3A_624 = arith.constant 64 : index
        %get3A_625 = tpu.vector_load %arg6[%get3A_623, %get3A_624] {strides = array<i32>} : memref<128x128xf32, #tpu.memory_space<vmem>>, vector<1x16xf32>,
        %get3A_626 = vector.shape_cast %get3A_625 : vector<1x16xf32> to vector<16xf32>
        %add3A_627 = arith.addf %add3A_620, %get3A_626 : vector<16xf32>
        %add3A_628 = arith.constant 15 : i32
        %add3A_629 = arith.addi %mul3A_68, %add3A_628 : i32
        %get3A_630 = arith.index_cast %add3A_629 : i32 to index
        %get3A_631 = arith.constant 64 : index
        %get3A_632 = tpu.vector_load %arg6[%get3A_630, %get3A_631] {strides = array<i32>} : memref<128x128xf32, #tpu.memory_space<vmem>>, vector<1x16xf32>,
        %get3A_633 = vector.shape_cast %get3A_632 : vector<1x16xf32> to vector<16xf32>
        %add3A_634 = arith.addf %add3A_627, %get3A_633 : vector<16xf32>
        %get3A_635 = arith.index_cast %mul3A_68 : i32 to index
        %get3A_636 = arith.constant 64 : index
        %get3A_637 = tpu.vector_load %arg6[%get3A_635, %get3A_636] {strides = array<i32>} : memref<128x128xf32, #tpu.memory_space<vmem>>, vector<1x16xf32>,
        %get3A_638 = vector.shape_cast %get3A_637 : vector<1x16xf32> to vector<16xf32>
        %mul3A_639 = vector.broadcast %scan3A : f32 to vector<16xf32>
        %mul3A_640 = arith.mulf %mul3A_639, %get3A_638 : vector<16xf32>
        %sub3A = arith.subf %add3A_634, %mul3A_640 : vector<16xf32>
        %select_n3A = arith.select %lt3A_4, %sub3A, %add3A_634 : vector<16xi1>, vector<16xf32>
        %swap3A_641 = arith.index_cast %add3A_71 : i32 to index
        %swap3A_642 = arith.constant 64 : index
        %swap3A_643 = tpu.vector_load %arg8[%swap3A_641, %swap3A_642] {strides = array<i32>} : memref<256x128xf32, #tpu.memory_space<vmem>>, vector<1x16xf32>,
        %swap3A_644 = vector.shape_cast %swap3A_643 : vector<1x16xf32> to vector<16xf32>
        %swap3A_645 = vector.shape_cast %select_n3A : vector<16xf32> to vector<1x16xf32>
        tpu.vector_store %arg8[%swap3A_641, %swap3A_642], %swap3A_645 {strides = array<i32>} : memref<256x128xf32, #tpu.memory_space<vmem>>, vector<1x16xf32>,
        %get3A_646 = arith.index_cast %mul3A_68 : i32 to index
        %get3A_647 = arith.constant 80 : index
        %get3A_648 = tpu.vector_load %arg6[%get3A_646, %get3A_647] {strides = array<i32>} : memref<128x128xf32, #tpu.memory_space<vmem>>, vector<1x16xf32>,
        %get3A_649 = vector.shape_cast %get3A_648 : vector<1x16xf32> to vector<16xf32>
        %add3A_650 = arith.constant 1 : i32
        %add3A_651 = arith.addi %mul3A_68, %add3A_650 : i32
        %get3A_652 = arith.index_cast %add3A_651 : i32 to index
        %get3A_653 = arith.constant 80 : index
        %get3A_654 = tpu.vector_load %arg6[%get3A_652, %get3A_653] {strides = array<i32>} : memref<128x128xf32, #tpu.memory_space<vmem>>, vector<1x16xf32>,
        %get3A_655 = vector.shape_cast %get3A_654 : vector<1x16xf32> to vector<16xf32>
        %add3A_656 = arith.addf %get3A_649, %get3A_655 : vector<16xf32>
        %add3A_657 = arith.constant 2 : i32
        %add3A_658 = arith.addi %mul3A_68, %add3A_657 : i32
        %get3A_659 = arith.index_cast %add3A_658 : i32 to index
        %get3A_660 = arith.constant 80 : index
        %get3A_661 = tpu.vector_load %arg6[%get3A_659, %get3A_660] {strides = array<i32>} : memref<128x128xf32, #tpu.memory_space<vmem>>, vector<1x16xf32>,
        %get3A_662 = vector.shape_cast %get3A_661 : vector<1x16xf32> to vector<16xf32>
        %add3A_663 = arith.addf %add3A_656, %get3A_662 : vector<16xf32>
        %add3A_664 = arith.constant 3 : i32
        %add3A_665 = arith.addi %mul3A_68, %add3A_664 : i32
        %get3A_666 = arith.index_cast %add3A_665 : i32 to index
        %get3A_667 = arith.constant 80 : index
        %get3A_668 = tpu.vector_load %arg6[%get3A_666, %get3A_667] {strides = array<i32>} : memref<128x128xf32, #tpu.memory_space<vmem>>, vector<1x16xf32>,
        %get3A_669 = vector.shape_cast %get3A_668 : vector<1x16xf32> to vector<16xf32>
        %add3A_670 = arith.addf %add3A_663, %get3A_669 : vector<16xf32>
        %add3A_671 = arith.constant 4 : i32
        %add3A_672 = arith.addi %mul3A_68, %add3A_671 : i32
        %get3A_673 = arith.index_cast %add3A_672 : i32 to index
        %get3A_674 = arith.constant 80 : index
        %get3A_675 = tpu.vector_load %arg6[%get3A_673, %get3A_674] {strides = array<i32>} : memref<128x128xf32, #tpu.memory_space<vmem>>, vector<1x16xf32>,
        %get3A_676 = vector.shape_cast %get3A_675 : vector<1x16xf32> to vector<16xf32>
        %add3A_677 = arith.addf %add3A_670, %get3A_676 : vector<16xf32>
        %add3A_678 = arith.constant 5 : i32
        %add3A_679 = arith.addi %mul3A_68, %add3A_678 : i32
        %get3A_680 = arith.index_cast %add3A_679 : i32 to index
        %get3A_681 = arith.constant 80 : index
        %get3A_682 = tpu.vector_load %arg6[%get3A_680, %get3A_681] {strides = array<i32>} : memref<128x128xf32, #tpu.memory_space<vmem>>, vector<1x16xf32>,
        %get3A_683 = vector.shape_cast %get3A_682 : vector<1x16xf32> to vector<16xf32>
        %add3A_684 = arith.addf %add3A_677, %get3A_683 : vector<16xf32>
        %add3A_685 = arith.constant 6 : i32
        %add3A_686 = arith.addi %mul3A_68, %add3A_685 : i32
        %get3A_687 = arith.index_cast %add3A_686 : i32 to index
        %get3A_688 = arith.constant 80 : index
        %get3A_689 = tpu.vector_load %arg6[%get3A_687, %get3A_688] {strides = array<i32>} : memref<128x128xf32, #tpu.memory_space<vmem>>, vector<1x16xf32>,
        %get3A_690 = vector.shape_cast %get3A_689 : vector<1x16xf32> to vector<16xf32>
        %add3A_691 = arith.addf %add3A_684, %get3A_690 : vector<16xf32>
        %add3A_692 = arith.constant 7 : i32
        %add3A_693 = arith.addi %mul3A_68, %add3A_692 : i32
        %get3A_694 = arith.index_cast %add3A_693 : i32 to index
        %get3A_695 = arith.constant 80 : index
        %get3A_696 = tpu.vector_load %arg6[%get3A_694, %get3A_695] {strides = array<i32>} : memref<128x128xf32, #tpu.memory_space<vmem>>, vector<1x16xf32>,
        %get3A_697 = vector.shape_cast %get3A_696 : vector<1x16xf32> to vector<16xf32>
        %add3A_698 = arith.addf %add3A_691, %get3A_697 : vector<16xf32>
        %add3A_699 = arith.constant 8 : i32
        %add3A_700 = arith.addi %mul3A_68, %add3A_699 : i32
        %get3A_701 = arith.index_cast %add3A_700 : i32 to index
        %get3A_702 = arith.constant 80 : index
        %get3A_703 = tpu.vector_load %arg6[%get3A_701, %get3A_702] {strides = array<i32>} : memref<128x128xf32, #tpu.memory_space<vmem>>, vector<1x16xf32>,
        %get3A_704 = vector.shape_cast %get3A_703 : vector<1x16xf32> to vector<16xf32>
        %add3A_705 = arith.addf %add3A_698, %get3A_704 : vector<16xf32>
        %add3A_706 = arith.constant 9 : i32
        %add3A_707 = arith.addi %mul3A_68, %add3A_706 : i32
        %get3A_708 = arith.index_cast %add3A_707 : i32 to index
        %get3A_709 = arith.constant 80 : index
        %get3A_710 = tpu.vector_load %arg6[%get3A_708, %get3A_709] {strides = array<i32>} : memref<128x128xf32, #tpu.memory_space<vmem>>, vector<1x16xf32>,
        %get3A_711 = vector.shape_cast %get3A_710 : vector<1x16xf32> to vector<16xf32>
        %add3A_712 = arith.addf %add3A_705, %get3A_711 : vector<16xf32>
        %add3A_713 = arith.constant 10 : i32
        %add3A_714 = arith.addi %mul3A_68, %add3A_713 : i32
        %get3A_715 = arith.index_cast %add3A_714 : i32 to index
        %get3A_716 = arith.constant 80 : index
        %get3A_717 = tpu.vector_load %arg6[%get3A_715, %get3A_716] {strides = array<i32>} : memref<128x128xf32, #tpu.memory_space<vmem>>, vector<1x16xf32>,
        %get3A_718 = vector.shape_cast %get3A_717 : vector<1x16xf32> to vector<16xf32>
        %add3A_719 = arith.addf %add3A_712, %get3A_718 : vector<16xf32>
        %add3A_720 = arith.constant 11 : i32
        %add3A_721 = arith.addi %mul3A_68, %add3A_720 : i32
        %get3A_722 = arith.index_cast %add3A_721 : i32 to index
        %get3A_723 = arith.constant 80 : index
        %get3A_724 = tpu.vector_load %arg6[%get3A_722, %get3A_723] {strides = array<i32>} : memref<128x128xf32, #tpu.memory_space<vmem>>, vector<1x16xf32>,
        %get3A_725 = vector.shape_cast %get3A_724 : vector<1x16xf32> to vector<16xf32>
        %add3A_726 = arith.addf %add3A_719, %get3A_725 : vector<16xf32>
        %add3A_727 = arith.constant 12 : i32
        %add3A_728 = arith.addi %mul3A_68, %add3A_727 : i32
        %get3A_729 = arith.index_cast %add3A_728 : i32 to index
        %get3A_730 = arith.constant 80 : index
        %get3A_731 = tpu.vector_load %arg6[%get3A_729, %get3A_730] {strides = array<i32>} : memref<128x128xf32, #tpu.memory_space<vmem>>, vector<1x16xf32>,
        %get3A_732 = vector.shape_cast %get3A_731 : vector<1x16xf32> to vector<16xf32>
        %add3A_733 = arith.addf %add3A_726, %get3A_732 : vector<16xf32>
        %add3A_734 = arith.constant 13 : i32
        %add3A_735 = arith.addi %mul3A_68, %add3A_734 : i32
        %get3A_736 = arith.index_cast %add3A_735 : i32 to index
        %get3A_737 = arith.constant 80 : index
        %get3A_738 = tpu.vector_load %arg6[%get3A_736, %get3A_737] {strides = array<i32>} : memref<128x128xf32, #tpu.memory_space<vmem>>, vector<1x16xf32>,
        %get3A_739 = vector.shape_cast %get3A_738 : vector<1x16xf32> to vector<16xf32>
        %add3A_740 = arith.addf %add3A_733, %get3A_739 : vector<16xf32>
        %add3A_741 = arith.constant 14 : i32
        %add3A_742 = arith.addi %mul3A_68, %add3A_741 : i32
        %get3A_743 = arith.index_cast %add3A_742 : i32 to index
        %get3A_744 = arith.constant 80 : index
        %get3A_745 = tpu.vector_load %arg6[%get3A_743, %get3A_744] {strides = array<i32>} : memref<128x128xf32, #tpu.memory_space<vmem>>, vector<1x16xf32>,
        %get3A_746 = vector.shape_cast %get3A_745 : vector<1x16xf32> to vector<16xf32>
        %add3A_747 = arith.addf %add3A_740, %get3A_746 : vector<16xf32>
        %add3A_748 = arith.constant 15 : i32
        %add3A_749 = arith.addi %mul3A_68, %add3A_748 : i32
        %get3A_750 = arith.index_cast %add3A_749 : i32 to index
        %get3A_751 = arith.constant 80 : index
        %get3A_752 = tpu.vector_load %arg6[%get3A_750, %get3A_751] {strides = array<i32>} : memref<128x128xf32, #tpu.memory_space<vmem>>, vector<1x16xf32>,
        %get3A_753 = vector.shape_cast %get3A_752 : vector<1x16xf32> to vector<16xf32>
        %add3A_754 = arith.addf %add3A_747, %get3A_753 : vector<16xf32>
        %swap3A_755 = arith.index_cast %add3A_71 : i32 to index
        %swap3A_756 = arith.constant 80 : index
        %swap3A_757 = tpu.vector_load %arg8[%swap3A_755, %swap3A_756] {strides = array<i32>} : memref<256x128xf32, #tpu.memory_space<vmem>>, vector<1x16xf32>,
        %swap3A_758 = vector.shape_cast %swap3A_757 : vector<1x16xf32> to vector<16xf32>
        %swap3A_759 = vector.shape_cast %add3A_754 : vector<16xf32> to vector<1x16xf32>
        tpu.vector_store %arg8[%swap3A_755, %swap3A_756], %swap3A_759 {strides = array<i32>} : memref<256x128xf32, #tpu.memory_space<vmem>>, vector<1x16xf32>,
        %get3A_760 = arith.index_cast %mul3A_68 : i32 to index
        %get3A_761 = arith.constant 96 : index
        %get3A_762 = tpu.vector_load %arg6[%get3A_760, %get3A_761] {strides = array<i32>} : memref<128x128xf32, #tpu.memory_space<vmem>>, vector<1x16xf32>,
        %get3A_763 = vector.shape_cast %get3A_762 : vector<1x16xf32> to vector<16xf32>
        %add3A_764 = arith.constant 1 : i32
        %add3A_765 = arith.addi %mul3A_68, %add3A_764 : i32
        %get3A_766 = arith.index_cast %add3A_765 : i32 to index
        %get3A_767 = arith.constant 96 : index
        %get3A_768 = tpu.vector_load %arg6[%get3A_766, %get3A_767] {strides = array<i32>} : memref<128x128xf32, #tpu.memory_space<vmem>>, vector<1x16xf32>,
        %get3A_769 = vector.shape_cast %get3A_768 : vector<1x16xf32> to vector<16xf32>
        %add3A_770 = arith.addf %get3A_763, %get3A_769 : vector<16xf32>
        %add3A_771 = arith.constant 2 : i32
        %add3A_772 = arith.addi %mul3A_68, %add3A_771 : i32
        %get3A_773 = arith.index_cast %add3A_772 : i32 to index
        %get3A_774 = arith.constant 96 : index
        %get3A_775 = tpu.vector_load %arg6[%get3A_773, %get3A_774] {strides = array<i32>} : memref<128x128xf32, #tpu.memory_space<vmem>>, vector<1x16xf32>,
        %get3A_776 = vector.shape_cast %get3A_775 : vector<1x16xf32> to vector<16xf32>
        %add3A_777 = arith.addf %add3A_770, %get3A_776 : vector<16xf32>
        %add3A_778 = arith.constant 3 : i32
        %add3A_779 = arith.addi %mul3A_68, %add3A_778 : i32
        %get3A_780 = arith.index_cast %add3A_779 : i32 to index
        %get3A_781 = arith.constant 96 : index
        %get3A_782 = tpu.vector_load %arg6[%get3A_780, %get3A_781] {strides = array<i32>} : memref<128x128xf32, #tpu.memory_space<vmem>>, vector<1x16xf32>,
        %get3A_783 = vector.shape_cast %get3A_782 : vector<1x16xf32> to vector<16xf32>
        %add3A_784 = arith.addf %add3A_777, %get3A_783 : vector<16xf32>
        %add3A_785 = arith.constant 4 : i32
        %add3A_786 = arith.addi %mul3A_68, %add3A_785 : i32
        %get3A_787 = arith.index_cast %add3A_786 : i32 to index
        %get3A_788 = arith.constant 96 : index
        %get3A_789 = tpu.vector_load %arg6[%get3A_787, %get3A_788] {strides = array<i32>} : memref<128x128xf32, #tpu.memory_space<vmem>>, vector<1x16xf32>,
        %get3A_790 = vector.shape_cast %get3A_789 : vector<1x16xf32> to vector<16xf32>
        %add3A_791 = arith.addf %add3A_784, %get3A_790 : vector<16xf32>
        %add3A_792 = arith.constant 5 : i32
        %add3A_793 = arith.addi %mul3A_68, %add3A_792 : i32
        %get3A_794 = arith.index_cast %add3A_793 : i32 to index
        %get3A_795 = arith.constant 96 : index
        %get3A_796 = tpu.vector_load %arg6[%get3A_794, %get3A_795] {strides = array<i32>} : memref<128x128xf32, #tpu.memory_space<vmem>>, vector<1x16xf32>,
        %get3A_797 = vector.shape_cast %get3A_796 : vector<1x16xf32> to vector<16xf32>
        %add3A_798 = arith.addf %add3A_791, %get3A_797 : vector<16xf32>
        %add3A_799 = arith.constant 6 : i32
        %add3A_800 = arith.addi %mul3A_68, %add3A_799 : i32
        %get3A_801 = arith.index_cast %add3A_800 : i32 to index
        %get3A_802 = arith.constant 96 : index
        %get3A_803 = tpu.vector_load %arg6[%get3A_801, %get3A_802] {strides = array<i32>} : memref<128x128xf32, #tpu.memory_space<vmem>>, vector<1x16xf32>,
        %get3A_804 = vector.shape_cast %get3A_803 : vector<1x16xf32> to vector<16xf32>
        %add3A_805 = arith.addf %add3A_798, %get3A_804 : vector<16xf32>
        %add3A_806 = arith.constant 7 : i32
        %add3A_807 = arith.addi %mul3A_68, %add3A_806 : i32
        %get3A_808 = arith.index_cast %add3A_807 : i32 to index
        %get3A_809 = arith.constant 96 : index
        %get3A_810 = tpu.vector_load %arg6[%get3A_808, %get3A_809] {strides = array<i32>} : memref<128x128xf32, #tpu.memory_space<vmem>>, vector<1x16xf32>,
        %get3A_811 = vector.shape_cast %get3A_810 : vector<1x16xf32> to vector<16xf32>
        %add3A_812 = arith.addf %add3A_805, %get3A_811 : vector<16xf32>
        %add3A_813 = arith.constant 8 : i32
        %add3A_814 = arith.addi %mul3A_68, %add3A_813 : i32
        %get3A_815 = arith.index_cast %add3A_814 : i32 to index
        %get3A_816 = arith.constant 96 : index
        %get3A_817 = tpu.vector_load %arg6[%get3A_815, %get3A_816] {strides = array<i32>} : memref<128x128xf32, #tpu.memory_space<vmem>>, vector<1x16xf32>,
        %get3A_818 = vector.shape_cast %get3A_817 : vector<1x16xf32> to vector<16xf32>
        %add3A_819 = arith.addf %add3A_812, %get3A_818 : vector<16xf32>
        %add3A_820 = arith.constant 9 : i32
        %add3A_821 = arith.addi %mul3A_68, %add3A_820 : i32
        %get3A_822 = arith.index_cast %add3A_821 : i32 to index
        %get3A_823 = arith.constant 96 : index
        %get3A_824 = tpu.vector_load %arg6[%get3A_822, %get3A_823] {strides = array<i32>} : memref<128x128xf32, #tpu.memory_space<vmem>>, vector<1x16xf32>,
        %get3A_825 = vector.shape_cast %get3A_824 : vector<1x16xf32> to vector<16xf32>
        %add3A_826 = arith.addf %add3A_819, %get3A_825 : vector<16xf32>
        %add3A_827 = arith.constant 10 : i32
        %add3A_828 = arith.addi %mul3A_68, %add3A_827 : i32
        %get3A_829 = arith.index_cast %add3A_828 : i32 to index
        %get3A_830 = arith.constant 96 : index
        %get3A_831 = tpu.vector_load %arg6[%get3A_829, %get3A_830] {strides = array<i32>} : memref<128x128xf32, #tpu.memory_space<vmem>>, vector<1x16xf32>,
        %get3A_832 = vector.shape_cast %get3A_831 : vector<1x16xf32> to vector<16xf32>
        %add3A_833 = arith.addf %add3A_826, %get3A_832 : vector<16xf32>
        %add3A_834 = arith.constant 11 : i32
        %add3A_835 = arith.addi %mul3A_68, %add3A_834 : i32
        %get3A_836 = arith.index_cast %add3A_835 : i32 to index
        %get3A_837 = arith.constant 96 : index
        %get3A_838 = tpu.vector_load %arg6[%get3A_836, %get3A_837] {strides = array<i32>} : memref<128x128xf32, #tpu.memory_space<vmem>>, vector<1x16xf32>,
        %get3A_839 = vector.shape_cast %get3A_838 : vector<1x16xf32> to vector<16xf32>
        %add3A_840 = arith.addf %add3A_833, %get3A_839 : vector<16xf32>
        %add3A_841 = arith.constant 12 : i32
        %add3A_842 = arith.addi %mul3A_68, %add3A_841 : i32
        %get3A_843 = arith.index_cast %add3A_842 : i32 to index
        %get3A_844 = arith.constant 96 : index
        %get3A_845 = tpu.vector_load %arg6[%get3A_843, %get3A_844] {strides = array<i32>} : memref<128x128xf32, #tpu.memory_space<vmem>>, vector<1x16xf32>,
        %get3A_846 = vector.shape_cast %get3A_845 : vector<1x16xf32> to vector<16xf32>
        %add3A_847 = arith.addf %add3A_840, %get3A_846 : vector<16xf32>
        %add3A_848 = arith.constant 13 : i32
        %add3A_849 = arith.addi %mul3A_68, %add3A_848 : i32
        %get3A_850 = arith.index_cast %add3A_849 : i32 to index
        %get3A_851 = arith.constant 96 : index
        %get3A_852 = tpu.vector_load %arg6[%get3A_850, %get3A_851] {strides = array<i32>} : memref<128x128xf32, #tpu.memory_space<vmem>>, vector<1x16xf32>,
        %get3A_853 = vector.shape_cast %get3A_852 : vector<1x16xf32> to vector<16xf32>
        %add3A_854 = arith.addf %add3A_847, %get3A_853 : vector<16xf32>
        %add3A_855 = arith.constant 14 : i32
        %add3A_856 = arith.addi %mul3A_68, %add3A_855 : i32
        %get3A_857 = arith.index_cast %add3A_856 : i32 to index
        %get3A_858 = arith.constant 96 : index
        %get3A_859 = tpu.vector_load %arg6[%get3A_857, %get3A_858] {strides = array<i32>} : memref<128x128xf32, #tpu.memory_space<vmem>>, vector<1x16xf32>,
        %get3A_860 = vector.shape_cast %get3A_859 : vector<1x16xf32> to vector<16xf32>
        %add3A_861 = arith.addf %add3A_854, %get3A_860 : vector<16xf32>
        %add3A_862 = arith.constant 15 : i32
        %add3A_863 = arith.addi %mul3A_68, %add3A_862 : i32
        %get3A_864 = arith.index_cast %add3A_863 : i32 to index
        %get3A_865 = arith.constant 96 : index
        %get3A_866 = tpu.vector_load %arg6[%get3A_864, %get3A_865] {strides = array<i32>} : memref<128x128xf32, #tpu.memory_space<vmem>>, vector<1x16xf32>,
        %get3A_867 = vector.shape_cast %get3A_866 : vector<1x16xf32> to vector<16xf32>
        %add3A_868 = arith.addf %add3A_861, %get3A_867 : vector<16xf32>
        %swap3A_869 = arith.index_cast %add3A_71 : i32 to index
        %swap3A_870 = arith.constant 96 : index
        %swap3A_871 = tpu.vector_load %arg8[%swap3A_869, %swap3A_870] {strides = array<i32>} : memref<256x128xf32, #tpu.memory_space<vmem>>, vector<1x16xf32>,
        %swap3A_872 = vector.shape_cast %swap3A_871 : vector<1x16xf32> to vector<16xf32>
        %swap3A_873 = vector.shape_cast %add3A_868 : vector<16xf32> to vector<1x16xf32>
        tpu.vector_store %arg8[%swap3A_869, %swap3A_870], %swap3A_873 {strides = array<i32>} : memref<256x128xf32, #tpu.memory_space<vmem>>, vector<1x16xf32>,
        %get3A_874 = arith.index_cast %mul3A_68 : i32 to index
        %get3A_875 = arith.constant 112 : index
        %get3A_876 = tpu.vector_load %arg6[%get3A_874, %get3A_875] {strides = array<i32>} : memref<128x128xf32, #tpu.memory_space<vmem>>, vector<1x16xf32>,
        %get3A_877 = vector.shape_cast %get3A_876 : vector<1x16xf32> to vector<16xf32>
        %add3A_878 = arith.constant 1 : i32
        %add3A_879 = arith.addi %mul3A_68, %add3A_878 : i32
        %get3A_880 = arith.index_cast %add3A_879 : i32 to index
        %get3A_881 = arith.constant 112 : index
        %get3A_882 = tpu.vector_load %arg6[%get3A_880, %get3A_881] {strides = array<i32>} : memref<128x128xf32, #tpu.memory_space<vmem>>, vector<1x16xf32>,
        %get3A_883 = vector.shape_cast %get3A_882 : vector<1x16xf32> to vector<16xf32>
        %add3A_884 = arith.addf %get3A_877, %get3A_883 : vector<16xf32>
        %add3A_885 = arith.constant 2 : i32
        %add3A_886 = arith.addi %mul3A_68, %add3A_885 : i32
        %get3A_887 = arith.index_cast %add3A_886 : i32 to index
        %get3A_888 = arith.constant 112 : index
        %get3A_889 = tpu.vector_load %arg6[%get3A_887, %get3A_888] {strides = array<i32>} : memref<128x128xf32, #tpu.memory_space<vmem>>, vector<1x16xf32>,
        %get3A_890 = vector.shape_cast %get3A_889 : vector<1x16xf32> to vector<16xf32>
        %add3A_891 = arith.addf %add3A_884, %get3A_890 : vector<16xf32>
        %add3A_892 = arith.constant 3 : i32
        %add3A_893 = arith.addi %mul3A_68, %add3A_892 : i32
        %get3A_894 = arith.index_cast %add3A_893 : i32 to index
        %get3A_895 = arith.constant 112 : index
        %get3A_896 = tpu.vector_load %arg6[%get3A_894, %get3A_895] {strides = array<i32>} : memref<128x128xf32, #tpu.memory_space<vmem>>, vector<1x16xf32>,
        %get3A_897 = vector.shape_cast %get3A_896 : vector<1x16xf32> to vector<16xf32>
        %add3A_898 = arith.addf %add3A_891, %get3A_897 : vector<16xf32>
        %add3A_899 = arith.constant 4 : i32
        %add3A_900 = arith.addi %mul3A_68, %add3A_899 : i32
        %get3A_901 = arith.index_cast %add3A_900 : i32 to index
        %get3A_902 = arith.constant 112 : index
        %get3A_903 = tpu.vector_load %arg6[%get3A_901, %get3A_902] {strides = array<i32>} : memref<128x128xf32, #tpu.memory_space<vmem>>, vector<1x16xf32>,
        %get3A_904 = vector.shape_cast %get3A_903 : vector<1x16xf32> to vector<16xf32>
        %add3A_905 = arith.addf %add3A_898, %get3A_904 : vector<16xf32>
        %add3A_906 = arith.constant 5 : i32
        %add3A_907 = arith.addi %mul3A_68, %add3A_906 : i32
        %get3A_908 = arith.index_cast %add3A_907 : i32 to index
        %get3A_909 = arith.constant 112 : index
        %get3A_910 = tpu.vector_load %arg6[%get3A_908, %get3A_909] {strides = array<i32>} : memref<128x128xf32, #tpu.memory_space<vmem>>, vector<1x16xf32>,
        %get3A_911 = vector.shape_cast %get3A_910 : vector<1x16xf32> to vector<16xf32>
        %add3A_912 = arith.addf %add3A_905, %get3A_911 : vector<16xf32>
        %add3A_913 = arith.constant 6 : i32
        %add3A_914 = arith.addi %mul3A_68, %add3A_913 : i32
        %get3A_915 = arith.index_cast %add3A_914 : i32 to index
        %get3A_916 = arith.constant 112 : index
        %get3A_917 = tpu.vector_load %arg6[%get3A_915, %get3A_916] {strides = array<i32>} : memref<128x128xf32, #tpu.memory_space<vmem>>, vector<1x16xf32>,
        %get3A_918 = vector.shape_cast %get3A_917 : vector<1x16xf32> to vector<16xf32>
        %add3A_919 = arith.addf %add3A_912, %get3A_918 : vector<16xf32>
        %add3A_920 = arith.constant 7 : i32
        %add3A_921 = arith.addi %mul3A_68, %add3A_920 : i32
        %get3A_922 = arith.index_cast %add3A_921 : i32 to index
        %get3A_923 = arith.constant 112 : index
        %get3A_924 = tpu.vector_load %arg6[%get3A_922, %get3A_923] {strides = array<i32>} : memref<128x128xf32, #tpu.memory_space<vmem>>, vector<1x16xf32>,
        %get3A_925 = vector.shape_cast %get3A_924 : vector<1x16xf32> to vector<16xf32>
        %add3A_926 = arith.addf %add3A_919, %get3A_925 : vector<16xf32>
        %add3A_927 = arith.constant 8 : i32
        %add3A_928 = arith.addi %mul3A_68, %add3A_927 : i32
        %get3A_929 = arith.index_cast %add3A_928 : i32 to index
        %get3A_930 = arith.constant 112 : index
        %get3A_931 = tpu.vector_load %arg6[%get3A_929, %get3A_930] {strides = array<i32>} : memref<128x128xf32, #tpu.memory_space<vmem>>, vector<1x16xf32>,
        %get3A_932 = vector.shape_cast %get3A_931 : vector<1x16xf32> to vector<16xf32>
        %add3A_933 = arith.addf %add3A_926, %get3A_932 : vector<16xf32>
        %add3A_934 = arith.constant 9 : i32
        %add3A_935 = arith.addi %mul3A_68, %add3A_934 : i32
        %get3A_936 = arith.index_cast %add3A_935 : i32 to index
        %get3A_937 = arith.constant 112 : index
        %get3A_938 = tpu.vector_load %arg6[%get3A_936, %get3A_937] {strides = array<i32>} : memref<128x128xf32, #tpu.memory_space<vmem>>, vector<1x16xf32>,
        %get3A_939 = vector.shape_cast %get3A_938 : vector<1x16xf32> to vector<16xf32>
        %add3A_940 = arith.addf %add3A_933, %get3A_939 : vector<16xf32>
        %add3A_941 = arith.constant 10 : i32
        %add3A_942 = arith.addi %mul3A_68, %add3A_941 : i32
        %get3A_943 = arith.index_cast %add3A_942 : i32 to index
        %get3A_944 = arith.constant 112 : index
        %get3A_945 = tpu.vector_load %arg6[%get3A_943, %get3A_944] {strides = array<i32>} : memref<128x128xf32, #tpu.memory_space<vmem>>, vector<1x16xf32>,
        %get3A_946 = vector.shape_cast %get3A_945 : vector<1x16xf32> to vector<16xf32>
        %add3A_947 = arith.addf %add3A_940, %get3A_946 : vector<16xf32>
        %add3A_948 = arith.constant 11 : i32
        %add3A_949 = arith.addi %mul3A_68, %add3A_948 : i32
        %get3A_950 = arith.index_cast %add3A_949 : i32 to index
        %get3A_951 = arith.constant 112 : index
        %get3A_952 = tpu.vector_load %arg6[%get3A_950, %get3A_951] {strides = array<i32>} : memref<128x128xf32, #tpu.memory_space<vmem>>, vector<1x16xf32>,
        %get3A_953 = vector.shape_cast %get3A_952 : vector<1x16xf32> to vector<16xf32>
        %add3A_954 = arith.addf %add3A_947, %get3A_953 : vector<16xf32>
        %add3A_955 = arith.constant 12 : i32
        %add3A_956 = arith.addi %mul3A_68, %add3A_955 : i32
        %get3A_957 = arith.index_cast %add3A_956 : i32 to index
        %get3A_958 = arith.constant 112 : index
        %get3A_959 = tpu.vector_load %arg6[%get3A_957, %get3A_958] {strides = array<i32>} : memref<128x128xf32, #tpu.memory_space<vmem>>, vector<1x16xf32>,
        %get3A_960 = vector.shape_cast %get3A_959 : vector<1x16xf32> to vector<16xf32>
        %add3A_961 = arith.addf %add3A_954, %get3A_960 : vector<16xf32>
        %add3A_962 = arith.constant 13 : i32
        %add3A_963 = arith.addi %mul3A_68, %add3A_962 : i32
        %get3A_964 = arith.index_cast %add3A_963 : i32 to index
        %get3A_965 = arith.constant 112 : index
        %get3A_966 = tpu.vector_load %arg6[%get3A_964, %get3A_965] {strides = array<i32>} : memref<128x128xf32, #tpu.memory_space<vmem>>, vector<1x16xf32>,
        %get3A_967 = vector.shape_cast %get3A_966 : vector<1x16xf32> to vector<16xf32>
        %add3A_968 = arith.addf %add3A_961, %get3A_967 : vector<16xf32>
        %add3A_969 = arith.constant 14 : i32
        %add3A_970 = arith.addi %mul3A_68, %add3A_969 : i32
        %get3A_971 = arith.index_cast %add3A_970 : i32 to index
        %get3A_972 = arith.constant 112 : index
        %get3A_973 = tpu.vector_load %arg6[%get3A_971, %get3A_972] {strides = array<i32>} : memref<128x128xf32, #tpu.memory_space<vmem>>, vector<1x16xf32>,
        %get3A_974 = vector.shape_cast %get3A_973 : vector<1x16xf32> to vector<16xf32>
        %add3A_975 = arith.addf %add3A_968, %get3A_974 : vector<16xf32>
        %add3A_976 = arith.constant 15 : i32
        %add3A_977 = arith.addi %mul3A_68, %add3A_976 : i32
        %get3A_978 = arith.index_cast %add3A_977 : i32 to index
        %get3A_979 = arith.constant 112 : index
        %get3A_980 = tpu.vector_load %arg6[%get3A_978, %get3A_979] {strides = array<i32>} : memref<128x128xf32, #tpu.memory_space<vmem>>, vector<1x16xf32>,
        %get3A_981 = vector.shape_cast %get3A_980 : vector<1x16xf32> to vector<16xf32>
        %add3A_982 = arith.addf %add3A_975, %get3A_981 : vector<16xf32>
        %swap3A_983 = arith.index_cast %add3A_71 : i32 to index
        %swap3A_984 = arith.constant 112 : index
        %swap3A_985 = tpu.vector_load %arg8[%swap3A_983, %swap3A_984] {strides = array<i32>} : memref<256x128xf32, #tpu.memory_space<vmem>>, vector<1x16xf32>,
        %swap3A_986 = vector.shape_cast %swap3A_985 : vector<1x16xf32> to vector<16xf32>
        %swap3A_987 = vector.shape_cast %add3A_982 : vector<16xf32> to vector<1x16xf32>
        tpu.vector_store %arg8[%swap3A_983, %swap3A_984], %swap3A_987 {strides = array<i32>} : memref<256x128xf32, #tpu.memory_space<vmem>>, vector<1x16xf32>,
        %scan3A_988 = arith.constant 0 : i32
        scf.yield %scan3A_988 : i32
      }
      %scan3A_43 = arith.constant 8 : i32
      %lt3A_44 = arith.constant 15 : i32
      %lt3A_45 = arith.cmpi slt, %scan3A_20, %lt3A_44 : i32
      %convert_element_type3A = arith.extui %lt3A_45 : i1 to i32
      %cond3A = arith.constant 0 : i32
      %cond3A_46 = arith.cmpi ne, %convert_element_type3A, %cond3A : i32
      scf.if %cond3A_46 {
        %add3A_65 = arith.constant 2 : i32
        %add3A_66 = arith.addi %mul3A_23, %add3A_65 : i32
        %dma_start3A_67 = arith.constant 0 : i32
        %dma_start3A_68 = tpu.memref_slice %arg5[%add3A_66, %dma_start3A_67] : memref<32x128xi32, #tpu.memory_space<vmem>> -> memref<1x128xi32, #tpu.memory_space<vmem>>
        %dma_start3A_69 = tpu.memref_squeeze %dma_start3A_68 : memref<1x128xi32, #tpu.memory_space<vmem>> -> memref<128xi32, #tpu.memory_space<vmem>>
        %dma_start3A_70 = arith.constant 0 : i32
        %dma_start3A_71 = arith.constant 0 : i32
        %dma_start3A_72 = tpu.memref_slice %arg2[%dma_start3A_70, %dma_start3A_71] : memref<8192x128xf32, #tpu.memory_space<hbm>> -> memref<8192x128xf32, #tpu.memory_space<hbm>>
        tpu.enqueue_indirect_dma source(%dma_start3A_72 : memref<8192x128xf32, #tpu.memory_space<hbm>>) target(%arg6 : memref<128x128xf32, #tpu.memory_space<vmem>>) offsets(%dma_start3A_69 : memref<128xi32, #tpu.memory_space<vmem>>) semaphore(%arg9 : memref<!tpu.dma_semaphore, #tpu.memory_space<semaphore_mem>>)
      } else {
      }
      %add3A_47 = arith.constant 1 : i32
      %add3A_48 = arith.addi %mul3A_23, %add3A_47 : i32
      %dma_wait3A_49 = arith.constant 0 : i32
      %dma_wait3A_50 = tpu.memref_slice %arg5[%add3A_48, %dma_wait3A_49] : memref<32x128xi32, #tpu.memory_space<vmem>> -> memref<1x128xi32, #tpu.memory_space<vmem>>
      %dma_wait3A_51 = tpu.memref_squeeze %dma_wait3A_50 : memref<1x128xi32, #tpu.memory_space<vmem>> -> memref<128xi32, #tpu.memory_space<vmem>>
      %dma_wait3A_52 = arith.constant 0 : i32
      %dma_wait3A_53 = arith.constant 0 : i32
      %dma_wait3A_54 = tpu.memref_slice %arg2[%dma_wait3A_52, %dma_wait3A_53] : memref<8192x128xf32, #tpu.memory_space<hbm>> -> memref<8192x128xf32, #tpu.memory_space<hbm>>
      tpu.wait_indirect_dma semaphore(%arg10 : memref<!tpu.dma_semaphore, #tpu.memory_space<semaphore_mem>>) src(%dma_wait3A_54 : memref<8192x128xf32, #tpu.memory_space<hbm>>) dst(%arg7 : memref<128x128xf32, #tpu.memory_space<vmem>>)
      %add3A_55 = arith.constant 1 : i32
      %add3A_56 = arith.addi %mul3A_23, %add3A_55 : i32
      %scan3A_57 = arith.constant 0 : i32
      %scan3A_58 = arith.constant 0 : i32
      %scan3A_59 = arith.constant 8 : i32
      %scan3A_60 = arith.addi %scan3A_58, %scan3A_59 : i32
      %scan3A_61 = arith.constant 1 : i32
      %scan3A_62 = scf.for %scan3A_65 = %scan3A_58 to %scan3A_60 step %scan3A_61 iter_args(%scan3A_66 = %scan3A_57) -> (i32)  : i32 {
        %mul3A_67 = arith.constant 16 : i32
        %mul3A_68 = arith.muli %scan3A_65, %mul3A_67 : i32
        %mul3A_69 = arith.constant 8 : i32
        %mul3A_70 = arith.muli %add3A_56, %mul3A_69 : i32
        %add3A_71 = arith.addi %mul3A_70, %scan3A_65 : i32
        %get3A = arith.index_cast %mul3A_68 : i32 to index
        %get3A_72 = arith.constant 0 : index
        %get3A_73 = tpu.vector_load %arg7[%get3A, %get3A_72] {strides = array<i32>} : memref<128x128xf32, #tpu.memory_space<vmem>>, vector<1x16xf32>,
        %get3A_74 = vector.shape_cast %get3A_73 : vector<1x16xf32> to vector<16xf32>
        %add3A_75 = arith.constant 1 : i32
        %add3A_76 = arith.addi %mul3A_68, %add3A_75 : i32
        %get3A_77 = arith.index_cast %add3A_76 : i32 to index
        %get3A_78 = arith.constant 0 : index
        %get3A_79 = tpu.vector_load %arg7[%get3A_77, %get3A_78] {strides = array<i32>} : memref<128x128xf32, #tpu.memory_space<vmem>>, vector<1x16xf32>,
        %get3A_80 = vector.shape_cast %get3A_79 : vector<1x16xf32> to vector<16xf32>
        %add3A_81 = arith.addf %get3A_74, %get3A_80 : vector<16xf32>
        %add3A_82 = arith.constant 2 : i32
        %add3A_83 = arith.addi %mul3A_68, %add3A_82 : i32
        %get3A_84 = arith.index_cast %add3A_83 : i32 to index
        %get3A_85 = arith.constant 0 : index
        %get3A_86 = tpu.vector_load %arg7[%get3A_84, %get3A_85] {strides = array<i32>} : memref<128x128xf32, #tpu.memory_space<vmem>>, vector<1x16xf32>,
        %get3A_87 = vector.shape_cast %get3A_86 : vector<1x16xf32> to vector<16xf32>
        %add3A_88 = arith.addf %add3A_81, %get3A_87 : vector<16xf32>
        %add3A_89 = arith.constant 3 : i32
        %add3A_90 = arith.addi %mul3A_68, %add3A_89 : i32
        %get3A_91 = arith.index_cast %add3A_90 : i32 to index
        %get3A_92 = arith.constant 0 : index
        %get3A_93 = tpu.vector_load %arg7[%get3A_91, %get3A_92] {strides = array<i32>} : memref<128x128xf32, #tpu.memory_space<vmem>>, vector<1x16xf32>,
        %get3A_94 = vector.shape_cast %get3A_93 : vector<1x16xf32> to vector<16xf32>
        %add3A_95 = arith.addf %add3A_88, %get3A_94 : vector<16xf32>
        %add3A_96 = arith.constant 4 : i32
        %add3A_97 = arith.addi %mul3A_68, %add3A_96 : i32
        %get3A_98 = arith.index_cast %add3A_97 : i32 to index
        %get3A_99 = arith.constant 0 : index
        %get3A_100 = tpu.vector_load %arg7[%get3A_98, %get3A_99] {strides = array<i32>} : memref<128x128xf32, #tpu.memory_space<vmem>>, vector<1x16xf32>,
        %get3A_101 = vector.shape_cast %get3A_100 : vector<1x16xf32> to vector<16xf32>
        %add3A_102 = arith.addf %add3A_95, %get3A_101 : vector<16xf32>
        %add3A_103 = arith.constant 5 : i32
        %add3A_104 = arith.addi %mul3A_68, %add3A_103 : i32
        %get3A_105 = arith.index_cast %add3A_104 : i32 to index
        %get3A_106 = arith.constant 0 : index
        %get3A_107 = tpu.vector_load %arg7[%get3A_105, %get3A_106] {strides = array<i32>} : memref<128x128xf32, #tpu.memory_space<vmem>>, vector<1x16xf32>,
        %get3A_108 = vector.shape_cast %get3A_107 : vector<1x16xf32> to vector<16xf32>
        %add3A_109 = arith.addf %add3A_102, %get3A_108 : vector<16xf32>
        %add3A_110 = arith.constant 6 : i32
        %add3A_111 = arith.addi %mul3A_68, %add3A_110 : i32
        %get3A_112 = arith.index_cast %add3A_111 : i32 to index
        %get3A_113 = arith.constant 0 : index
        %get3A_114 = tpu.vector_load %arg7[%get3A_112, %get3A_113] {strides = array<i32>} : memref<128x128xf32, #tpu.memory_space<vmem>>, vector<1x16xf32>,
        %get3A_115 = vector.shape_cast %get3A_114 : vector<1x16xf32> to vector<16xf32>
        %add3A_116 = arith.addf %add3A_109, %get3A_115 : vector<16xf32>
        %add3A_117 = arith.constant 7 : i32
        %add3A_118 = arith.addi %mul3A_68, %add3A_117 : i32
        %get3A_119 = arith.index_cast %add3A_118 : i32 to index
        %get3A_120 = arith.constant 0 : index
        %get3A_121 = tpu.vector_load %arg7[%get3A_119, %get3A_120] {strides = array<i32>} : memref<128x128xf32, #tpu.memory_space<vmem>>, vector<1x16xf32>,
        %get3A_122 = vector.shape_cast %get3A_121 : vector<1x16xf32> to vector<16xf32>
        %add3A_123 = arith.addf %add3A_116, %get3A_122 : vector<16xf32>
        %add3A_124 = arith.constant 8 : i32
        %add3A_125 = arith.addi %mul3A_68, %add3A_124 : i32
        %get3A_126 = arith.index_cast %add3A_125 : i32 to index
        %get3A_127 = arith.constant 0 : index
        %get3A_128 = tpu.vector_load %arg7[%get3A_126, %get3A_127] {strides = array<i32>} : memref<128x128xf32, #tpu.memory_space<vmem>>, vector<1x16xf32>,
        %get3A_129 = vector.shape_cast %get3A_128 : vector<1x16xf32> to vector<16xf32>
        %add3A_130 = arith.addf %add3A_123, %get3A_129 : vector<16xf32>
        %add3A_131 = arith.constant 9 : i32
        %add3A_132 = arith.addi %mul3A_68, %add3A_131 : i32
        %get3A_133 = arith.index_cast %add3A_132 : i32 to index
        %get3A_134 = arith.constant 0 : index
        %get3A_135 = tpu.vector_load %arg7[%get3A_133, %get3A_134] {strides = array<i32>} : memref<128x128xf32, #tpu.memory_space<vmem>>, vector<1x16xf32>,
        %get3A_136 = vector.shape_cast %get3A_135 : vector<1x16xf32> to vector<16xf32>
        %add3A_137 = arith.addf %add3A_130, %get3A_136 : vector<16xf32>
        %add3A_138 = arith.constant 10 : i32
        %add3A_139 = arith.addi %mul3A_68, %add3A_138 : i32
        %get3A_140 = arith.index_cast %add3A_139 : i32 to index
        %get3A_141 = arith.constant 0 : index
        %get3A_142 = tpu.vector_load %arg7[%get3A_140, %get3A_141] {strides = array<i32>} : memref<128x128xf32, #tpu.memory_space<vmem>>, vector<1x16xf32>,
        %get3A_143 = vector.shape_cast %get3A_142 : vector<1x16xf32> to vector<16xf32>
        %add3A_144 = arith.addf %add3A_137, %get3A_143 : vector<16xf32>
        %add3A_145 = arith.constant 11 : i32
        %add3A_146 = arith.addi %mul3A_68, %add3A_145 : i32
        %get3A_147 = arith.index_cast %add3A_146 : i32 to index
        %get3A_148 = arith.constant 0 : index
        %get3A_149 = tpu.vector_load %arg7[%get3A_147, %get3A_148] {strides = array<i32>} : memref<128x128xf32, #tpu.memory_space<vmem>>, vector<1x16xf32>,
        %get3A_150 = vector.shape_cast %get3A_149 : vector<1x16xf32> to vector<16xf32>
        %add3A_151 = arith.addf %add3A_144, %get3A_150 : vector<16xf32>
        %add3A_152 = arith.constant 12 : i32
        %add3A_153 = arith.addi %mul3A_68, %add3A_152 : i32
        %get3A_154 = arith.index_cast %add3A_153 : i32 to index
        %get3A_155 = arith.constant 0 : index
        %get3A_156 = tpu.vector_load %arg7[%get3A_154, %get3A_155] {strides = array<i32>} : memref<128x128xf32, #tpu.memory_space<vmem>>, vector<1x16xf32>,
        %get3A_157 = vector.shape_cast %get3A_156 : vector<1x16xf32> to vector<16xf32>
        %add3A_158 = arith.addf %add3A_151, %get3A_157 : vector<16xf32>
        %add3A_159 = arith.constant 13 : i32
        %add3A_160 = arith.addi %mul3A_68, %add3A_159 : i32
        %get3A_161 = arith.index_cast %add3A_160 : i32 to index
        %get3A_162 = arith.constant 0 : index
        %get3A_163 = tpu.vector_load %arg7[%get3A_161, %get3A_162] {strides = array<i32>} : memref<128x128xf32, #tpu.memory_space<vmem>>, vector<1x16xf32>,
        %get3A_164 = vector.shape_cast %get3A_163 : vector<1x16xf32> to vector<16xf32>
        %add3A_165 = arith.addf %add3A_158, %get3A_164 : vector<16xf32>
        %add3A_166 = arith.constant 14 : i32
        %add3A_167 = arith.addi %mul3A_68, %add3A_166 : i32
        %get3A_168 = arith.index_cast %add3A_167 : i32 to index
        %get3A_169 = arith.constant 0 : index
        %get3A_170 = tpu.vector_load %arg7[%get3A_168, %get3A_169] {strides = array<i32>} : memref<128x128xf32, #tpu.memory_space<vmem>>, vector<1x16xf32>,
        %get3A_171 = vector.shape_cast %get3A_170 : vector<1x16xf32> to vector<16xf32>
        %add3A_172 = arith.addf %add3A_165, %get3A_171 : vector<16xf32>
        %add3A_173 = arith.constant 15 : i32
        %add3A_174 = arith.addi %mul3A_68, %add3A_173 : i32
        %get3A_175 = arith.index_cast %add3A_174 : i32 to index
        %get3A_176 = arith.constant 0 : index
        %get3A_177 = tpu.vector_load %arg7[%get3A_175, %get3A_176] {strides = array<i32>} : memref<128x128xf32, #tpu.memory_space<vmem>>, vector<1x16xf32>,
        %get3A_178 = vector.shape_cast %get3A_177 : vector<1x16xf32> to vector<16xf32>
        %add3A_179 = arith.addf %add3A_172, %get3A_178 : vector<16xf32>
        %swap3A = arith.index_cast %add3A_71 : i32 to index
        %swap3A_180 = arith.constant 0 : index
        %swap3A_181 = tpu.vector_load %arg8[%swap3A, %swap3A_180] {strides = array<i32>} : memref<256x128xf32, #tpu.memory_space<vmem>>, vector<1x16xf32>,
        %swap3A_182 = vector.shape_cast %swap3A_181 : vector<1x16xf32> to vector<16xf32>
        %swap3A_183 = vector.shape_cast %add3A_179 : vector<16xf32> to vector<1x16xf32>
        tpu.vector_store %arg8[%swap3A, %swap3A_180], %swap3A_183 {strides = array<i32>} : memref<256x128xf32, #tpu.memory_space<vmem>>, vector<1x16xf32>,
        %get3A_184 = arith.index_cast %mul3A_68 : i32 to index
        %get3A_185 = arith.constant 16 : index
        %get3A_186 = tpu.vector_load %arg7[%get3A_184, %get3A_185] {strides = array<i32>} : memref<128x128xf32, #tpu.memory_space<vmem>>, vector<1x16xf32>,
        %get3A_187 = vector.shape_cast %get3A_186 : vector<1x16xf32> to vector<16xf32>
        %add3A_188 = arith.constant 1 : i32
        %add3A_189 = arith.addi %mul3A_68, %add3A_188 : i32
        %get3A_190 = arith.index_cast %add3A_189 : i32 to index
        %get3A_191 = arith.constant 16 : index
        %get3A_192 = tpu.vector_load %arg7[%get3A_190, %get3A_191] {strides = array<i32>} : memref<128x128xf32, #tpu.memory_space<vmem>>, vector<1x16xf32>,
        %get3A_193 = vector.shape_cast %get3A_192 : vector<1x16xf32> to vector<16xf32>
        %add3A_194 = arith.addf %get3A_187, %get3A_193 : vector<16xf32>
        %add3A_195 = arith.constant 2 : i32
        %add3A_196 = arith.addi %mul3A_68, %add3A_195 : i32
        %get3A_197 = arith.index_cast %add3A_196 : i32 to index
        %get3A_198 = arith.constant 16 : index
        %get3A_199 = tpu.vector_load %arg7[%get3A_197, %get3A_198] {strides = array<i32>} : memref<128x128xf32, #tpu.memory_space<vmem>>, vector<1x16xf32>,
        %get3A_200 = vector.shape_cast %get3A_199 : vector<1x16xf32> to vector<16xf32>
        %add3A_201 = arith.addf %add3A_194, %get3A_200 : vector<16xf32>
        %add3A_202 = arith.constant 3 : i32
        %add3A_203 = arith.addi %mul3A_68, %add3A_202 : i32
        %get3A_204 = arith.index_cast %add3A_203 : i32 to index
        %get3A_205 = arith.constant 16 : index
        %get3A_206 = tpu.vector_load %arg7[%get3A_204, %get3A_205] {strides = array<i32>} : memref<128x128xf32, #tpu.memory_space<vmem>>, vector<1x16xf32>,
        %get3A_207 = vector.shape_cast %get3A_206 : vector<1x16xf32> to vector<16xf32>
        %add3A_208 = arith.addf %add3A_201, %get3A_207 : vector<16xf32>
        %add3A_209 = arith.constant 4 : i32
        %add3A_210 = arith.addi %mul3A_68, %add3A_209 : i32
        %get3A_211 = arith.index_cast %add3A_210 : i32 to index
        %get3A_212 = arith.constant 16 : index
        %get3A_213 = tpu.vector_load %arg7[%get3A_211, %get3A_212] {strides = array<i32>} : memref<128x128xf32, #tpu.memory_space<vmem>>, vector<1x16xf32>,
        %get3A_214 = vector.shape_cast %get3A_213 : vector<1x16xf32> to vector<16xf32>
        %add3A_215 = arith.addf %add3A_208, %get3A_214 : vector<16xf32>
        %add3A_216 = arith.constant 5 : i32
        %add3A_217 = arith.addi %mul3A_68, %add3A_216 : i32
        %get3A_218 = arith.index_cast %add3A_217 : i32 to index
        %get3A_219 = arith.constant 16 : index
        %get3A_220 = tpu.vector_load %arg7[%get3A_218, %get3A_219] {strides = array<i32>} : memref<128x128xf32, #tpu.memory_space<vmem>>, vector<1x16xf32>,
        %get3A_221 = vector.shape_cast %get3A_220 : vector<1x16xf32> to vector<16xf32>
        %add3A_222 = arith.addf %add3A_215, %get3A_221 : vector<16xf32>
        %add3A_223 = arith.constant 6 : i32
        %add3A_224 = arith.addi %mul3A_68, %add3A_223 : i32
        %get3A_225 = arith.index_cast %add3A_224 : i32 to index
        %get3A_226 = arith.constant 16 : index
        %get3A_227 = tpu.vector_load %arg7[%get3A_225, %get3A_226] {strides = array<i32>} : memref<128x128xf32, #tpu.memory_space<vmem>>, vector<1x16xf32>,
        %get3A_228 = vector.shape_cast %get3A_227 : vector<1x16xf32> to vector<16xf32>
        %add3A_229 = arith.addf %add3A_222, %get3A_228 : vector<16xf32>
        %add3A_230 = arith.constant 7 : i32
        %add3A_231 = arith.addi %mul3A_68, %add3A_230 : i32
        %get3A_232 = arith.index_cast %add3A_231 : i32 to index
        %get3A_233 = arith.constant 16 : index
        %get3A_234 = tpu.vector_load %arg7[%get3A_232, %get3A_233] {strides = array<i32>} : memref<128x128xf32, #tpu.memory_space<vmem>>, vector<1x16xf32>,
        %get3A_235 = vector.shape_cast %get3A_234 : vector<1x16xf32> to vector<16xf32>
        %add3A_236 = arith.addf %add3A_229, %get3A_235 : vector<16xf32>
        %add3A_237 = arith.constant 8 : i32
        %add3A_238 = arith.addi %mul3A_68, %add3A_237 : i32
        %get3A_239 = arith.index_cast %add3A_238 : i32 to index
        %get3A_240 = arith.constant 16 : index
        %get3A_241 = tpu.vector_load %arg7[%get3A_239, %get3A_240] {strides = array<i32>} : memref<128x128xf32, #tpu.memory_space<vmem>>, vector<1x16xf32>,
        %get3A_242 = vector.shape_cast %get3A_241 : vector<1x16xf32> to vector<16xf32>
        %add3A_243 = arith.addf %add3A_236, %get3A_242 : vector<16xf32>
        %add3A_244 = arith.constant 9 : i32
        %add3A_245 = arith.addi %mul3A_68, %add3A_244 : i32
        %get3A_246 = arith.index_cast %add3A_245 : i32 to index
        %get3A_247 = arith.constant 16 : index
        %get3A_248 = tpu.vector_load %arg7[%get3A_246, %get3A_247] {strides = array<i32>} : memref<128x128xf32, #tpu.memory_space<vmem>>, vector<1x16xf32>,
        %get3A_249 = vector.shape_cast %get3A_248 : vector<1x16xf32> to vector<16xf32>
        %add3A_250 = arith.addf %add3A_243, %get3A_249 : vector<16xf32>
        %add3A_251 = arith.constant 10 : i32
        %add3A_252 = arith.addi %mul3A_68, %add3A_251 : i32
        %get3A_253 = arith.index_cast %add3A_252 : i32 to index
        %get3A_254 = arith.constant 16 : index
        %get3A_255 = tpu.vector_load %arg7[%get3A_253, %get3A_254] {strides = array<i32>} : memref<128x128xf32, #tpu.memory_space<vmem>>, vector<1x16xf32>,
        %get3A_256 = vector.shape_cast %get3A_255 : vector<1x16xf32> to vector<16xf32>
        %add3A_257 = arith.addf %add3A_250, %get3A_256 : vector<16xf32>
        %add3A_258 = arith.constant 11 : i32
        %add3A_259 = arith.addi %mul3A_68, %add3A_258 : i32
        %get3A_260 = arith.index_cast %add3A_259 : i32 to index
        %get3A_261 = arith.constant 16 : index
        %get3A_262 = tpu.vector_load %arg7[%get3A_260, %get3A_261] {strides = array<i32>} : memref<128x128xf32, #tpu.memory_space<vmem>>, vector<1x16xf32>,
        %get3A_263 = vector.shape_cast %get3A_262 : vector<1x16xf32> to vector<16xf32>
        %add3A_264 = arith.addf %add3A_257, %get3A_263 : vector<16xf32>
        %add3A_265 = arith.constant 12 : i32
        %add3A_266 = arith.addi %mul3A_68, %add3A_265 : i32
        %get3A_267 = arith.index_cast %add3A_266 : i32 to index
        %get3A_268 = arith.constant 16 : index
        %get3A_269 = tpu.vector_load %arg7[%get3A_267, %get3A_268] {strides = array<i32>} : memref<128x128xf32, #tpu.memory_space<vmem>>, vector<1x16xf32>,
        %get3A_270 = vector.shape_cast %get3A_269 : vector<1x16xf32> to vector<16xf32>
        %add3A_271 = arith.addf %add3A_264, %get3A_270 : vector<16xf32>
        %add3A_272 = arith.constant 13 : i32
        %add3A_273 = arith.addi %mul3A_68, %add3A_272 : i32
        %get3A_274 = arith.index_cast %add3A_273 : i32 to index
        %get3A_275 = arith.constant 16 : index
        %get3A_276 = tpu.vector_load %arg7[%get3A_274, %get3A_275] {strides = array<i32>} : memref<128x128xf32, #tpu.memory_space<vmem>>, vector<1x16xf32>,
        %get3A_277 = vector.shape_cast %get3A_276 : vector<1x16xf32> to vector<16xf32>
        %add3A_278 = arith.addf %add3A_271, %get3A_277 : vector<16xf32>
        %add3A_279 = arith.constant 14 : i32
        %add3A_280 = arith.addi %mul3A_68, %add3A_279 : i32
        %get3A_281 = arith.index_cast %add3A_280 : i32 to index
        %get3A_282 = arith.constant 16 : index
        %get3A_283 = tpu.vector_load %arg7[%get3A_281, %get3A_282] {strides = array<i32>} : memref<128x128xf32, #tpu.memory_space<vmem>>, vector<1x16xf32>,
        %get3A_284 = vector.shape_cast %get3A_283 : vector<1x16xf32> to vector<16xf32>
        %add3A_285 = arith.addf %add3A_278, %get3A_284 : vector<16xf32>
        %add3A_286 = arith.constant 15 : i32
        %add3A_287 = arith.addi %mul3A_68, %add3A_286 : i32
        %get3A_288 = arith.index_cast %add3A_287 : i32 to index
        %get3A_289 = arith.constant 16 : index
        %get3A_290 = tpu.vector_load %arg7[%get3A_288, %get3A_289] {strides = array<i32>} : memref<128x128xf32, #tpu.memory_space<vmem>>, vector<1x16xf32>,
        %get3A_291 = vector.shape_cast %get3A_290 : vector<1x16xf32> to vector<16xf32>
        %add3A_292 = arith.addf %add3A_285, %get3A_291 : vector<16xf32>
        %swap3A_293 = arith.index_cast %add3A_71 : i32 to index
        %swap3A_294 = arith.constant 16 : index
        %swap3A_295 = tpu.vector_load %arg8[%swap3A_293, %swap3A_294] {strides = array<i32>} : memref<256x128xf32, #tpu.memory_space<vmem>>, vector<1x16xf32>,
        %swap3A_296 = vector.shape_cast %swap3A_295 : vector<1x16xf32> to vector<16xf32>
        %swap3A_297 = vector.shape_cast %add3A_292 : vector<16xf32> to vector<1x16xf32>
        tpu.vector_store %arg8[%swap3A_293, %swap3A_294], %swap3A_297 {strides = array<i32>} : memref<256x128xf32, #tpu.memory_space<vmem>>, vector<1x16xf32>,
        %get3A_298 = arith.index_cast %mul3A_68 : i32 to index
        %get3A_299 = arith.constant 32 : index
        %get3A_300 = tpu.vector_load %arg7[%get3A_298, %get3A_299] {strides = array<i32>} : memref<128x128xf32, #tpu.memory_space<vmem>>, vector<1x16xf32>,
        %get3A_301 = vector.shape_cast %get3A_300 : vector<1x16xf32> to vector<16xf32>
        %add3A_302 = arith.constant 1 : i32
        %add3A_303 = arith.addi %mul3A_68, %add3A_302 : i32
        %get3A_304 = arith.index_cast %add3A_303 : i32 to index
        %get3A_305 = arith.constant 32 : index
        %get3A_306 = tpu.vector_load %arg7[%get3A_304, %get3A_305] {strides = array<i32>} : memref<128x128xf32, #tpu.memory_space<vmem>>, vector<1x16xf32>,
        %get3A_307 = vector.shape_cast %get3A_306 : vector<1x16xf32> to vector<16xf32>
        %add3A_308 = arith.addf %get3A_301, %get3A_307 : vector<16xf32>
        %add3A_309 = arith.constant 2 : i32
        %add3A_310 = arith.addi %mul3A_68, %add3A_309 : i32
        %get3A_311 = arith.index_cast %add3A_310 : i32 to index
        %get3A_312 = arith.constant 32 : index
        %get3A_313 = tpu.vector_load %arg7[%get3A_311, %get3A_312] {strides = array<i32>} : memref<128x128xf32, #tpu.memory_space<vmem>>, vector<1x16xf32>,
        %get3A_314 = vector.shape_cast %get3A_313 : vector<1x16xf32> to vector<16xf32>
        %add3A_315 = arith.addf %add3A_308, %get3A_314 : vector<16xf32>
        %add3A_316 = arith.constant 3 : i32
        %add3A_317 = arith.addi %mul3A_68, %add3A_316 : i32
        %get3A_318 = arith.index_cast %add3A_317 : i32 to index
        %get3A_319 = arith.constant 32 : index
        %get3A_320 = tpu.vector_load %arg7[%get3A_318, %get3A_319] {strides = array<i32>} : memref<128x128xf32, #tpu.memory_space<vmem>>, vector<1x16xf32>,
        %get3A_321 = vector.shape_cast %get3A_320 : vector<1x16xf32> to vector<16xf32>
        %add3A_322 = arith.addf %add3A_315, %get3A_321 : vector<16xf32>
        %add3A_323 = arith.constant 4 : i32
        %add3A_324 = arith.addi %mul3A_68, %add3A_323 : i32
        %get3A_325 = arith.index_cast %add3A_324 : i32 to index
        %get3A_326 = arith.constant 32 : index
        %get3A_327 = tpu.vector_load %arg7[%get3A_325, %get3A_326] {strides = array<i32>} : memref<128x128xf32, #tpu.memory_space<vmem>>, vector<1x16xf32>,
        %get3A_328 = vector.shape_cast %get3A_327 : vector<1x16xf32> to vector<16xf32>
        %add3A_329 = arith.addf %add3A_322, %get3A_328 : vector<16xf32>
        %add3A_330 = arith.constant 5 : i32
        %add3A_331 = arith.addi %mul3A_68, %add3A_330 : i32
        %get3A_332 = arith.index_cast %add3A_331 : i32 to index
        %get3A_333 = arith.constant 32 : index
        %get3A_334 = tpu.vector_load %arg7[%get3A_332, %get3A_333] {strides = array<i32>} : memref<128x128xf32, #tpu.memory_space<vmem>>, vector<1x16xf32>,
        %get3A_335 = vector.shape_cast %get3A_334 : vector<1x16xf32> to vector<16xf32>
        %add3A_336 = arith.addf %add3A_329, %get3A_335 : vector<16xf32>
        %add3A_337 = arith.constant 6 : i32
        %add3A_338 = arith.addi %mul3A_68, %add3A_337 : i32
        %get3A_339 = arith.index_cast %add3A_338 : i32 to index
        %get3A_340 = arith.constant 32 : index
        %get3A_341 = tpu.vector_load %arg7[%get3A_339, %get3A_340] {strides = array<i32>} : memref<128x128xf32, #tpu.memory_space<vmem>>, vector<1x16xf32>,
        %get3A_342 = vector.shape_cast %get3A_341 : vector<1x16xf32> to vector<16xf32>
        %add3A_343 = arith.addf %add3A_336, %get3A_342 : vector<16xf32>
        %add3A_344 = arith.constant 7 : i32
        %add3A_345 = arith.addi %mul3A_68, %add3A_344 : i32
        %get3A_346 = arith.index_cast %add3A_345 : i32 to index
        %get3A_347 = arith.constant 32 : index
        %get3A_348 = tpu.vector_load %arg7[%get3A_346, %get3A_347] {strides = array<i32>} : memref<128x128xf32, #tpu.memory_space<vmem>>, vector<1x16xf32>,
        %get3A_349 = vector.shape_cast %get3A_348 : vector<1x16xf32> to vector<16xf32>
        %add3A_350 = arith.addf %add3A_343, %get3A_349 : vector<16xf32>
        %add3A_351 = arith.constant 8 : i32
        %add3A_352 = arith.addi %mul3A_68, %add3A_351 : i32
        %get3A_353 = arith.index_cast %add3A_352 : i32 to index
        %get3A_354 = arith.constant 32 : index
        %get3A_355 = tpu.vector_load %arg7[%get3A_353, %get3A_354] {strides = array<i32>} : memref<128x128xf32, #tpu.memory_space<vmem>>, vector<1x16xf32>,
        %get3A_356 = vector.shape_cast %get3A_355 : vector<1x16xf32> to vector<16xf32>
        %add3A_357 = arith.addf %add3A_350, %get3A_356 : vector<16xf32>
        %add3A_358 = arith.constant 9 : i32
        %add3A_359 = arith.addi %mul3A_68, %add3A_358 : i32
        %get3A_360 = arith.index_cast %add3A_359 : i32 to index
        %get3A_361 = arith.constant 32 : index
        %get3A_362 = tpu.vector_load %arg7[%get3A_360, %get3A_361] {strides = array<i32>} : memref<128x128xf32, #tpu.memory_space<vmem>>, vector<1x16xf32>,
        %get3A_363 = vector.shape_cast %get3A_362 : vector<1x16xf32> to vector<16xf32>
        %add3A_364 = arith.addf %add3A_357, %get3A_363 : vector<16xf32>
        %add3A_365 = arith.constant 10 : i32
        %add3A_366 = arith.addi %mul3A_68, %add3A_365 : i32
        %get3A_367 = arith.index_cast %add3A_366 : i32 to index
        %get3A_368 = arith.constant 32 : index
        %get3A_369 = tpu.vector_load %arg7[%get3A_367, %get3A_368] {strides = array<i32>} : memref<128x128xf32, #tpu.memory_space<vmem>>, vector<1x16xf32>,
        %get3A_370 = vector.shape_cast %get3A_369 : vector<1x16xf32> to vector<16xf32>
        %add3A_371 = arith.addf %add3A_364, %get3A_370 : vector<16xf32>
        %add3A_372 = arith.constant 11 : i32
        %add3A_373 = arith.addi %mul3A_68, %add3A_372 : i32
        %get3A_374 = arith.index_cast %add3A_373 : i32 to index
        %get3A_375 = arith.constant 32 : index
        %get3A_376 = tpu.vector_load %arg7[%get3A_374, %get3A_375] {strides = array<i32>} : memref<128x128xf32, #tpu.memory_space<vmem>>, vector<1x16xf32>,
        %get3A_377 = vector.shape_cast %get3A_376 : vector<1x16xf32> to vector<16xf32>
        %add3A_378 = arith.addf %add3A_371, %get3A_377 : vector<16xf32>
        %add3A_379 = arith.constant 12 : i32
        %add3A_380 = arith.addi %mul3A_68, %add3A_379 : i32
        %get3A_381 = arith.index_cast %add3A_380 : i32 to index
        %get3A_382 = arith.constant 32 : index
        %get3A_383 = tpu.vector_load %arg7[%get3A_381, %get3A_382] {strides = array<i32>} : memref<128x128xf32, #tpu.memory_space<vmem>>, vector<1x16xf32>,
        %get3A_384 = vector.shape_cast %get3A_383 : vector<1x16xf32> to vector<16xf32>
        %add3A_385 = arith.addf %add3A_378, %get3A_384 : vector<16xf32>
        %add3A_386 = arith.constant 13 : i32
        %add3A_387 = arith.addi %mul3A_68, %add3A_386 : i32
        %get3A_388 = arith.index_cast %add3A_387 : i32 to index
        %get3A_389 = arith.constant 32 : index
        %get3A_390 = tpu.vector_load %arg7[%get3A_388, %get3A_389] {strides = array<i32>} : memref<128x128xf32, #tpu.memory_space<vmem>>, vector<1x16xf32>,
        %get3A_391 = vector.shape_cast %get3A_390 : vector<1x16xf32> to vector<16xf32>
        %add3A_392 = arith.addf %add3A_385, %get3A_391 : vector<16xf32>
        %add3A_393 = arith.constant 14 : i32
        %add3A_394 = arith.addi %mul3A_68, %add3A_393 : i32
        %get3A_395 = arith.index_cast %add3A_394 : i32 to index
        %get3A_396 = arith.constant 32 : index
        %get3A_397 = tpu.vector_load %arg7[%get3A_395, %get3A_396] {strides = array<i32>} : memref<128x128xf32, #tpu.memory_space<vmem>>, vector<1x16xf32>,
        %get3A_398 = vector.shape_cast %get3A_397 : vector<1x16xf32> to vector<16xf32>
        %add3A_399 = arith.addf %add3A_392, %get3A_398 : vector<16xf32>
        %add3A_400 = arith.constant 15 : i32
        %add3A_401 = arith.addi %mul3A_68, %add3A_400 : i32
        %get3A_402 = arith.index_cast %add3A_401 : i32 to index
        %get3A_403 = arith.constant 32 : index
        %get3A_404 = tpu.vector_load %arg7[%get3A_402, %get3A_403] {strides = array<i32>} : memref<128x128xf32, #tpu.memory_space<vmem>>, vector<1x16xf32>,
        %get3A_405 = vector.shape_cast %get3A_404 : vector<1x16xf32> to vector<16xf32>
        %add3A_406 = arith.addf %add3A_399, %get3A_405 : vector<16xf32>
        %swap3A_407 = arith.index_cast %add3A_71 : i32 to index
        %swap3A_408 = arith.constant 32 : index
        %swap3A_409 = tpu.vector_load %arg8[%swap3A_407, %swap3A_408] {strides = array<i32>} : memref<256x128xf32, #tpu.memory_space<vmem>>, vector<1x16xf32>,
        %swap3A_410 = vector.shape_cast %swap3A_409 : vector<1x16xf32> to vector<16xf32>
        %swap3A_411 = vector.shape_cast %add3A_406 : vector<16xf32> to vector<1x16xf32>
        tpu.vector_store %arg8[%swap3A_407, %swap3A_408], %swap3A_411 {strides = array<i32>} : memref<256x128xf32, #tpu.memory_space<vmem>>, vector<1x16xf32>,
        %get3A_412 = arith.index_cast %mul3A_68 : i32 to index
        %get3A_413 = arith.constant 48 : index
        %get3A_414 = tpu.vector_load %arg7[%get3A_412, %get3A_413] {strides = array<i32>} : memref<128x128xf32, #tpu.memory_space<vmem>>, vector<1x16xf32>,
        %get3A_415 = vector.shape_cast %get3A_414 : vector<1x16xf32> to vector<16xf32>
        %add3A_416 = arith.constant 1 : i32
        %add3A_417 = arith.addi %mul3A_68, %add3A_416 : i32
        %get3A_418 = arith.index_cast %add3A_417 : i32 to index
        %get3A_419 = arith.constant 48 : index
        %get3A_420 = tpu.vector_load %arg7[%get3A_418, %get3A_419] {strides = array<i32>} : memref<128x128xf32, #tpu.memory_space<vmem>>, vector<1x16xf32>,
        %get3A_421 = vector.shape_cast %get3A_420 : vector<1x16xf32> to vector<16xf32>
        %add3A_422 = arith.addf %get3A_415, %get3A_421 : vector<16xf32>
        %add3A_423 = arith.constant 2 : i32
        %add3A_424 = arith.addi %mul3A_68, %add3A_423 : i32
        %get3A_425 = arith.index_cast %add3A_424 : i32 to index
        %get3A_426 = arith.constant 48 : index
        %get3A_427 = tpu.vector_load %arg7[%get3A_425, %get3A_426] {strides = array<i32>} : memref<128x128xf32, #tpu.memory_space<vmem>>, vector<1x16xf32>,
        %get3A_428 = vector.shape_cast %get3A_427 : vector<1x16xf32> to vector<16xf32>
        %add3A_429 = arith.addf %add3A_422, %get3A_428 : vector<16xf32>
        %add3A_430 = arith.constant 3 : i32
        %add3A_431 = arith.addi %mul3A_68, %add3A_430 : i32
        %get3A_432 = arith.index_cast %add3A_431 : i32 to index
        %get3A_433 = arith.constant 48 : index
        %get3A_434 = tpu.vector_load %arg7[%get3A_432, %get3A_433] {strides = array<i32>} : memref<128x128xf32, #tpu.memory_space<vmem>>, vector<1x16xf32>,
        %get3A_435 = vector.shape_cast %get3A_434 : vector<1x16xf32> to vector<16xf32>
        %add3A_436 = arith.addf %add3A_429, %get3A_435 : vector<16xf32>
        %add3A_437 = arith.constant 4 : i32
        %add3A_438 = arith.addi %mul3A_68, %add3A_437 : i32
        %get3A_439 = arith.index_cast %add3A_438 : i32 to index
        %get3A_440 = arith.constant 48 : index
        %get3A_441 = tpu.vector_load %arg7[%get3A_439, %get3A_440] {strides = array<i32>} : memref<128x128xf32, #tpu.memory_space<vmem>>, vector<1x16xf32>,
        %get3A_442 = vector.shape_cast %get3A_441 : vector<1x16xf32> to vector<16xf32>
        %add3A_443 = arith.addf %add3A_436, %get3A_442 : vector<16xf32>
        %add3A_444 = arith.constant 5 : i32
        %add3A_445 = arith.addi %mul3A_68, %add3A_444 : i32
        %get3A_446 = arith.index_cast %add3A_445 : i32 to index
        %get3A_447 = arith.constant 48 : index
        %get3A_448 = tpu.vector_load %arg7[%get3A_446, %get3A_447] {strides = array<i32>} : memref<128x128xf32, #tpu.memory_space<vmem>>, vector<1x16xf32>,
        %get3A_449 = vector.shape_cast %get3A_448 : vector<1x16xf32> to vector<16xf32>
        %add3A_450 = arith.addf %add3A_443, %get3A_449 : vector<16xf32>
        %add3A_451 = arith.constant 6 : i32
        %add3A_452 = arith.addi %mul3A_68, %add3A_451 : i32
        %get3A_453 = arith.index_cast %add3A_452 : i32 to index
        %get3A_454 = arith.constant 48 : index
        %get3A_455 = tpu.vector_load %arg7[%get3A_453, %get3A_454] {strides = array<i32>} : memref<128x128xf32, #tpu.memory_space<vmem>>, vector<1x16xf32>,
        %get3A_456 = vector.shape_cast %get3A_455 : vector<1x16xf32> to vector<16xf32>
        %add3A_457 = arith.addf %add3A_450, %get3A_456 : vector<16xf32>
        %add3A_458 = arith.constant 7 : i32
        %add3A_459 = arith.addi %mul3A_68, %add3A_458 : i32
        %get3A_460 = arith.index_cast %add3A_459 : i32 to index
        %get3A_461 = arith.constant 48 : index
        %get3A_462 = tpu.vector_load %arg7[%get3A_460, %get3A_461] {strides = array<i32>} : memref<128x128xf32, #tpu.memory_space<vmem>>, vector<1x16xf32>,
        %get3A_463 = vector.shape_cast %get3A_462 : vector<1x16xf32> to vector<16xf32>
        %add3A_464 = arith.addf %add3A_457, %get3A_463 : vector<16xf32>
        %add3A_465 = arith.constant 8 : i32
        %add3A_466 = arith.addi %mul3A_68, %add3A_465 : i32
        %get3A_467 = arith.index_cast %add3A_466 : i32 to index
        %get3A_468 = arith.constant 48 : index
        %get3A_469 = tpu.vector_load %arg7[%get3A_467, %get3A_468] {strides = array<i32>} : memref<128x128xf32, #tpu.memory_space<vmem>>, vector<1x16xf32>,
        %get3A_470 = vector.shape_cast %get3A_469 : vector<1x16xf32> to vector<16xf32>
        %add3A_471 = arith.addf %add3A_464, %get3A_470 : vector<16xf32>
        %add3A_472 = arith.constant 9 : i32
        %add3A_473 = arith.addi %mul3A_68, %add3A_472 : i32
        %get3A_474 = arith.index_cast %add3A_473 : i32 to index
        %get3A_475 = arith.constant 48 : index
        %get3A_476 = tpu.vector_load %arg7[%get3A_474, %get3A_475] {strides = array<i32>} : memref<128x128xf32, #tpu.memory_space<vmem>>, vector<1x16xf32>,
        %get3A_477 = vector.shape_cast %get3A_476 : vector<1x16xf32> to vector<16xf32>
        %add3A_478 = arith.addf %add3A_471, %get3A_477 : vector<16xf32>
        %add3A_479 = arith.constant 10 : i32
        %add3A_480 = arith.addi %mul3A_68, %add3A_479 : i32
        %get3A_481 = arith.index_cast %add3A_480 : i32 to index
        %get3A_482 = arith.constant 48 : index
        %get3A_483 = tpu.vector_load %arg7[%get3A_481, %get3A_482] {strides = array<i32>} : memref<128x128xf32, #tpu.memory_space<vmem>>, vector<1x16xf32>,
        %get3A_484 = vector.shape_cast %get3A_483 : vector<1x16xf32> to vector<16xf32>
        %add3A_485 = arith.addf %add3A_478, %get3A_484 : vector<16xf32>
        %add3A_486 = arith.constant 11 : i32
        %add3A_487 = arith.addi %mul3A_68, %add3A_486 : i32
        %get3A_488 = arith.index_cast %add3A_487 : i32 to index
        %get3A_489 = arith.constant 48 : index
        %get3A_490 = tpu.vector_load %arg7[%get3A_488, %get3A_489] {strides = array<i32>} : memref<128x128xf32, #tpu.memory_space<vmem>>, vector<1x16xf32>,
        %get3A_491 = vector.shape_cast %get3A_490 : vector<1x16xf32> to vector<16xf32>
        %add3A_492 = arith.addf %add3A_485, %get3A_491 : vector<16xf32>
        %add3A_493 = arith.constant 12 : i32
        %add3A_494 = arith.addi %mul3A_68, %add3A_493 : i32
        %get3A_495 = arith.index_cast %add3A_494 : i32 to index
        %get3A_496 = arith.constant 48 : index
        %get3A_497 = tpu.vector_load %arg7[%get3A_495, %get3A_496] {strides = array<i32>} : memref<128x128xf32, #tpu.memory_space<vmem>>, vector<1x16xf32>,
        %get3A_498 = vector.shape_cast %get3A_497 : vector<1x16xf32> to vector<16xf32>
        %add3A_499 = arith.addf %add3A_492, %get3A_498 : vector<16xf32>
        %add3A_500 = arith.constant 13 : i32
        %add3A_501 = arith.addi %mul3A_68, %add3A_500 : i32
        %get3A_502 = arith.index_cast %add3A_501 : i32 to index
        %get3A_503 = arith.constant 48 : index
        %get3A_504 = tpu.vector_load %arg7[%get3A_502, %get3A_503] {strides = array<i32>} : memref<128x128xf32, #tpu.memory_space<vmem>>, vector<1x16xf32>,
        %get3A_505 = vector.shape_cast %get3A_504 : vector<1x16xf32> to vector<16xf32>
        %add3A_506 = arith.addf %add3A_499, %get3A_505 : vector<16xf32>
        %add3A_507 = arith.constant 14 : i32
        %add3A_508 = arith.addi %mul3A_68, %add3A_507 : i32
        %get3A_509 = arith.index_cast %add3A_508 : i32 to index
        %get3A_510 = arith.constant 48 : index
        %get3A_511 = tpu.vector_load %arg7[%get3A_509, %get3A_510] {strides = array<i32>} : memref<128x128xf32, #tpu.memory_space<vmem>>, vector<1x16xf32>,
        %get3A_512 = vector.shape_cast %get3A_511 : vector<1x16xf32> to vector<16xf32>
        %add3A_513 = arith.addf %add3A_506, %get3A_512 : vector<16xf32>
        %add3A_514 = arith.constant 15 : i32
        %add3A_515 = arith.addi %mul3A_68, %add3A_514 : i32
        %get3A_516 = arith.index_cast %add3A_515 : i32 to index
        %get3A_517 = arith.constant 48 : index
        %get3A_518 = tpu.vector_load %arg7[%get3A_516, %get3A_517] {strides = array<i32>} : memref<128x128xf32, #tpu.memory_space<vmem>>, vector<1x16xf32>,
        %get3A_519 = vector.shape_cast %get3A_518 : vector<1x16xf32> to vector<16xf32>
        %add3A_520 = arith.addf %add3A_513, %get3A_519 : vector<16xf32>
        %swap3A_521 = arith.index_cast %add3A_71 : i32 to index
        %swap3A_522 = arith.constant 48 : index
        %swap3A_523 = tpu.vector_load %arg8[%swap3A_521, %swap3A_522] {strides = array<i32>} : memref<256x128xf32, #tpu.memory_space<vmem>>, vector<1x16xf32>,
        %swap3A_524 = vector.shape_cast %swap3A_523 : vector<1x16xf32> to vector<16xf32>
        %swap3A_525 = vector.shape_cast %add3A_520 : vector<16xf32> to vector<1x16xf32>
        tpu.vector_store %arg8[%swap3A_521, %swap3A_522], %swap3A_525 {strides = array<i32>} : memref<256x128xf32, #tpu.memory_space<vmem>>, vector<1x16xf32>,
        %get3A_526 = arith.index_cast %mul3A_68 : i32 to index
        %get3A_527 = arith.constant 64 : index
        %get3A_528 = tpu.vector_load %arg7[%get3A_526, %get3A_527] {strides = array<i32>} : memref<128x128xf32, #tpu.memory_space<vmem>>, vector<1x16xf32>,
        %get3A_529 = vector.shape_cast %get3A_528 : vector<1x16xf32> to vector<16xf32>
        %add3A_530 = arith.constant 1 : i32
        %add3A_531 = arith.addi %mul3A_68, %add3A_530 : i32
        %get3A_532 = arith.index_cast %add3A_531 : i32 to index
        %get3A_533 = arith.constant 64 : index
        %get3A_534 = tpu.vector_load %arg7[%get3A_532, %get3A_533] {strides = array<i32>} : memref<128x128xf32, #tpu.memory_space<vmem>>, vector<1x16xf32>,
        %get3A_535 = vector.shape_cast %get3A_534 : vector<1x16xf32> to vector<16xf32>
        %add3A_536 = arith.addf %get3A_529, %get3A_535 : vector<16xf32>
        %add3A_537 = arith.constant 2 : i32
        %add3A_538 = arith.addi %mul3A_68, %add3A_537 : i32
        %get3A_539 = arith.index_cast %add3A_538 : i32 to index
        %get3A_540 = arith.constant 64 : index
        %get3A_541 = tpu.vector_load %arg7[%get3A_539, %get3A_540] {strides = array<i32>} : memref<128x128xf32, #tpu.memory_space<vmem>>, vector<1x16xf32>,
        %get3A_542 = vector.shape_cast %get3A_541 : vector<1x16xf32> to vector<16xf32>
        %add3A_543 = arith.addf %add3A_536, %get3A_542 : vector<16xf32>
        %add3A_544 = arith.constant 3 : i32
        %add3A_545 = arith.addi %mul3A_68, %add3A_544 : i32
        %get3A_546 = arith.index_cast %add3A_545 : i32 to index
        %get3A_547 = arith.constant 64 : index
        %get3A_548 = tpu.vector_load %arg7[%get3A_546, %get3A_547] {strides = array<i32>} : memref<128x128xf32, #tpu.memory_space<vmem>>, vector<1x16xf32>,
        %get3A_549 = vector.shape_cast %get3A_548 : vector<1x16xf32> to vector<16xf32>
        %add3A_550 = arith.addf %add3A_543, %get3A_549 : vector<16xf32>
        %add3A_551 = arith.constant 4 : i32
        %add3A_552 = arith.addi %mul3A_68, %add3A_551 : i32
        %get3A_553 = arith.index_cast %add3A_552 : i32 to index
        %get3A_554 = arith.constant 64 : index
        %get3A_555 = tpu.vector_load %arg7[%get3A_553, %get3A_554] {strides = array<i32>} : memref<128x128xf32, #tpu.memory_space<vmem>>, vector<1x16xf32>,
        %get3A_556 = vector.shape_cast %get3A_555 : vector<1x16xf32> to vector<16xf32>
        %add3A_557 = arith.addf %add3A_550, %get3A_556 : vector<16xf32>
        %add3A_558 = arith.constant 5 : i32
        %add3A_559 = arith.addi %mul3A_68, %add3A_558 : i32
        %get3A_560 = arith.index_cast %add3A_559 : i32 to index
        %get3A_561 = arith.constant 64 : index
        %get3A_562 = tpu.vector_load %arg7[%get3A_560, %get3A_561] {strides = array<i32>} : memref<128x128xf32, #tpu.memory_space<vmem>>, vector<1x16xf32>,
        %get3A_563 = vector.shape_cast %get3A_562 : vector<1x16xf32> to vector<16xf32>
        %add3A_564 = arith.addf %add3A_557, %get3A_563 : vector<16xf32>
        %add3A_565 = arith.constant 6 : i32
        %add3A_566 = arith.addi %mul3A_68, %add3A_565 : i32
        %get3A_567 = arith.index_cast %add3A_566 : i32 to index
        %get3A_568 = arith.constant 64 : index
        %get3A_569 = tpu.vector_load %arg7[%get3A_567, %get3A_568] {strides = array<i32>} : memref<128x128xf32, #tpu.memory_space<vmem>>, vector<1x16xf32>,
        %get3A_570 = vector.shape_cast %get3A_569 : vector<1x16xf32> to vector<16xf32>
        %add3A_571 = arith.addf %add3A_564, %get3A_570 : vector<16xf32>
        %add3A_572 = arith.constant 7 : i32
        %add3A_573 = arith.addi %mul3A_68, %add3A_572 : i32
        %get3A_574 = arith.index_cast %add3A_573 : i32 to index
        %get3A_575 = arith.constant 64 : index
        %get3A_576 = tpu.vector_load %arg7[%get3A_574, %get3A_575] {strides = array<i32>} : memref<128x128xf32, #tpu.memory_space<vmem>>, vector<1x16xf32>,
        %get3A_577 = vector.shape_cast %get3A_576 : vector<1x16xf32> to vector<16xf32>
        %add3A_578 = arith.addf %add3A_571, %get3A_577 : vector<16xf32>
        %add3A_579 = arith.constant 8 : i32
        %add3A_580 = arith.addi %mul3A_68, %add3A_579 : i32
        %get3A_581 = arith.index_cast %add3A_580 : i32 to index
        %get3A_582 = arith.constant 64 : index
        %get3A_583 = tpu.vector_load %arg7[%get3A_581, %get3A_582] {strides = array<i32>} : memref<128x128xf32, #tpu.memory_space<vmem>>, vector<1x16xf32>,
        %get3A_584 = vector.shape_cast %get3A_583 : vector<1x16xf32> to vector<16xf32>
        %add3A_585 = arith.addf %add3A_578, %get3A_584 : vector<16xf32>
        %add3A_586 = arith.constant 9 : i32
        %add3A_587 = arith.addi %mul3A_68, %add3A_586 : i32
        %get3A_588 = arith.index_cast %add3A_587 : i32 to index
        %get3A_589 = arith.constant 64 : index
        %get3A_590 = tpu.vector_load %arg7[%get3A_588, %get3A_589] {strides = array<i32>} : memref<128x128xf32, #tpu.memory_space<vmem>>, vector<1x16xf32>,
        %get3A_591 = vector.shape_cast %get3A_590 : vector<1x16xf32> to vector<16xf32>
        %add3A_592 = arith.addf %add3A_585, %get3A_591 : vector<16xf32>
        %add3A_593 = arith.constant 10 : i32
        %add3A_594 = arith.addi %mul3A_68, %add3A_593 : i32
        %get3A_595 = arith.index_cast %add3A_594 : i32 to index
        %get3A_596 = arith.constant 64 : index
        %get3A_597 = tpu.vector_load %arg7[%get3A_595, %get3A_596] {strides = array<i32>} : memref<128x128xf32, #tpu.memory_space<vmem>>, vector<1x16xf32>,
        %get3A_598 = vector.shape_cast %get3A_597 : vector<1x16xf32> to vector<16xf32>
        %add3A_599 = arith.addf %add3A_592, %get3A_598 : vector<16xf32>
        %add3A_600 = arith.constant 11 : i32
        %add3A_601 = arith.addi %mul3A_68, %add3A_600 : i32
        %get3A_602 = arith.index_cast %add3A_601 : i32 to index
        %get3A_603 = arith.constant 64 : index
        %get3A_604 = tpu.vector_load %arg7[%get3A_602, %get3A_603] {strides = array<i32>} : memref<128x128xf32, #tpu.memory_space<vmem>>, vector<1x16xf32>,
        %get3A_605 = vector.shape_cast %get3A_604 : vector<1x16xf32> to vector<16xf32>
        %add3A_606 = arith.addf %add3A_599, %get3A_605 : vector<16xf32>
        %add3A_607 = arith.constant 12 : i32
        %add3A_608 = arith.addi %mul3A_68, %add3A_607 : i32
        %get3A_609 = arith.index_cast %add3A_608 : i32 to index
        %get3A_610 = arith.constant 64 : index
        %get3A_611 = tpu.vector_load %arg7[%get3A_609, %get3A_610] {strides = array<i32>} : memref<128x128xf32, #tpu.memory_space<vmem>>, vector<1x16xf32>,
        %get3A_612 = vector.shape_cast %get3A_611 : vector<1x16xf32> to vector<16xf32>
        %add3A_613 = arith.addf %add3A_606, %get3A_612 : vector<16xf32>
        %add3A_614 = arith.constant 13 : i32
        %add3A_615 = arith.addi %mul3A_68, %add3A_614 : i32
        %get3A_616 = arith.index_cast %add3A_615 : i32 to index
        %get3A_617 = arith.constant 64 : index
        %get3A_618 = tpu.vector_load %arg7[%get3A_616, %get3A_617] {strides = array<i32>} : memref<128x128xf32, #tpu.memory_space<vmem>>, vector<1x16xf32>,
        %get3A_619 = vector.shape_cast %get3A_618 : vector<1x16xf32> to vector<16xf32>
        %add3A_620 = arith.addf %add3A_613, %get3A_619 : vector<16xf32>
        %add3A_621 = arith.constant 14 : i32
        %add3A_622 = arith.addi %mul3A_68, %add3A_621 : i32
        %get3A_623 = arith.index_cast %add3A_622 : i32 to index
        %get3A_624 = arith.constant 64 : index
        %get3A_625 = tpu.vector_load %arg7[%get3A_623, %get3A_624] {strides = array<i32>} : memref<128x128xf32, #tpu.memory_space<vmem>>, vector<1x16xf32>,
        %get3A_626 = vector.shape_cast %get3A_625 : vector<1x16xf32> to vector<16xf32>
        %add3A_627 = arith.addf %add3A_620, %get3A_626 : vector<16xf32>
        %add3A_628 = arith.constant 15 : i32
        %add3A_629 = arith.addi %mul3A_68, %add3A_628 : i32
        %get3A_630 = arith.index_cast %add3A_629 : i32 to index
        %get3A_631 = arith.constant 64 : index
        %get3A_632 = tpu.vector_load %arg7[%get3A_630, %get3A_631] {strides = array<i32>} : memref<128x128xf32, #tpu.memory_space<vmem>>, vector<1x16xf32>,
        %get3A_633 = vector.shape_cast %get3A_632 : vector<1x16xf32> to vector<16xf32>
        %add3A_634 = arith.addf %add3A_627, %get3A_633 : vector<16xf32>
        %get3A_635 = arith.index_cast %mul3A_68 : i32 to index
        %get3A_636 = arith.constant 64 : index
        %get3A_637 = tpu.vector_load %arg7[%get3A_635, %get3A_636] {strides = array<i32>} : memref<128x128xf32, #tpu.memory_space<vmem>>, vector<1x16xf32>,
        %get3A_638 = vector.shape_cast %get3A_637 : vector<1x16xf32> to vector<16xf32>
        %mul3A_639 = vector.broadcast %scan3A : f32 to vector<16xf32>
        %mul3A_640 = arith.mulf %mul3A_639, %get3A_638 : vector<16xf32>
        %sub3A = arith.subf %add3A_634, %mul3A_640 : vector<16xf32>
        %select_n3A = arith.select %lt3A_4, %sub3A, %add3A_634 : vector<16xi1>, vector<16xf32>
        %swap3A_641 = arith.index_cast %add3A_71 : i32 to index
        %swap3A_642 = arith.constant 64 : index
        %swap3A_643 = tpu.vector_load %arg8[%swap3A_641, %swap3A_642] {strides = array<i32>} : memref<256x128xf32, #tpu.memory_space<vmem>>, vector<1x16xf32>,
        %swap3A_644 = vector.shape_cast %swap3A_643 : vector<1x16xf32> to vector<16xf32>
        %swap3A_645 = vector.shape_cast %select_n3A : vector<16xf32> to vector<1x16xf32>
        tpu.vector_store %arg8[%swap3A_641, %swap3A_642], %swap3A_645 {strides = array<i32>} : memref<256x128xf32, #tpu.memory_space<vmem>>, vector<1x16xf32>,
        %get3A_646 = arith.index_cast %mul3A_68 : i32 to index
        %get3A_647 = arith.constant 80 : index
        %get3A_648 = tpu.vector_load %arg7[%get3A_646, %get3A_647] {strides = array<i32>} : memref<128x128xf32, #tpu.memory_space<vmem>>, vector<1x16xf32>,
        %get3A_649 = vector.shape_cast %get3A_648 : vector<1x16xf32> to vector<16xf32>
        %add3A_650 = arith.constant 1 : i32
        %add3A_651 = arith.addi %mul3A_68, %add3A_650 : i32
        %get3A_652 = arith.index_cast %add3A_651 : i32 to index
        %get3A_653 = arith.constant 80 : index
        %get3A_654 = tpu.vector_load %arg7[%get3A_652, %get3A_653] {strides = array<i32>} : memref<128x128xf32, #tpu.memory_space<vmem>>, vector<1x16xf32>,
        %get3A_655 = vector.shape_cast %get3A_654 : vector<1x16xf32> to vector<16xf32>
        %add3A_656 = arith.addf %get3A_649, %get3A_655 : vector<16xf32>
        %add3A_657 = arith.constant 2 : i32
        %add3A_658 = arith.addi %mul3A_68, %add3A_657 : i32
        %get3A_659 = arith.index_cast %add3A_658 : i32 to index
        %get3A_660 = arith.constant 80 : index
        %get3A_661 = tpu.vector_load %arg7[%get3A_659, %get3A_660] {strides = array<i32>} : memref<128x128xf32, #tpu.memory_space<vmem>>, vector<1x16xf32>,
        %get3A_662 = vector.shape_cast %get3A_661 : vector<1x16xf32> to vector<16xf32>
        %add3A_663 = arith.addf %add3A_656, %get3A_662 : vector<16xf32>
        %add3A_664 = arith.constant 3 : i32
        %add3A_665 = arith.addi %mul3A_68, %add3A_664 : i32
        %get3A_666 = arith.index_cast %add3A_665 : i32 to index
        %get3A_667 = arith.constant 80 : index
        %get3A_668 = tpu.vector_load %arg7[%get3A_666, %get3A_667] {strides = array<i32>} : memref<128x128xf32, #tpu.memory_space<vmem>>, vector<1x16xf32>,
        %get3A_669 = vector.shape_cast %get3A_668 : vector<1x16xf32> to vector<16xf32>
        %add3A_670 = arith.addf %add3A_663, %get3A_669 : vector<16xf32>
        %add3A_671 = arith.constant 4 : i32
        %add3A_672 = arith.addi %mul3A_68, %add3A_671 : i32
        %get3A_673 = arith.index_cast %add3A_672 : i32 to index
        %get3A_674 = arith.constant 80 : index
        %get3A_675 = tpu.vector_load %arg7[%get3A_673, %get3A_674] {strides = array<i32>} : memref<128x128xf32, #tpu.memory_space<vmem>>, vector<1x16xf32>,
        %get3A_676 = vector.shape_cast %get3A_675 : vector<1x16xf32> to vector<16xf32>
        %add3A_677 = arith.addf %add3A_670, %get3A_676 : vector<16xf32>
        %add3A_678 = arith.constant 5 : i32
        %add3A_679 = arith.addi %mul3A_68, %add3A_678 : i32
        %get3A_680 = arith.index_cast %add3A_679 : i32 to index
        %get3A_681 = arith.constant 80 : index
        %get3A_682 = tpu.vector_load %arg7[%get3A_680, %get3A_681] {strides = array<i32>} : memref<128x128xf32, #tpu.memory_space<vmem>>, vector<1x16xf32>,
        %get3A_683 = vector.shape_cast %get3A_682 : vector<1x16xf32> to vector<16xf32>
        %add3A_684 = arith.addf %add3A_677, %get3A_683 : vector<16xf32>
        %add3A_685 = arith.constant 6 : i32
        %add3A_686 = arith.addi %mul3A_68, %add3A_685 : i32
        %get3A_687 = arith.index_cast %add3A_686 : i32 to index
        %get3A_688 = arith.constant 80 : index
        %get3A_689 = tpu.vector_load %arg7[%get3A_687, %get3A_688] {strides = array<i32>} : memref<128x128xf32, #tpu.memory_space<vmem>>, vector<1x16xf32>,
        %get3A_690 = vector.shape_cast %get3A_689 : vector<1x16xf32> to vector<16xf32>
        %add3A_691 = arith.addf %add3A_684, %get3A_690 : vector<16xf32>
        %add3A_692 = arith.constant 7 : i32
        %add3A_693 = arith.addi %mul3A_68, %add3A_692 : i32
        %get3A_694 = arith.index_cast %add3A_693 : i32 to index
        %get3A_695 = arith.constant 80 : index
        %get3A_696 = tpu.vector_load %arg7[%get3A_694, %get3A_695] {strides = array<i32>} : memref<128x128xf32, #tpu.memory_space<vmem>>, vector<1x16xf32>,
        %get3A_697 = vector.shape_cast %get3A_696 : vector<1x16xf32> to vector<16xf32>
        %add3A_698 = arith.addf %add3A_691, %get3A_697 : vector<16xf32>
        %add3A_699 = arith.constant 8 : i32
        %add3A_700 = arith.addi %mul3A_68, %add3A_699 : i32
        %get3A_701 = arith.index_cast %add3A_700 : i32 to index
        %get3A_702 = arith.constant 80 : index
        %get3A_703 = tpu.vector_load %arg7[%get3A_701, %get3A_702] {strides = array<i32>} : memref<128x128xf32, #tpu.memory_space<vmem>>, vector<1x16xf32>,
        %get3A_704 = vector.shape_cast %get3A_703 : vector<1x16xf32> to vector<16xf32>
        %add3A_705 = arith.addf %add3A_698, %get3A_704 : vector<16xf32>
        %add3A_706 = arith.constant 9 : i32
        %add3A_707 = arith.addi %mul3A_68, %add3A_706 : i32
        %get3A_708 = arith.index_cast %add3A_707 : i32 to index
        %get3A_709 = arith.constant 80 : index
        %get3A_710 = tpu.vector_load %arg7[%get3A_708, %get3A_709] {strides = array<i32>} : memref<128x128xf32, #tpu.memory_space<vmem>>, vector<1x16xf32>,
        %get3A_711 = vector.shape_cast %get3A_710 : vector<1x16xf32> to vector<16xf32>
        %add3A_712 = arith.addf %add3A_705, %get3A_711 : vector<16xf32>
        %add3A_713 = arith.constant 10 : i32
        %add3A_714 = arith.addi %mul3A_68, %add3A_713 : i32
        %get3A_715 = arith.index_cast %add3A_714 : i32 to index
        %get3A_716 = arith.constant 80 : index
        %get3A_717 = tpu.vector_load %arg7[%get3A_715, %get3A_716] {strides = array<i32>} : memref<128x128xf32, #tpu.memory_space<vmem>>, vector<1x16xf32>,
        %get3A_718 = vector.shape_cast %get3A_717 : vector<1x16xf32> to vector<16xf32>
        %add3A_719 = arith.addf %add3A_712, %get3A_718 : vector<16xf32>
        %add3A_720 = arith.constant 11 : i32
        %add3A_721 = arith.addi %mul3A_68, %add3A_720 : i32
        %get3A_722 = arith.index_cast %add3A_721 : i32 to index
        %get3A_723 = arith.constant 80 : index
        %get3A_724 = tpu.vector_load %arg7[%get3A_722, %get3A_723] {strides = array<i32>} : memref<128x128xf32, #tpu.memory_space<vmem>>, vector<1x16xf32>,
        %get3A_725 = vector.shape_cast %get3A_724 : vector<1x16xf32> to vector<16xf32>
        %add3A_726 = arith.addf %add3A_719, %get3A_725 : vector<16xf32>
        %add3A_727 = arith.constant 12 : i32
        %add3A_728 = arith.addi %mul3A_68, %add3A_727 : i32
        %get3A_729 = arith.index_cast %add3A_728 : i32 to index
        %get3A_730 = arith.constant 80 : index
        %get3A_731 = tpu.vector_load %arg7[%get3A_729, %get3A_730] {strides = array<i32>} : memref<128x128xf32, #tpu.memory_space<vmem>>, vector<1x16xf32>,
        %get3A_732 = vector.shape_cast %get3A_731 : vector<1x16xf32> to vector<16xf32>
        %add3A_733 = arith.addf %add3A_726, %get3A_732 : vector<16xf32>
        %add3A_734 = arith.constant 13 : i32
        %add3A_735 = arith.addi %mul3A_68, %add3A_734 : i32
        %get3A_736 = arith.index_cast %add3A_735 : i32 to index
        %get3A_737 = arith.constant 80 : index
        %get3A_738 = tpu.vector_load %arg7[%get3A_736, %get3A_737] {strides = array<i32>} : memref<128x128xf32, #tpu.memory_space<vmem>>, vector<1x16xf32>,
        %get3A_739 = vector.shape_cast %get3A_738 : vector<1x16xf32> to vector<16xf32>
        %add3A_740 = arith.addf %add3A_733, %get3A_739 : vector<16xf32>
        %add3A_741 = arith.constant 14 : i32
        %add3A_742 = arith.addi %mul3A_68, %add3A_741 : i32
        %get3A_743 = arith.index_cast %add3A_742 : i32 to index
        %get3A_744 = arith.constant 80 : index
        %get3A_745 = tpu.vector_load %arg7[%get3A_743, %get3A_744] {strides = array<i32>} : memref<128x128xf32, #tpu.memory_space<vmem>>, vector<1x16xf32>,
        %get3A_746 = vector.shape_cast %get3A_745 : vector<1x16xf32> to vector<16xf32>
        %add3A_747 = arith.addf %add3A_740, %get3A_746 : vector<16xf32>
        %add3A_748 = arith.constant 15 : i32
        %add3A_749 = arith.addi %mul3A_68, %add3A_748 : i32
        %get3A_750 = arith.index_cast %add3A_749 : i32 to index
        %get3A_751 = arith.constant 80 : index
        %get3A_752 = tpu.vector_load %arg7[%get3A_750, %get3A_751] {strides = array<i32>} : memref<128x128xf32, #tpu.memory_space<vmem>>, vector<1x16xf32>,
        %get3A_753 = vector.shape_cast %get3A_752 : vector<1x16xf32> to vector<16xf32>
        %add3A_754 = arith.addf %add3A_747, %get3A_753 : vector<16xf32>
        %swap3A_755 = arith.index_cast %add3A_71 : i32 to index
        %swap3A_756 = arith.constant 80 : index
        %swap3A_757 = tpu.vector_load %arg8[%swap3A_755, %swap3A_756] {strides = array<i32>} : memref<256x128xf32, #tpu.memory_space<vmem>>, vector<1x16xf32>,
        %swap3A_758 = vector.shape_cast %swap3A_757 : vector<1x16xf32> to vector<16xf32>
        %swap3A_759 = vector.shape_cast %add3A_754 : vector<16xf32> to vector<1x16xf32>
        tpu.vector_store %arg8[%swap3A_755, %swap3A_756], %swap3A_759 {strides = array<i32>} : memref<256x128xf32, #tpu.memory_space<vmem>>, vector<1x16xf32>,
        %get3A_760 = arith.index_cast %mul3A_68 : i32 to index
        %get3A_761 = arith.constant 96 : index
        %get3A_762 = tpu.vector_load %arg7[%get3A_760, %get3A_761] {strides = array<i32>} : memref<128x128xf32, #tpu.memory_space<vmem>>, vector<1x16xf32>,
        %get3A_763 = vector.shape_cast %get3A_762 : vector<1x16xf32> to vector<16xf32>
        %add3A_764 = arith.constant 1 : i32
        %add3A_765 = arith.addi %mul3A_68, %add3A_764 : i32
        %get3A_766 = arith.index_cast %add3A_765 : i32 to index
        %get3A_767 = arith.constant 96 : index
        %get3A_768 = tpu.vector_load %arg7[%get3A_766, %get3A_767] {strides = array<i32>} : memref<128x128xf32, #tpu.memory_space<vmem>>, vector<1x16xf32>,
        %get3A_769 = vector.shape_cast %get3A_768 : vector<1x16xf32> to vector<16xf32>
        %add3A_770 = arith.addf %get3A_763, %get3A_769 : vector<16xf32>
        %add3A_771 = arith.constant 2 : i32
        %add3A_772 = arith.addi %mul3A_68, %add3A_771 : i32
        %get3A_773 = arith.index_cast %add3A_772 : i32 to index
        %get3A_774 = arith.constant 96 : index
        %get3A_775 = tpu.vector_load %arg7[%get3A_773, %get3A_774] {strides = array<i32>} : memref<128x128xf32, #tpu.memory_space<vmem>>, vector<1x16xf32>,
        %get3A_776 = vector.shape_cast %get3A_775 : vector<1x16xf32> to vector<16xf32>
        %add3A_777 = arith.addf %add3A_770, %get3A_776 : vector<16xf32>
        %add3A_778 = arith.constant 3 : i32
        %add3A_779 = arith.addi %mul3A_68, %add3A_778 : i32
        %get3A_780 = arith.index_cast %add3A_779 : i32 to index
        %get3A_781 = arith.constant 96 : index
        %get3A_782 = tpu.vector_load %arg7[%get3A_780, %get3A_781] {strides = array<i32>} : memref<128x128xf32, #tpu.memory_space<vmem>>, vector<1x16xf32>,
        %get3A_783 = vector.shape_cast %get3A_782 : vector<1x16xf32> to vector<16xf32>
        %add3A_784 = arith.addf %add3A_777, %get3A_783 : vector<16xf32>
        %add3A_785 = arith.constant 4 : i32
        %add3A_786 = arith.addi %mul3A_68, %add3A_785 : i32
        %get3A_787 = arith.index_cast %add3A_786 : i32 to index
        %get3A_788 = arith.constant 96 : index
        %get3A_789 = tpu.vector_load %arg7[%get3A_787, %get3A_788] {strides = array<i32>} : memref<128x128xf32, #tpu.memory_space<vmem>>, vector<1x16xf32>,
        %get3A_790 = vector.shape_cast %get3A_789 : vector<1x16xf32> to vector<16xf32>
        %add3A_791 = arith.addf %add3A_784, %get3A_790 : vector<16xf32>
        %add3A_792 = arith.constant 5 : i32
        %add3A_793 = arith.addi %mul3A_68, %add3A_792 : i32
        %get3A_794 = arith.index_cast %add3A_793 : i32 to index
        %get3A_795 = arith.constant 96 : index
        %get3A_796 = tpu.vector_load %arg7[%get3A_794, %get3A_795] {strides = array<i32>} : memref<128x128xf32, #tpu.memory_space<vmem>>, vector<1x16xf32>,
        %get3A_797 = vector.shape_cast %get3A_796 : vector<1x16xf32> to vector<16xf32>
        %add3A_798 = arith.addf %add3A_791, %get3A_797 : vector<16xf32>
        %add3A_799 = arith.constant 6 : i32
        %add3A_800 = arith.addi %mul3A_68, %add3A_799 : i32
        %get3A_801 = arith.index_cast %add3A_800 : i32 to index
        %get3A_802 = arith.constant 96 : index
        %get3A_803 = tpu.vector_load %arg7[%get3A_801, %get3A_802] {strides = array<i32>} : memref<128x128xf32, #tpu.memory_space<vmem>>, vector<1x16xf32>,
        %get3A_804 = vector.shape_cast %get3A_803 : vector<1x16xf32> to vector<16xf32>
        %add3A_805 = arith.addf %add3A_798, %get3A_804 : vector<16xf32>
        %add3A_806 = arith.constant 7 : i32
        %add3A_807 = arith.addi %mul3A_68, %add3A_806 : i32
        %get3A_808 = arith.index_cast %add3A_807 : i32 to index
        %get3A_809 = arith.constant 96 : index
        %get3A_810 = tpu.vector_load %arg7[%get3A_808, %get3A_809] {strides = array<i32>} : memref<128x128xf32, #tpu.memory_space<vmem>>, vector<1x16xf32>,
        %get3A_811 = vector.shape_cast %get3A_810 : vector<1x16xf32> to vector<16xf32>
        %add3A_812 = arith.addf %add3A_805, %get3A_811 : vector<16xf32>
        %add3A_813 = arith.constant 8 : i32
        %add3A_814 = arith.addi %mul3A_68, %add3A_813 : i32
        %get3A_815 = arith.index_cast %add3A_814 : i32 to index
        %get3A_816 = arith.constant 96 : index
        %get3A_817 = tpu.vector_load %arg7[%get3A_815, %get3A_816] {strides = array<i32>} : memref<128x128xf32, #tpu.memory_space<vmem>>, vector<1x16xf32>,
        %get3A_818 = vector.shape_cast %get3A_817 : vector<1x16xf32> to vector<16xf32>
        %add3A_819 = arith.addf %add3A_812, %get3A_818 : vector<16xf32>
        %add3A_820 = arith.constant 9 : i32
        %add3A_821 = arith.addi %mul3A_68, %add3A_820 : i32
        %get3A_822 = arith.index_cast %add3A_821 : i32 to index
        %get3A_823 = arith.constant 96 : index
        %get3A_824 = tpu.vector_load %arg7[%get3A_822, %get3A_823] {strides = array<i32>} : memref<128x128xf32, #tpu.memory_space<vmem>>, vector<1x16xf32>,
        %get3A_825 = vector.shape_cast %get3A_824 : vector<1x16xf32> to vector<16xf32>
        %add3A_826 = arith.addf %add3A_819, %get3A_825 : vector<16xf32>
        %add3A_827 = arith.constant 10 : i32
        %add3A_828 = arith.addi %mul3A_68, %add3A_827 : i32
        %get3A_829 = arith.index_cast %add3A_828 : i32 to index
        %get3A_830 = arith.constant 96 : index
        %get3A_831 = tpu.vector_load %arg7[%get3A_829, %get3A_830] {strides = array<i32>} : memref<128x128xf32, #tpu.memory_space<vmem>>, vector<1x16xf32>,
        %get3A_832 = vector.shape_cast %get3A_831 : vector<1x16xf32> to vector<16xf32>
        %add3A_833 = arith.addf %add3A_826, %get3A_832 : vector<16xf32>
        %add3A_834 = arith.constant 11 : i32
        %add3A_835 = arith.addi %mul3A_68, %add3A_834 : i32
        %get3A_836 = arith.index_cast %add3A_835 : i32 to index
        %get3A_837 = arith.constant 96 : index
        %get3A_838 = tpu.vector_load %arg7[%get3A_836, %get3A_837] {strides = array<i32>} : memref<128x128xf32, #tpu.memory_space<vmem>>, vector<1x16xf32>,
        %get3A_839 = vector.shape_cast %get3A_838 : vector<1x16xf32> to vector<16xf32>
        %add3A_840 = arith.addf %add3A_833, %get3A_839 : vector<16xf32>
        %add3A_841 = arith.constant 12 : i32
        %add3A_842 = arith.addi %mul3A_68, %add3A_841 : i32
        %get3A_843 = arith.index_cast %add3A_842 : i32 to index
        %get3A_844 = arith.constant 96 : index
        %get3A_845 = tpu.vector_load %arg7[%get3A_843, %get3A_844] {strides = array<i32>} : memref<128x128xf32, #tpu.memory_space<vmem>>, vector<1x16xf32>,
        %get3A_846 = vector.shape_cast %get3A_845 : vector<1x16xf32> to vector<16xf32>
        %add3A_847 = arith.addf %add3A_840, %get3A_846 : vector<16xf32>
        %add3A_848 = arith.constant 13 : i32
        %add3A_849 = arith.addi %mul3A_68, %add3A_848 : i32
        %get3A_850 = arith.index_cast %add3A_849 : i32 to index
        %get3A_851 = arith.constant 96 : index
        %get3A_852 = tpu.vector_load %arg7[%get3A_850, %get3A_851] {strides = array<i32>} : memref<128x128xf32, #tpu.memory_space<vmem>>, vector<1x16xf32>,
        %get3A_853 = vector.shape_cast %get3A_852 : vector<1x16xf32> to vector<16xf32>
        %add3A_854 = arith.addf %add3A_847, %get3A_853 : vector<16xf32>
        %add3A_855 = arith.constant 14 : i32
        %add3A_856 = arith.addi %mul3A_68, %add3A_855 : i32
        %get3A_857 = arith.index_cast %add3A_856 : i32 to index
        %get3A_858 = arith.constant 96 : index
        %get3A_859 = tpu.vector_load %arg7[%get3A_857, %get3A_858] {strides = array<i32>} : memref<128x128xf32, #tpu.memory_space<vmem>>, vector<1x16xf32>,
        %get3A_860 = vector.shape_cast %get3A_859 : vector<1x16xf32> to vector<16xf32>
        %add3A_861 = arith.addf %add3A_854, %get3A_860 : vector<16xf32>
        %add3A_862 = arith.constant 15 : i32
        %add3A_863 = arith.addi %mul3A_68, %add3A_862 : i32
        %get3A_864 = arith.index_cast %add3A_863 : i32 to index
        %get3A_865 = arith.constant 96 : index
        %get3A_866 = tpu.vector_load %arg7[%get3A_864, %get3A_865] {strides = array<i32>} : memref<128x128xf32, #tpu.memory_space<vmem>>, vector<1x16xf32>,
        %get3A_867 = vector.shape_cast %get3A_866 : vector<1x16xf32> to vector<16xf32>
        %add3A_868 = arith.addf %add3A_861, %get3A_867 : vector<16xf32>
        %swap3A_869 = arith.index_cast %add3A_71 : i32 to index
        %swap3A_870 = arith.constant 96 : index
        %swap3A_871 = tpu.vector_load %arg8[%swap3A_869, %swap3A_870] {strides = array<i32>} : memref<256x128xf32, #tpu.memory_space<vmem>>, vector<1x16xf32>,
        %swap3A_872 = vector.shape_cast %swap3A_871 : vector<1x16xf32> to vector<16xf32>
        %swap3A_873 = vector.shape_cast %add3A_868 : vector<16xf32> to vector<1x16xf32>
        tpu.vector_store %arg8[%swap3A_869, %swap3A_870], %swap3A_873 {strides = array<i32>} : memref<256x128xf32, #tpu.memory_space<vmem>>, vector<1x16xf32>,
        %get3A_874 = arith.index_cast %mul3A_68 : i32 to index
        %get3A_875 = arith.constant 112 : index
        %get3A_876 = tpu.vector_load %arg7[%get3A_874, %get3A_875] {strides = array<i32>} : memref<128x128xf32, #tpu.memory_space<vmem>>, vector<1x16xf32>,
        %get3A_877 = vector.shape_cast %get3A_876 : vector<1x16xf32> to vector<16xf32>
        %add3A_878 = arith.constant 1 : i32
        %add3A_879 = arith.addi %mul3A_68, %add3A_878 : i32
        %get3A_880 = arith.index_cast %add3A_879 : i32 to index
        %get3A_881 = arith.constant 112 : index
        %get3A_882 = tpu.vector_load %arg7[%get3A_880, %get3A_881] {strides = array<i32>} : memref<128x128xf32, #tpu.memory_space<vmem>>, vector<1x16xf32>,
        %get3A_883 = vector.shape_cast %get3A_882 : vector<1x16xf32> to vector<16xf32>
        %add3A_884 = arith.addf %get3A_877, %get3A_883 : vector<16xf32>
        %add3A_885 = arith.constant 2 : i32
        %add3A_886 = arith.addi %mul3A_68, %add3A_885 : i32
        %get3A_887 = arith.index_cast %add3A_886 : i32 to index
        %get3A_888 = arith.constant 112 : index
        %get3A_889 = tpu.vector_load %arg7[%get3A_887, %get3A_888] {strides = array<i32>} : memref<128x128xf32, #tpu.memory_space<vmem>>, vector<1x16xf32>,
        %get3A_890 = vector.shape_cast %get3A_889 : vector<1x16xf32> to vector<16xf32>
        %add3A_891 = arith.addf %add3A_884, %get3A_890 : vector<16xf32>
        %add3A_892 = arith.constant 3 : i32
        %add3A_893 = arith.addi %mul3A_68, %add3A_892 : i32
        %get3A_894 = arith.index_cast %add3A_893 : i32 to index
        %get3A_895 = arith.constant 112 : index
        %get3A_896 = tpu.vector_load %arg7[%get3A_894, %get3A_895] {strides = array<i32>} : memref<128x128xf32, #tpu.memory_space<vmem>>, vector<1x16xf32>,
        %get3A_897 = vector.shape_cast %get3A_896 : vector<1x16xf32> to vector<16xf32>
        %add3A_898 = arith.addf %add3A_891, %get3A_897 : vector<16xf32>
        %add3A_899 = arith.constant 4 : i32
        %add3A_900 = arith.addi %mul3A_68, %add3A_899 : i32
        %get3A_901 = arith.index_cast %add3A_900 : i32 to index
        %get3A_902 = arith.constant 112 : index
        %get3A_903 = tpu.vector_load %arg7[%get3A_901, %get3A_902] {strides = array<i32>} : memref<128x128xf32, #tpu.memory_space<vmem>>, vector<1x16xf32>,
        %get3A_904 = vector.shape_cast %get3A_903 : vector<1x16xf32> to vector<16xf32>
        %add3A_905 = arith.addf %add3A_898, %get3A_904 : vector<16xf32>
        %add3A_906 = arith.constant 5 : i32
        %add3A_907 = arith.addi %mul3A_68, %add3A_906 : i32
        %get3A_908 = arith.index_cast %add3A_907 : i32 to index
        %get3A_909 = arith.constant 112 : index
        %get3A_910 = tpu.vector_load %arg7[%get3A_908, %get3A_909] {strides = array<i32>} : memref<128x128xf32, #tpu.memory_space<vmem>>, vector<1x16xf32>,
        %get3A_911 = vector.shape_cast %get3A_910 : vector<1x16xf32> to vector<16xf32>
        %add3A_912 = arith.addf %add3A_905, %get3A_911 : vector<16xf32>
        %add3A_913 = arith.constant 6 : i32
        %add3A_914 = arith.addi %mul3A_68, %add3A_913 : i32
        %get3A_915 = arith.index_cast %add3A_914 : i32 to index
        %get3A_916 = arith.constant 112 : index
        %get3A_917 = tpu.vector_load %arg7[%get3A_915, %get3A_916] {strides = array<i32>} : memref<128x128xf32, #tpu.memory_space<vmem>>, vector<1x16xf32>,
        %get3A_918 = vector.shape_cast %get3A_917 : vector<1x16xf32> to vector<16xf32>
        %add3A_919 = arith.addf %add3A_912, %get3A_918 : vector<16xf32>
        %add3A_920 = arith.constant 7 : i32
        %add3A_921 = arith.addi %mul3A_68, %add3A_920 : i32
        %get3A_922 = arith.index_cast %add3A_921 : i32 to index
        %get3A_923 = arith.constant 112 : index
        %get3A_924 = tpu.vector_load %arg7[%get3A_922, %get3A_923] {strides = array<i32>} : memref<128x128xf32, #tpu.memory_space<vmem>>, vector<1x16xf32>,
        %get3A_925 = vector.shape_cast %get3A_924 : vector<1x16xf32> to vector<16xf32>
        %add3A_926 = arith.addf %add3A_919, %get3A_925 : vector<16xf32>
        %add3A_927 = arith.constant 8 : i32
        %add3A_928 = arith.addi %mul3A_68, %add3A_927 : i32
        %get3A_929 = arith.index_cast %add3A_928 : i32 to index
        %get3A_930 = arith.constant 112 : index
        %get3A_931 = tpu.vector_load %arg7[%get3A_929, %get3A_930] {strides = array<i32>} : memref<128x128xf32, #tpu.memory_space<vmem>>, vector<1x16xf32>,
        %get3A_932 = vector.shape_cast %get3A_931 : vector<1x16xf32> to vector<16xf32>
        %add3A_933 = arith.addf %add3A_926, %get3A_932 : vector<16xf32>
        %add3A_934 = arith.constant 9 : i32
        %add3A_935 = arith.addi %mul3A_68, %add3A_934 : i32
        %get3A_936 = arith.index_cast %add3A_935 : i32 to index
        %get3A_937 = arith.constant 112 : index
        %get3A_938 = tpu.vector_load %arg7[%get3A_936, %get3A_937] {strides = array<i32>} : memref<128x128xf32, #tpu.memory_space<vmem>>, vector<1x16xf32>,
        %get3A_939 = vector.shape_cast %get3A_938 : vector<1x16xf32> to vector<16xf32>
        %add3A_940 = arith.addf %add3A_933, %get3A_939 : vector<16xf32>
        %add3A_941 = arith.constant 10 : i32
        %add3A_942 = arith.addi %mul3A_68, %add3A_941 : i32
        %get3A_943 = arith.index_cast %add3A_942 : i32 to index
        %get3A_944 = arith.constant 112 : index
        %get3A_945 = tpu.vector_load %arg7[%get3A_943, %get3A_944] {strides = array<i32>} : memref<128x128xf32, #tpu.memory_space<vmem>>, vector<1x16xf32>,
        %get3A_946 = vector.shape_cast %get3A_945 : vector<1x16xf32> to vector<16xf32>
        %add3A_947 = arith.addf %add3A_940, %get3A_946 : vector<16xf32>
        %add3A_948 = arith.constant 11 : i32
        %add3A_949 = arith.addi %mul3A_68, %add3A_948 : i32
        %get3A_950 = arith.index_cast %add3A_949 : i32 to index
        %get3A_951 = arith.constant 112 : index
        %get3A_952 = tpu.vector_load %arg7[%get3A_950, %get3A_951] {strides = array<i32>} : memref<128x128xf32, #tpu.memory_space<vmem>>, vector<1x16xf32>,
        %get3A_953 = vector.shape_cast %get3A_952 : vector<1x16xf32> to vector<16xf32>
        %add3A_954 = arith.addf %add3A_947, %get3A_953 : vector<16xf32>
        %add3A_955 = arith.constant 12 : i32
        %add3A_956 = arith.addi %mul3A_68, %add3A_955 : i32
        %get3A_957 = arith.index_cast %add3A_956 : i32 to index
        %get3A_958 = arith.constant 112 : index
        %get3A_959 = tpu.vector_load %arg7[%get3A_957, %get3A_958] {strides = array<i32>} : memref<128x128xf32, #tpu.memory_space<vmem>>, vector<1x16xf32>,
        %get3A_960 = vector.shape_cast %get3A_959 : vector<1x16xf32> to vector<16xf32>
        %add3A_961 = arith.addf %add3A_954, %get3A_960 : vector<16xf32>
        %add3A_962 = arith.constant 13 : i32
        %add3A_963 = arith.addi %mul3A_68, %add3A_962 : i32
        %get3A_964 = arith.index_cast %add3A_963 : i32 to index
        %get3A_965 = arith.constant 112 : index
        %get3A_966 = tpu.vector_load %arg7[%get3A_964, %get3A_965] {strides = array<i32>} : memref<128x128xf32, #tpu.memory_space<vmem>>, vector<1x16xf32>,
        %get3A_967 = vector.shape_cast %get3A_966 : vector<1x16xf32> to vector<16xf32>
        %add3A_968 = arith.addf %add3A_961, %get3A_967 : vector<16xf32>
        %add3A_969 = arith.constant 14 : i32
        %add3A_970 = arith.addi %mul3A_68, %add3A_969 : i32
        %get3A_971 = arith.index_cast %add3A_970 : i32 to index
        %get3A_972 = arith.constant 112 : index
        %get3A_973 = tpu.vector_load %arg7[%get3A_971, %get3A_972] {strides = array<i32>} : memref<128x128xf32, #tpu.memory_space<vmem>>, vector<1x16xf32>,
        %get3A_974 = vector.shape_cast %get3A_973 : vector<1x16xf32> to vector<16xf32>
        %add3A_975 = arith.addf %add3A_968, %get3A_974 : vector<16xf32>
        %add3A_976 = arith.constant 15 : i32
        %add3A_977 = arith.addi %mul3A_68, %add3A_976 : i32
        %get3A_978 = arith.index_cast %add3A_977 : i32 to index
        %get3A_979 = arith.constant 112 : index
        %get3A_980 = tpu.vector_load %arg7[%get3A_978, %get3A_979] {strides = array<i32>} : memref<128x128xf32, #tpu.memory_space<vmem>>, vector<1x16xf32>,
        %get3A_981 = vector.shape_cast %get3A_980 : vector<1x16xf32> to vector<16xf32>
        %add3A_982 = arith.addf %add3A_975, %get3A_981 : vector<16xf32>
        %swap3A_983 = arith.index_cast %add3A_71 : i32 to index
        %swap3A_984 = arith.constant 112 : index
        %swap3A_985 = tpu.vector_load %arg8[%swap3A_983, %swap3A_984] {strides = array<i32>} : memref<256x128xf32, #tpu.memory_space<vmem>>, vector<1x16xf32>,
        %swap3A_986 = vector.shape_cast %swap3A_985 : vector<1x16xf32> to vector<16xf32>
        %swap3A_987 = vector.shape_cast %add3A_982 : vector<16xf32> to vector<1x16xf32>
        tpu.vector_store %arg8[%swap3A_983, %swap3A_984], %swap3A_987 {strides = array<i32>} : memref<256x128xf32, #tpu.memory_space<vmem>>, vector<1x16xf32>,
        %scan3A_988 = arith.constant 0 : i32
        scf.yield %scan3A_988 : i32
      }
      %scan3A_63 = arith.constant 8 : i32
      %scan3A_64 = arith.constant 0 : i32
      scf.yield %scan3A_64 : i32
    }
    %scan3A_17 = arith.constant 16 : i32
    %mul3A_18 = arith.constant 256 : i32
    %mul3A_19 = arith.muli %add3A, %mul3A_18 : i32
    "tpu.region"() ({
      %run_scoped3A = tpu.sem_alloc : memref<!tpu.dma_semaphore, #tpu.memory_space<semaphore_mem>>
      %dma_start3A_20 = arith.constant 0 : i32
      %dma_start3A_21 = tpu.memref_slice %arg4[%mul3A_19, %dma_start3A_20] : memref<8192x128xf32, #tpu.memory_space<hbm>> -> memref<256x128xf32, #tpu.memory_space<hbm>>
      %dma_start3A_22 = arith.constant 0 : i32
      %dma_start3A_23 = tpu.memref_slice %arg4[%mul3A_19, %dma_start3A_22] : memref<8192x128xf32, #tpu.memory_space<hbm>> -> memref<256x128xf32, #tpu.memory_space<hbm>>
      tpu.enqueue_dma source(%arg8 : memref<256x128xf32, #tpu.memory_space<vmem>>) target(%dma_start3A_23 : memref<256x128xf32, #tpu.memory_space<hbm>>) target_semaphore(%run_scoped3A : memref<!tpu.dma_semaphore, #tpu.memory_space<semaphore_mem>>)
      %dma_wait3A = arith.constant 0 : i32
      %dma_wait3A_24 = tpu.memref_slice %arg4[%mul3A_19, %dma_wait3A] : memref<8192x128xf32, #tpu.memory_space<hbm>> -> memref<256x128xf32, #tpu.memory_space<hbm>>
      %dma_wait3A_25 = arith.constant 0 : i32
      %dma_wait3A_26 = tpu.memref_slice %arg4[%mul3A_19, %dma_wait3A_25] : memref<8192x128xf32, #tpu.memory_space<hbm>> -> memref<256x128xf32, #tpu.memory_space<hbm>>
      tpu.wait_dma2 semaphore(%run_scoped3A : memref<!tpu.dma_semaphore, #tpu.memory_space<semaphore_mem>>) src(%arg8 : memref<256x128xf32, #tpu.memory_space<vmem>>) dst(%dma_wait3A_26 : memref<256x128xf32, #tpu.memory_space<hbm>>)
      tpu.yield
    }) : () -> ()
    return
  }
}

module attributes {stable_mosaic.version = 14 : i64} {
  func.func @_knn_body(%arg0: i32, %arg1: memref<256x8192xf32, #tpu.memory_space<vmem>>, %arg2: memref<256x16xi32, #tpu.memory_space<vmem>>) attributes {dimension_semantics = [#tpu.dimension_semantics<arbitrary>], iteration_bounds = array<i64: 32>, scalar_prefetch = 0 : i64, scratch_operands = 0 : i64, tpu.core_type = #tpu.core_type<tc>, window_params = [{transform_indices = @transform_0, window_bounds = array<i64: 256, 8192>}, {transform_indices = @transform_1, window_bounds = array<i64: 256, 16>}]} {
    %get3A = arith.constant 0 : index
    %get3A_0 = arith.constant 0 : index
    %get3A_1 = vector.load %arg1[%get3A, %get3A_0] : memref<256x8192xf32, #tpu.memory_space<vmem>>, vector<256x8192xf32>
    %bitcast_convert_type3A = tpu.bitcast %get3A_1 : vector<256x8192xf32> -> vector<256x8192xi32>
    %lt3A = arith.constant 0 : i32
    %lt3A_2 = vector.broadcast %lt3A : i32 to vector<256x8192xi32>
    %lt3A_3 = arith.cmpi slt, %bitcast_convert_type3A, %lt3A_2 : vector<256x8192xi32>
    %xor3A = arith.constant 2147483647 : i32
    %xor3A_4 = vector.broadcast %xor3A : i32 to vector<256x8192xi32>
    %xor3A_5 = arith.xori %bitcast_convert_type3A, %xor3A_4 : vector<256x8192xi32>
    %select_n3A = arith.select %lt3A_3, %xor3A_5, %bitcast_convert_type3A : vector<256x8192xi1>, vector<256x8192xi32>
    %broadcast_in_dim3A = arith.constant 2147483647 : i32
    %broadcast_in_dim3A_6 = vector.broadcast %broadcast_in_dim3A : i32 to vector<256x128xi32>
    %broadcast_in_dim3A_7 = arith.constant 2147483647 : i32
    %broadcast_in_dim3A_8 = vector.broadcast %broadcast_in_dim3A_7 : i32 to vector<256x128xi32>
    %broadcast_in_dim3A_9 = arith.constant 2147483647 : i32
    %broadcast_in_dim3A_10 = vector.broadcast %broadcast_in_dim3A_9 : i32 to vector<256x128xi32>
    %broadcast_in_dim3A_11 = arith.constant 2147483647 : i32
    %broadcast_in_dim3A_12 = vector.broadcast %broadcast_in_dim3A_11 : i32 to vector<256x128xi32>
    %broadcast_in_dim3A_13 = arith.constant 2147483647 : i32
    %broadcast_in_dim3A_14 = vector.broadcast %broadcast_in_dim3A_13 : i32 to vector<256x128xi32>
    %broadcast_in_dim3A_15 = arith.constant 2147483647 : i32
    %broadcast_in_dim3A_16 = vector.broadcast %broadcast_in_dim3A_15 : i32 to vector<256x128xi32>
    %broadcast_in_dim3A_17 = arith.constant 0 : i32
    %broadcast_in_dim3A_18 = vector.broadcast %broadcast_in_dim3A_17 : i32 to vector<256x128xi32>
    %broadcast_in_dim3A_19 = arith.constant 0 : i32
    %broadcast_in_dim3A_20 = vector.broadcast %broadcast_in_dim3A_19 : i32 to vector<256x128xi32>
    %broadcast_in_dim3A_21 = arith.constant 0 : i32
    %broadcast_in_dim3A_22 = vector.broadcast %broadcast_in_dim3A_21 : i32 to vector<256x128xi32>
    %broadcast_in_dim3A_23 = arith.constant 0 : i32
    %broadcast_in_dim3A_24 = vector.broadcast %broadcast_in_dim3A_23 : i32 to vector<256x128xi32>
    %broadcast_in_dim3A_25 = arith.constant 0 : i32
    %broadcast_in_dim3A_26 = vector.broadcast %broadcast_in_dim3A_25 : i32 to vector<256x128xi32>
    %broadcast_in_dim3A_27 = arith.constant 0 : i32
    %broadcast_in_dim3A_28 = vector.broadcast %broadcast_in_dim3A_27 : i32 to vector<256x128xi32>
    %slice3A = vector.extract_strided_slice %select_n3A {offsets = [0, 0], sizes = [256, 128], strides = [1, 1]} : vector<256x8192xi32> to vector<256x128xi32>
    %min3A = arith.minsi %broadcast_in_dim3A_6, %slice3A : vector<256x128xi32>
    %max3A = arith.maxsi %broadcast_in_dim3A_6, %slice3A : vector<256x128xi32>
    %eq3A = arith.cmpi eq, %min3A, %broadcast_in_dim3A_6 : vector<256x128xi32>
    %jit3A = arith.constant 0 : i32
    %broadcast_in_dim3A_29 = vector.broadcast %jit3A : i32 to vector<256x128xi32>
    %select_n3A_30 = arith.select %eq3A, %broadcast_in_dim3A_18, %broadcast_in_dim3A_29 : vector<256x128xi1>, vector<256x128xi32>
    %jit3A_31 = arith.constant 0 : i32
    %broadcast_in_dim3A_32 = vector.broadcast %jit3A_31 : i32 to vector<256x128xi32>
    %select_n3A_33 = arith.select %eq3A, %broadcast_in_dim3A_32, %broadcast_in_dim3A_18 : vector<256x128xi1>, vector<256x128xi32>
    %min3A_34 = arith.minsi %broadcast_in_dim3A_8, %max3A : vector<256x128xi32>
    %max3A_35 = arith.maxsi %broadcast_in_dim3A_8, %max3A : vector<256x128xi32>
    %eq3A_36 = arith.cmpi eq, %min3A_34, %broadcast_in_dim3A_8 : vector<256x128xi32>
    %select_n3A_37 = arith.select %eq3A_36, %broadcast_in_dim3A_20, %select_n3A_33 : vector<256x128xi1>, vector<256x128xi32>
    %select_n3A_38 = arith.select %eq3A_36, %select_n3A_33, %broadcast_in_dim3A_20 : vector<256x128xi1>, vector<256x128xi32>
    %min3A_39 = arith.minsi %broadcast_in_dim3A_10, %max3A_35 : vector<256x128xi32>
    %max3A_40 = arith.maxsi %broadcast_in_dim3A_10, %max3A_35 : vector<256x128xi32>
    %eq3A_41 = arith.cmpi eq, %min3A_39, %broadcast_in_dim3A_10 : vector<256x128xi32>
    %select_n3A_42 = arith.select %eq3A_41, %broadcast_in_dim3A_22, %select_n3A_38 : vector<256x128xi1>, vector<256x128xi32>
    %select_n3A_43 = arith.select %eq3A_41, %select_n3A_38, %broadcast_in_dim3A_22 : vector<256x128xi1>, vector<256x128xi32>
    %min3A_44 = arith.minsi %broadcast_in_dim3A_12, %max3A_40 : vector<256x128xi32>
    %max3A_45 = arith.maxsi %broadcast_in_dim3A_12, %max3A_40 : vector<256x128xi32>
    %eq3A_46 = arith.cmpi eq, %min3A_44, %broadcast_in_dim3A_12 : vector<256x128xi32>
    %select_n3A_47 = arith.select %eq3A_46, %broadcast_in_dim3A_24, %select_n3A_43 : vector<256x128xi1>, vector<256x128xi32>
    %select_n3A_48 = arith.select %eq3A_46, %select_n3A_43, %broadcast_in_dim3A_24 : vector<256x128xi1>, vector<256x128xi32>
    %min3A_49 = arith.minsi %broadcast_in_dim3A_14, %max3A_45 : vector<256x128xi32>
    %max3A_50 = arith.maxsi %broadcast_in_dim3A_14, %max3A_45 : vector<256x128xi32>
    %eq3A_51 = arith.cmpi eq, %min3A_49, %broadcast_in_dim3A_14 : vector<256x128xi32>
    %select_n3A_52 = arith.select %eq3A_51, %broadcast_in_dim3A_26, %select_n3A_48 : vector<256x128xi1>, vector<256x128xi32>
    %select_n3A_53 = arith.select %eq3A_51, %select_n3A_48, %broadcast_in_dim3A_26 : vector<256x128xi1>, vector<256x128xi32>
    %min3A_54 = arith.minsi %broadcast_in_dim3A_16, %max3A_50 : vector<256x128xi32>
    %eq3A_55 = arith.cmpi eq, %min3A_54, %broadcast_in_dim3A_16 : vector<256x128xi32>
    %select_n3A_56 = arith.select %eq3A_55, %broadcast_in_dim3A_28, %select_n3A_53 : vector<256x128xi1>, vector<256x128xi32>
    %slice3A_57 = vector.extract_strided_slice %select_n3A {offsets = [0, 128], sizes = [256, 128], strides = [1, 1]} : vector<256x8192xi32> to vector<256x128xi32>
    %min3A_58 = arith.minsi %min3A, %slice3A_57 : vector<256x128xi32>
    %max3A_59 = arith.maxsi %min3A, %slice3A_57 : vector<256x128xi32>
    %eq3A_60 = arith.cmpi eq, %min3A_58, %min3A : vector<256x128xi32>
    %jit3A_61 = arith.constant 1 : i32
    %broadcast_in_dim3A_62 = vector.broadcast %jit3A_61 : i32 to vector<256x128xi32>
    %select_n3A_63 = arith.select %eq3A_60, %select_n3A_30, %broadcast_in_dim3A_62 : vector<256x128xi1>, vector<256x128xi32>
    %jit3A_64 = arith.constant 1 : i32
    %broadcast_in_dim3A_65 = vector.broadcast %jit3A_64 : i32 to vector<256x128xi32>
    %select_n3A_66 = arith.select %eq3A_60, %broadcast_in_dim3A_65, %select_n3A_30 : vector<256x128xi1>, vector<256x128xi32>
    %min3A_67 = arith.minsi %min3A_34, %max3A_59 : vector<256x128xi32>
    %max3A_68 = arith.maxsi %min3A_34, %max3A_59 : vector<256x128xi32>
    %eq3A_69 = arith.cmpi eq, %min3A_67, %min3A_34 : vector<256x128xi32>
    %select_n3A_70 = arith.select %eq3A_69, %select_n3A_37, %select_n3A_66 : vector<256x128xi1>, vector<256x128xi32>
    %select_n3A_71 = arith.select %eq3A_69, %select_n3A_66, %select_n3A_37 : vector<256x128xi1>, vector<256x128xi32>
    %min3A_72 = arith.minsi %min3A_39, %max3A_68 : vector<256x128xi32>
    %max3A_73 = arith.maxsi %min3A_39, %max3A_68 : vector<256x128xi32>
    %eq3A_74 = arith.cmpi eq, %min3A_72, %min3A_39 : vector<256x128xi32>
    %select_n3A_75 = arith.select %eq3A_74, %select_n3A_42, %select_n3A_71 : vector<256x128xi1>, vector<256x128xi32>
    %select_n3A_76 = arith.select %eq3A_74, %select_n3A_71, %select_n3A_42 : vector<256x128xi1>, vector<256x128xi32>
    %min3A_77 = arith.minsi %min3A_44, %max3A_73 : vector<256x128xi32>
    %max3A_78 = arith.maxsi %min3A_44, %max3A_73 : vector<256x128xi32>
    %eq3A_79 = arith.cmpi eq, %min3A_77, %min3A_44 : vector<256x128xi32>
    %select_n3A_80 = arith.select %eq3A_79, %select_n3A_47, %select_n3A_76 : vector<256x128xi1>, vector<256x128xi32>
    %select_n3A_81 = arith.select %eq3A_79, %select_n3A_76, %select_n3A_47 : vector<256x128xi1>, vector<256x128xi32>
    %min3A_82 = arith.minsi %min3A_49, %max3A_78 : vector<256x128xi32>
    %max3A_83 = arith.maxsi %min3A_49, %max3A_78 : vector<256x128xi32>
    %eq3A_84 = arith.cmpi eq, %min3A_82, %min3A_49 : vector<256x128xi32>
    %select_n3A_85 = arith.select %eq3A_84, %select_n3A_52, %select_n3A_81 : vector<256x128xi1>, vector<256x128xi32>
    %select_n3A_86 = arith.select %eq3A_84, %select_n3A_81, %select_n3A_52 : vector<256x128xi1>, vector<256x128xi32>
    %min3A_87 = arith.minsi %min3A_54, %max3A_83 : vector<256x128xi32>
    %eq3A_88 = arith.cmpi eq, %min3A_87, %min3A_54 : vector<256x128xi32>
    %select_n3A_89 = arith.select %eq3A_88, %select_n3A_56, %select_n3A_86 : vector<256x128xi1>, vector<256x128xi32>
    %slice3A_90 = vector.extract_strided_slice %select_n3A {offsets = [0, 256], sizes = [256, 128], strides = [1, 1]} : vector<256x8192xi32> to vector<256x128xi32>
    %min3A_91 = arith.minsi %min3A_58, %slice3A_90 : vector<256x128xi32>
    %max3A_92 = arith.maxsi %min3A_58, %slice3A_90 : vector<256x128xi32>
    %eq3A_93 = arith.cmpi eq, %min3A_91, %min3A_58 : vector<256x128xi32>
    %jit3A_94 = arith.constant 2 : i32
    %broadcast_in_dim3A_95 = vector.broadcast %jit3A_94 : i32 to vector<256x128xi32>
    %select_n3A_96 = arith.select %eq3A_93, %select_n3A_63, %broadcast_in_dim3A_95 : vector<256x128xi1>, vector<256x128xi32>
    %jit3A_97 = arith.constant 2 : i32
    %broadcast_in_dim3A_98 = vector.broadcast %jit3A_97 : i32 to vector<256x128xi32>
    %select_n3A_99 = arith.select %eq3A_93, %broadcast_in_dim3A_98, %select_n3A_63 : vector<256x128xi1>, vector<256x128xi32>
    %min3A_100 = arith.minsi %min3A_67, %max3A_92 : vector<256x128xi32>
    %max3A_101 = arith.maxsi %min3A_67, %max3A_92 : vector<256x128xi32>
    %eq3A_102 = arith.cmpi eq, %min3A_100, %min3A_67 : vector<256x128xi32>
    %select_n3A_103 = arith.select %eq3A_102, %select_n3A_70, %select_n3A_99 : vector<256x128xi1>, vector<256x128xi32>
    %select_n3A_104 = arith.select %eq3A_102, %select_n3A_99, %select_n3A_70 : vector<256x128xi1>, vector<256x128xi32>
    %min3A_105 = arith.minsi %min3A_72, %max3A_101 : vector<256x128xi32>
    %max3A_106 = arith.maxsi %min3A_72, %max3A_101 : vector<256x128xi32>
    %eq3A_107 = arith.cmpi eq, %min3A_105, %min3A_72 : vector<256x128xi32>
    %select_n3A_108 = arith.select %eq3A_107, %select_n3A_75, %select_n3A_104 : vector<256x128xi1>, vector<256x128xi32>
    %select_n3A_109 = arith.select %eq3A_107, %select_n3A_104, %select_n3A_75 : vector<256x128xi1>, vector<256x128xi32>
    %min3A_110 = arith.minsi %min3A_77, %max3A_106 : vector<256x128xi32>
    %max3A_111 = arith.maxsi %min3A_77, %max3A_106 : vector<256x128xi32>
    %eq3A_112 = arith.cmpi eq, %min3A_110, %min3A_77 : vector<256x128xi32>
    %select_n3A_113 = arith.select %eq3A_112, %select_n3A_80, %select_n3A_109 : vector<256x128xi1>, vector<256x128xi32>
    %select_n3A_114 = arith.select %eq3A_112, %select_n3A_109, %select_n3A_80 : vector<256x128xi1>, vector<256x128xi32>
    %min3A_115 = arith.minsi %min3A_82, %max3A_111 : vector<256x128xi32>
    %max3A_116 = arith.maxsi %min3A_82, %max3A_111 : vector<256x128xi32>
    %eq3A_117 = arith.cmpi eq, %min3A_115, %min3A_82 : vector<256x128xi32>
    %select_n3A_118 = arith.select %eq3A_117, %select_n3A_85, %select_n3A_114 : vector<256x128xi1>, vector<256x128xi32>
    %select_n3A_119 = arith.select %eq3A_117, %select_n3A_114, %select_n3A_85 : vector<256x128xi1>, vector<256x128xi32>
    %min3A_120 = arith.minsi %min3A_87, %max3A_116 : vector<256x128xi32>
    %eq3A_121 = arith.cmpi eq, %min3A_120, %min3A_87 : vector<256x128xi32>
    %select_n3A_122 = arith.select %eq3A_121, %select_n3A_89, %select_n3A_119 : vector<256x128xi1>, vector<256x128xi32>
    %slice3A_123 = vector.extract_strided_slice %select_n3A {offsets = [0, 384], sizes = [256, 128], strides = [1, 1]} : vector<256x8192xi32> to vector<256x128xi32>
    %min3A_124 = arith.minsi %min3A_91, %slice3A_123 : vector<256x128xi32>
    %max3A_125 = arith.maxsi %min3A_91, %slice3A_123 : vector<256x128xi32>
    %eq3A_126 = arith.cmpi eq, %min3A_124, %min3A_91 : vector<256x128xi32>
    %jit3A_127 = arith.constant 3 : i32
    %broadcast_in_dim3A_128 = vector.broadcast %jit3A_127 : i32 to vector<256x128xi32>
    %select_n3A_129 = arith.select %eq3A_126, %select_n3A_96, %broadcast_in_dim3A_128 : vector<256x128xi1>, vector<256x128xi32>
    %jit3A_130 = arith.constant 3 : i32
    %broadcast_in_dim3A_131 = vector.broadcast %jit3A_130 : i32 to vector<256x128xi32>
    %select_n3A_132 = arith.select %eq3A_126, %broadcast_in_dim3A_131, %select_n3A_96 : vector<256x128xi1>, vector<256x128xi32>
    %min3A_133 = arith.minsi %min3A_100, %max3A_125 : vector<256x128xi32>
    %max3A_134 = arith.maxsi %min3A_100, %max3A_125 : vector<256x128xi32>
    %eq3A_135 = arith.cmpi eq, %min3A_133, %min3A_100 : vector<256x128xi32>
    %select_n3A_136 = arith.select %eq3A_135, %select_n3A_103, %select_n3A_132 : vector<256x128xi1>, vector<256x128xi32>
    %select_n3A_137 = arith.select %eq3A_135, %select_n3A_132, %select_n3A_103 : vector<256x128xi1>, vector<256x128xi32>
    %min3A_138 = arith.minsi %min3A_105, %max3A_134 : vector<256x128xi32>
    %max3A_139 = arith.maxsi %min3A_105, %max3A_134 : vector<256x128xi32>
    %eq3A_140 = arith.cmpi eq, %min3A_138, %min3A_105 : vector<256x128xi32>
    %select_n3A_141 = arith.select %eq3A_140, %select_n3A_108, %select_n3A_137 : vector<256x128xi1>, vector<256x128xi32>
    %select_n3A_142 = arith.select %eq3A_140, %select_n3A_137, %select_n3A_108 : vector<256x128xi1>, vector<256x128xi32>
    %min3A_143 = arith.minsi %min3A_110, %max3A_139 : vector<256x128xi32>
    %max3A_144 = arith.maxsi %min3A_110, %max3A_139 : vector<256x128xi32>
    %eq3A_145 = arith.cmpi eq, %min3A_143, %min3A_110 : vector<256x128xi32>
    %select_n3A_146 = arith.select %eq3A_145, %select_n3A_113, %select_n3A_142 : vector<256x128xi1>, vector<256x128xi32>
    %select_n3A_147 = arith.select %eq3A_145, %select_n3A_142, %select_n3A_113 : vector<256x128xi1>, vector<256x128xi32>
    %min3A_148 = arith.minsi %min3A_115, %max3A_144 : vector<256x128xi32>
    %max3A_149 = arith.maxsi %min3A_115, %max3A_144 : vector<256x128xi32>
    %eq3A_150 = arith.cmpi eq, %min3A_148, %min3A_115 : vector<256x128xi32>
    %select_n3A_151 = arith.select %eq3A_150, %select_n3A_118, %select_n3A_147 : vector<256x128xi1>, vector<256x128xi32>
    %select_n3A_152 = arith.select %eq3A_150, %select_n3A_147, %select_n3A_118 : vector<256x128xi1>, vector<256x128xi32>
    %min3A_153 = arith.minsi %min3A_120, %max3A_149 : vector<256x128xi32>
    %eq3A_154 = arith.cmpi eq, %min3A_153, %min3A_120 : vector<256x128xi32>
    %select_n3A_155 = arith.select %eq3A_154, %select_n3A_122, %select_n3A_152 : vector<256x128xi1>, vector<256x128xi32>
    %slice3A_156 = vector.extract_strided_slice %select_n3A {offsets = [0, 512], sizes = [256, 128], strides = [1, 1]} : vector<256x8192xi32> to vector<256x128xi32>
    %min3A_157 = arith.minsi %min3A_124, %slice3A_156 : vector<256x128xi32>
    %max3A_158 = arith.maxsi %min3A_124, %slice3A_156 : vector<256x128xi32>
    %eq3A_159 = arith.cmpi eq, %min3A_157, %min3A_124 : vector<256x128xi32>
    %jit3A_160 = arith.constant 4 : i32
    %broadcast_in_dim3A_161 = vector.broadcast %jit3A_160 : i32 to vector<256x128xi32>
    %select_n3A_162 = arith.select %eq3A_159, %select_n3A_129, %broadcast_in_dim3A_161 : vector<256x128xi1>, vector<256x128xi32>
    %jit3A_163 = arith.constant 4 : i32
    %broadcast_in_dim3A_164 = vector.broadcast %jit3A_163 : i32 to vector<256x128xi32>
    %select_n3A_165 = arith.select %eq3A_159, %broadcast_in_dim3A_164, %select_n3A_129 : vector<256x128xi1>, vector<256x128xi32>
    %min3A_166 = arith.minsi %min3A_133, %max3A_158 : vector<256x128xi32>
    %max3A_167 = arith.maxsi %min3A_133, %max3A_158 : vector<256x128xi32>
    %eq3A_168 = arith.cmpi eq, %min3A_166, %min3A_133 : vector<256x128xi32>
    %select_n3A_169 = arith.select %eq3A_168, %select_n3A_136, %select_n3A_165 : vector<256x128xi1>, vector<256x128xi32>
    %select_n3A_170 = arith.select %eq3A_168, %select_n3A_165, %select_n3A_136 : vector<256x128xi1>, vector<256x128xi32>
    %min3A_171 = arith.minsi %min3A_138, %max3A_167 : vector<256x128xi32>
    %max3A_172 = arith.maxsi %min3A_138, %max3A_167 : vector<256x128xi32>
    %eq3A_173 = arith.cmpi eq, %min3A_171, %min3A_138 : vector<256x128xi32>
    %select_n3A_174 = arith.select %eq3A_173, %select_n3A_141, %select_n3A_170 : vector<256x128xi1>, vector<256x128xi32>
    %select_n3A_175 = arith.select %eq3A_173, %select_n3A_170, %select_n3A_141 : vector<256x128xi1>, vector<256x128xi32>
    %min3A_176 = arith.minsi %min3A_143, %max3A_172 : vector<256x128xi32>
    %max3A_177 = arith.maxsi %min3A_143, %max3A_172 : vector<256x128xi32>
    %eq3A_178 = arith.cmpi eq, %min3A_176, %min3A_143 : vector<256x128xi32>
    %select_n3A_179 = arith.select %eq3A_178, %select_n3A_146, %select_n3A_175 : vector<256x128xi1>, vector<256x128xi32>
    %select_n3A_180 = arith.select %eq3A_178, %select_n3A_175, %select_n3A_146 : vector<256x128xi1>, vector<256x128xi32>
    %min3A_181 = arith.minsi %min3A_148, %max3A_177 : vector<256x128xi32>
    %max3A_182 = arith.maxsi %min3A_148, %max3A_177 : vector<256x128xi32>
    %eq3A_183 = arith.cmpi eq, %min3A_181, %min3A_148 : vector<256x128xi32>
    %select_n3A_184 = arith.select %eq3A_183, %select_n3A_151, %select_n3A_180 : vector<256x128xi1>, vector<256x128xi32>
    %select_n3A_185 = arith.select %eq3A_183, %select_n3A_180, %select_n3A_151 : vector<256x128xi1>, vector<256x128xi32>
    %min3A_186 = arith.minsi %min3A_153, %max3A_182 : vector<256x128xi32>
    %eq3A_187 = arith.cmpi eq, %min3A_186, %min3A_153 : vector<256x128xi32>
    %select_n3A_188 = arith.select %eq3A_187, %select_n3A_155, %select_n3A_185 : vector<256x128xi1>, vector<256x128xi32>
    %slice3A_189 = vector.extract_strided_slice %select_n3A {offsets = [0, 640], sizes = [256, 128], strides = [1, 1]} : vector<256x8192xi32> to vector<256x128xi32>
    %min3A_190 = arith.minsi %min3A_157, %slice3A_189 : vector<256x128xi32>
    %max3A_191 = arith.maxsi %min3A_157, %slice3A_189 : vector<256x128xi32>
    %eq3A_192 = arith.cmpi eq, %min3A_190, %min3A_157 : vector<256x128xi32>
    %jit3A_193 = arith.constant 5 : i32
    %broadcast_in_dim3A_194 = vector.broadcast %jit3A_193 : i32 to vector<256x128xi32>
    %select_n3A_195 = arith.select %eq3A_192, %select_n3A_162, %broadcast_in_dim3A_194 : vector<256x128xi1>, vector<256x128xi32>
    %jit3A_196 = arith.constant 5 : i32
    %broadcast_in_dim3A_197 = vector.broadcast %jit3A_196 : i32 to vector<256x128xi32>
    %select_n3A_198 = arith.select %eq3A_192, %broadcast_in_dim3A_197, %select_n3A_162 : vector<256x128xi1>, vector<256x128xi32>
    %min3A_199 = arith.minsi %min3A_166, %max3A_191 : vector<256x128xi32>
    %max3A_200 = arith.maxsi %min3A_166, %max3A_191 : vector<256x128xi32>
    %eq3A_201 = arith.cmpi eq, %min3A_199, %min3A_166 : vector<256x128xi32>
    %select_n3A_202 = arith.select %eq3A_201, %select_n3A_169, %select_n3A_198 : vector<256x128xi1>, vector<256x128xi32>
    %select_n3A_203 = arith.select %eq3A_201, %select_n3A_198, %select_n3A_169 : vector<256x128xi1>, vector<256x128xi32>
    %min3A_204 = arith.minsi %min3A_171, %max3A_200 : vector<256x128xi32>
    %max3A_205 = arith.maxsi %min3A_171, %max3A_200 : vector<256x128xi32>
    %eq3A_206 = arith.cmpi eq, %min3A_204, %min3A_171 : vector<256x128xi32>
    %select_n3A_207 = arith.select %eq3A_206, %select_n3A_174, %select_n3A_203 : vector<256x128xi1>, vector<256x128xi32>
    %select_n3A_208 = arith.select %eq3A_206, %select_n3A_203, %select_n3A_174 : vector<256x128xi1>, vector<256x128xi32>
    %min3A_209 = arith.minsi %min3A_176, %max3A_205 : vector<256x128xi32>
    %max3A_210 = arith.maxsi %min3A_176, %max3A_205 : vector<256x128xi32>
    %eq3A_211 = arith.cmpi eq, %min3A_209, %min3A_176 : vector<256x128xi32>
    %select_n3A_212 = arith.select %eq3A_211, %select_n3A_179, %select_n3A_208 : vector<256x128xi1>, vector<256x128xi32>
    %select_n3A_213 = arith.select %eq3A_211, %select_n3A_208, %select_n3A_179 : vector<256x128xi1>, vector<256x128xi32>
    %min3A_214 = arith.minsi %min3A_181, %max3A_210 : vector<256x128xi32>
    %max3A_215 = arith.maxsi %min3A_181, %max3A_210 : vector<256x128xi32>
    %eq3A_216 = arith.cmpi eq, %min3A_214, %min3A_181 : vector<256x128xi32>
    %select_n3A_217 = arith.select %eq3A_216, %select_n3A_184, %select_n3A_213 : vector<256x128xi1>, vector<256x128xi32>
    %select_n3A_218 = arith.select %eq3A_216, %select_n3A_213, %select_n3A_184 : vector<256x128xi1>, vector<256x128xi32>
    %min3A_219 = arith.minsi %min3A_186, %max3A_215 : vector<256x128xi32>
    %eq3A_220 = arith.cmpi eq, %min3A_219, %min3A_186 : vector<256x128xi32>
    %select_n3A_221 = arith.select %eq3A_220, %select_n3A_188, %select_n3A_218 : vector<256x128xi1>, vector<256x128xi32>
    %slice3A_222 = vector.extract_strided_slice %select_n3A {offsets = [0, 768], sizes = [256, 128], strides = [1, 1]} : vector<256x8192xi32> to vector<256x128xi32>
    %min3A_223 = arith.minsi %min3A_190, %slice3A_222 : vector<256x128xi32>
    %max3A_224 = arith.maxsi %min3A_190, %slice3A_222 : vector<256x128xi32>
    %eq3A_225 = arith.cmpi eq, %min3A_223, %min3A_190 : vector<256x128xi32>
    %jit3A_226 = arith.constant 6 : i32
    %broadcast_in_dim3A_227 = vector.broadcast %jit3A_226 : i32 to vector<256x128xi32>
    %select_n3A_228 = arith.select %eq3A_225, %select_n3A_195, %broadcast_in_dim3A_227 : vector<256x128xi1>, vector<256x128xi32>
    %jit3A_229 = arith.constant 6 : i32
    %broadcast_in_dim3A_230 = vector.broadcast %jit3A_229 : i32 to vector<256x128xi32>
    %select_n3A_231 = arith.select %eq3A_225, %broadcast_in_dim3A_230, %select_n3A_195 : vector<256x128xi1>, vector<256x128xi32>
    %min3A_232 = arith.minsi %min3A_199, %max3A_224 : vector<256x128xi32>
    %max3A_233 = arith.maxsi %min3A_199, %max3A_224 : vector<256x128xi32>
    %eq3A_234 = arith.cmpi eq, %min3A_232, %min3A_199 : vector<256x128xi32>
    %select_n3A_235 = arith.select %eq3A_234, %select_n3A_202, %select_n3A_231 : vector<256x128xi1>, vector<256x128xi32>
    %select_n3A_236 = arith.select %eq3A_234, %select_n3A_231, %select_n3A_202 : vector<256x128xi1>, vector<256x128xi32>
    %min3A_237 = arith.minsi %min3A_204, %max3A_233 : vector<256x128xi32>
    %max3A_238 = arith.maxsi %min3A_204, %max3A_233 : vector<256x128xi32>
    %eq3A_239 = arith.cmpi eq, %min3A_237, %min3A_204 : vector<256x128xi32>
    %select_n3A_240 = arith.select %eq3A_239, %select_n3A_207, %select_n3A_236 : vector<256x128xi1>, vector<256x128xi32>
    %select_n3A_241 = arith.select %eq3A_239, %select_n3A_236, %select_n3A_207 : vector<256x128xi1>, vector<256x128xi32>
    %min3A_242 = arith.minsi %min3A_209, %max3A_238 : vector<256x128xi32>
    %max3A_243 = arith.maxsi %min3A_209, %max3A_238 : vector<256x128xi32>
    %eq3A_244 = arith.cmpi eq, %min3A_242, %min3A_209 : vector<256x128xi32>
    %select_n3A_245 = arith.select %eq3A_244, %select_n3A_212, %select_n3A_241 : vector<256x128xi1>, vector<256x128xi32>
    %select_n3A_246 = arith.select %eq3A_244, %select_n3A_241, %select_n3A_212 : vector<256x128xi1>, vector<256x128xi32>
    %min3A_247 = arith.minsi %min3A_214, %max3A_243 : vector<256x128xi32>
    %max3A_248 = arith.maxsi %min3A_214, %max3A_243 : vector<256x128xi32>
    %eq3A_249 = arith.cmpi eq, %min3A_247, %min3A_214 : vector<256x128xi32>
    %select_n3A_250 = arith.select %eq3A_249, %select_n3A_217, %select_n3A_246 : vector<256x128xi1>, vector<256x128xi32>
    %select_n3A_251 = arith.select %eq3A_249, %select_n3A_246, %select_n3A_217 : vector<256x128xi1>, vector<256x128xi32>
    %min3A_252 = arith.minsi %min3A_219, %max3A_248 : vector<256x128xi32>
    %eq3A_253 = arith.cmpi eq, %min3A_252, %min3A_219 : vector<256x128xi32>
    %select_n3A_254 = arith.select %eq3A_253, %select_n3A_221, %select_n3A_251 : vector<256x128xi1>, vector<256x128xi32>
    %slice3A_255 = vector.extract_strided_slice %select_n3A {offsets = [0, 896], sizes = [256, 128], strides = [1, 1]} : vector<256x8192xi32> to vector<256x128xi32>
    %min3A_256 = arith.minsi %min3A_223, %slice3A_255 : vector<256x128xi32>
    %max3A_257 = arith.maxsi %min3A_223, %slice3A_255 : vector<256x128xi32>
    %eq3A_258 = arith.cmpi eq, %min3A_256, %min3A_223 : vector<256x128xi32>
    %jit3A_259 = arith.constant 7 : i32
    %broadcast_in_dim3A_260 = vector.broadcast %jit3A_259 : i32 to vector<256x128xi32>
    %select_n3A_261 = arith.select %eq3A_258, %select_n3A_228, %broadcast_in_dim3A_260 : vector<256x128xi1>, vector<256x128xi32>
    %jit3A_262 = arith.constant 7 : i32
    %broadcast_in_dim3A_263 = vector.broadcast %jit3A_262 : i32 to vector<256x128xi32>
    %select_n3A_264 = arith.select %eq3A_258, %broadcast_in_dim3A_263, %select_n3A_228 : vector<256x128xi1>, vector<256x128xi32>
    %min3A_265 = arith.minsi %min3A_232, %max3A_257 : vector<256x128xi32>
    %max3A_266 = arith.maxsi %min3A_232, %max3A_257 : vector<256x128xi32>
    %eq3A_267 = arith.cmpi eq, %min3A_265, %min3A_232 : vector<256x128xi32>
    %select_n3A_268 = arith.select %eq3A_267, %select_n3A_235, %select_n3A_264 : vector<256x128xi1>, vector<256x128xi32>
    %select_n3A_269 = arith.select %eq3A_267, %select_n3A_264, %select_n3A_235 : vector<256x128xi1>, vector<256x128xi32>
    %min3A_270 = arith.minsi %min3A_237, %max3A_266 : vector<256x128xi32>
    %max3A_271 = arith.maxsi %min3A_237, %max3A_266 : vector<256x128xi32>
    %eq3A_272 = arith.cmpi eq, %min3A_270, %min3A_237 : vector<256x128xi32>
    %select_n3A_273 = arith.select %eq3A_272, %select_n3A_240, %select_n3A_269 : vector<256x128xi1>, vector<256x128xi32>
    %select_n3A_274 = arith.select %eq3A_272, %select_n3A_269, %select_n3A_240 : vector<256x128xi1>, vector<256x128xi32>
    %min3A_275 = arith.minsi %min3A_242, %max3A_271 : vector<256x128xi32>
    %max3A_276 = arith.maxsi %min3A_242, %max3A_271 : vector<256x128xi32>
    %eq3A_277 = arith.cmpi eq, %min3A_275, %min3A_242 : vector<256x128xi32>
    %select_n3A_278 = arith.select %eq3A_277, %select_n3A_245, %select_n3A_274 : vector<256x128xi1>, vector<256x128xi32>
    %select_n3A_279 = arith.select %eq3A_277, %select_n3A_274, %select_n3A_245 : vector<256x128xi1>, vector<256x128xi32>
    %min3A_280 = arith.minsi %min3A_247, %max3A_276 : vector<256x128xi32>
    %max3A_281 = arith.maxsi %min3A_247, %max3A_276 : vector<256x128xi32>
    %eq3A_282 = arith.cmpi eq, %min3A_280, %min3A_247 : vector<256x128xi32>
    %select_n3A_283 = arith.select %eq3A_282, %select_n3A_250, %select_n3A_279 : vector<256x128xi1>, vector<256x128xi32>
    %select_n3A_284 = arith.select %eq3A_282, %select_n3A_279, %select_n3A_250 : vector<256x128xi1>, vector<256x128xi32>
    %min3A_285 = arith.minsi %min3A_252, %max3A_281 : vector<256x128xi32>
    %eq3A_286 = arith.cmpi eq, %min3A_285, %min3A_252 : vector<256x128xi32>
    %select_n3A_287 = arith.select %eq3A_286, %select_n3A_254, %select_n3A_284 : vector<256x128xi1>, vector<256x128xi32>
    %slice3A_288 = vector.extract_strided_slice %select_n3A {offsets = [0, 1024], sizes = [256, 128], strides = [1, 1]} : vector<256x8192xi32> to vector<256x128xi32>
    %min3A_289 = arith.minsi %min3A_256, %slice3A_288 : vector<256x128xi32>
    %max3A_290 = arith.maxsi %min3A_256, %slice3A_288 : vector<256x128xi32>
    %eq3A_291 = arith.cmpi eq, %min3A_289, %min3A_256 : vector<256x128xi32>
    %jit3A_292 = arith.constant 8 : i32
    %broadcast_in_dim3A_293 = vector.broadcast %jit3A_292 : i32 to vector<256x128xi32>
    %select_n3A_294 = arith.select %eq3A_291, %select_n3A_261, %broadcast_in_dim3A_293 : vector<256x128xi1>, vector<256x128xi32>
    %jit3A_295 = arith.constant 8 : i32
    %broadcast_in_dim3A_296 = vector.broadcast %jit3A_295 : i32 to vector<256x128xi32>
    %select_n3A_297 = arith.select %eq3A_291, %broadcast_in_dim3A_296, %select_n3A_261 : vector<256x128xi1>, vector<256x128xi32>
    %min3A_298 = arith.minsi %min3A_265, %max3A_290 : vector<256x128xi32>
    %max3A_299 = arith.maxsi %min3A_265, %max3A_290 : vector<256x128xi32>
    %eq3A_300 = arith.cmpi eq, %min3A_298, %min3A_265 : vector<256x128xi32>
    %select_n3A_301 = arith.select %eq3A_300, %select_n3A_268, %select_n3A_297 : vector<256x128xi1>, vector<256x128xi32>
    %select_n3A_302 = arith.select %eq3A_300, %select_n3A_297, %select_n3A_268 : vector<256x128xi1>, vector<256x128xi32>
    %min3A_303 = arith.minsi %min3A_270, %max3A_299 : vector<256x128xi32>
    %max3A_304 = arith.maxsi %min3A_270, %max3A_299 : vector<256x128xi32>
    %eq3A_305 = arith.cmpi eq, %min3A_303, %min3A_270 : vector<256x128xi32>
    %select_n3A_306 = arith.select %eq3A_305, %select_n3A_273, %select_n3A_302 : vector<256x128xi1>, vector<256x128xi32>
    %select_n3A_307 = arith.select %eq3A_305, %select_n3A_302, %select_n3A_273 : vector<256x128xi1>, vector<256x128xi32>
    %min3A_308 = arith.minsi %min3A_275, %max3A_304 : vector<256x128xi32>
    %max3A_309 = arith.maxsi %min3A_275, %max3A_304 : vector<256x128xi32>
    %eq3A_310 = arith.cmpi eq, %min3A_308, %min3A_275 : vector<256x128xi32>
    %select_n3A_311 = arith.select %eq3A_310, %select_n3A_278, %select_n3A_307 : vector<256x128xi1>, vector<256x128xi32>
    %select_n3A_312 = arith.select %eq3A_310, %select_n3A_307, %select_n3A_278 : vector<256x128xi1>, vector<256x128xi32>
    %min3A_313 = arith.minsi %min3A_280, %max3A_309 : vector<256x128xi32>
    %max3A_314 = arith.maxsi %min3A_280, %max3A_309 : vector<256x128xi32>
    %eq3A_315 = arith.cmpi eq, %min3A_313, %min3A_280 : vector<256x128xi32>
    %select_n3A_316 = arith.select %eq3A_315, %select_n3A_283, %select_n3A_312 : vector<256x128xi1>, vector<256x128xi32>
    %select_n3A_317 = arith.select %eq3A_315, %select_n3A_312, %select_n3A_283 : vector<256x128xi1>, vector<256x128xi32>
    %min3A_318 = arith.minsi %min3A_285, %max3A_314 : vector<256x128xi32>
    %eq3A_319 = arith.cmpi eq, %min3A_318, %min3A_285 : vector<256x128xi32>
    %select_n3A_320 = arith.select %eq3A_319, %select_n3A_287, %select_n3A_317 : vector<256x128xi1>, vector<256x128xi32>
    %slice3A_321 = vector.extract_strided_slice %select_n3A {offsets = [0, 1152], sizes = [256, 128], strides = [1, 1]} : vector<256x8192xi32> to vector<256x128xi32>
    %min3A_322 = arith.minsi %min3A_289, %slice3A_321 : vector<256x128xi32>
    %max3A_323 = arith.maxsi %min3A_289, %slice3A_321 : vector<256x128xi32>
    %eq3A_324 = arith.cmpi eq, %min3A_322, %min3A_289 : vector<256x128xi32>
    %jit3A_325 = arith.constant 9 : i32
    %broadcast_in_dim3A_326 = vector.broadcast %jit3A_325 : i32 to vector<256x128xi32>
    %select_n3A_327 = arith.select %eq3A_324, %select_n3A_294, %broadcast_in_dim3A_326 : vector<256x128xi1>, vector<256x128xi32>
    %jit3A_328 = arith.constant 9 : i32
    %broadcast_in_dim3A_329 = vector.broadcast %jit3A_328 : i32 to vector<256x128xi32>
    %select_n3A_330 = arith.select %eq3A_324, %broadcast_in_dim3A_329, %select_n3A_294 : vector<256x128xi1>, vector<256x128xi32>
    %min3A_331 = arith.minsi %min3A_298, %max3A_323 : vector<256x128xi32>
    %max3A_332 = arith.maxsi %min3A_298, %max3A_323 : vector<256x128xi32>
    %eq3A_333 = arith.cmpi eq, %min3A_331, %min3A_298 : vector<256x128xi32>
    %select_n3A_334 = arith.select %eq3A_333, %select_n3A_301, %select_n3A_330 : vector<256x128xi1>, vector<256x128xi32>
    %select_n3A_335 = arith.select %eq3A_333, %select_n3A_330, %select_n3A_301 : vector<256x128xi1>, vector<256x128xi32>
    %min3A_336 = arith.minsi %min3A_303, %max3A_332 : vector<256x128xi32>
    %max3A_337 = arith.maxsi %min3A_303, %max3A_332 : vector<256x128xi32>
    %eq3A_338 = arith.cmpi eq, %min3A_336, %min3A_303 : vector<256x128xi32>
    %select_n3A_339 = arith.select %eq3A_338, %select_n3A_306, %select_n3A_335 : vector<256x128xi1>, vector<256x128xi32>
    %select_n3A_340 = arith.select %eq3A_338, %select_n3A_335, %select_n3A_306 : vector<256x128xi1>, vector<256x128xi32>
    %min3A_341 = arith.minsi %min3A_308, %max3A_337 : vector<256x128xi32>
    %max3A_342 = arith.maxsi %min3A_308, %max3A_337 : vector<256x128xi32>
    %eq3A_343 = arith.cmpi eq, %min3A_341, %min3A_308 : vector<256x128xi32>
    %select_n3A_344 = arith.select %eq3A_343, %select_n3A_311, %select_n3A_340 : vector<256x128xi1>, vector<256x128xi32>
    %select_n3A_345 = arith.select %eq3A_343, %select_n3A_340, %select_n3A_311 : vector<256x128xi1>, vector<256x128xi32>
    %min3A_346 = arith.minsi %min3A_313, %max3A_342 : vector<256x128xi32>
    %max3A_347 = arith.maxsi %min3A_313, %max3A_342 : vector<256x128xi32>
    %eq3A_348 = arith.cmpi eq, %min3A_346, %min3A_313 : vector<256x128xi32>
    %select_n3A_349 = arith.select %eq3A_348, %select_n3A_316, %select_n3A_345 : vector<256x128xi1>, vector<256x128xi32>
    %select_n3A_350 = arith.select %eq3A_348, %select_n3A_345, %select_n3A_316 : vector<256x128xi1>, vector<256x128xi32>
    %min3A_351 = arith.minsi %min3A_318, %max3A_347 : vector<256x128xi32>
    %eq3A_352 = arith.cmpi eq, %min3A_351, %min3A_318 : vector<256x128xi32>
    %select_n3A_353 = arith.select %eq3A_352, %select_n3A_320, %select_n3A_350 : vector<256x128xi1>, vector<256x128xi32>
    %slice3A_354 = vector.extract_strided_slice %select_n3A {offsets = [0, 1280], sizes = [256, 128], strides = [1, 1]} : vector<256x8192xi32> to vector<256x128xi32>
    %min3A_355 = arith.minsi %min3A_322, %slice3A_354 : vector<256x128xi32>
    %max3A_356 = arith.maxsi %min3A_322, %slice3A_354 : vector<256x128xi32>
    %eq3A_357 = arith.cmpi eq, %min3A_355, %min3A_322 : vector<256x128xi32>
    %jit3A_358 = arith.constant 10 : i32
    %broadcast_in_dim3A_359 = vector.broadcast %jit3A_358 : i32 to vector<256x128xi32>
    %select_n3A_360 = arith.select %eq3A_357, %select_n3A_327, %broadcast_in_dim3A_359 : vector<256x128xi1>, vector<256x128xi32>
    %jit3A_361 = arith.constant 10 : i32
    %broadcast_in_dim3A_362 = vector.broadcast %jit3A_361 : i32 to vector<256x128xi32>
    %select_n3A_363 = arith.select %eq3A_357, %broadcast_in_dim3A_362, %select_n3A_327 : vector<256x128xi1>, vector<256x128xi32>
    %min3A_364 = arith.minsi %min3A_331, %max3A_356 : vector<256x128xi32>
    %max3A_365 = arith.maxsi %min3A_331, %max3A_356 : vector<256x128xi32>
    %eq3A_366 = arith.cmpi eq, %min3A_364, %min3A_331 : vector<256x128xi32>
    %select_n3A_367 = arith.select %eq3A_366, %select_n3A_334, %select_n3A_363 : vector<256x128xi1>, vector<256x128xi32>
    %select_n3A_368 = arith.select %eq3A_366, %select_n3A_363, %select_n3A_334 : vector<256x128xi1>, vector<256x128xi32>
    %min3A_369 = arith.minsi %min3A_336, %max3A_365 : vector<256x128xi32>
    %max3A_370 = arith.maxsi %min3A_336, %max3A_365 : vector<256x128xi32>
    %eq3A_371 = arith.cmpi eq, %min3A_369, %min3A_336 : vector<256x128xi32>
    %select_n3A_372 = arith.select %eq3A_371, %select_n3A_339, %select_n3A_368 : vector<256x128xi1>, vector<256x128xi32>
    %select_n3A_373 = arith.select %eq3A_371, %select_n3A_368, %select_n3A_339 : vector<256x128xi1>, vector<256x128xi32>
    %min3A_374 = arith.minsi %min3A_341, %max3A_370 : vector<256x128xi32>
    %max3A_375 = arith.maxsi %min3A_341, %max3A_370 : vector<256x128xi32>
    %eq3A_376 = arith.cmpi eq, %min3A_374, %min3A_341 : vector<256x128xi32>
    %select_n3A_377 = arith.select %eq3A_376, %select_n3A_344, %select_n3A_373 : vector<256x128xi1>, vector<256x128xi32>
    %select_n3A_378 = arith.select %eq3A_376, %select_n3A_373, %select_n3A_344 : vector<256x128xi1>, vector<256x128xi32>
    %min3A_379 = arith.minsi %min3A_346, %max3A_375 : vector<256x128xi32>
    %max3A_380 = arith.maxsi %min3A_346, %max3A_375 : vector<256x128xi32>
    %eq3A_381 = arith.cmpi eq, %min3A_379, %min3A_346 : vector<256x128xi32>
    %select_n3A_382 = arith.select %eq3A_381, %select_n3A_349, %select_n3A_378 : vector<256x128xi1>, vector<256x128xi32>
    %select_n3A_383 = arith.select %eq3A_381, %select_n3A_378, %select_n3A_349 : vector<256x128xi1>, vector<256x128xi32>
    %min3A_384 = arith.minsi %min3A_351, %max3A_380 : vector<256x128xi32>
    %eq3A_385 = arith.cmpi eq, %min3A_384, %min3A_351 : vector<256x128xi32>
    %select_n3A_386 = arith.select %eq3A_385, %select_n3A_353, %select_n3A_383 : vector<256x128xi1>, vector<256x128xi32>
    %slice3A_387 = vector.extract_strided_slice %select_n3A {offsets = [0, 1408], sizes = [256, 128], strides = [1, 1]} : vector<256x8192xi32> to vector<256x128xi32>
    %min3A_388 = arith.minsi %min3A_355, %slice3A_387 : vector<256x128xi32>
    %max3A_389 = arith.maxsi %min3A_355, %slice3A_387 : vector<256x128xi32>
    %eq3A_390 = arith.cmpi eq, %min3A_388, %min3A_355 : vector<256x128xi32>
    %jit3A_391 = arith.constant 11 : i32
    %broadcast_in_dim3A_392 = vector.broadcast %jit3A_391 : i32 to vector<256x128xi32>
    %select_n3A_393 = arith.select %eq3A_390, %select_n3A_360, %broadcast_in_dim3A_392 : vector<256x128xi1>, vector<256x128xi32>
    %jit3A_394 = arith.constant 11 : i32
    %broadcast_in_dim3A_395 = vector.broadcast %jit3A_394 : i32 to vector<256x128xi32>
    %select_n3A_396 = arith.select %eq3A_390, %broadcast_in_dim3A_395, %select_n3A_360 : vector<256x128xi1>, vector<256x128xi32>
    %min3A_397 = arith.minsi %min3A_364, %max3A_389 : vector<256x128xi32>
    %max3A_398 = arith.maxsi %min3A_364, %max3A_389 : vector<256x128xi32>
    %eq3A_399 = arith.cmpi eq, %min3A_397, %min3A_364 : vector<256x128xi32>
    %select_n3A_400 = arith.select %eq3A_399, %select_n3A_367, %select_n3A_396 : vector<256x128xi1>, vector<256x128xi32>
    %select_n3A_401 = arith.select %eq3A_399, %select_n3A_396, %select_n3A_367 : vector<256x128xi1>, vector<256x128xi32>
    %min3A_402 = arith.minsi %min3A_369, %max3A_398 : vector<256x128xi32>
    %max3A_403 = arith.maxsi %min3A_369, %max3A_398 : vector<256x128xi32>
    %eq3A_404 = arith.cmpi eq, %min3A_402, %min3A_369 : vector<256x128xi32>
    %select_n3A_405 = arith.select %eq3A_404, %select_n3A_372, %select_n3A_401 : vector<256x128xi1>, vector<256x128xi32>
    %select_n3A_406 = arith.select %eq3A_404, %select_n3A_401, %select_n3A_372 : vector<256x128xi1>, vector<256x128xi32>
    %min3A_407 = arith.minsi %min3A_374, %max3A_403 : vector<256x128xi32>
    %max3A_408 = arith.maxsi %min3A_374, %max3A_403 : vector<256x128xi32>
    %eq3A_409 = arith.cmpi eq, %min3A_407, %min3A_374 : vector<256x128xi32>
    %select_n3A_410 = arith.select %eq3A_409, %select_n3A_377, %select_n3A_406 : vector<256x128xi1>, vector<256x128xi32>
    %select_n3A_411 = arith.select %eq3A_409, %select_n3A_406, %select_n3A_377 : vector<256x128xi1>, vector<256x128xi32>
    %min3A_412 = arith.minsi %min3A_379, %max3A_408 : vector<256x128xi32>
    %max3A_413 = arith.maxsi %min3A_379, %max3A_408 : vector<256x128xi32>
    %eq3A_414 = arith.cmpi eq, %min3A_412, %min3A_379 : vector<256x128xi32>
    %select_n3A_415 = arith.select %eq3A_414, %select_n3A_382, %select_n3A_411 : vector<256x128xi1>, vector<256x128xi32>
    %select_n3A_416 = arith.select %eq3A_414, %select_n3A_411, %select_n3A_382 : vector<256x128xi1>, vector<256x128xi32>
    %min3A_417 = arith.minsi %min3A_384, %max3A_413 : vector<256x128xi32>
    %eq3A_418 = arith.cmpi eq, %min3A_417, %min3A_384 : vector<256x128xi32>
    %select_n3A_419 = arith.select %eq3A_418, %select_n3A_386, %select_n3A_416 : vector<256x128xi1>, vector<256x128xi32>
    %slice3A_420 = vector.extract_strided_slice %select_n3A {offsets = [0, 1536], sizes = [256, 128], strides = [1, 1]} : vector<256x8192xi32> to vector<256x128xi32>
    %min3A_421 = arith.minsi %min3A_388, %slice3A_420 : vector<256x128xi32>
    %max3A_422 = arith.maxsi %min3A_388, %slice3A_420 : vector<256x128xi32>
    %eq3A_423 = arith.cmpi eq, %min3A_421, %min3A_388 : vector<256x128xi32>
    %jit3A_424 = arith.constant 12 : i32
    %broadcast_in_dim3A_425 = vector.broadcast %jit3A_424 : i32 to vector<256x128xi32>
    %select_n3A_426 = arith.select %eq3A_423, %select_n3A_393, %broadcast_in_dim3A_425 : vector<256x128xi1>, vector<256x128xi32>
    %jit3A_427 = arith.constant 12 : i32
    %broadcast_in_dim3A_428 = vector.broadcast %jit3A_427 : i32 to vector<256x128xi32>
    %select_n3A_429 = arith.select %eq3A_423, %broadcast_in_dim3A_428, %select_n3A_393 : vector<256x128xi1>, vector<256x128xi32>
    %min3A_430 = arith.minsi %min3A_397, %max3A_422 : vector<256x128xi32>
    %max3A_431 = arith.maxsi %min3A_397, %max3A_422 : vector<256x128xi32>
    %eq3A_432 = arith.cmpi eq, %min3A_430, %min3A_397 : vector<256x128xi32>
    %select_n3A_433 = arith.select %eq3A_432, %select_n3A_400, %select_n3A_429 : vector<256x128xi1>, vector<256x128xi32>
    %select_n3A_434 = arith.select %eq3A_432, %select_n3A_429, %select_n3A_400 : vector<256x128xi1>, vector<256x128xi32>
    %min3A_435 = arith.minsi %min3A_402, %max3A_431 : vector<256x128xi32>
    %max3A_436 = arith.maxsi %min3A_402, %max3A_431 : vector<256x128xi32>
    %eq3A_437 = arith.cmpi eq, %min3A_435, %min3A_402 : vector<256x128xi32>
    %select_n3A_438 = arith.select %eq3A_437, %select_n3A_405, %select_n3A_434 : vector<256x128xi1>, vector<256x128xi32>
    %select_n3A_439 = arith.select %eq3A_437, %select_n3A_434, %select_n3A_405 : vector<256x128xi1>, vector<256x128xi32>
    %min3A_440 = arith.minsi %min3A_407, %max3A_436 : vector<256x128xi32>
    %max3A_441 = arith.maxsi %min3A_407, %max3A_436 : vector<256x128xi32>
    %eq3A_442 = arith.cmpi eq, %min3A_440, %min3A_407 : vector<256x128xi32>
    %select_n3A_443 = arith.select %eq3A_442, %select_n3A_410, %select_n3A_439 : vector<256x128xi1>, vector<256x128xi32>
    %select_n3A_444 = arith.select %eq3A_442, %select_n3A_439, %select_n3A_410 : vector<256x128xi1>, vector<256x128xi32>
    %min3A_445 = arith.minsi %min3A_412, %max3A_441 : vector<256x128xi32>
    %max3A_446 = arith.maxsi %min3A_412, %max3A_441 : vector<256x128xi32>
    %eq3A_447 = arith.cmpi eq, %min3A_445, %min3A_412 : vector<256x128xi32>
    %select_n3A_448 = arith.select %eq3A_447, %select_n3A_415, %select_n3A_444 : vector<256x128xi1>, vector<256x128xi32>
    %select_n3A_449 = arith.select %eq3A_447, %select_n3A_444, %select_n3A_415 : vector<256x128xi1>, vector<256x128xi32>
    %min3A_450 = arith.minsi %min3A_417, %max3A_446 : vector<256x128xi32>
    %eq3A_451 = arith.cmpi eq, %min3A_450, %min3A_417 : vector<256x128xi32>
    %select_n3A_452 = arith.select %eq3A_451, %select_n3A_419, %select_n3A_449 : vector<256x128xi1>, vector<256x128xi32>
    %slice3A_453 = vector.extract_strided_slice %select_n3A {offsets = [0, 1664], sizes = [256, 128], strides = [1, 1]} : vector<256x8192xi32> to vector<256x128xi32>
    %min3A_454 = arith.minsi %min3A_421, %slice3A_453 : vector<256x128xi32>
    %max3A_455 = arith.maxsi %min3A_421, %slice3A_453 : vector<256x128xi32>
    %eq3A_456 = arith.cmpi eq, %min3A_454, %min3A_421 : vector<256x128xi32>
    %jit3A_457 = arith.constant 13 : i32
    %broadcast_in_dim3A_458 = vector.broadcast %jit3A_457 : i32 to vector<256x128xi32>
    %select_n3A_459 = arith.select %eq3A_456, %select_n3A_426, %broadcast_in_dim3A_458 : vector<256x128xi1>, vector<256x128xi32>
    %jit3A_460 = arith.constant 13 : i32
    %broadcast_in_dim3A_461 = vector.broadcast %jit3A_460 : i32 to vector<256x128xi32>
    %select_n3A_462 = arith.select %eq3A_456, %broadcast_in_dim3A_461, %select_n3A_426 : vector<256x128xi1>, vector<256x128xi32>
    %min3A_463 = arith.minsi %min3A_430, %max3A_455 : vector<256x128xi32>
    %max3A_464 = arith.maxsi %min3A_430, %max3A_455 : vector<256x128xi32>
    %eq3A_465 = arith.cmpi eq, %min3A_463, %min3A_430 : vector<256x128xi32>
    %select_n3A_466 = arith.select %eq3A_465, %select_n3A_433, %select_n3A_462 : vector<256x128xi1>, vector<256x128xi32>
    %select_n3A_467 = arith.select %eq3A_465, %select_n3A_462, %select_n3A_433 : vector<256x128xi1>, vector<256x128xi32>
    %min3A_468 = arith.minsi %min3A_435, %max3A_464 : vector<256x128xi32>
    %max3A_469 = arith.maxsi %min3A_435, %max3A_464 : vector<256x128xi32>
    %eq3A_470 = arith.cmpi eq, %min3A_468, %min3A_435 : vector<256x128xi32>
    %select_n3A_471 = arith.select %eq3A_470, %select_n3A_438, %select_n3A_467 : vector<256x128xi1>, vector<256x128xi32>
    %select_n3A_472 = arith.select %eq3A_470, %select_n3A_467, %select_n3A_438 : vector<256x128xi1>, vector<256x128xi32>
    %min3A_473 = arith.minsi %min3A_440, %max3A_469 : vector<256x128xi32>
    %max3A_474 = arith.maxsi %min3A_440, %max3A_469 : vector<256x128xi32>
    %eq3A_475 = arith.cmpi eq, %min3A_473, %min3A_440 : vector<256x128xi32>
    %select_n3A_476 = arith.select %eq3A_475, %select_n3A_443, %select_n3A_472 : vector<256x128xi1>, vector<256x128xi32>
    %select_n3A_477 = arith.select %eq3A_475, %select_n3A_472, %select_n3A_443 : vector<256x128xi1>, vector<256x128xi32>
    %min3A_478 = arith.minsi %min3A_445, %max3A_474 : vector<256x128xi32>
    %max3A_479 = arith.maxsi %min3A_445, %max3A_474 : vector<256x128xi32>
    %eq3A_480 = arith.cmpi eq, %min3A_478, %min3A_445 : vector<256x128xi32>
    %select_n3A_481 = arith.select %eq3A_480, %select_n3A_448, %select_n3A_477 : vector<256x128xi1>, vector<256x128xi32>
    %select_n3A_482 = arith.select %eq3A_480, %select_n3A_477, %select_n3A_448 : vector<256x128xi1>, vector<256x128xi32>
    %min3A_483 = arith.minsi %min3A_450, %max3A_479 : vector<256x128xi32>
    %eq3A_484 = arith.cmpi eq, %min3A_483, %min3A_450 : vector<256x128xi32>
    %select_n3A_485 = arith.select %eq3A_484, %select_n3A_452, %select_n3A_482 : vector<256x128xi1>, vector<256x128xi32>
    %slice3A_486 = vector.extract_strided_slice %select_n3A {offsets = [0, 1792], sizes = [256, 128], strides = [1, 1]} : vector<256x8192xi32> to vector<256x128xi32>
    %min3A_487 = arith.minsi %min3A_454, %slice3A_486 : vector<256x128xi32>
    %max3A_488 = arith.maxsi %min3A_454, %slice3A_486 : vector<256x128xi32>
    %eq3A_489 = arith.cmpi eq, %min3A_487, %min3A_454 : vector<256x128xi32>
    %jit3A_490 = arith.constant 14 : i32
    %broadcast_in_dim3A_491 = vector.broadcast %jit3A_490 : i32 to vector<256x128xi32>
    %select_n3A_492 = arith.select %eq3A_489, %select_n3A_459, %broadcast_in_dim3A_491 : vector<256x128xi1>, vector<256x128xi32>
    %jit3A_493 = arith.constant 14 : i32
    %broadcast_in_dim3A_494 = vector.broadcast %jit3A_493 : i32 to vector<256x128xi32>
    %select_n3A_495 = arith.select %eq3A_489, %broadcast_in_dim3A_494, %select_n3A_459 : vector<256x128xi1>, vector<256x128xi32>
    %min3A_496 = arith.minsi %min3A_463, %max3A_488 : vector<256x128xi32>
    %max3A_497 = arith.maxsi %min3A_463, %max3A_488 : vector<256x128xi32>
    %eq3A_498 = arith.cmpi eq, %min3A_496, %min3A_463 : vector<256x128xi32>
    %select_n3A_499 = arith.select %eq3A_498, %select_n3A_466, %select_n3A_495 : vector<256x128xi1>, vector<256x128xi32>
    %select_n3A_500 = arith.select %eq3A_498, %select_n3A_495, %select_n3A_466 : vector<256x128xi1>, vector<256x128xi32>
    %min3A_501 = arith.minsi %min3A_468, %max3A_497 : vector<256x128xi32>
    %max3A_502 = arith.maxsi %min3A_468, %max3A_497 : vector<256x128xi32>
    %eq3A_503 = arith.cmpi eq, %min3A_501, %min3A_468 : vector<256x128xi32>
    %select_n3A_504 = arith.select %eq3A_503, %select_n3A_471, %select_n3A_500 : vector<256x128xi1>, vector<256x128xi32>
    %select_n3A_505 = arith.select %eq3A_503, %select_n3A_500, %select_n3A_471 : vector<256x128xi1>, vector<256x128xi32>
    %min3A_506 = arith.minsi %min3A_473, %max3A_502 : vector<256x128xi32>
    %max3A_507 = arith.maxsi %min3A_473, %max3A_502 : vector<256x128xi32>
    %eq3A_508 = arith.cmpi eq, %min3A_506, %min3A_473 : vector<256x128xi32>
    %select_n3A_509 = arith.select %eq3A_508, %select_n3A_476, %select_n3A_505 : vector<256x128xi1>, vector<256x128xi32>
    %select_n3A_510 = arith.select %eq3A_508, %select_n3A_505, %select_n3A_476 : vector<256x128xi1>, vector<256x128xi32>
    %min3A_511 = arith.minsi %min3A_478, %max3A_507 : vector<256x128xi32>
    %max3A_512 = arith.maxsi %min3A_478, %max3A_507 : vector<256x128xi32>
    %eq3A_513 = arith.cmpi eq, %min3A_511, %min3A_478 : vector<256x128xi32>
    %select_n3A_514 = arith.select %eq3A_513, %select_n3A_481, %select_n3A_510 : vector<256x128xi1>, vector<256x128xi32>
    %select_n3A_515 = arith.select %eq3A_513, %select_n3A_510, %select_n3A_481 : vector<256x128xi1>, vector<256x128xi32>
    %min3A_516 = arith.minsi %min3A_483, %max3A_512 : vector<256x128xi32>
    %eq3A_517 = arith.cmpi eq, %min3A_516, %min3A_483 : vector<256x128xi32>
    %select_n3A_518 = arith.select %eq3A_517, %select_n3A_485, %select_n3A_515 : vector<256x128xi1>, vector<256x128xi32>
    %slice3A_519 = vector.extract_strided_slice %select_n3A {offsets = [0, 1920], sizes = [256, 128], strides = [1, 1]} : vector<256x8192xi32> to vector<256x128xi32>
    %min3A_520 = arith.minsi %min3A_487, %slice3A_519 : vector<256x128xi32>
    %max3A_521 = arith.maxsi %min3A_487, %slice3A_519 : vector<256x128xi32>
    %eq3A_522 = arith.cmpi eq, %min3A_520, %min3A_487 : vector<256x128xi32>
    %jit3A_523 = arith.constant 15 : i32
    %broadcast_in_dim3A_524 = vector.broadcast %jit3A_523 : i32 to vector<256x128xi32>
    %select_n3A_525 = arith.select %eq3A_522, %select_n3A_492, %broadcast_in_dim3A_524 : vector<256x128xi1>, vector<256x128xi32>
    %jit3A_526 = arith.constant 15 : i32
    %broadcast_in_dim3A_527 = vector.broadcast %jit3A_526 : i32 to vector<256x128xi32>
    %select_n3A_528 = arith.select %eq3A_522, %broadcast_in_dim3A_527, %select_n3A_492 : vector<256x128xi1>, vector<256x128xi32>
    %min3A_529 = arith.minsi %min3A_496, %max3A_521 : vector<256x128xi32>
    %max3A_530 = arith.maxsi %min3A_496, %max3A_521 : vector<256x128xi32>
    %eq3A_531 = arith.cmpi eq, %min3A_529, %min3A_496 : vector<256x128xi32>
    %select_n3A_532 = arith.select %eq3A_531, %select_n3A_499, %select_n3A_528 : vector<256x128xi1>, vector<256x128xi32>
    %select_n3A_533 = arith.select %eq3A_531, %select_n3A_528, %select_n3A_499 : vector<256x128xi1>, vector<256x128xi32>
    %min3A_534 = arith.minsi %min3A_501, %max3A_530 : vector<256x128xi32>
    %max3A_535 = arith.maxsi %min3A_501, %max3A_530 : vector<256x128xi32>
    %eq3A_536 = arith.cmpi eq, %min3A_534, %min3A_501 : vector<256x128xi32>
    %select_n3A_537 = arith.select %eq3A_536, %select_n3A_504, %select_n3A_533 : vector<256x128xi1>, vector<256x128xi32>
    %select_n3A_538 = arith.select %eq3A_536, %select_n3A_533, %select_n3A_504 : vector<256x128xi1>, vector<256x128xi32>
    %min3A_539 = arith.minsi %min3A_506, %max3A_535 : vector<256x128xi32>
    %max3A_540 = arith.maxsi %min3A_506, %max3A_535 : vector<256x128xi32>
    %eq3A_541 = arith.cmpi eq, %min3A_539, %min3A_506 : vector<256x128xi32>
    %select_n3A_542 = arith.select %eq3A_541, %select_n3A_509, %select_n3A_538 : vector<256x128xi1>, vector<256x128xi32>
    %select_n3A_543 = arith.select %eq3A_541, %select_n3A_538, %select_n3A_509 : vector<256x128xi1>, vector<256x128xi32>
    %min3A_544 = arith.minsi %min3A_511, %max3A_540 : vector<256x128xi32>
    %max3A_545 = arith.maxsi %min3A_511, %max3A_540 : vector<256x128xi32>
    %eq3A_546 = arith.cmpi eq, %min3A_544, %min3A_511 : vector<256x128xi32>
    %select_n3A_547 = arith.select %eq3A_546, %select_n3A_514, %select_n3A_543 : vector<256x128xi1>, vector<256x128xi32>
    %select_n3A_548 = arith.select %eq3A_546, %select_n3A_543, %select_n3A_514 : vector<256x128xi1>, vector<256x128xi32>
    %min3A_549 = arith.minsi %min3A_516, %max3A_545 : vector<256x128xi32>
    %eq3A_550 = arith.cmpi eq, %min3A_549, %min3A_516 : vector<256x128xi32>
    %select_n3A_551 = arith.select %eq3A_550, %select_n3A_518, %select_n3A_548 : vector<256x128xi1>, vector<256x128xi32>
    %slice3A_552 = vector.extract_strided_slice %select_n3A {offsets = [0, 2048], sizes = [256, 128], strides = [1, 1]} : vector<256x8192xi32> to vector<256x128xi32>
    %min3A_553 = arith.minsi %min3A_520, %slice3A_552 : vector<256x128xi32>
    %max3A_554 = arith.maxsi %min3A_520, %slice3A_552 : vector<256x128xi32>
    %eq3A_555 = arith.cmpi eq, %min3A_553, %min3A_520 : vector<256x128xi32>
    %jit3A_556 = arith.constant 16 : i32
    %broadcast_in_dim3A_557 = vector.broadcast %jit3A_556 : i32 to vector<256x128xi32>
    %select_n3A_558 = arith.select %eq3A_555, %select_n3A_525, %broadcast_in_dim3A_557 : vector<256x128xi1>, vector<256x128xi32>
    %jit3A_559 = arith.constant 16 : i32
    %broadcast_in_dim3A_560 = vector.broadcast %jit3A_559 : i32 to vector<256x128xi32>
    %select_n3A_561 = arith.select %eq3A_555, %broadcast_in_dim3A_560, %select_n3A_525 : vector<256x128xi1>, vector<256x128xi32>
    %min3A_562 = arith.minsi %min3A_529, %max3A_554 : vector<256x128xi32>
    %max3A_563 = arith.maxsi %min3A_529, %max3A_554 : vector<256x128xi32>
    %eq3A_564 = arith.cmpi eq, %min3A_562, %min3A_529 : vector<256x128xi32>
    %select_n3A_565 = arith.select %eq3A_564, %select_n3A_532, %select_n3A_561 : vector<256x128xi1>, vector<256x128xi32>
    %select_n3A_566 = arith.select %eq3A_564, %select_n3A_561, %select_n3A_532 : vector<256x128xi1>, vector<256x128xi32>
    %min3A_567 = arith.minsi %min3A_534, %max3A_563 : vector<256x128xi32>
    %max3A_568 = arith.maxsi %min3A_534, %max3A_563 : vector<256x128xi32>
    %eq3A_569 = arith.cmpi eq, %min3A_567, %min3A_534 : vector<256x128xi32>
    %select_n3A_570 = arith.select %eq3A_569, %select_n3A_537, %select_n3A_566 : vector<256x128xi1>, vector<256x128xi32>
    %select_n3A_571 = arith.select %eq3A_569, %select_n3A_566, %select_n3A_537 : vector<256x128xi1>, vector<256x128xi32>
    %min3A_572 = arith.minsi %min3A_539, %max3A_568 : vector<256x128xi32>
    %max3A_573 = arith.maxsi %min3A_539, %max3A_568 : vector<256x128xi32>
    %eq3A_574 = arith.cmpi eq, %min3A_572, %min3A_539 : vector<256x128xi32>
    %select_n3A_575 = arith.select %eq3A_574, %select_n3A_542, %select_n3A_571 : vector<256x128xi1>, vector<256x128xi32>
    %select_n3A_576 = arith.select %eq3A_574, %select_n3A_571, %select_n3A_542 : vector<256x128xi1>, vector<256x128xi32>
    %min3A_577 = arith.minsi %min3A_544, %max3A_573 : vector<256x128xi32>
    %max3A_578 = arith.maxsi %min3A_544, %max3A_573 : vector<256x128xi32>
    %eq3A_579 = arith.cmpi eq, %min3A_577, %min3A_544 : vector<256x128xi32>
    %select_n3A_580 = arith.select %eq3A_579, %select_n3A_547, %select_n3A_576 : vector<256x128xi1>, vector<256x128xi32>
    %select_n3A_581 = arith.select %eq3A_579, %select_n3A_576, %select_n3A_547 : vector<256x128xi1>, vector<256x128xi32>
    %min3A_582 = arith.minsi %min3A_549, %max3A_578 : vector<256x128xi32>
    %eq3A_583 = arith.cmpi eq, %min3A_582, %min3A_549 : vector<256x128xi32>
    %select_n3A_584 = arith.select %eq3A_583, %select_n3A_551, %select_n3A_581 : vector<256x128xi1>, vector<256x128xi32>
    %slice3A_585 = vector.extract_strided_slice %select_n3A {offsets = [0, 2176], sizes = [256, 128], strides = [1, 1]} : vector<256x8192xi32> to vector<256x128xi32>
    %min3A_586 = arith.minsi %min3A_553, %slice3A_585 : vector<256x128xi32>
    %max3A_587 = arith.maxsi %min3A_553, %slice3A_585 : vector<256x128xi32>
    %eq3A_588 = arith.cmpi eq, %min3A_586, %min3A_553 : vector<256x128xi32>
    %jit3A_589 = arith.constant 17 : i32
    %broadcast_in_dim3A_590 = vector.broadcast %jit3A_589 : i32 to vector<256x128xi32>
    %select_n3A_591 = arith.select %eq3A_588, %select_n3A_558, %broadcast_in_dim3A_590 : vector<256x128xi1>, vector<256x128xi32>
    %jit3A_592 = arith.constant 17 : i32
    %broadcast_in_dim3A_593 = vector.broadcast %jit3A_592 : i32 to vector<256x128xi32>
    %select_n3A_594 = arith.select %eq3A_588, %broadcast_in_dim3A_593, %select_n3A_558 : vector<256x128xi1>, vector<256x128xi32>
    %min3A_595 = arith.minsi %min3A_562, %max3A_587 : vector<256x128xi32>
    %max3A_596 = arith.maxsi %min3A_562, %max3A_587 : vector<256x128xi32>
    %eq3A_597 = arith.cmpi eq, %min3A_595, %min3A_562 : vector<256x128xi32>
    %select_n3A_598 = arith.select %eq3A_597, %select_n3A_565, %select_n3A_594 : vector<256x128xi1>, vector<256x128xi32>
    %select_n3A_599 = arith.select %eq3A_597, %select_n3A_594, %select_n3A_565 : vector<256x128xi1>, vector<256x128xi32>
    %min3A_600 = arith.minsi %min3A_567, %max3A_596 : vector<256x128xi32>
    %max3A_601 = arith.maxsi %min3A_567, %max3A_596 : vector<256x128xi32>
    %eq3A_602 = arith.cmpi eq, %min3A_600, %min3A_567 : vector<256x128xi32>
    %select_n3A_603 = arith.select %eq3A_602, %select_n3A_570, %select_n3A_599 : vector<256x128xi1>, vector<256x128xi32>
    %select_n3A_604 = arith.select %eq3A_602, %select_n3A_599, %select_n3A_570 : vector<256x128xi1>, vector<256x128xi32>
    %min3A_605 = arith.minsi %min3A_572, %max3A_601 : vector<256x128xi32>
    %max3A_606 = arith.maxsi %min3A_572, %max3A_601 : vector<256x128xi32>
    %eq3A_607 = arith.cmpi eq, %min3A_605, %min3A_572 : vector<256x128xi32>
    %select_n3A_608 = arith.select %eq3A_607, %select_n3A_575, %select_n3A_604 : vector<256x128xi1>, vector<256x128xi32>
    %select_n3A_609 = arith.select %eq3A_607, %select_n3A_604, %select_n3A_575 : vector<256x128xi1>, vector<256x128xi32>
    %min3A_610 = arith.minsi %min3A_577, %max3A_606 : vector<256x128xi32>
    %max3A_611 = arith.maxsi %min3A_577, %max3A_606 : vector<256x128xi32>
    %eq3A_612 = arith.cmpi eq, %min3A_610, %min3A_577 : vector<256x128xi32>
    %select_n3A_613 = arith.select %eq3A_612, %select_n3A_580, %select_n3A_609 : vector<256x128xi1>, vector<256x128xi32>
    %select_n3A_614 = arith.select %eq3A_612, %select_n3A_609, %select_n3A_580 : vector<256x128xi1>, vector<256x128xi32>
    %min3A_615 = arith.minsi %min3A_582, %max3A_611 : vector<256x128xi32>
    %eq3A_616 = arith.cmpi eq, %min3A_615, %min3A_582 : vector<256x128xi32>
    %select_n3A_617 = arith.select %eq3A_616, %select_n3A_584, %select_n3A_614 : vector<256x128xi1>, vector<256x128xi32>
    %slice3A_618 = vector.extract_strided_slice %select_n3A {offsets = [0, 2304], sizes = [256, 128], strides = [1, 1]} : vector<256x8192xi32> to vector<256x128xi32>
    %min3A_619 = arith.minsi %min3A_586, %slice3A_618 : vector<256x128xi32>
    %max3A_620 = arith.maxsi %min3A_586, %slice3A_618 : vector<256x128xi32>
    %eq3A_621 = arith.cmpi eq, %min3A_619, %min3A_586 : vector<256x128xi32>
    %jit3A_622 = arith.constant 18 : i32
    %broadcast_in_dim3A_623 = vector.broadcast %jit3A_622 : i32 to vector<256x128xi32>
    %select_n3A_624 = arith.select %eq3A_621, %select_n3A_591, %broadcast_in_dim3A_623 : vector<256x128xi1>, vector<256x128xi32>
    %jit3A_625 = arith.constant 18 : i32
    %broadcast_in_dim3A_626 = vector.broadcast %jit3A_625 : i32 to vector<256x128xi32>
    %select_n3A_627 = arith.select %eq3A_621, %broadcast_in_dim3A_626, %select_n3A_591 : vector<256x128xi1>, vector<256x128xi32>
    %min3A_628 = arith.minsi %min3A_595, %max3A_620 : vector<256x128xi32>
    %max3A_629 = arith.maxsi %min3A_595, %max3A_620 : vector<256x128xi32>
    %eq3A_630 = arith.cmpi eq, %min3A_628, %min3A_595 : vector<256x128xi32>
    %select_n3A_631 = arith.select %eq3A_630, %select_n3A_598, %select_n3A_627 : vector<256x128xi1>, vector<256x128xi32>
    %select_n3A_632 = arith.select %eq3A_630, %select_n3A_627, %select_n3A_598 : vector<256x128xi1>, vector<256x128xi32>
    %min3A_633 = arith.minsi %min3A_600, %max3A_629 : vector<256x128xi32>
    %max3A_634 = arith.maxsi %min3A_600, %max3A_629 : vector<256x128xi32>
    %eq3A_635 = arith.cmpi eq, %min3A_633, %min3A_600 : vector<256x128xi32>
    %select_n3A_636 = arith.select %eq3A_635, %select_n3A_603, %select_n3A_632 : vector<256x128xi1>, vector<256x128xi32>
    %select_n3A_637 = arith.select %eq3A_635, %select_n3A_632, %select_n3A_603 : vector<256x128xi1>, vector<256x128xi32>
    %min3A_638 = arith.minsi %min3A_605, %max3A_634 : vector<256x128xi32>
    %max3A_639 = arith.maxsi %min3A_605, %max3A_634 : vector<256x128xi32>
    %eq3A_640 = arith.cmpi eq, %min3A_638, %min3A_605 : vector<256x128xi32>
    %select_n3A_641 = arith.select %eq3A_640, %select_n3A_608, %select_n3A_637 : vector<256x128xi1>, vector<256x128xi32>
    %select_n3A_642 = arith.select %eq3A_640, %select_n3A_637, %select_n3A_608 : vector<256x128xi1>, vector<256x128xi32>
    %min3A_643 = arith.minsi %min3A_610, %max3A_639 : vector<256x128xi32>
    %max3A_644 = arith.maxsi %min3A_610, %max3A_639 : vector<256x128xi32>
    %eq3A_645 = arith.cmpi eq, %min3A_643, %min3A_610 : vector<256x128xi32>
    %select_n3A_646 = arith.select %eq3A_645, %select_n3A_613, %select_n3A_642 : vector<256x128xi1>, vector<256x128xi32>
    %select_n3A_647 = arith.select %eq3A_645, %select_n3A_642, %select_n3A_613 : vector<256x128xi1>, vector<256x128xi32>
    %min3A_648 = arith.minsi %min3A_615, %max3A_644 : vector<256x128xi32>
    %eq3A_649 = arith.cmpi eq, %min3A_648, %min3A_615 : vector<256x128xi32>
    %select_n3A_650 = arith.select %eq3A_649, %select_n3A_617, %select_n3A_647 : vector<256x128xi1>, vector<256x128xi32>
    %slice3A_651 = vector.extract_strided_slice %select_n3A {offsets = [0, 2432], sizes = [256, 128], strides = [1, 1]} : vector<256x8192xi32> to vector<256x128xi32>
    %min3A_652 = arith.minsi %min3A_619, %slice3A_651 : vector<256x128xi32>
    %max3A_653 = arith.maxsi %min3A_619, %slice3A_651 : vector<256x128xi32>
    %eq3A_654 = arith.cmpi eq, %min3A_652, %min3A_619 : vector<256x128xi32>
    %jit3A_655 = arith.constant 19 : i32
    %broadcast_in_dim3A_656 = vector.broadcast %jit3A_655 : i32 to vector<256x128xi32>
    %select_n3A_657 = arith.select %eq3A_654, %select_n3A_624, %broadcast_in_dim3A_656 : vector<256x128xi1>, vector<256x128xi32>
    %jit3A_658 = arith.constant 19 : i32
    %broadcast_in_dim3A_659 = vector.broadcast %jit3A_658 : i32 to vector<256x128xi32>
    %select_n3A_660 = arith.select %eq3A_654, %broadcast_in_dim3A_659, %select_n3A_624 : vector<256x128xi1>, vector<256x128xi32>
    %min3A_661 = arith.minsi %min3A_628, %max3A_653 : vector<256x128xi32>
    %max3A_662 = arith.maxsi %min3A_628, %max3A_653 : vector<256x128xi32>
    %eq3A_663 = arith.cmpi eq, %min3A_661, %min3A_628 : vector<256x128xi32>
    %select_n3A_664 = arith.select %eq3A_663, %select_n3A_631, %select_n3A_660 : vector<256x128xi1>, vector<256x128xi32>
    %select_n3A_665 = arith.select %eq3A_663, %select_n3A_660, %select_n3A_631 : vector<256x128xi1>, vector<256x128xi32>
    %min3A_666 = arith.minsi %min3A_633, %max3A_662 : vector<256x128xi32>
    %max3A_667 = arith.maxsi %min3A_633, %max3A_662 : vector<256x128xi32>
    %eq3A_668 = arith.cmpi eq, %min3A_666, %min3A_633 : vector<256x128xi32>
    %select_n3A_669 = arith.select %eq3A_668, %select_n3A_636, %select_n3A_665 : vector<256x128xi1>, vector<256x128xi32>
    %select_n3A_670 = arith.select %eq3A_668, %select_n3A_665, %select_n3A_636 : vector<256x128xi1>, vector<256x128xi32>
    %min3A_671 = arith.minsi %min3A_638, %max3A_667 : vector<256x128xi32>
    %max3A_672 = arith.maxsi %min3A_638, %max3A_667 : vector<256x128xi32>
    %eq3A_673 = arith.cmpi eq, %min3A_671, %min3A_638 : vector<256x128xi32>
    %select_n3A_674 = arith.select %eq3A_673, %select_n3A_641, %select_n3A_670 : vector<256x128xi1>, vector<256x128xi32>
    %select_n3A_675 = arith.select %eq3A_673, %select_n3A_670, %select_n3A_641 : vector<256x128xi1>, vector<256x128xi32>
    %min3A_676 = arith.minsi %min3A_643, %max3A_672 : vector<256x128xi32>
    %max3A_677 = arith.maxsi %min3A_643, %max3A_672 : vector<256x128xi32>
    %eq3A_678 = arith.cmpi eq, %min3A_676, %min3A_643 : vector<256x128xi32>
    %select_n3A_679 = arith.select %eq3A_678, %select_n3A_646, %select_n3A_675 : vector<256x128xi1>, vector<256x128xi32>
    %select_n3A_680 = arith.select %eq3A_678, %select_n3A_675, %select_n3A_646 : vector<256x128xi1>, vector<256x128xi32>
    %min3A_681 = arith.minsi %min3A_648, %max3A_677 : vector<256x128xi32>
    %eq3A_682 = arith.cmpi eq, %min3A_681, %min3A_648 : vector<256x128xi32>
    %select_n3A_683 = arith.select %eq3A_682, %select_n3A_650, %select_n3A_680 : vector<256x128xi1>, vector<256x128xi32>
    %slice3A_684 = vector.extract_strided_slice %select_n3A {offsets = [0, 2560], sizes = [256, 128], strides = [1, 1]} : vector<256x8192xi32> to vector<256x128xi32>
    %min3A_685 = arith.minsi %min3A_652, %slice3A_684 : vector<256x128xi32>
    %max3A_686 = arith.maxsi %min3A_652, %slice3A_684 : vector<256x128xi32>
    %eq3A_687 = arith.cmpi eq, %min3A_685, %min3A_652 : vector<256x128xi32>
    %jit3A_688 = arith.constant 20 : i32
    %broadcast_in_dim3A_689 = vector.broadcast %jit3A_688 : i32 to vector<256x128xi32>
    %select_n3A_690 = arith.select %eq3A_687, %select_n3A_657, %broadcast_in_dim3A_689 : vector<256x128xi1>, vector<256x128xi32>
    %jit3A_691 = arith.constant 20 : i32
    %broadcast_in_dim3A_692 = vector.broadcast %jit3A_691 : i32 to vector<256x128xi32>
    %select_n3A_693 = arith.select %eq3A_687, %broadcast_in_dim3A_692, %select_n3A_657 : vector<256x128xi1>, vector<256x128xi32>
    %min3A_694 = arith.minsi %min3A_661, %max3A_686 : vector<256x128xi32>
    %max3A_695 = arith.maxsi %min3A_661, %max3A_686 : vector<256x128xi32>
    %eq3A_696 = arith.cmpi eq, %min3A_694, %min3A_661 : vector<256x128xi32>
    %select_n3A_697 = arith.select %eq3A_696, %select_n3A_664, %select_n3A_693 : vector<256x128xi1>, vector<256x128xi32>
    %select_n3A_698 = arith.select %eq3A_696, %select_n3A_693, %select_n3A_664 : vector<256x128xi1>, vector<256x128xi32>
    %min3A_699 = arith.minsi %min3A_666, %max3A_695 : vector<256x128xi32>
    %max3A_700 = arith.maxsi %min3A_666, %max3A_695 : vector<256x128xi32>
    %eq3A_701 = arith.cmpi eq, %min3A_699, %min3A_666 : vector<256x128xi32>
    %select_n3A_702 = arith.select %eq3A_701, %select_n3A_669, %select_n3A_698 : vector<256x128xi1>, vector<256x128xi32>
    %select_n3A_703 = arith.select %eq3A_701, %select_n3A_698, %select_n3A_669 : vector<256x128xi1>, vector<256x128xi32>
    %min3A_704 = arith.minsi %min3A_671, %max3A_700 : vector<256x128xi32>
    %max3A_705 = arith.maxsi %min3A_671, %max3A_700 : vector<256x128xi32>
    %eq3A_706 = arith.cmpi eq, %min3A_704, %min3A_671 : vector<256x128xi32>
    %select_n3A_707 = arith.select %eq3A_706, %select_n3A_674, %select_n3A_703 : vector<256x128xi1>, vector<256x128xi32>
    %select_n3A_708 = arith.select %eq3A_706, %select_n3A_703, %select_n3A_674 : vector<256x128xi1>, vector<256x128xi32>
    %min3A_709 = arith.minsi %min3A_676, %max3A_705 : vector<256x128xi32>
    %max3A_710 = arith.maxsi %min3A_676, %max3A_705 : vector<256x128xi32>
    %eq3A_711 = arith.cmpi eq, %min3A_709, %min3A_676 : vector<256x128xi32>
    %select_n3A_712 = arith.select %eq3A_711, %select_n3A_679, %select_n3A_708 : vector<256x128xi1>, vector<256x128xi32>
    %select_n3A_713 = arith.select %eq3A_711, %select_n3A_708, %select_n3A_679 : vector<256x128xi1>, vector<256x128xi32>
    %min3A_714 = arith.minsi %min3A_681, %max3A_710 : vector<256x128xi32>
    %eq3A_715 = arith.cmpi eq, %min3A_714, %min3A_681 : vector<256x128xi32>
    %select_n3A_716 = arith.select %eq3A_715, %select_n3A_683, %select_n3A_713 : vector<256x128xi1>, vector<256x128xi32>
    %slice3A_717 = vector.extract_strided_slice %select_n3A {offsets = [0, 2688], sizes = [256, 128], strides = [1, 1]} : vector<256x8192xi32> to vector<256x128xi32>
    %min3A_718 = arith.minsi %min3A_685, %slice3A_717 : vector<256x128xi32>
    %max3A_719 = arith.maxsi %min3A_685, %slice3A_717 : vector<256x128xi32>
    %eq3A_720 = arith.cmpi eq, %min3A_718, %min3A_685 : vector<256x128xi32>
    %jit3A_721 = arith.constant 21 : i32
    %broadcast_in_dim3A_722 = vector.broadcast %jit3A_721 : i32 to vector<256x128xi32>
    %select_n3A_723 = arith.select %eq3A_720, %select_n3A_690, %broadcast_in_dim3A_722 : vector<256x128xi1>, vector<256x128xi32>
    %jit3A_724 = arith.constant 21 : i32
    %broadcast_in_dim3A_725 = vector.broadcast %jit3A_724 : i32 to vector<256x128xi32>
    %select_n3A_726 = arith.select %eq3A_720, %broadcast_in_dim3A_725, %select_n3A_690 : vector<256x128xi1>, vector<256x128xi32>
    %min3A_727 = arith.minsi %min3A_694, %max3A_719 : vector<256x128xi32>
    %max3A_728 = arith.maxsi %min3A_694, %max3A_719 : vector<256x128xi32>
    %eq3A_729 = arith.cmpi eq, %min3A_727, %min3A_694 : vector<256x128xi32>
    %select_n3A_730 = arith.select %eq3A_729, %select_n3A_697, %select_n3A_726 : vector<256x128xi1>, vector<256x128xi32>
    %select_n3A_731 = arith.select %eq3A_729, %select_n3A_726, %select_n3A_697 : vector<256x128xi1>, vector<256x128xi32>
    %min3A_732 = arith.minsi %min3A_699, %max3A_728 : vector<256x128xi32>
    %max3A_733 = arith.maxsi %min3A_699, %max3A_728 : vector<256x128xi32>
    %eq3A_734 = arith.cmpi eq, %min3A_732, %min3A_699 : vector<256x128xi32>
    %select_n3A_735 = arith.select %eq3A_734, %select_n3A_702, %select_n3A_731 : vector<256x128xi1>, vector<256x128xi32>
    %select_n3A_736 = arith.select %eq3A_734, %select_n3A_731, %select_n3A_702 : vector<256x128xi1>, vector<256x128xi32>
    %min3A_737 = arith.minsi %min3A_704, %max3A_733 : vector<256x128xi32>
    %max3A_738 = arith.maxsi %min3A_704, %max3A_733 : vector<256x128xi32>
    %eq3A_739 = arith.cmpi eq, %min3A_737, %min3A_704 : vector<256x128xi32>
    %select_n3A_740 = arith.select %eq3A_739, %select_n3A_707, %select_n3A_736 : vector<256x128xi1>, vector<256x128xi32>
    %select_n3A_741 = arith.select %eq3A_739, %select_n3A_736, %select_n3A_707 : vector<256x128xi1>, vector<256x128xi32>
    %min3A_742 = arith.minsi %min3A_709, %max3A_738 : vector<256x128xi32>
    %max3A_743 = arith.maxsi %min3A_709, %max3A_738 : vector<256x128xi32>
    %eq3A_744 = arith.cmpi eq, %min3A_742, %min3A_709 : vector<256x128xi32>
    %select_n3A_745 = arith.select %eq3A_744, %select_n3A_712, %select_n3A_741 : vector<256x128xi1>, vector<256x128xi32>
    %select_n3A_746 = arith.select %eq3A_744, %select_n3A_741, %select_n3A_712 : vector<256x128xi1>, vector<256x128xi32>
    %min3A_747 = arith.minsi %min3A_714, %max3A_743 : vector<256x128xi32>
    %eq3A_748 = arith.cmpi eq, %min3A_747, %min3A_714 : vector<256x128xi32>
    %select_n3A_749 = arith.select %eq3A_748, %select_n3A_716, %select_n3A_746 : vector<256x128xi1>, vector<256x128xi32>
    %slice3A_750 = vector.extract_strided_slice %select_n3A {offsets = [0, 2816], sizes = [256, 128], strides = [1, 1]} : vector<256x8192xi32> to vector<256x128xi32>
    %min3A_751 = arith.minsi %min3A_718, %slice3A_750 : vector<256x128xi32>
    %max3A_752 = arith.maxsi %min3A_718, %slice3A_750 : vector<256x128xi32>
    %eq3A_753 = arith.cmpi eq, %min3A_751, %min3A_718 : vector<256x128xi32>
    %jit3A_754 = arith.constant 22 : i32
    %broadcast_in_dim3A_755 = vector.broadcast %jit3A_754 : i32 to vector<256x128xi32>
    %select_n3A_756 = arith.select %eq3A_753, %select_n3A_723, %broadcast_in_dim3A_755 : vector<256x128xi1>, vector<256x128xi32>
    %jit3A_757 = arith.constant 22 : i32
    %broadcast_in_dim3A_758 = vector.broadcast %jit3A_757 : i32 to vector<256x128xi32>
    %select_n3A_759 = arith.select %eq3A_753, %broadcast_in_dim3A_758, %select_n3A_723 : vector<256x128xi1>, vector<256x128xi32>
    %min3A_760 = arith.minsi %min3A_727, %max3A_752 : vector<256x128xi32>
    %max3A_761 = arith.maxsi %min3A_727, %max3A_752 : vector<256x128xi32>
    %eq3A_762 = arith.cmpi eq, %min3A_760, %min3A_727 : vector<256x128xi32>
    %select_n3A_763 = arith.select %eq3A_762, %select_n3A_730, %select_n3A_759 : vector<256x128xi1>, vector<256x128xi32>
    %select_n3A_764 = arith.select %eq3A_762, %select_n3A_759, %select_n3A_730 : vector<256x128xi1>, vector<256x128xi32>
    %min3A_765 = arith.minsi %min3A_732, %max3A_761 : vector<256x128xi32>
    %max3A_766 = arith.maxsi %min3A_732, %max3A_761 : vector<256x128xi32>
    %eq3A_767 = arith.cmpi eq, %min3A_765, %min3A_732 : vector<256x128xi32>
    %select_n3A_768 = arith.select %eq3A_767, %select_n3A_735, %select_n3A_764 : vector<256x128xi1>, vector<256x128xi32>
    %select_n3A_769 = arith.select %eq3A_767, %select_n3A_764, %select_n3A_735 : vector<256x128xi1>, vector<256x128xi32>
    %min3A_770 = arith.minsi %min3A_737, %max3A_766 : vector<256x128xi32>
    %max3A_771 = arith.maxsi %min3A_737, %max3A_766 : vector<256x128xi32>
    %eq3A_772 = arith.cmpi eq, %min3A_770, %min3A_737 : vector<256x128xi32>
    %select_n3A_773 = arith.select %eq3A_772, %select_n3A_740, %select_n3A_769 : vector<256x128xi1>, vector<256x128xi32>
    %select_n3A_774 = arith.select %eq3A_772, %select_n3A_769, %select_n3A_740 : vector<256x128xi1>, vector<256x128xi32>
    %min3A_775 = arith.minsi %min3A_742, %max3A_771 : vector<256x128xi32>
    %max3A_776 = arith.maxsi %min3A_742, %max3A_771 : vector<256x128xi32>
    %eq3A_777 = arith.cmpi eq, %min3A_775, %min3A_742 : vector<256x128xi32>
    %select_n3A_778 = arith.select %eq3A_777, %select_n3A_745, %select_n3A_774 : vector<256x128xi1>, vector<256x128xi32>
    %select_n3A_779 = arith.select %eq3A_777, %select_n3A_774, %select_n3A_745 : vector<256x128xi1>, vector<256x128xi32>
    %min3A_780 = arith.minsi %min3A_747, %max3A_776 : vector<256x128xi32>
    %eq3A_781 = arith.cmpi eq, %min3A_780, %min3A_747 : vector<256x128xi32>
    %select_n3A_782 = arith.select %eq3A_781, %select_n3A_749, %select_n3A_779 : vector<256x128xi1>, vector<256x128xi32>
    %slice3A_783 = vector.extract_strided_slice %select_n3A {offsets = [0, 2944], sizes = [256, 128], strides = [1, 1]} : vector<256x8192xi32> to vector<256x128xi32>
    %min3A_784 = arith.minsi %min3A_751, %slice3A_783 : vector<256x128xi32>
    %max3A_785 = arith.maxsi %min3A_751, %slice3A_783 : vector<256x128xi32>
    %eq3A_786 = arith.cmpi eq, %min3A_784, %min3A_751 : vector<256x128xi32>
    %jit3A_787 = arith.constant 23 : i32
    %broadcast_in_dim3A_788 = vector.broadcast %jit3A_787 : i32 to vector<256x128xi32>
    %select_n3A_789 = arith.select %eq3A_786, %select_n3A_756, %broadcast_in_dim3A_788 : vector<256x128xi1>, vector<256x128xi32>
    %jit3A_790 = arith.constant 23 : i32
    %broadcast_in_dim3A_791 = vector.broadcast %jit3A_790 : i32 to vector<256x128xi32>
    %select_n3A_792 = arith.select %eq3A_786, %broadcast_in_dim3A_791, %select_n3A_756 : vector<256x128xi1>, vector<256x128xi32>
    %min3A_793 = arith.minsi %min3A_760, %max3A_785 : vector<256x128xi32>
    %max3A_794 = arith.maxsi %min3A_760, %max3A_785 : vector<256x128xi32>
    %eq3A_795 = arith.cmpi eq, %min3A_793, %min3A_760 : vector<256x128xi32>
    %select_n3A_796 = arith.select %eq3A_795, %select_n3A_763, %select_n3A_792 : vector<256x128xi1>, vector<256x128xi32>
    %select_n3A_797 = arith.select %eq3A_795, %select_n3A_792, %select_n3A_763 : vector<256x128xi1>, vector<256x128xi32>
    %min3A_798 = arith.minsi %min3A_765, %max3A_794 : vector<256x128xi32>
    %max3A_799 = arith.maxsi %min3A_765, %max3A_794 : vector<256x128xi32>
    %eq3A_800 = arith.cmpi eq, %min3A_798, %min3A_765 : vector<256x128xi32>
    %select_n3A_801 = arith.select %eq3A_800, %select_n3A_768, %select_n3A_797 : vector<256x128xi1>, vector<256x128xi32>
    %select_n3A_802 = arith.select %eq3A_800, %select_n3A_797, %select_n3A_768 : vector<256x128xi1>, vector<256x128xi32>
    %min3A_803 = arith.minsi %min3A_770, %max3A_799 : vector<256x128xi32>
    %max3A_804 = arith.maxsi %min3A_770, %max3A_799 : vector<256x128xi32>
    %eq3A_805 = arith.cmpi eq, %min3A_803, %min3A_770 : vector<256x128xi32>
    %select_n3A_806 = arith.select %eq3A_805, %select_n3A_773, %select_n3A_802 : vector<256x128xi1>, vector<256x128xi32>
    %select_n3A_807 = arith.select %eq3A_805, %select_n3A_802, %select_n3A_773 : vector<256x128xi1>, vector<256x128xi32>
    %min3A_808 = arith.minsi %min3A_775, %max3A_804 : vector<256x128xi32>
    %max3A_809 = arith.maxsi %min3A_775, %max3A_804 : vector<256x128xi32>
    %eq3A_810 = arith.cmpi eq, %min3A_808, %min3A_775 : vector<256x128xi32>
    %select_n3A_811 = arith.select %eq3A_810, %select_n3A_778, %select_n3A_807 : vector<256x128xi1>, vector<256x128xi32>
    %select_n3A_812 = arith.select %eq3A_810, %select_n3A_807, %select_n3A_778 : vector<256x128xi1>, vector<256x128xi32>
    %min3A_813 = arith.minsi %min3A_780, %max3A_809 : vector<256x128xi32>
    %eq3A_814 = arith.cmpi eq, %min3A_813, %min3A_780 : vector<256x128xi32>
    %select_n3A_815 = arith.select %eq3A_814, %select_n3A_782, %select_n3A_812 : vector<256x128xi1>, vector<256x128xi32>
    %slice3A_816 = vector.extract_strided_slice %select_n3A {offsets = [0, 3072], sizes = [256, 128], strides = [1, 1]} : vector<256x8192xi32> to vector<256x128xi32>
    %min3A_817 = arith.minsi %min3A_784, %slice3A_816 : vector<256x128xi32>
    %max3A_818 = arith.maxsi %min3A_784, %slice3A_816 : vector<256x128xi32>
    %eq3A_819 = arith.cmpi eq, %min3A_817, %min3A_784 : vector<256x128xi32>
    %jit3A_820 = arith.constant 24 : i32
    %broadcast_in_dim3A_821 = vector.broadcast %jit3A_820 : i32 to vector<256x128xi32>
    %select_n3A_822 = arith.select %eq3A_819, %select_n3A_789, %broadcast_in_dim3A_821 : vector<256x128xi1>, vector<256x128xi32>
    %jit3A_823 = arith.constant 24 : i32
    %broadcast_in_dim3A_824 = vector.broadcast %jit3A_823 : i32 to vector<256x128xi32>
    %select_n3A_825 = arith.select %eq3A_819, %broadcast_in_dim3A_824, %select_n3A_789 : vector<256x128xi1>, vector<256x128xi32>
    %min3A_826 = arith.minsi %min3A_793, %max3A_818 : vector<256x128xi32>
    %max3A_827 = arith.maxsi %min3A_793, %max3A_818 : vector<256x128xi32>
    %eq3A_828 = arith.cmpi eq, %min3A_826, %min3A_793 : vector<256x128xi32>
    %select_n3A_829 = arith.select %eq3A_828, %select_n3A_796, %select_n3A_825 : vector<256x128xi1>, vector<256x128xi32>
    %select_n3A_830 = arith.select %eq3A_828, %select_n3A_825, %select_n3A_796 : vector<256x128xi1>, vector<256x128xi32>
    %min3A_831 = arith.minsi %min3A_798, %max3A_827 : vector<256x128xi32>
    %max3A_832 = arith.maxsi %min3A_798, %max3A_827 : vector<256x128xi32>
    %eq3A_833 = arith.cmpi eq, %min3A_831, %min3A_798 : vector<256x128xi32>
    %select_n3A_834 = arith.select %eq3A_833, %select_n3A_801, %select_n3A_830 : vector<256x128xi1>, vector<256x128xi32>
    %select_n3A_835 = arith.select %eq3A_833, %select_n3A_830, %select_n3A_801 : vector<256x128xi1>, vector<256x128xi32>
    %min3A_836 = arith.minsi %min3A_803, %max3A_832 : vector<256x128xi32>
    %max3A_837 = arith.maxsi %min3A_803, %max3A_832 : vector<256x128xi32>
    %eq3A_838 = arith.cmpi eq, %min3A_836, %min3A_803 : vector<256x128xi32>
    %select_n3A_839 = arith.select %eq3A_838, %select_n3A_806, %select_n3A_835 : vector<256x128xi1>, vector<256x128xi32>
    %select_n3A_840 = arith.select %eq3A_838, %select_n3A_835, %select_n3A_806 : vector<256x128xi1>, vector<256x128xi32>
    %min3A_841 = arith.minsi %min3A_808, %max3A_837 : vector<256x128xi32>
    %max3A_842 = arith.maxsi %min3A_808, %max3A_837 : vector<256x128xi32>
    %eq3A_843 = arith.cmpi eq, %min3A_841, %min3A_808 : vector<256x128xi32>
    %select_n3A_844 = arith.select %eq3A_843, %select_n3A_811, %select_n3A_840 : vector<256x128xi1>, vector<256x128xi32>
    %select_n3A_845 = arith.select %eq3A_843, %select_n3A_840, %select_n3A_811 : vector<256x128xi1>, vector<256x128xi32>
    %min3A_846 = arith.minsi %min3A_813, %max3A_842 : vector<256x128xi32>
    %eq3A_847 = arith.cmpi eq, %min3A_846, %min3A_813 : vector<256x128xi32>
    %select_n3A_848 = arith.select %eq3A_847, %select_n3A_815, %select_n3A_845 : vector<256x128xi1>, vector<256x128xi32>
    %slice3A_849 = vector.extract_strided_slice %select_n3A {offsets = [0, 3200], sizes = [256, 128], strides = [1, 1]} : vector<256x8192xi32> to vector<256x128xi32>
    %min3A_850 = arith.minsi %min3A_817, %slice3A_849 : vector<256x128xi32>
    %max3A_851 = arith.maxsi %min3A_817, %slice3A_849 : vector<256x128xi32>
    %eq3A_852 = arith.cmpi eq, %min3A_850, %min3A_817 : vector<256x128xi32>
    %jit3A_853 = arith.constant 25 : i32
    %broadcast_in_dim3A_854 = vector.broadcast %jit3A_853 : i32 to vector<256x128xi32>
    %select_n3A_855 = arith.select %eq3A_852, %select_n3A_822, %broadcast_in_dim3A_854 : vector<256x128xi1>, vector<256x128xi32>
    %jit3A_856 = arith.constant 25 : i32
    %broadcast_in_dim3A_857 = vector.broadcast %jit3A_856 : i32 to vector<256x128xi32>
    %select_n3A_858 = arith.select %eq3A_852, %broadcast_in_dim3A_857, %select_n3A_822 : vector<256x128xi1>, vector<256x128xi32>
    %min3A_859 = arith.minsi %min3A_826, %max3A_851 : vector<256x128xi32>
    %max3A_860 = arith.maxsi %min3A_826, %max3A_851 : vector<256x128xi32>
    %eq3A_861 = arith.cmpi eq, %min3A_859, %min3A_826 : vector<256x128xi32>
    %select_n3A_862 = arith.select %eq3A_861, %select_n3A_829, %select_n3A_858 : vector<256x128xi1>, vector<256x128xi32>
    %select_n3A_863 = arith.select %eq3A_861, %select_n3A_858, %select_n3A_829 : vector<256x128xi1>, vector<256x128xi32>
    %min3A_864 = arith.minsi %min3A_831, %max3A_860 : vector<256x128xi32>
    %max3A_865 = arith.maxsi %min3A_831, %max3A_860 : vector<256x128xi32>
    %eq3A_866 = arith.cmpi eq, %min3A_864, %min3A_831 : vector<256x128xi32>
    %select_n3A_867 = arith.select %eq3A_866, %select_n3A_834, %select_n3A_863 : vector<256x128xi1>, vector<256x128xi32>
    %select_n3A_868 = arith.select %eq3A_866, %select_n3A_863, %select_n3A_834 : vector<256x128xi1>, vector<256x128xi32>
    %min3A_869 = arith.minsi %min3A_836, %max3A_865 : vector<256x128xi32>
    %max3A_870 = arith.maxsi %min3A_836, %max3A_865 : vector<256x128xi32>
    %eq3A_871 = arith.cmpi eq, %min3A_869, %min3A_836 : vector<256x128xi32>
    %select_n3A_872 = arith.select %eq3A_871, %select_n3A_839, %select_n3A_868 : vector<256x128xi1>, vector<256x128xi32>
    %select_n3A_873 = arith.select %eq3A_871, %select_n3A_868, %select_n3A_839 : vector<256x128xi1>, vector<256x128xi32>
    %min3A_874 = arith.minsi %min3A_841, %max3A_870 : vector<256x128xi32>
    %max3A_875 = arith.maxsi %min3A_841, %max3A_870 : vector<256x128xi32>
    %eq3A_876 = arith.cmpi eq, %min3A_874, %min3A_841 : vector<256x128xi32>
    %select_n3A_877 = arith.select %eq3A_876, %select_n3A_844, %select_n3A_873 : vector<256x128xi1>, vector<256x128xi32>
    %select_n3A_878 = arith.select %eq3A_876, %select_n3A_873, %select_n3A_844 : vector<256x128xi1>, vector<256x128xi32>
    %min3A_879 = arith.minsi %min3A_846, %max3A_875 : vector<256x128xi32>
    %eq3A_880 = arith.cmpi eq, %min3A_879, %min3A_846 : vector<256x128xi32>
    %select_n3A_881 = arith.select %eq3A_880, %select_n3A_848, %select_n3A_878 : vector<256x128xi1>, vector<256x128xi32>
    %slice3A_882 = vector.extract_strided_slice %select_n3A {offsets = [0, 3328], sizes = [256, 128], strides = [1, 1]} : vector<256x8192xi32> to vector<256x128xi32>
    %min3A_883 = arith.minsi %min3A_850, %slice3A_882 : vector<256x128xi32>
    %max3A_884 = arith.maxsi %min3A_850, %slice3A_882 : vector<256x128xi32>
    %eq3A_885 = arith.cmpi eq, %min3A_883, %min3A_850 : vector<256x128xi32>
    %jit3A_886 = arith.constant 26 : i32
    %broadcast_in_dim3A_887 = vector.broadcast %jit3A_886 : i32 to vector<256x128xi32>
    %select_n3A_888 = arith.select %eq3A_885, %select_n3A_855, %broadcast_in_dim3A_887 : vector<256x128xi1>, vector<256x128xi32>
    %jit3A_889 = arith.constant 26 : i32
    %broadcast_in_dim3A_890 = vector.broadcast %jit3A_889 : i32 to vector<256x128xi32>
    %select_n3A_891 = arith.select %eq3A_885, %broadcast_in_dim3A_890, %select_n3A_855 : vector<256x128xi1>, vector<256x128xi32>
    %min3A_892 = arith.minsi %min3A_859, %max3A_884 : vector<256x128xi32>
    %max3A_893 = arith.maxsi %min3A_859, %max3A_884 : vector<256x128xi32>
    %eq3A_894 = arith.cmpi eq, %min3A_892, %min3A_859 : vector<256x128xi32>
    %select_n3A_895 = arith.select %eq3A_894, %select_n3A_862, %select_n3A_891 : vector<256x128xi1>, vector<256x128xi32>
    %select_n3A_896 = arith.select %eq3A_894, %select_n3A_891, %select_n3A_862 : vector<256x128xi1>, vector<256x128xi32>
    %min3A_897 = arith.minsi %min3A_864, %max3A_893 : vector<256x128xi32>
    %max3A_898 = arith.maxsi %min3A_864, %max3A_893 : vector<256x128xi32>
    %eq3A_899 = arith.cmpi eq, %min3A_897, %min3A_864 : vector<256x128xi32>
    %select_n3A_900 = arith.select %eq3A_899, %select_n3A_867, %select_n3A_896 : vector<256x128xi1>, vector<256x128xi32>
    %select_n3A_901 = arith.select %eq3A_899, %select_n3A_896, %select_n3A_867 : vector<256x128xi1>, vector<256x128xi32>
    %min3A_902 = arith.minsi %min3A_869, %max3A_898 : vector<256x128xi32>
    %max3A_903 = arith.maxsi %min3A_869, %max3A_898 : vector<256x128xi32>
    %eq3A_904 = arith.cmpi eq, %min3A_902, %min3A_869 : vector<256x128xi32>
    %select_n3A_905 = arith.select %eq3A_904, %select_n3A_872, %select_n3A_901 : vector<256x128xi1>, vector<256x128xi32>
    %select_n3A_906 = arith.select %eq3A_904, %select_n3A_901, %select_n3A_872 : vector<256x128xi1>, vector<256x128xi32>
    %min3A_907 = arith.minsi %min3A_874, %max3A_903 : vector<256x128xi32>
    %max3A_908 = arith.maxsi %min3A_874, %max3A_903 : vector<256x128xi32>
    %eq3A_909 = arith.cmpi eq, %min3A_907, %min3A_874 : vector<256x128xi32>
    %select_n3A_910 = arith.select %eq3A_909, %select_n3A_877, %select_n3A_906 : vector<256x128xi1>, vector<256x128xi32>
    %select_n3A_911 = arith.select %eq3A_909, %select_n3A_906, %select_n3A_877 : vector<256x128xi1>, vector<256x128xi32>
    %min3A_912 = arith.minsi %min3A_879, %max3A_908 : vector<256x128xi32>
    %eq3A_913 = arith.cmpi eq, %min3A_912, %min3A_879 : vector<256x128xi32>
    %select_n3A_914 = arith.select %eq3A_913, %select_n3A_881, %select_n3A_911 : vector<256x128xi1>, vector<256x128xi32>
    %slice3A_915 = vector.extract_strided_slice %select_n3A {offsets = [0, 3456], sizes = [256, 128], strides = [1, 1]} : vector<256x8192xi32> to vector<256x128xi32>
    %min3A_916 = arith.minsi %min3A_883, %slice3A_915 : vector<256x128xi32>
    %max3A_917 = arith.maxsi %min3A_883, %slice3A_915 : vector<256x128xi32>
    %eq3A_918 = arith.cmpi eq, %min3A_916, %min3A_883 : vector<256x128xi32>
    %jit3A_919 = arith.constant 27 : i32
    %broadcast_in_dim3A_920 = vector.broadcast %jit3A_919 : i32 to vector<256x128xi32>
    %select_n3A_921 = arith.select %eq3A_918, %select_n3A_888, %broadcast_in_dim3A_920 : vector<256x128xi1>, vector<256x128xi32>
    %jit3A_922 = arith.constant 27 : i32
    %broadcast_in_dim3A_923 = vector.broadcast %jit3A_922 : i32 to vector<256x128xi32>
    %select_n3A_924 = arith.select %eq3A_918, %broadcast_in_dim3A_923, %select_n3A_888 : vector<256x128xi1>, vector<256x128xi32>
    %min3A_925 = arith.minsi %min3A_892, %max3A_917 : vector<256x128xi32>
    %max3A_926 = arith.maxsi %min3A_892, %max3A_917 : vector<256x128xi32>
    %eq3A_927 = arith.cmpi eq, %min3A_925, %min3A_892 : vector<256x128xi32>
    %select_n3A_928 = arith.select %eq3A_927, %select_n3A_895, %select_n3A_924 : vector<256x128xi1>, vector<256x128xi32>
    %select_n3A_929 = arith.select %eq3A_927, %select_n3A_924, %select_n3A_895 : vector<256x128xi1>, vector<256x128xi32>
    %min3A_930 = arith.minsi %min3A_897, %max3A_926 : vector<256x128xi32>
    %max3A_931 = arith.maxsi %min3A_897, %max3A_926 : vector<256x128xi32>
    %eq3A_932 = arith.cmpi eq, %min3A_930, %min3A_897 : vector<256x128xi32>
    %select_n3A_933 = arith.select %eq3A_932, %select_n3A_900, %select_n3A_929 : vector<256x128xi1>, vector<256x128xi32>
    %select_n3A_934 = arith.select %eq3A_932, %select_n3A_929, %select_n3A_900 : vector<256x128xi1>, vector<256x128xi32>
    %min3A_935 = arith.minsi %min3A_902, %max3A_931 : vector<256x128xi32>
    %max3A_936 = arith.maxsi %min3A_902, %max3A_931 : vector<256x128xi32>
    %eq3A_937 = arith.cmpi eq, %min3A_935, %min3A_902 : vector<256x128xi32>
    %select_n3A_938 = arith.select %eq3A_937, %select_n3A_905, %select_n3A_934 : vector<256x128xi1>, vector<256x128xi32>
    %select_n3A_939 = arith.select %eq3A_937, %select_n3A_934, %select_n3A_905 : vector<256x128xi1>, vector<256x128xi32>
    %min3A_940 = arith.minsi %min3A_907, %max3A_936 : vector<256x128xi32>
    %max3A_941 = arith.maxsi %min3A_907, %max3A_936 : vector<256x128xi32>
    %eq3A_942 = arith.cmpi eq, %min3A_940, %min3A_907 : vector<256x128xi32>
    %select_n3A_943 = arith.select %eq3A_942, %select_n3A_910, %select_n3A_939 : vector<256x128xi1>, vector<256x128xi32>
    %select_n3A_944 = arith.select %eq3A_942, %select_n3A_939, %select_n3A_910 : vector<256x128xi1>, vector<256x128xi32>
    %min3A_945 = arith.minsi %min3A_912, %max3A_941 : vector<256x128xi32>
    %eq3A_946 = arith.cmpi eq, %min3A_945, %min3A_912 : vector<256x128xi32>
    %select_n3A_947 = arith.select %eq3A_946, %select_n3A_914, %select_n3A_944 : vector<256x128xi1>, vector<256x128xi32>
    %slice3A_948 = vector.extract_strided_slice %select_n3A {offsets = [0, 3584], sizes = [256, 128], strides = [1, 1]} : vector<256x8192xi32> to vector<256x128xi32>
    %min3A_949 = arith.minsi %min3A_916, %slice3A_948 : vector<256x128xi32>
    %max3A_950 = arith.maxsi %min3A_916, %slice3A_948 : vector<256x128xi32>
    %eq3A_951 = arith.cmpi eq, %min3A_949, %min3A_916 : vector<256x128xi32>
    %jit3A_952 = arith.constant 28 : i32
    %broadcast_in_dim3A_953 = vector.broadcast %jit3A_952 : i32 to vector<256x128xi32>
    %select_n3A_954 = arith.select %eq3A_951, %select_n3A_921, %broadcast_in_dim3A_953 : vector<256x128xi1>, vector<256x128xi32>
    %jit3A_955 = arith.constant 28 : i32
    %broadcast_in_dim3A_956 = vector.broadcast %jit3A_955 : i32 to vector<256x128xi32>
    %select_n3A_957 = arith.select %eq3A_951, %broadcast_in_dim3A_956, %select_n3A_921 : vector<256x128xi1>, vector<256x128xi32>
    %min3A_958 = arith.minsi %min3A_925, %max3A_950 : vector<256x128xi32>
    %max3A_959 = arith.maxsi %min3A_925, %max3A_950 : vector<256x128xi32>
    %eq3A_960 = arith.cmpi eq, %min3A_958, %min3A_925 : vector<256x128xi32>
    %select_n3A_961 = arith.select %eq3A_960, %select_n3A_928, %select_n3A_957 : vector<256x128xi1>, vector<256x128xi32>
    %select_n3A_962 = arith.select %eq3A_960, %select_n3A_957, %select_n3A_928 : vector<256x128xi1>, vector<256x128xi32>
    %min3A_963 = arith.minsi %min3A_930, %max3A_959 : vector<256x128xi32>
    %max3A_964 = arith.maxsi %min3A_930, %max3A_959 : vector<256x128xi32>
    %eq3A_965 = arith.cmpi eq, %min3A_963, %min3A_930 : vector<256x128xi32>
    %select_n3A_966 = arith.select %eq3A_965, %select_n3A_933, %select_n3A_962 : vector<256x128xi1>, vector<256x128xi32>
    %select_n3A_967 = arith.select %eq3A_965, %select_n3A_962, %select_n3A_933 : vector<256x128xi1>, vector<256x128xi32>
    %min3A_968 = arith.minsi %min3A_935, %max3A_964 : vector<256x128xi32>
    %max3A_969 = arith.maxsi %min3A_935, %max3A_964 : vector<256x128xi32>
    %eq3A_970 = arith.cmpi eq, %min3A_968, %min3A_935 : vector<256x128xi32>
    %select_n3A_971 = arith.select %eq3A_970, %select_n3A_938, %select_n3A_967 : vector<256x128xi1>, vector<256x128xi32>
    %select_n3A_972 = arith.select %eq3A_970, %select_n3A_967, %select_n3A_938 : vector<256x128xi1>, vector<256x128xi32>
    %min3A_973 = arith.minsi %min3A_940, %max3A_969 : vector<256x128xi32>
    %max3A_974 = arith.maxsi %min3A_940, %max3A_969 : vector<256x128xi32>
    %eq3A_975 = arith.cmpi eq, %min3A_973, %min3A_940 : vector<256x128xi32>
    %select_n3A_976 = arith.select %eq3A_975, %select_n3A_943, %select_n3A_972 : vector<256x128xi1>, vector<256x128xi32>
    %select_n3A_977 = arith.select %eq3A_975, %select_n3A_972, %select_n3A_943 : vector<256x128xi1>, vector<256x128xi32>
    %min3A_978 = arith.minsi %min3A_945, %max3A_974 : vector<256x128xi32>
    %eq3A_979 = arith.cmpi eq, %min3A_978, %min3A_945 : vector<256x128xi32>
    %select_n3A_980 = arith.select %eq3A_979, %select_n3A_947, %select_n3A_977 : vector<256x128xi1>, vector<256x128xi32>
    %slice3A_981 = vector.extract_strided_slice %select_n3A {offsets = [0, 3712], sizes = [256, 128], strides = [1, 1]} : vector<256x8192xi32> to vector<256x128xi32>
    %min3A_982 = arith.minsi %min3A_949, %slice3A_981 : vector<256x128xi32>
    %max3A_983 = arith.maxsi %min3A_949, %slice3A_981 : vector<256x128xi32>
    %eq3A_984 = arith.cmpi eq, %min3A_982, %min3A_949 : vector<256x128xi32>
    %jit3A_985 = arith.constant 29 : i32
    %broadcast_in_dim3A_986 = vector.broadcast %jit3A_985 : i32 to vector<256x128xi32>
    %select_n3A_987 = arith.select %eq3A_984, %select_n3A_954, %broadcast_in_dim3A_986 : vector<256x128xi1>, vector<256x128xi32>
    %jit3A_988 = arith.constant 29 : i32
    %broadcast_in_dim3A_989 = vector.broadcast %jit3A_988 : i32 to vector<256x128xi32>
    %select_n3A_990 = arith.select %eq3A_984, %broadcast_in_dim3A_989, %select_n3A_954 : vector<256x128xi1>, vector<256x128xi32>
    %min3A_991 = arith.minsi %min3A_958, %max3A_983 : vector<256x128xi32>
    %max3A_992 = arith.maxsi %min3A_958, %max3A_983 : vector<256x128xi32>
    %eq3A_993 = arith.cmpi eq, %min3A_991, %min3A_958 : vector<256x128xi32>
    %select_n3A_994 = arith.select %eq3A_993, %select_n3A_961, %select_n3A_990 : vector<256x128xi1>, vector<256x128xi32>
    %select_n3A_995 = arith.select %eq3A_993, %select_n3A_990, %select_n3A_961 : vector<256x128xi1>, vector<256x128xi32>
    %min3A_996 = arith.minsi %min3A_963, %max3A_992 : vector<256x128xi32>
    %max3A_997 = arith.maxsi %min3A_963, %max3A_992 : vector<256x128xi32>
    %eq3A_998 = arith.cmpi eq, %min3A_996, %min3A_963 : vector<256x128xi32>
    %select_n3A_999 = arith.select %eq3A_998, %select_n3A_966, %select_n3A_995 : vector<256x128xi1>, vector<256x128xi32>
    %select_n3A_1000 = arith.select %eq3A_998, %select_n3A_995, %select_n3A_966 : vector<256x128xi1>, vector<256x128xi32>
    %min3A_1001 = arith.minsi %min3A_968, %max3A_997 : vector<256x128xi32>
    %max3A_1002 = arith.maxsi %min3A_968, %max3A_997 : vector<256x128xi32>
    %eq3A_1003 = arith.cmpi eq, %min3A_1001, %min3A_968 : vector<256x128xi32>
    %select_n3A_1004 = arith.select %eq3A_1003, %select_n3A_971, %select_n3A_1000 : vector<256x128xi1>, vector<256x128xi32>
    %select_n3A_1005 = arith.select %eq3A_1003, %select_n3A_1000, %select_n3A_971 : vector<256x128xi1>, vector<256x128xi32>
    %min3A_1006 = arith.minsi %min3A_973, %max3A_1002 : vector<256x128xi32>
    %max3A_1007 = arith.maxsi %min3A_973, %max3A_1002 : vector<256x128xi32>
    %eq3A_1008 = arith.cmpi eq, %min3A_1006, %min3A_973 : vector<256x128xi32>
    %select_n3A_1009 = arith.select %eq3A_1008, %select_n3A_976, %select_n3A_1005 : vector<256x128xi1>, vector<256x128xi32>
    %select_n3A_1010 = arith.select %eq3A_1008, %select_n3A_1005, %select_n3A_976 : vector<256x128xi1>, vector<256x128xi32>
    %min3A_1011 = arith.minsi %min3A_978, %max3A_1007 : vector<256x128xi32>
    %eq3A_1012 = arith.cmpi eq, %min3A_1011, %min3A_978 : vector<256x128xi32>
    %select_n3A_1013 = arith.select %eq3A_1012, %select_n3A_980, %select_n3A_1010 : vector<256x128xi1>, vector<256x128xi32>
    %slice3A_1014 = vector.extract_strided_slice %select_n3A {offsets = [0, 3840], sizes = [256, 128], strides = [1, 1]} : vector<256x8192xi32> to vector<256x128xi32>
    %min3A_1015 = arith.minsi %min3A_982, %slice3A_1014 : vector<256x128xi32>
    %max3A_1016 = arith.maxsi %min3A_982, %slice3A_1014 : vector<256x128xi32>
    %eq3A_1017 = arith.cmpi eq, %min3A_1015, %min3A_982 : vector<256x128xi32>
    %jit3A_1018 = arith.constant 30 : i32
    %broadcast_in_dim3A_1019 = vector.broadcast %jit3A_1018 : i32 to vector<256x128xi32>
    %select_n3A_1020 = arith.select %eq3A_1017, %select_n3A_987, %broadcast_in_dim3A_1019 : vector<256x128xi1>, vector<256x128xi32>
    %jit3A_1021 = arith.constant 30 : i32
    %broadcast_in_dim3A_1022 = vector.broadcast %jit3A_1021 : i32 to vector<256x128xi32>
    %select_n3A_1023 = arith.select %eq3A_1017, %broadcast_in_dim3A_1022, %select_n3A_987 : vector<256x128xi1>, vector<256x128xi32>
    %min3A_1024 = arith.minsi %min3A_991, %max3A_1016 : vector<256x128xi32>
    %max3A_1025 = arith.maxsi %min3A_991, %max3A_1016 : vector<256x128xi32>
    %eq3A_1026 = arith.cmpi eq, %min3A_1024, %min3A_991 : vector<256x128xi32>
    %select_n3A_1027 = arith.select %eq3A_1026, %select_n3A_994, %select_n3A_1023 : vector<256x128xi1>, vector<256x128xi32>
    %select_n3A_1028 = arith.select %eq3A_1026, %select_n3A_1023, %select_n3A_994 : vector<256x128xi1>, vector<256x128xi32>
    %min3A_1029 = arith.minsi %min3A_996, %max3A_1025 : vector<256x128xi32>
    %max3A_1030 = arith.maxsi %min3A_996, %max3A_1025 : vector<256x128xi32>
    %eq3A_1031 = arith.cmpi eq, %min3A_1029, %min3A_996 : vector<256x128xi32>
    %select_n3A_1032 = arith.select %eq3A_1031, %select_n3A_999, %select_n3A_1028 : vector<256x128xi1>, vector<256x128xi32>
    %select_n3A_1033 = arith.select %eq3A_1031, %select_n3A_1028, %select_n3A_999 : vector<256x128xi1>, vector<256x128xi32>
    %min3A_1034 = arith.minsi %min3A_1001, %max3A_1030 : vector<256x128xi32>
    %max3A_1035 = arith.maxsi %min3A_1001, %max3A_1030 : vector<256x128xi32>
    %eq3A_1036 = arith.cmpi eq, %min3A_1034, %min3A_1001 : vector<256x128xi32>
    %select_n3A_1037 = arith.select %eq3A_1036, %select_n3A_1004, %select_n3A_1033 : vector<256x128xi1>, vector<256x128xi32>
    %select_n3A_1038 = arith.select %eq3A_1036, %select_n3A_1033, %select_n3A_1004 : vector<256x128xi1>, vector<256x128xi32>
    %min3A_1039 = arith.minsi %min3A_1006, %max3A_1035 : vector<256x128xi32>
    %max3A_1040 = arith.maxsi %min3A_1006, %max3A_1035 : vector<256x128xi32>
    %eq3A_1041 = arith.cmpi eq, %min3A_1039, %min3A_1006 : vector<256x128xi32>
    %select_n3A_1042 = arith.select %eq3A_1041, %select_n3A_1009, %select_n3A_1038 : vector<256x128xi1>, vector<256x128xi32>
    %select_n3A_1043 = arith.select %eq3A_1041, %select_n3A_1038, %select_n3A_1009 : vector<256x128xi1>, vector<256x128xi32>
    %min3A_1044 = arith.minsi %min3A_1011, %max3A_1040 : vector<256x128xi32>
    %eq3A_1045 = arith.cmpi eq, %min3A_1044, %min3A_1011 : vector<256x128xi32>
    %select_n3A_1046 = arith.select %eq3A_1045, %select_n3A_1013, %select_n3A_1043 : vector<256x128xi1>, vector<256x128xi32>
    %slice3A_1047 = vector.extract_strided_slice %select_n3A {offsets = [0, 3968], sizes = [256, 128], strides = [1, 1]} : vector<256x8192xi32> to vector<256x128xi32>
    %min3A_1048 = arith.minsi %min3A_1015, %slice3A_1047 : vector<256x128xi32>
    %max3A_1049 = arith.maxsi %min3A_1015, %slice3A_1047 : vector<256x128xi32>
    %eq3A_1050 = arith.cmpi eq, %min3A_1048, %min3A_1015 : vector<256x128xi32>
    %jit3A_1051 = arith.constant 31 : i32
    %broadcast_in_dim3A_1052 = vector.broadcast %jit3A_1051 : i32 to vector<256x128xi32>
    %select_n3A_1053 = arith.select %eq3A_1050, %select_n3A_1020, %broadcast_in_dim3A_1052 : vector<256x128xi1>, vector<256x128xi32>
    %jit3A_1054 = arith.constant 31 : i32
    %broadcast_in_dim3A_1055 = vector.broadcast %jit3A_1054 : i32 to vector<256x128xi32>
    %select_n3A_1056 = arith.select %eq3A_1050, %broadcast_in_dim3A_1055, %select_n3A_1020 : vector<256x128xi1>, vector<256x128xi32>
    %min3A_1057 = arith.minsi %min3A_1024, %max3A_1049 : vector<256x128xi32>
    %max3A_1058 = arith.maxsi %min3A_1024, %max3A_1049 : vector<256x128xi32>
    %eq3A_1059 = arith.cmpi eq, %min3A_1057, %min3A_1024 : vector<256x128xi32>
    %select_n3A_1060 = arith.select %eq3A_1059, %select_n3A_1027, %select_n3A_1056 : vector<256x128xi1>, vector<256x128xi32>
    %select_n3A_1061 = arith.select %eq3A_1059, %select_n3A_1056, %select_n3A_1027 : vector<256x128xi1>, vector<256x128xi32>
    %min3A_1062 = arith.minsi %min3A_1029, %max3A_1058 : vector<256x128xi32>
    %max3A_1063 = arith.maxsi %min3A_1029, %max3A_1058 : vector<256x128xi32>
    %eq3A_1064 = arith.cmpi eq, %min3A_1062, %min3A_1029 : vector<256x128xi32>
    %select_n3A_1065 = arith.select %eq3A_1064, %select_n3A_1032, %select_n3A_1061 : vector<256x128xi1>, vector<256x128xi32>
    %select_n3A_1066 = arith.select %eq3A_1064, %select_n3A_1061, %select_n3A_1032 : vector<256x128xi1>, vector<256x128xi32>
    %min3A_1067 = arith.minsi %min3A_1034, %max3A_1063 : vector<256x128xi32>
    %max3A_1068 = arith.maxsi %min3A_1034, %max3A_1063 : vector<256x128xi32>
    %eq3A_1069 = arith.cmpi eq, %min3A_1067, %min3A_1034 : vector<256x128xi32>
    %select_n3A_1070 = arith.select %eq3A_1069, %select_n3A_1037, %select_n3A_1066 : vector<256x128xi1>, vector<256x128xi32>
    %select_n3A_1071 = arith.select %eq3A_1069, %select_n3A_1066, %select_n3A_1037 : vector<256x128xi1>, vector<256x128xi32>
    %min3A_1072 = arith.minsi %min3A_1039, %max3A_1068 : vector<256x128xi32>
    %max3A_1073 = arith.maxsi %min3A_1039, %max3A_1068 : vector<256x128xi32>
    %eq3A_1074 = arith.cmpi eq, %min3A_1072, %min3A_1039 : vector<256x128xi32>
    %select_n3A_1075 = arith.select %eq3A_1074, %select_n3A_1042, %select_n3A_1071 : vector<256x128xi1>, vector<256x128xi32>
    %select_n3A_1076 = arith.select %eq3A_1074, %select_n3A_1071, %select_n3A_1042 : vector<256x128xi1>, vector<256x128xi32>
    %min3A_1077 = arith.minsi %min3A_1044, %max3A_1073 : vector<256x128xi32>
    %eq3A_1078 = arith.cmpi eq, %min3A_1077, %min3A_1044 : vector<256x128xi32>
    %select_n3A_1079 = arith.select %eq3A_1078, %select_n3A_1046, %select_n3A_1076 : vector<256x128xi1>, vector<256x128xi32>
    %slice3A_1080 = vector.extract_strided_slice %select_n3A {offsets = [0, 4096], sizes = [256, 128], strides = [1, 1]} : vector<256x8192xi32> to vector<256x128xi32>
    %min3A_1081 = arith.minsi %min3A_1048, %slice3A_1080 : vector<256x128xi32>
    %max3A_1082 = arith.maxsi %min3A_1048, %slice3A_1080 : vector<256x128xi32>
    %eq3A_1083 = arith.cmpi eq, %min3A_1081, %min3A_1048 : vector<256x128xi32>
    %jit3A_1084 = arith.constant 32 : i32
    %broadcast_in_dim3A_1085 = vector.broadcast %jit3A_1084 : i32 to vector<256x128xi32>
    %select_n3A_1086 = arith.select %eq3A_1083, %select_n3A_1053, %broadcast_in_dim3A_1085 : vector<256x128xi1>, vector<256x128xi32>
    %jit3A_1087 = arith.constant 32 : i32
    %broadcast_in_dim3A_1088 = vector.broadcast %jit3A_1087 : i32 to vector<256x128xi32>
    %select_n3A_1089 = arith.select %eq3A_1083, %broadcast_in_dim3A_1088, %select_n3A_1053 : vector<256x128xi1>, vector<256x128xi32>
    %min3A_1090 = arith.minsi %min3A_1057, %max3A_1082 : vector<256x128xi32>
    %max3A_1091 = arith.maxsi %min3A_1057, %max3A_1082 : vector<256x128xi32>
    %eq3A_1092 = arith.cmpi eq, %min3A_1090, %min3A_1057 : vector<256x128xi32>
    %select_n3A_1093 = arith.select %eq3A_1092, %select_n3A_1060, %select_n3A_1089 : vector<256x128xi1>, vector<256x128xi32>
    %select_n3A_1094 = arith.select %eq3A_1092, %select_n3A_1089, %select_n3A_1060 : vector<256x128xi1>, vector<256x128xi32>
    %min3A_1095 = arith.minsi %min3A_1062, %max3A_1091 : vector<256x128xi32>
    %max3A_1096 = arith.maxsi %min3A_1062, %max3A_1091 : vector<256x128xi32>
    %eq3A_1097 = arith.cmpi eq, %min3A_1095, %min3A_1062 : vector<256x128xi32>
    %select_n3A_1098 = arith.select %eq3A_1097, %select_n3A_1065, %select_n3A_1094 : vector<256x128xi1>, vector<256x128xi32>
    %select_n3A_1099 = arith.select %eq3A_1097, %select_n3A_1094, %select_n3A_1065 : vector<256x128xi1>, vector<256x128xi32>
    %min3A_1100 = arith.minsi %min3A_1067, %max3A_1096 : vector<256x128xi32>
    %max3A_1101 = arith.maxsi %min3A_1067, %max3A_1096 : vector<256x128xi32>
    %eq3A_1102 = arith.cmpi eq, %min3A_1100, %min3A_1067 : vector<256x128xi32>
    %select_n3A_1103 = arith.select %eq3A_1102, %select_n3A_1070, %select_n3A_1099 : vector<256x128xi1>, vector<256x128xi32>
    %select_n3A_1104 = arith.select %eq3A_1102, %select_n3A_1099, %select_n3A_1070 : vector<256x128xi1>, vector<256x128xi32>
    %min3A_1105 = arith.minsi %min3A_1072, %max3A_1101 : vector<256x128xi32>
    %max3A_1106 = arith.maxsi %min3A_1072, %max3A_1101 : vector<256x128xi32>
    %eq3A_1107 = arith.cmpi eq, %min3A_1105, %min3A_1072 : vector<256x128xi32>
    %select_n3A_1108 = arith.select %eq3A_1107, %select_n3A_1075, %select_n3A_1104 : vector<256x128xi1>, vector<256x128xi32>
    %select_n3A_1109 = arith.select %eq3A_1107, %select_n3A_1104, %select_n3A_1075 : vector<256x128xi1>, vector<256x128xi32>
    %min3A_1110 = arith.minsi %min3A_1077, %max3A_1106 : vector<256x128xi32>
    %eq3A_1111 = arith.cmpi eq, %min3A_1110, %min3A_1077 : vector<256x128xi32>
    %select_n3A_1112 = arith.select %eq3A_1111, %select_n3A_1079, %select_n3A_1109 : vector<256x128xi1>, vector<256x128xi32>
    %slice3A_1113 = vector.extract_strided_slice %select_n3A {offsets = [0, 4224], sizes = [256, 128], strides = [1, 1]} : vector<256x8192xi32> to vector<256x128xi32>
    %min3A_1114 = arith.minsi %min3A_1081, %slice3A_1113 : vector<256x128xi32>
    %max3A_1115 = arith.maxsi %min3A_1081, %slice3A_1113 : vector<256x128xi32>
    %eq3A_1116 = arith.cmpi eq, %min3A_1114, %min3A_1081 : vector<256x128xi32>
    %jit3A_1117 = arith.constant 33 : i32
    %broadcast_in_dim3A_1118 = vector.broadcast %jit3A_1117 : i32 to vector<256x128xi32>
    %select_n3A_1119 = arith.select %eq3A_1116, %select_n3A_1086, %broadcast_in_dim3A_1118 : vector<256x128xi1>, vector<256x128xi32>
    %jit3A_1120 = arith.constant 33 : i32
    %broadcast_in_dim3A_1121 = vector.broadcast %jit3A_1120 : i32 to vector<256x128xi32>
    %select_n3A_1122 = arith.select %eq3A_1116, %broadcast_in_dim3A_1121, %select_n3A_1086 : vector<256x128xi1>, vector<256x128xi32>
    %min3A_1123 = arith.minsi %min3A_1090, %max3A_1115 : vector<256x128xi32>
    %max3A_1124 = arith.maxsi %min3A_1090, %max3A_1115 : vector<256x128xi32>
    %eq3A_1125 = arith.cmpi eq, %min3A_1123, %min3A_1090 : vector<256x128xi32>
    %select_n3A_1126 = arith.select %eq3A_1125, %select_n3A_1093, %select_n3A_1122 : vector<256x128xi1>, vector<256x128xi32>
    %select_n3A_1127 = arith.select %eq3A_1125, %select_n3A_1122, %select_n3A_1093 : vector<256x128xi1>, vector<256x128xi32>
    %min3A_1128 = arith.minsi %min3A_1095, %max3A_1124 : vector<256x128xi32>
    %max3A_1129 = arith.maxsi %min3A_1095, %max3A_1124 : vector<256x128xi32>
    %eq3A_1130 = arith.cmpi eq, %min3A_1128, %min3A_1095 : vector<256x128xi32>
    %select_n3A_1131 = arith.select %eq3A_1130, %select_n3A_1098, %select_n3A_1127 : vector<256x128xi1>, vector<256x128xi32>
    %select_n3A_1132 = arith.select %eq3A_1130, %select_n3A_1127, %select_n3A_1098 : vector<256x128xi1>, vector<256x128xi32>
    %min3A_1133 = arith.minsi %min3A_1100, %max3A_1129 : vector<256x128xi32>
    %max3A_1134 = arith.maxsi %min3A_1100, %max3A_1129 : vector<256x128xi32>
    %eq3A_1135 = arith.cmpi eq, %min3A_1133, %min3A_1100 : vector<256x128xi32>
    %select_n3A_1136 = arith.select %eq3A_1135, %select_n3A_1103, %select_n3A_1132 : vector<256x128xi1>, vector<256x128xi32>
    %select_n3A_1137 = arith.select %eq3A_1135, %select_n3A_1132, %select_n3A_1103 : vector<256x128xi1>, vector<256x128xi32>
    %min3A_1138 = arith.minsi %min3A_1105, %max3A_1134 : vector<256x128xi32>
    %max3A_1139 = arith.maxsi %min3A_1105, %max3A_1134 : vector<256x128xi32>
    %eq3A_1140 = arith.cmpi eq, %min3A_1138, %min3A_1105 : vector<256x128xi32>
    %select_n3A_1141 = arith.select %eq3A_1140, %select_n3A_1108, %select_n3A_1137 : vector<256x128xi1>, vector<256x128xi32>
    %select_n3A_1142 = arith.select %eq3A_1140, %select_n3A_1137, %select_n3A_1108 : vector<256x128xi1>, vector<256x128xi32>
    %min3A_1143 = arith.minsi %min3A_1110, %max3A_1139 : vector<256x128xi32>
    %eq3A_1144 = arith.cmpi eq, %min3A_1143, %min3A_1110 : vector<256x128xi32>
    %select_n3A_1145 = arith.select %eq3A_1144, %select_n3A_1112, %select_n3A_1142 : vector<256x128xi1>, vector<256x128xi32>
    %slice3A_1146 = vector.extract_strided_slice %select_n3A {offsets = [0, 4352], sizes = [256, 128], strides = [1, 1]} : vector<256x8192xi32> to vector<256x128xi32>
    %min3A_1147 = arith.minsi %min3A_1114, %slice3A_1146 : vector<256x128xi32>
    %max3A_1148 = arith.maxsi %min3A_1114, %slice3A_1146 : vector<256x128xi32>
    %eq3A_1149 = arith.cmpi eq, %min3A_1147, %min3A_1114 : vector<256x128xi32>
    %jit3A_1150 = arith.constant 34 : i32
    %broadcast_in_dim3A_1151 = vector.broadcast %jit3A_1150 : i32 to vector<256x128xi32>
    %select_n3A_1152 = arith.select %eq3A_1149, %select_n3A_1119, %broadcast_in_dim3A_1151 : vector<256x128xi1>, vector<256x128xi32>
    %jit3A_1153 = arith.constant 34 : i32
    %broadcast_in_dim3A_1154 = vector.broadcast %jit3A_1153 : i32 to vector<256x128xi32>
    %select_n3A_1155 = arith.select %eq3A_1149, %broadcast_in_dim3A_1154, %select_n3A_1119 : vector<256x128xi1>, vector<256x128xi32>
    %min3A_1156 = arith.minsi %min3A_1123, %max3A_1148 : vector<256x128xi32>
    %max3A_1157 = arith.maxsi %min3A_1123, %max3A_1148 : vector<256x128xi32>
    %eq3A_1158 = arith.cmpi eq, %min3A_1156, %min3A_1123 : vector<256x128xi32>
    %select_n3A_1159 = arith.select %eq3A_1158, %select_n3A_1126, %select_n3A_1155 : vector<256x128xi1>, vector<256x128xi32>
    %select_n3A_1160 = arith.select %eq3A_1158, %select_n3A_1155, %select_n3A_1126 : vector<256x128xi1>, vector<256x128xi32>
    %min3A_1161 = arith.minsi %min3A_1128, %max3A_1157 : vector<256x128xi32>
    %max3A_1162 = arith.maxsi %min3A_1128, %max3A_1157 : vector<256x128xi32>
    %eq3A_1163 = arith.cmpi eq, %min3A_1161, %min3A_1128 : vector<256x128xi32>
    %select_n3A_1164 = arith.select %eq3A_1163, %select_n3A_1131, %select_n3A_1160 : vector<256x128xi1>, vector<256x128xi32>
    %select_n3A_1165 = arith.select %eq3A_1163, %select_n3A_1160, %select_n3A_1131 : vector<256x128xi1>, vector<256x128xi32>
    %min3A_1166 = arith.minsi %min3A_1133, %max3A_1162 : vector<256x128xi32>
    %max3A_1167 = arith.maxsi %min3A_1133, %max3A_1162 : vector<256x128xi32>
    %eq3A_1168 = arith.cmpi eq, %min3A_1166, %min3A_1133 : vector<256x128xi32>
    %select_n3A_1169 = arith.select %eq3A_1168, %select_n3A_1136, %select_n3A_1165 : vector<256x128xi1>, vector<256x128xi32>
    %select_n3A_1170 = arith.select %eq3A_1168, %select_n3A_1165, %select_n3A_1136 : vector<256x128xi1>, vector<256x128xi32>
    %min3A_1171 = arith.minsi %min3A_1138, %max3A_1167 : vector<256x128xi32>
    %max3A_1172 = arith.maxsi %min3A_1138, %max3A_1167 : vector<256x128xi32>
    %eq3A_1173 = arith.cmpi eq, %min3A_1171, %min3A_1138 : vector<256x128xi32>
    %select_n3A_1174 = arith.select %eq3A_1173, %select_n3A_1141, %select_n3A_1170 : vector<256x128xi1>, vector<256x128xi32>
    %select_n3A_1175 = arith.select %eq3A_1173, %select_n3A_1170, %select_n3A_1141 : vector<256x128xi1>, vector<256x128xi32>
    %min3A_1176 = arith.minsi %min3A_1143, %max3A_1172 : vector<256x128xi32>
    %eq3A_1177 = arith.cmpi eq, %min3A_1176, %min3A_1143 : vector<256x128xi32>
    %select_n3A_1178 = arith.select %eq3A_1177, %select_n3A_1145, %select_n3A_1175 : vector<256x128xi1>, vector<256x128xi32>
    %slice3A_1179 = vector.extract_strided_slice %select_n3A {offsets = [0, 4480], sizes = [256, 128], strides = [1, 1]} : vector<256x8192xi32> to vector<256x128xi32>
    %min3A_1180 = arith.minsi %min3A_1147, %slice3A_1179 : vector<256x128xi32>
    %max3A_1181 = arith.maxsi %min3A_1147, %slice3A_1179 : vector<256x128xi32>
    %eq3A_1182 = arith.cmpi eq, %min3A_1180, %min3A_1147 : vector<256x128xi32>
    %jit3A_1183 = arith.constant 35 : i32
    %broadcast_in_dim3A_1184 = vector.broadcast %jit3A_1183 : i32 to vector<256x128xi32>
    %select_n3A_1185 = arith.select %eq3A_1182, %select_n3A_1152, %broadcast_in_dim3A_1184 : vector<256x128xi1>, vector<256x128xi32>
    %jit3A_1186 = arith.constant 35 : i32
    %broadcast_in_dim3A_1187 = vector.broadcast %jit3A_1186 : i32 to vector<256x128xi32>
    %select_n3A_1188 = arith.select %eq3A_1182, %broadcast_in_dim3A_1187, %select_n3A_1152 : vector<256x128xi1>, vector<256x128xi32>
    %min3A_1189 = arith.minsi %min3A_1156, %max3A_1181 : vector<256x128xi32>
    %max3A_1190 = arith.maxsi %min3A_1156, %max3A_1181 : vector<256x128xi32>
    %eq3A_1191 = arith.cmpi eq, %min3A_1189, %min3A_1156 : vector<256x128xi32>
    %select_n3A_1192 = arith.select %eq3A_1191, %select_n3A_1159, %select_n3A_1188 : vector<256x128xi1>, vector<256x128xi32>
    %select_n3A_1193 = arith.select %eq3A_1191, %select_n3A_1188, %select_n3A_1159 : vector<256x128xi1>, vector<256x128xi32>
    %min3A_1194 = arith.minsi %min3A_1161, %max3A_1190 : vector<256x128xi32>
    %max3A_1195 = arith.maxsi %min3A_1161, %max3A_1190 : vector<256x128xi32>
    %eq3A_1196 = arith.cmpi eq, %min3A_1194, %min3A_1161 : vector<256x128xi32>
    %select_n3A_1197 = arith.select %eq3A_1196, %select_n3A_1164, %select_n3A_1193 : vector<256x128xi1>, vector<256x128xi32>
    %select_n3A_1198 = arith.select %eq3A_1196, %select_n3A_1193, %select_n3A_1164 : vector<256x128xi1>, vector<256x128xi32>
    %min3A_1199 = arith.minsi %min3A_1166, %max3A_1195 : vector<256x128xi32>
    %max3A_1200 = arith.maxsi %min3A_1166, %max3A_1195 : vector<256x128xi32>
    %eq3A_1201 = arith.cmpi eq, %min3A_1199, %min3A_1166 : vector<256x128xi32>
    %select_n3A_1202 = arith.select %eq3A_1201, %select_n3A_1169, %select_n3A_1198 : vector<256x128xi1>, vector<256x128xi32>
    %select_n3A_1203 = arith.select %eq3A_1201, %select_n3A_1198, %select_n3A_1169 : vector<256x128xi1>, vector<256x128xi32>
    %min3A_1204 = arith.minsi %min3A_1171, %max3A_1200 : vector<256x128xi32>
    %max3A_1205 = arith.maxsi %min3A_1171, %max3A_1200 : vector<256x128xi32>
    %eq3A_1206 = arith.cmpi eq, %min3A_1204, %min3A_1171 : vector<256x128xi32>
    %select_n3A_1207 = arith.select %eq3A_1206, %select_n3A_1174, %select_n3A_1203 : vector<256x128xi1>, vector<256x128xi32>
    %select_n3A_1208 = arith.select %eq3A_1206, %select_n3A_1203, %select_n3A_1174 : vector<256x128xi1>, vector<256x128xi32>
    %min3A_1209 = arith.minsi %min3A_1176, %max3A_1205 : vector<256x128xi32>
    %eq3A_1210 = arith.cmpi eq, %min3A_1209, %min3A_1176 : vector<256x128xi32>
    %select_n3A_1211 = arith.select %eq3A_1210, %select_n3A_1178, %select_n3A_1208 : vector<256x128xi1>, vector<256x128xi32>
    %slice3A_1212 = vector.extract_strided_slice %select_n3A {offsets = [0, 4608], sizes = [256, 128], strides = [1, 1]} : vector<256x8192xi32> to vector<256x128xi32>
    %min3A_1213 = arith.minsi %min3A_1180, %slice3A_1212 : vector<256x128xi32>
    %max3A_1214 = arith.maxsi %min3A_1180, %slice3A_1212 : vector<256x128xi32>
    %eq3A_1215 = arith.cmpi eq, %min3A_1213, %min3A_1180 : vector<256x128xi32>
    %jit3A_1216 = arith.constant 36 : i32
    %broadcast_in_dim3A_1217 = vector.broadcast %jit3A_1216 : i32 to vector<256x128xi32>
    %select_n3A_1218 = arith.select %eq3A_1215, %select_n3A_1185, %broadcast_in_dim3A_1217 : vector<256x128xi1>, vector<256x128xi32>
    %jit3A_1219 = arith.constant 36 : i32
    %broadcast_in_dim3A_1220 = vector.broadcast %jit3A_1219 : i32 to vector<256x128xi32>
    %select_n3A_1221 = arith.select %eq3A_1215, %broadcast_in_dim3A_1220, %select_n3A_1185 : vector<256x128xi1>, vector<256x128xi32>
    %min3A_1222 = arith.minsi %min3A_1189, %max3A_1214 : vector<256x128xi32>
    %max3A_1223 = arith.maxsi %min3A_1189, %max3A_1214 : vector<256x128xi32>
    %eq3A_1224 = arith.cmpi eq, %min3A_1222, %min3A_1189 : vector<256x128xi32>
    %select_n3A_1225 = arith.select %eq3A_1224, %select_n3A_1192, %select_n3A_1221 : vector<256x128xi1>, vector<256x128xi32>
    %select_n3A_1226 = arith.select %eq3A_1224, %select_n3A_1221, %select_n3A_1192 : vector<256x128xi1>, vector<256x128xi32>
    %min3A_1227 = arith.minsi %min3A_1194, %max3A_1223 : vector<256x128xi32>
    %max3A_1228 = arith.maxsi %min3A_1194, %max3A_1223 : vector<256x128xi32>
    %eq3A_1229 = arith.cmpi eq, %min3A_1227, %min3A_1194 : vector<256x128xi32>
    %select_n3A_1230 = arith.select %eq3A_1229, %select_n3A_1197, %select_n3A_1226 : vector<256x128xi1>, vector<256x128xi32>
    %select_n3A_1231 = arith.select %eq3A_1229, %select_n3A_1226, %select_n3A_1197 : vector<256x128xi1>, vector<256x128xi32>
    %min3A_1232 = arith.minsi %min3A_1199, %max3A_1228 : vector<256x128xi32>
    %max3A_1233 = arith.maxsi %min3A_1199, %max3A_1228 : vector<256x128xi32>
    %eq3A_1234 = arith.cmpi eq, %min3A_1232, %min3A_1199 : vector<256x128xi32>
    %select_n3A_1235 = arith.select %eq3A_1234, %select_n3A_1202, %select_n3A_1231 : vector<256x128xi1>, vector<256x128xi32>
    %select_n3A_1236 = arith.select %eq3A_1234, %select_n3A_1231, %select_n3A_1202 : vector<256x128xi1>, vector<256x128xi32>
    %min3A_1237 = arith.minsi %min3A_1204, %max3A_1233 : vector<256x128xi32>
    %max3A_1238 = arith.maxsi %min3A_1204, %max3A_1233 : vector<256x128xi32>
    %eq3A_1239 = arith.cmpi eq, %min3A_1237, %min3A_1204 : vector<256x128xi32>
    %select_n3A_1240 = arith.select %eq3A_1239, %select_n3A_1207, %select_n3A_1236 : vector<256x128xi1>, vector<256x128xi32>
    %select_n3A_1241 = arith.select %eq3A_1239, %select_n3A_1236, %select_n3A_1207 : vector<256x128xi1>, vector<256x128xi32>
    %min3A_1242 = arith.minsi %min3A_1209, %max3A_1238 : vector<256x128xi32>
    %eq3A_1243 = arith.cmpi eq, %min3A_1242, %min3A_1209 : vector<256x128xi32>
    %select_n3A_1244 = arith.select %eq3A_1243, %select_n3A_1211, %select_n3A_1241 : vector<256x128xi1>, vector<256x128xi32>
    %slice3A_1245 = vector.extract_strided_slice %select_n3A {offsets = [0, 4736], sizes = [256, 128], strides = [1, 1]} : vector<256x8192xi32> to vector<256x128xi32>
    %min3A_1246 = arith.minsi %min3A_1213, %slice3A_1245 : vector<256x128xi32>
    %max3A_1247 = arith.maxsi %min3A_1213, %slice3A_1245 : vector<256x128xi32>
    %eq3A_1248 = arith.cmpi eq, %min3A_1246, %min3A_1213 : vector<256x128xi32>
    %jit3A_1249 = arith.constant 37 : i32
    %broadcast_in_dim3A_1250 = vector.broadcast %jit3A_1249 : i32 to vector<256x128xi32>
    %select_n3A_1251 = arith.select %eq3A_1248, %select_n3A_1218, %broadcast_in_dim3A_1250 : vector<256x128xi1>, vector<256x128xi32>
    %jit3A_1252 = arith.constant 37 : i32
    %broadcast_in_dim3A_1253 = vector.broadcast %jit3A_1252 : i32 to vector<256x128xi32>
    %select_n3A_1254 = arith.select %eq3A_1248, %broadcast_in_dim3A_1253, %select_n3A_1218 : vector<256x128xi1>, vector<256x128xi32>
    %min3A_1255 = arith.minsi %min3A_1222, %max3A_1247 : vector<256x128xi32>
    %max3A_1256 = arith.maxsi %min3A_1222, %max3A_1247 : vector<256x128xi32>
    %eq3A_1257 = arith.cmpi eq, %min3A_1255, %min3A_1222 : vector<256x128xi32>
    %select_n3A_1258 = arith.select %eq3A_1257, %select_n3A_1225, %select_n3A_1254 : vector<256x128xi1>, vector<256x128xi32>
    %select_n3A_1259 = arith.select %eq3A_1257, %select_n3A_1254, %select_n3A_1225 : vector<256x128xi1>, vector<256x128xi32>
    %min3A_1260 = arith.minsi %min3A_1227, %max3A_1256 : vector<256x128xi32>
    %max3A_1261 = arith.maxsi %min3A_1227, %max3A_1256 : vector<256x128xi32>
    %eq3A_1262 = arith.cmpi eq, %min3A_1260, %min3A_1227 : vector<256x128xi32>
    %select_n3A_1263 = arith.select %eq3A_1262, %select_n3A_1230, %select_n3A_1259 : vector<256x128xi1>, vector<256x128xi32>
    %select_n3A_1264 = arith.select %eq3A_1262, %select_n3A_1259, %select_n3A_1230 : vector<256x128xi1>, vector<256x128xi32>
    %min3A_1265 = arith.minsi %min3A_1232, %max3A_1261 : vector<256x128xi32>
    %max3A_1266 = arith.maxsi %min3A_1232, %max3A_1261 : vector<256x128xi32>
    %eq3A_1267 = arith.cmpi eq, %min3A_1265, %min3A_1232 : vector<256x128xi32>
    %select_n3A_1268 = arith.select %eq3A_1267, %select_n3A_1235, %select_n3A_1264 : vector<256x128xi1>, vector<256x128xi32>
    %select_n3A_1269 = arith.select %eq3A_1267, %select_n3A_1264, %select_n3A_1235 : vector<256x128xi1>, vector<256x128xi32>
    %min3A_1270 = arith.minsi %min3A_1237, %max3A_1266 : vector<256x128xi32>
    %max3A_1271 = arith.maxsi %min3A_1237, %max3A_1266 : vector<256x128xi32>
    %eq3A_1272 = arith.cmpi eq, %min3A_1270, %min3A_1237 : vector<256x128xi32>
    %select_n3A_1273 = arith.select %eq3A_1272, %select_n3A_1240, %select_n3A_1269 : vector<256x128xi1>, vector<256x128xi32>
    %select_n3A_1274 = arith.select %eq3A_1272, %select_n3A_1269, %select_n3A_1240 : vector<256x128xi1>, vector<256x128xi32>
    %min3A_1275 = arith.minsi %min3A_1242, %max3A_1271 : vector<256x128xi32>
    %eq3A_1276 = arith.cmpi eq, %min3A_1275, %min3A_1242 : vector<256x128xi32>
    %select_n3A_1277 = arith.select %eq3A_1276, %select_n3A_1244, %select_n3A_1274 : vector<256x128xi1>, vector<256x128xi32>
    %slice3A_1278 = vector.extract_strided_slice %select_n3A {offsets = [0, 4864], sizes = [256, 128], strides = [1, 1]} : vector<256x8192xi32> to vector<256x128xi32>
    %min3A_1279 = arith.minsi %min3A_1246, %slice3A_1278 : vector<256x128xi32>
    %max3A_1280 = arith.maxsi %min3A_1246, %slice3A_1278 : vector<256x128xi32>
    %eq3A_1281 = arith.cmpi eq, %min3A_1279, %min3A_1246 : vector<256x128xi32>
    %jit3A_1282 = arith.constant 38 : i32
    %broadcast_in_dim3A_1283 = vector.broadcast %jit3A_1282 : i32 to vector<256x128xi32>
    %select_n3A_1284 = arith.select %eq3A_1281, %select_n3A_1251, %broadcast_in_dim3A_1283 : vector<256x128xi1>, vector<256x128xi32>
    %jit3A_1285 = arith.constant 38 : i32
    %broadcast_in_dim3A_1286 = vector.broadcast %jit3A_1285 : i32 to vector<256x128xi32>
    %select_n3A_1287 = arith.select %eq3A_1281, %broadcast_in_dim3A_1286, %select_n3A_1251 : vector<256x128xi1>, vector<256x128xi32>
    %min3A_1288 = arith.minsi %min3A_1255, %max3A_1280 : vector<256x128xi32>
    %max3A_1289 = arith.maxsi %min3A_1255, %max3A_1280 : vector<256x128xi32>
    %eq3A_1290 = arith.cmpi eq, %min3A_1288, %min3A_1255 : vector<256x128xi32>
    %select_n3A_1291 = arith.select %eq3A_1290, %select_n3A_1258, %select_n3A_1287 : vector<256x128xi1>, vector<256x128xi32>
    %select_n3A_1292 = arith.select %eq3A_1290, %select_n3A_1287, %select_n3A_1258 : vector<256x128xi1>, vector<256x128xi32>
    %min3A_1293 = arith.minsi %min3A_1260, %max3A_1289 : vector<256x128xi32>
    %max3A_1294 = arith.maxsi %min3A_1260, %max3A_1289 : vector<256x128xi32>
    %eq3A_1295 = arith.cmpi eq, %min3A_1293, %min3A_1260 : vector<256x128xi32>
    %select_n3A_1296 = arith.select %eq3A_1295, %select_n3A_1263, %select_n3A_1292 : vector<256x128xi1>, vector<256x128xi32>
    %select_n3A_1297 = arith.select %eq3A_1295, %select_n3A_1292, %select_n3A_1263 : vector<256x128xi1>, vector<256x128xi32>
    %min3A_1298 = arith.minsi %min3A_1265, %max3A_1294 : vector<256x128xi32>
    %max3A_1299 = arith.maxsi %min3A_1265, %max3A_1294 : vector<256x128xi32>
    %eq3A_1300 = arith.cmpi eq, %min3A_1298, %min3A_1265 : vector<256x128xi32>
    %select_n3A_1301 = arith.select %eq3A_1300, %select_n3A_1268, %select_n3A_1297 : vector<256x128xi1>, vector<256x128xi32>
    %select_n3A_1302 = arith.select %eq3A_1300, %select_n3A_1297, %select_n3A_1268 : vector<256x128xi1>, vector<256x128xi32>
    %min3A_1303 = arith.minsi %min3A_1270, %max3A_1299 : vector<256x128xi32>
    %max3A_1304 = arith.maxsi %min3A_1270, %max3A_1299 : vector<256x128xi32>
    %eq3A_1305 = arith.cmpi eq, %min3A_1303, %min3A_1270 : vector<256x128xi32>
    %select_n3A_1306 = arith.select %eq3A_1305, %select_n3A_1273, %select_n3A_1302 : vector<256x128xi1>, vector<256x128xi32>
    %select_n3A_1307 = arith.select %eq3A_1305, %select_n3A_1302, %select_n3A_1273 : vector<256x128xi1>, vector<256x128xi32>
    %min3A_1308 = arith.minsi %min3A_1275, %max3A_1304 : vector<256x128xi32>
    %eq3A_1309 = arith.cmpi eq, %min3A_1308, %min3A_1275 : vector<256x128xi32>
    %select_n3A_1310 = arith.select %eq3A_1309, %select_n3A_1277, %select_n3A_1307 : vector<256x128xi1>, vector<256x128xi32>
    %slice3A_1311 = vector.extract_strided_slice %select_n3A {offsets = [0, 4992], sizes = [256, 128], strides = [1, 1]} : vector<256x8192xi32> to vector<256x128xi32>
    %min3A_1312 = arith.minsi %min3A_1279, %slice3A_1311 : vector<256x128xi32>
    %max3A_1313 = arith.maxsi %min3A_1279, %slice3A_1311 : vector<256x128xi32>
    %eq3A_1314 = arith.cmpi eq, %min3A_1312, %min3A_1279 : vector<256x128xi32>
    %jit3A_1315 = arith.constant 39 : i32
    %broadcast_in_dim3A_1316 = vector.broadcast %jit3A_1315 : i32 to vector<256x128xi32>
    %select_n3A_1317 = arith.select %eq3A_1314, %select_n3A_1284, %broadcast_in_dim3A_1316 : vector<256x128xi1>, vector<256x128xi32>
    %jit3A_1318 = arith.constant 39 : i32
    %broadcast_in_dim3A_1319 = vector.broadcast %jit3A_1318 : i32 to vector<256x128xi32>
    %select_n3A_1320 = arith.select %eq3A_1314, %broadcast_in_dim3A_1319, %select_n3A_1284 : vector<256x128xi1>, vector<256x128xi32>
    %min3A_1321 = arith.minsi %min3A_1288, %max3A_1313 : vector<256x128xi32>
    %max3A_1322 = arith.maxsi %min3A_1288, %max3A_1313 : vector<256x128xi32>
    %eq3A_1323 = arith.cmpi eq, %min3A_1321, %min3A_1288 : vector<256x128xi32>
    %select_n3A_1324 = arith.select %eq3A_1323, %select_n3A_1291, %select_n3A_1320 : vector<256x128xi1>, vector<256x128xi32>
    %select_n3A_1325 = arith.select %eq3A_1323, %select_n3A_1320, %select_n3A_1291 : vector<256x128xi1>, vector<256x128xi32>
    %min3A_1326 = arith.minsi %min3A_1293, %max3A_1322 : vector<256x128xi32>
    %max3A_1327 = arith.maxsi %min3A_1293, %max3A_1322 : vector<256x128xi32>
    %eq3A_1328 = arith.cmpi eq, %min3A_1326, %min3A_1293 : vector<256x128xi32>
    %select_n3A_1329 = arith.select %eq3A_1328, %select_n3A_1296, %select_n3A_1325 : vector<256x128xi1>, vector<256x128xi32>
    %select_n3A_1330 = arith.select %eq3A_1328, %select_n3A_1325, %select_n3A_1296 : vector<256x128xi1>, vector<256x128xi32>
    %min3A_1331 = arith.minsi %min3A_1298, %max3A_1327 : vector<256x128xi32>
    %max3A_1332 = arith.maxsi %min3A_1298, %max3A_1327 : vector<256x128xi32>
    %eq3A_1333 = arith.cmpi eq, %min3A_1331, %min3A_1298 : vector<256x128xi32>
    %select_n3A_1334 = arith.select %eq3A_1333, %select_n3A_1301, %select_n3A_1330 : vector<256x128xi1>, vector<256x128xi32>
    %select_n3A_1335 = arith.select %eq3A_1333, %select_n3A_1330, %select_n3A_1301 : vector<256x128xi1>, vector<256x128xi32>
    %min3A_1336 = arith.minsi %min3A_1303, %max3A_1332 : vector<256x128xi32>
    %max3A_1337 = arith.maxsi %min3A_1303, %max3A_1332 : vector<256x128xi32>
    %eq3A_1338 = arith.cmpi eq, %min3A_1336, %min3A_1303 : vector<256x128xi32>
    %select_n3A_1339 = arith.select %eq3A_1338, %select_n3A_1306, %select_n3A_1335 : vector<256x128xi1>, vector<256x128xi32>
    %select_n3A_1340 = arith.select %eq3A_1338, %select_n3A_1335, %select_n3A_1306 : vector<256x128xi1>, vector<256x128xi32>
    %min3A_1341 = arith.minsi %min3A_1308, %max3A_1337 : vector<256x128xi32>
    %eq3A_1342 = arith.cmpi eq, %min3A_1341, %min3A_1308 : vector<256x128xi32>
    %select_n3A_1343 = arith.select %eq3A_1342, %select_n3A_1310, %select_n3A_1340 : vector<256x128xi1>, vector<256x128xi32>
    %slice3A_1344 = vector.extract_strided_slice %select_n3A {offsets = [0, 5120], sizes = [256, 128], strides = [1, 1]} : vector<256x8192xi32> to vector<256x128xi32>
    %min3A_1345 = arith.minsi %min3A_1312, %slice3A_1344 : vector<256x128xi32>
    %max3A_1346 = arith.maxsi %min3A_1312, %slice3A_1344 : vector<256x128xi32>
    %eq3A_1347 = arith.cmpi eq, %min3A_1345, %min3A_1312 : vector<256x128xi32>
    %jit3A_1348 = arith.constant 40 : i32
    %broadcast_in_dim3A_1349 = vector.broadcast %jit3A_1348 : i32 to vector<256x128xi32>
    %select_n3A_1350 = arith.select %eq3A_1347, %select_n3A_1317, %broadcast_in_dim3A_1349 : vector<256x128xi1>, vector<256x128xi32>
    %jit3A_1351 = arith.constant 40 : i32
    %broadcast_in_dim3A_1352 = vector.broadcast %jit3A_1351 : i32 to vector<256x128xi32>
    %select_n3A_1353 = arith.select %eq3A_1347, %broadcast_in_dim3A_1352, %select_n3A_1317 : vector<256x128xi1>, vector<256x128xi32>
    %min3A_1354 = arith.minsi %min3A_1321, %max3A_1346 : vector<256x128xi32>
    %max3A_1355 = arith.maxsi %min3A_1321, %max3A_1346 : vector<256x128xi32>
    %eq3A_1356 = arith.cmpi eq, %min3A_1354, %min3A_1321 : vector<256x128xi32>
    %select_n3A_1357 = arith.select %eq3A_1356, %select_n3A_1324, %select_n3A_1353 : vector<256x128xi1>, vector<256x128xi32>
    %select_n3A_1358 = arith.select %eq3A_1356, %select_n3A_1353, %select_n3A_1324 : vector<256x128xi1>, vector<256x128xi32>
    %min3A_1359 = arith.minsi %min3A_1326, %max3A_1355 : vector<256x128xi32>
    %max3A_1360 = arith.maxsi %min3A_1326, %max3A_1355 : vector<256x128xi32>
    %eq3A_1361 = arith.cmpi eq, %min3A_1359, %min3A_1326 : vector<256x128xi32>
    %select_n3A_1362 = arith.select %eq3A_1361, %select_n3A_1329, %select_n3A_1358 : vector<256x128xi1>, vector<256x128xi32>
    %select_n3A_1363 = arith.select %eq3A_1361, %select_n3A_1358, %select_n3A_1329 : vector<256x128xi1>, vector<256x128xi32>
    %min3A_1364 = arith.minsi %min3A_1331, %max3A_1360 : vector<256x128xi32>
    %max3A_1365 = arith.maxsi %min3A_1331, %max3A_1360 : vector<256x128xi32>
    %eq3A_1366 = arith.cmpi eq, %min3A_1364, %min3A_1331 : vector<256x128xi32>
    %select_n3A_1367 = arith.select %eq3A_1366, %select_n3A_1334, %select_n3A_1363 : vector<256x128xi1>, vector<256x128xi32>
    %select_n3A_1368 = arith.select %eq3A_1366, %select_n3A_1363, %select_n3A_1334 : vector<256x128xi1>, vector<256x128xi32>
    %min3A_1369 = arith.minsi %min3A_1336, %max3A_1365 : vector<256x128xi32>
    %max3A_1370 = arith.maxsi %min3A_1336, %max3A_1365 : vector<256x128xi32>
    %eq3A_1371 = arith.cmpi eq, %min3A_1369, %min3A_1336 : vector<256x128xi32>
    %select_n3A_1372 = arith.select %eq3A_1371, %select_n3A_1339, %select_n3A_1368 : vector<256x128xi1>, vector<256x128xi32>
    %select_n3A_1373 = arith.select %eq3A_1371, %select_n3A_1368, %select_n3A_1339 : vector<256x128xi1>, vector<256x128xi32>
    %min3A_1374 = arith.minsi %min3A_1341, %max3A_1370 : vector<256x128xi32>
    %eq3A_1375 = arith.cmpi eq, %min3A_1374, %min3A_1341 : vector<256x128xi32>
    %select_n3A_1376 = arith.select %eq3A_1375, %select_n3A_1343, %select_n3A_1373 : vector<256x128xi1>, vector<256x128xi32>
    %slice3A_1377 = vector.extract_strided_slice %select_n3A {offsets = [0, 5248], sizes = [256, 128], strides = [1, 1]} : vector<256x8192xi32> to vector<256x128xi32>
    %min3A_1378 = arith.minsi %min3A_1345, %slice3A_1377 : vector<256x128xi32>
    %max3A_1379 = arith.maxsi %min3A_1345, %slice3A_1377 : vector<256x128xi32>
    %eq3A_1380 = arith.cmpi eq, %min3A_1378, %min3A_1345 : vector<256x128xi32>
    %jit3A_1381 = arith.constant 41 : i32
    %broadcast_in_dim3A_1382 = vector.broadcast %jit3A_1381 : i32 to vector<256x128xi32>
    %select_n3A_1383 = arith.select %eq3A_1380, %select_n3A_1350, %broadcast_in_dim3A_1382 : vector<256x128xi1>, vector<256x128xi32>
    %jit3A_1384 = arith.constant 41 : i32
    %broadcast_in_dim3A_1385 = vector.broadcast %jit3A_1384 : i32 to vector<256x128xi32>
    %select_n3A_1386 = arith.select %eq3A_1380, %broadcast_in_dim3A_1385, %select_n3A_1350 : vector<256x128xi1>, vector<256x128xi32>
    %min3A_1387 = arith.minsi %min3A_1354, %max3A_1379 : vector<256x128xi32>
    %max3A_1388 = arith.maxsi %min3A_1354, %max3A_1379 : vector<256x128xi32>
    %eq3A_1389 = arith.cmpi eq, %min3A_1387, %min3A_1354 : vector<256x128xi32>
    %select_n3A_1390 = arith.select %eq3A_1389, %select_n3A_1357, %select_n3A_1386 : vector<256x128xi1>, vector<256x128xi32>
    %select_n3A_1391 = arith.select %eq3A_1389, %select_n3A_1386, %select_n3A_1357 : vector<256x128xi1>, vector<256x128xi32>
    %min3A_1392 = arith.minsi %min3A_1359, %max3A_1388 : vector<256x128xi32>
    %max3A_1393 = arith.maxsi %min3A_1359, %max3A_1388 : vector<256x128xi32>
    %eq3A_1394 = arith.cmpi eq, %min3A_1392, %min3A_1359 : vector<256x128xi32>
    %select_n3A_1395 = arith.select %eq3A_1394, %select_n3A_1362, %select_n3A_1391 : vector<256x128xi1>, vector<256x128xi32>
    %select_n3A_1396 = arith.select %eq3A_1394, %select_n3A_1391, %select_n3A_1362 : vector<256x128xi1>, vector<256x128xi32>
    %min3A_1397 = arith.minsi %min3A_1364, %max3A_1393 : vector<256x128xi32>
    %max3A_1398 = arith.maxsi %min3A_1364, %max3A_1393 : vector<256x128xi32>
    %eq3A_1399 = arith.cmpi eq, %min3A_1397, %min3A_1364 : vector<256x128xi32>
    %select_n3A_1400 = arith.select %eq3A_1399, %select_n3A_1367, %select_n3A_1396 : vector<256x128xi1>, vector<256x128xi32>
    %select_n3A_1401 = arith.select %eq3A_1399, %select_n3A_1396, %select_n3A_1367 : vector<256x128xi1>, vector<256x128xi32>
    %min3A_1402 = arith.minsi %min3A_1369, %max3A_1398 : vector<256x128xi32>
    %max3A_1403 = arith.maxsi %min3A_1369, %max3A_1398 : vector<256x128xi32>
    %eq3A_1404 = arith.cmpi eq, %min3A_1402, %min3A_1369 : vector<256x128xi32>
    %select_n3A_1405 = arith.select %eq3A_1404, %select_n3A_1372, %select_n3A_1401 : vector<256x128xi1>, vector<256x128xi32>
    %select_n3A_1406 = arith.select %eq3A_1404, %select_n3A_1401, %select_n3A_1372 : vector<256x128xi1>, vector<256x128xi32>
    %min3A_1407 = arith.minsi %min3A_1374, %max3A_1403 : vector<256x128xi32>
    %eq3A_1408 = arith.cmpi eq, %min3A_1407, %min3A_1374 : vector<256x128xi32>
    %select_n3A_1409 = arith.select %eq3A_1408, %select_n3A_1376, %select_n3A_1406 : vector<256x128xi1>, vector<256x128xi32>
    %slice3A_1410 = vector.extract_strided_slice %select_n3A {offsets = [0, 5376], sizes = [256, 128], strides = [1, 1]} : vector<256x8192xi32> to vector<256x128xi32>
    %min3A_1411 = arith.minsi %min3A_1378, %slice3A_1410 : vector<256x128xi32>
    %max3A_1412 = arith.maxsi %min3A_1378, %slice3A_1410 : vector<256x128xi32>
    %eq3A_1413 = arith.cmpi eq, %min3A_1411, %min3A_1378 : vector<256x128xi32>
    %jit3A_1414 = arith.constant 42 : i32
    %broadcast_in_dim3A_1415 = vector.broadcast %jit3A_1414 : i32 to vector<256x128xi32>
    %select_n3A_1416 = arith.select %eq3A_1413, %select_n3A_1383, %broadcast_in_dim3A_1415 : vector<256x128xi1>, vector<256x128xi32>
    %jit3A_1417 = arith.constant 42 : i32
    %broadcast_in_dim3A_1418 = vector.broadcast %jit3A_1417 : i32 to vector<256x128xi32>
    %select_n3A_1419 = arith.select %eq3A_1413, %broadcast_in_dim3A_1418, %select_n3A_1383 : vector<256x128xi1>, vector<256x128xi32>
    %min3A_1420 = arith.minsi %min3A_1387, %max3A_1412 : vector<256x128xi32>
    %max3A_1421 = arith.maxsi %min3A_1387, %max3A_1412 : vector<256x128xi32>
    %eq3A_1422 = arith.cmpi eq, %min3A_1420, %min3A_1387 : vector<256x128xi32>
    %select_n3A_1423 = arith.select %eq3A_1422, %select_n3A_1390, %select_n3A_1419 : vector<256x128xi1>, vector<256x128xi32>
    %select_n3A_1424 = arith.select %eq3A_1422, %select_n3A_1419, %select_n3A_1390 : vector<256x128xi1>, vector<256x128xi32>
    %min3A_1425 = arith.minsi %min3A_1392, %max3A_1421 : vector<256x128xi32>
    %max3A_1426 = arith.maxsi %min3A_1392, %max3A_1421 : vector<256x128xi32>
    %eq3A_1427 = arith.cmpi eq, %min3A_1425, %min3A_1392 : vector<256x128xi32>
    %select_n3A_1428 = arith.select %eq3A_1427, %select_n3A_1395, %select_n3A_1424 : vector<256x128xi1>, vector<256x128xi32>
    %select_n3A_1429 = arith.select %eq3A_1427, %select_n3A_1424, %select_n3A_1395 : vector<256x128xi1>, vector<256x128xi32>
    %min3A_1430 = arith.minsi %min3A_1397, %max3A_1426 : vector<256x128xi32>
    %max3A_1431 = arith.maxsi %min3A_1397, %max3A_1426 : vector<256x128xi32>
    %eq3A_1432 = arith.cmpi eq, %min3A_1430, %min3A_1397 : vector<256x128xi32>
    %select_n3A_1433 = arith.select %eq3A_1432, %select_n3A_1400, %select_n3A_1429 : vector<256x128xi1>, vector<256x128xi32>
    %select_n3A_1434 = arith.select %eq3A_1432, %select_n3A_1429, %select_n3A_1400 : vector<256x128xi1>, vector<256x128xi32>
    %min3A_1435 = arith.minsi %min3A_1402, %max3A_1431 : vector<256x128xi32>
    %max3A_1436 = arith.maxsi %min3A_1402, %max3A_1431 : vector<256x128xi32>
    %eq3A_1437 = arith.cmpi eq, %min3A_1435, %min3A_1402 : vector<256x128xi32>
    %select_n3A_1438 = arith.select %eq3A_1437, %select_n3A_1405, %select_n3A_1434 : vector<256x128xi1>, vector<256x128xi32>
    %select_n3A_1439 = arith.select %eq3A_1437, %select_n3A_1434, %select_n3A_1405 : vector<256x128xi1>, vector<256x128xi32>
    %min3A_1440 = arith.minsi %min3A_1407, %max3A_1436 : vector<256x128xi32>
    %eq3A_1441 = arith.cmpi eq, %min3A_1440, %min3A_1407 : vector<256x128xi32>
    %select_n3A_1442 = arith.select %eq3A_1441, %select_n3A_1409, %select_n3A_1439 : vector<256x128xi1>, vector<256x128xi32>
    %slice3A_1443 = vector.extract_strided_slice %select_n3A {offsets = [0, 5504], sizes = [256, 128], strides = [1, 1]} : vector<256x8192xi32> to vector<256x128xi32>
    %min3A_1444 = arith.minsi %min3A_1411, %slice3A_1443 : vector<256x128xi32>
    %max3A_1445 = arith.maxsi %min3A_1411, %slice3A_1443 : vector<256x128xi32>
    %eq3A_1446 = arith.cmpi eq, %min3A_1444, %min3A_1411 : vector<256x128xi32>
    %jit3A_1447 = arith.constant 43 : i32
    %broadcast_in_dim3A_1448 = vector.broadcast %jit3A_1447 : i32 to vector<256x128xi32>
    %select_n3A_1449 = arith.select %eq3A_1446, %select_n3A_1416, %broadcast_in_dim3A_1448 : vector<256x128xi1>, vector<256x128xi32>
    %jit3A_1450 = arith.constant 43 : i32
    %broadcast_in_dim3A_1451 = vector.broadcast %jit3A_1450 : i32 to vector<256x128xi32>
    %select_n3A_1452 = arith.select %eq3A_1446, %broadcast_in_dim3A_1451, %select_n3A_1416 : vector<256x128xi1>, vector<256x128xi32>
    %min3A_1453 = arith.minsi %min3A_1420, %max3A_1445 : vector<256x128xi32>
    %max3A_1454 = arith.maxsi %min3A_1420, %max3A_1445 : vector<256x128xi32>
    %eq3A_1455 = arith.cmpi eq, %min3A_1453, %min3A_1420 : vector<256x128xi32>
    %select_n3A_1456 = arith.select %eq3A_1455, %select_n3A_1423, %select_n3A_1452 : vector<256x128xi1>, vector<256x128xi32>
    %select_n3A_1457 = arith.select %eq3A_1455, %select_n3A_1452, %select_n3A_1423 : vector<256x128xi1>, vector<256x128xi32>
    %min3A_1458 = arith.minsi %min3A_1425, %max3A_1454 : vector<256x128xi32>
    %max3A_1459 = arith.maxsi %min3A_1425, %max3A_1454 : vector<256x128xi32>
    %eq3A_1460 = arith.cmpi eq, %min3A_1458, %min3A_1425 : vector<256x128xi32>
    %select_n3A_1461 = arith.select %eq3A_1460, %select_n3A_1428, %select_n3A_1457 : vector<256x128xi1>, vector<256x128xi32>
    %select_n3A_1462 = arith.select %eq3A_1460, %select_n3A_1457, %select_n3A_1428 : vector<256x128xi1>, vector<256x128xi32>
    %min3A_1463 = arith.minsi %min3A_1430, %max3A_1459 : vector<256x128xi32>
    %max3A_1464 = arith.maxsi %min3A_1430, %max3A_1459 : vector<256x128xi32>
    %eq3A_1465 = arith.cmpi eq, %min3A_1463, %min3A_1430 : vector<256x128xi32>
    %select_n3A_1466 = arith.select %eq3A_1465, %select_n3A_1433, %select_n3A_1462 : vector<256x128xi1>, vector<256x128xi32>
    %select_n3A_1467 = arith.select %eq3A_1465, %select_n3A_1462, %select_n3A_1433 : vector<256x128xi1>, vector<256x128xi32>
    %min3A_1468 = arith.minsi %min3A_1435, %max3A_1464 : vector<256x128xi32>
    %max3A_1469 = arith.maxsi %min3A_1435, %max3A_1464 : vector<256x128xi32>
    %eq3A_1470 = arith.cmpi eq, %min3A_1468, %min3A_1435 : vector<256x128xi32>
    %select_n3A_1471 = arith.select %eq3A_1470, %select_n3A_1438, %select_n3A_1467 : vector<256x128xi1>, vector<256x128xi32>
    %select_n3A_1472 = arith.select %eq3A_1470, %select_n3A_1467, %select_n3A_1438 : vector<256x128xi1>, vector<256x128xi32>
    %min3A_1473 = arith.minsi %min3A_1440, %max3A_1469 : vector<256x128xi32>
    %eq3A_1474 = arith.cmpi eq, %min3A_1473, %min3A_1440 : vector<256x128xi32>
    %select_n3A_1475 = arith.select %eq3A_1474, %select_n3A_1442, %select_n3A_1472 : vector<256x128xi1>, vector<256x128xi32>
    %slice3A_1476 = vector.extract_strided_slice %select_n3A {offsets = [0, 5632], sizes = [256, 128], strides = [1, 1]} : vector<256x8192xi32> to vector<256x128xi32>
    %min3A_1477 = arith.minsi %min3A_1444, %slice3A_1476 : vector<256x128xi32>
    %max3A_1478 = arith.maxsi %min3A_1444, %slice3A_1476 : vector<256x128xi32>
    %eq3A_1479 = arith.cmpi eq, %min3A_1477, %min3A_1444 : vector<256x128xi32>
    %jit3A_1480 = arith.constant 44 : i32
    %broadcast_in_dim3A_1481 = vector.broadcast %jit3A_1480 : i32 to vector<256x128xi32>
    %select_n3A_1482 = arith.select %eq3A_1479, %select_n3A_1449, %broadcast_in_dim3A_1481 : vector<256x128xi1>, vector<256x128xi32>
    %jit3A_1483 = arith.constant 44 : i32
    %broadcast_in_dim3A_1484 = vector.broadcast %jit3A_1483 : i32 to vector<256x128xi32>
    %select_n3A_1485 = arith.select %eq3A_1479, %broadcast_in_dim3A_1484, %select_n3A_1449 : vector<256x128xi1>, vector<256x128xi32>
    %min3A_1486 = arith.minsi %min3A_1453, %max3A_1478 : vector<256x128xi32>
    %max3A_1487 = arith.maxsi %min3A_1453, %max3A_1478 : vector<256x128xi32>
    %eq3A_1488 = arith.cmpi eq, %min3A_1486, %min3A_1453 : vector<256x128xi32>
    %select_n3A_1489 = arith.select %eq3A_1488, %select_n3A_1456, %select_n3A_1485 : vector<256x128xi1>, vector<256x128xi32>
    %select_n3A_1490 = arith.select %eq3A_1488, %select_n3A_1485, %select_n3A_1456 : vector<256x128xi1>, vector<256x128xi32>
    %min3A_1491 = arith.minsi %min3A_1458, %max3A_1487 : vector<256x128xi32>
    %max3A_1492 = arith.maxsi %min3A_1458, %max3A_1487 : vector<256x128xi32>
    %eq3A_1493 = arith.cmpi eq, %min3A_1491, %min3A_1458 : vector<256x128xi32>
    %select_n3A_1494 = arith.select %eq3A_1493, %select_n3A_1461, %select_n3A_1490 : vector<256x128xi1>, vector<256x128xi32>
    %select_n3A_1495 = arith.select %eq3A_1493, %select_n3A_1490, %select_n3A_1461 : vector<256x128xi1>, vector<256x128xi32>
    %min3A_1496 = arith.minsi %min3A_1463, %max3A_1492 : vector<256x128xi32>
    %max3A_1497 = arith.maxsi %min3A_1463, %max3A_1492 : vector<256x128xi32>
    %eq3A_1498 = arith.cmpi eq, %min3A_1496, %min3A_1463 : vector<256x128xi32>
    %select_n3A_1499 = arith.select %eq3A_1498, %select_n3A_1466, %select_n3A_1495 : vector<256x128xi1>, vector<256x128xi32>
    %select_n3A_1500 = arith.select %eq3A_1498, %select_n3A_1495, %select_n3A_1466 : vector<256x128xi1>, vector<256x128xi32>
    %min3A_1501 = arith.minsi %min3A_1468, %max3A_1497 : vector<256x128xi32>
    %max3A_1502 = arith.maxsi %min3A_1468, %max3A_1497 : vector<256x128xi32>
    %eq3A_1503 = arith.cmpi eq, %min3A_1501, %min3A_1468 : vector<256x128xi32>
    %select_n3A_1504 = arith.select %eq3A_1503, %select_n3A_1471, %select_n3A_1500 : vector<256x128xi1>, vector<256x128xi32>
    %select_n3A_1505 = arith.select %eq3A_1503, %select_n3A_1500, %select_n3A_1471 : vector<256x128xi1>, vector<256x128xi32>
    %min3A_1506 = arith.minsi %min3A_1473, %max3A_1502 : vector<256x128xi32>
    %eq3A_1507 = arith.cmpi eq, %min3A_1506, %min3A_1473 : vector<256x128xi32>
    %select_n3A_1508 = arith.select %eq3A_1507, %select_n3A_1475, %select_n3A_1505 : vector<256x128xi1>, vector<256x128xi32>
    %slice3A_1509 = vector.extract_strided_slice %select_n3A {offsets = [0, 5760], sizes = [256, 128], strides = [1, 1]} : vector<256x8192xi32> to vector<256x128xi32>
    %min3A_1510 = arith.minsi %min3A_1477, %slice3A_1509 : vector<256x128xi32>
    %max3A_1511 = arith.maxsi %min3A_1477, %slice3A_1509 : vector<256x128xi32>
    %eq3A_1512 = arith.cmpi eq, %min3A_1510, %min3A_1477 : vector<256x128xi32>
    %jit3A_1513 = arith.constant 45 : i32
    %broadcast_in_dim3A_1514 = vector.broadcast %jit3A_1513 : i32 to vector<256x128xi32>
    %select_n3A_1515 = arith.select %eq3A_1512, %select_n3A_1482, %broadcast_in_dim3A_1514 : vector<256x128xi1>, vector<256x128xi32>
    %jit3A_1516 = arith.constant 45 : i32
    %broadcast_in_dim3A_1517 = vector.broadcast %jit3A_1516 : i32 to vector<256x128xi32>
    %select_n3A_1518 = arith.select %eq3A_1512, %broadcast_in_dim3A_1517, %select_n3A_1482 : vector<256x128xi1>, vector<256x128xi32>
    %min3A_1519 = arith.minsi %min3A_1486, %max3A_1511 : vector<256x128xi32>
    %max3A_1520 = arith.maxsi %min3A_1486, %max3A_1511 : vector<256x128xi32>
    %eq3A_1521 = arith.cmpi eq, %min3A_1519, %min3A_1486 : vector<256x128xi32>
    %select_n3A_1522 = arith.select %eq3A_1521, %select_n3A_1489, %select_n3A_1518 : vector<256x128xi1>, vector<256x128xi32>
    %select_n3A_1523 = arith.select %eq3A_1521, %select_n3A_1518, %select_n3A_1489 : vector<256x128xi1>, vector<256x128xi32>
    %min3A_1524 = arith.minsi %min3A_1491, %max3A_1520 : vector<256x128xi32>
    %max3A_1525 = arith.maxsi %min3A_1491, %max3A_1520 : vector<256x128xi32>
    %eq3A_1526 = arith.cmpi eq, %min3A_1524, %min3A_1491 : vector<256x128xi32>
    %select_n3A_1527 = arith.select %eq3A_1526, %select_n3A_1494, %select_n3A_1523 : vector<256x128xi1>, vector<256x128xi32>
    %select_n3A_1528 = arith.select %eq3A_1526, %select_n3A_1523, %select_n3A_1494 : vector<256x128xi1>, vector<256x128xi32>
    %min3A_1529 = arith.minsi %min3A_1496, %max3A_1525 : vector<256x128xi32>
    %max3A_1530 = arith.maxsi %min3A_1496, %max3A_1525 : vector<256x128xi32>
    %eq3A_1531 = arith.cmpi eq, %min3A_1529, %min3A_1496 : vector<256x128xi32>
    %select_n3A_1532 = arith.select %eq3A_1531, %select_n3A_1499, %select_n3A_1528 : vector<256x128xi1>, vector<256x128xi32>
    %select_n3A_1533 = arith.select %eq3A_1531, %select_n3A_1528, %select_n3A_1499 : vector<256x128xi1>, vector<256x128xi32>
    %min3A_1534 = arith.minsi %min3A_1501, %max3A_1530 : vector<256x128xi32>
    %max3A_1535 = arith.maxsi %min3A_1501, %max3A_1530 : vector<256x128xi32>
    %eq3A_1536 = arith.cmpi eq, %min3A_1534, %min3A_1501 : vector<256x128xi32>
    %select_n3A_1537 = arith.select %eq3A_1536, %select_n3A_1504, %select_n3A_1533 : vector<256x128xi1>, vector<256x128xi32>
    %select_n3A_1538 = arith.select %eq3A_1536, %select_n3A_1533, %select_n3A_1504 : vector<256x128xi1>, vector<256x128xi32>
    %min3A_1539 = arith.minsi %min3A_1506, %max3A_1535 : vector<256x128xi32>
    %eq3A_1540 = arith.cmpi eq, %min3A_1539, %min3A_1506 : vector<256x128xi32>
    %select_n3A_1541 = arith.select %eq3A_1540, %select_n3A_1508, %select_n3A_1538 : vector<256x128xi1>, vector<256x128xi32>
    %slice3A_1542 = vector.extract_strided_slice %select_n3A {offsets = [0, 5888], sizes = [256, 128], strides = [1, 1]} : vector<256x8192xi32> to vector<256x128xi32>
    %min3A_1543 = arith.minsi %min3A_1510, %slice3A_1542 : vector<256x128xi32>
    %max3A_1544 = arith.maxsi %min3A_1510, %slice3A_1542 : vector<256x128xi32>
    %eq3A_1545 = arith.cmpi eq, %min3A_1543, %min3A_1510 : vector<256x128xi32>
    %jit3A_1546 = arith.constant 46 : i32
    %broadcast_in_dim3A_1547 = vector.broadcast %jit3A_1546 : i32 to vector<256x128xi32>
    %select_n3A_1548 = arith.select %eq3A_1545, %select_n3A_1515, %broadcast_in_dim3A_1547 : vector<256x128xi1>, vector<256x128xi32>
    %jit3A_1549 = arith.constant 46 : i32
    %broadcast_in_dim3A_1550 = vector.broadcast %jit3A_1549 : i32 to vector<256x128xi32>
    %select_n3A_1551 = arith.select %eq3A_1545, %broadcast_in_dim3A_1550, %select_n3A_1515 : vector<256x128xi1>, vector<256x128xi32>
    %min3A_1552 = arith.minsi %min3A_1519, %max3A_1544 : vector<256x128xi32>
    %max3A_1553 = arith.maxsi %min3A_1519, %max3A_1544 : vector<256x128xi32>
    %eq3A_1554 = arith.cmpi eq, %min3A_1552, %min3A_1519 : vector<256x128xi32>
    %select_n3A_1555 = arith.select %eq3A_1554, %select_n3A_1522, %select_n3A_1551 : vector<256x128xi1>, vector<256x128xi32>
    %select_n3A_1556 = arith.select %eq3A_1554, %select_n3A_1551, %select_n3A_1522 : vector<256x128xi1>, vector<256x128xi32>
    %min3A_1557 = arith.minsi %min3A_1524, %max3A_1553 : vector<256x128xi32>
    %max3A_1558 = arith.maxsi %min3A_1524, %max3A_1553 : vector<256x128xi32>
    %eq3A_1559 = arith.cmpi eq, %min3A_1557, %min3A_1524 : vector<256x128xi32>
    %select_n3A_1560 = arith.select %eq3A_1559, %select_n3A_1527, %select_n3A_1556 : vector<256x128xi1>, vector<256x128xi32>
    %select_n3A_1561 = arith.select %eq3A_1559, %select_n3A_1556, %select_n3A_1527 : vector<256x128xi1>, vector<256x128xi32>
    %min3A_1562 = arith.minsi %min3A_1529, %max3A_1558 : vector<256x128xi32>
    %max3A_1563 = arith.maxsi %min3A_1529, %max3A_1558 : vector<256x128xi32>
    %eq3A_1564 = arith.cmpi eq, %min3A_1562, %min3A_1529 : vector<256x128xi32>
    %select_n3A_1565 = arith.select %eq3A_1564, %select_n3A_1532, %select_n3A_1561 : vector<256x128xi1>, vector<256x128xi32>
    %select_n3A_1566 = arith.select %eq3A_1564, %select_n3A_1561, %select_n3A_1532 : vector<256x128xi1>, vector<256x128xi32>
    %min3A_1567 = arith.minsi %min3A_1534, %max3A_1563 : vector<256x128xi32>
    %max3A_1568 = arith.maxsi %min3A_1534, %max3A_1563 : vector<256x128xi32>
    %eq3A_1569 = arith.cmpi eq, %min3A_1567, %min3A_1534 : vector<256x128xi32>
    %select_n3A_1570 = arith.select %eq3A_1569, %select_n3A_1537, %select_n3A_1566 : vector<256x128xi1>, vector<256x128xi32>
    %select_n3A_1571 = arith.select %eq3A_1569, %select_n3A_1566, %select_n3A_1537 : vector<256x128xi1>, vector<256x128xi32>
    %min3A_1572 = arith.minsi %min3A_1539, %max3A_1568 : vector<256x128xi32>
    %eq3A_1573 = arith.cmpi eq, %min3A_1572, %min3A_1539 : vector<256x128xi32>
    %select_n3A_1574 = arith.select %eq3A_1573, %select_n3A_1541, %select_n3A_1571 : vector<256x128xi1>, vector<256x128xi32>
    %slice3A_1575 = vector.extract_strided_slice %select_n3A {offsets = [0, 6016], sizes = [256, 128], strides = [1, 1]} : vector<256x8192xi32> to vector<256x128xi32>
    %min3A_1576 = arith.minsi %min3A_1543, %slice3A_1575 : vector<256x128xi32>
    %max3A_1577 = arith.maxsi %min3A_1543, %slice3A_1575 : vector<256x128xi32>
    %eq3A_1578 = arith.cmpi eq, %min3A_1576, %min3A_1543 : vector<256x128xi32>
    %jit3A_1579 = arith.constant 47 : i32
    %broadcast_in_dim3A_1580 = vector.broadcast %jit3A_1579 : i32 to vector<256x128xi32>
    %select_n3A_1581 = arith.select %eq3A_1578, %select_n3A_1548, %broadcast_in_dim3A_1580 : vector<256x128xi1>, vector<256x128xi32>
    %jit3A_1582 = arith.constant 47 : i32
    %broadcast_in_dim3A_1583 = vector.broadcast %jit3A_1582 : i32 to vector<256x128xi32>
    %select_n3A_1584 = arith.select %eq3A_1578, %broadcast_in_dim3A_1583, %select_n3A_1548 : vector<256x128xi1>, vector<256x128xi32>
    %min3A_1585 = arith.minsi %min3A_1552, %max3A_1577 : vector<256x128xi32>
    %max3A_1586 = arith.maxsi %min3A_1552, %max3A_1577 : vector<256x128xi32>
    %eq3A_1587 = arith.cmpi eq, %min3A_1585, %min3A_1552 : vector<256x128xi32>
    %select_n3A_1588 = arith.select %eq3A_1587, %select_n3A_1555, %select_n3A_1584 : vector<256x128xi1>, vector<256x128xi32>
    %select_n3A_1589 = arith.select %eq3A_1587, %select_n3A_1584, %select_n3A_1555 : vector<256x128xi1>, vector<256x128xi32>
    %min3A_1590 = arith.minsi %min3A_1557, %max3A_1586 : vector<256x128xi32>
    %max3A_1591 = arith.maxsi %min3A_1557, %max3A_1586 : vector<256x128xi32>
    %eq3A_1592 = arith.cmpi eq, %min3A_1590, %min3A_1557 : vector<256x128xi32>
    %select_n3A_1593 = arith.select %eq3A_1592, %select_n3A_1560, %select_n3A_1589 : vector<256x128xi1>, vector<256x128xi32>
    %select_n3A_1594 = arith.select %eq3A_1592, %select_n3A_1589, %select_n3A_1560 : vector<256x128xi1>, vector<256x128xi32>
    %min3A_1595 = arith.minsi %min3A_1562, %max3A_1591 : vector<256x128xi32>
    %max3A_1596 = arith.maxsi %min3A_1562, %max3A_1591 : vector<256x128xi32>
    %eq3A_1597 = arith.cmpi eq, %min3A_1595, %min3A_1562 : vector<256x128xi32>
    %select_n3A_1598 = arith.select %eq3A_1597, %select_n3A_1565, %select_n3A_1594 : vector<256x128xi1>, vector<256x128xi32>
    %select_n3A_1599 = arith.select %eq3A_1597, %select_n3A_1594, %select_n3A_1565 : vector<256x128xi1>, vector<256x128xi32>
    %min3A_1600 = arith.minsi %min3A_1567, %max3A_1596 : vector<256x128xi32>
    %max3A_1601 = arith.maxsi %min3A_1567, %max3A_1596 : vector<256x128xi32>
    %eq3A_1602 = arith.cmpi eq, %min3A_1600, %min3A_1567 : vector<256x128xi32>
    %select_n3A_1603 = arith.select %eq3A_1602, %select_n3A_1570, %select_n3A_1599 : vector<256x128xi1>, vector<256x128xi32>
    %select_n3A_1604 = arith.select %eq3A_1602, %select_n3A_1599, %select_n3A_1570 : vector<256x128xi1>, vector<256x128xi32>
    %min3A_1605 = arith.minsi %min3A_1572, %max3A_1601 : vector<256x128xi32>
    %eq3A_1606 = arith.cmpi eq, %min3A_1605, %min3A_1572 : vector<256x128xi32>
    %select_n3A_1607 = arith.select %eq3A_1606, %select_n3A_1574, %select_n3A_1604 : vector<256x128xi1>, vector<256x128xi32>
    %slice3A_1608 = vector.extract_strided_slice %select_n3A {offsets = [0, 6144], sizes = [256, 128], strides = [1, 1]} : vector<256x8192xi32> to vector<256x128xi32>
    %min3A_1609 = arith.minsi %min3A_1576, %slice3A_1608 : vector<256x128xi32>
    %max3A_1610 = arith.maxsi %min3A_1576, %slice3A_1608 : vector<256x128xi32>
    %eq3A_1611 = arith.cmpi eq, %min3A_1609, %min3A_1576 : vector<256x128xi32>
    %jit3A_1612 = arith.constant 48 : i32
    %broadcast_in_dim3A_1613 = vector.broadcast %jit3A_1612 : i32 to vector<256x128xi32>
    %select_n3A_1614 = arith.select %eq3A_1611, %select_n3A_1581, %broadcast_in_dim3A_1613 : vector<256x128xi1>, vector<256x128xi32>
    %jit3A_1615 = arith.constant 48 : i32
    %broadcast_in_dim3A_1616 = vector.broadcast %jit3A_1615 : i32 to vector<256x128xi32>
    %select_n3A_1617 = arith.select %eq3A_1611, %broadcast_in_dim3A_1616, %select_n3A_1581 : vector<256x128xi1>, vector<256x128xi32>
    %min3A_1618 = arith.minsi %min3A_1585, %max3A_1610 : vector<256x128xi32>
    %max3A_1619 = arith.maxsi %min3A_1585, %max3A_1610 : vector<256x128xi32>
    %eq3A_1620 = arith.cmpi eq, %min3A_1618, %min3A_1585 : vector<256x128xi32>
    %select_n3A_1621 = arith.select %eq3A_1620, %select_n3A_1588, %select_n3A_1617 : vector<256x128xi1>, vector<256x128xi32>
    %select_n3A_1622 = arith.select %eq3A_1620, %select_n3A_1617, %select_n3A_1588 : vector<256x128xi1>, vector<256x128xi32>
    %min3A_1623 = arith.minsi %min3A_1590, %max3A_1619 : vector<256x128xi32>
    %max3A_1624 = arith.maxsi %min3A_1590, %max3A_1619 : vector<256x128xi32>
    %eq3A_1625 = arith.cmpi eq, %min3A_1623, %min3A_1590 : vector<256x128xi32>
    %select_n3A_1626 = arith.select %eq3A_1625, %select_n3A_1593, %select_n3A_1622 : vector<256x128xi1>, vector<256x128xi32>
    %select_n3A_1627 = arith.select %eq3A_1625, %select_n3A_1622, %select_n3A_1593 : vector<256x128xi1>, vector<256x128xi32>
    %min3A_1628 = arith.minsi %min3A_1595, %max3A_1624 : vector<256x128xi32>
    %max3A_1629 = arith.maxsi %min3A_1595, %max3A_1624 : vector<256x128xi32>
    %eq3A_1630 = arith.cmpi eq, %min3A_1628, %min3A_1595 : vector<256x128xi32>
    %select_n3A_1631 = arith.select %eq3A_1630, %select_n3A_1598, %select_n3A_1627 : vector<256x128xi1>, vector<256x128xi32>
    %select_n3A_1632 = arith.select %eq3A_1630, %select_n3A_1627, %select_n3A_1598 : vector<256x128xi1>, vector<256x128xi32>
    %min3A_1633 = arith.minsi %min3A_1600, %max3A_1629 : vector<256x128xi32>
    %max3A_1634 = arith.maxsi %min3A_1600, %max3A_1629 : vector<256x128xi32>
    %eq3A_1635 = arith.cmpi eq, %min3A_1633, %min3A_1600 : vector<256x128xi32>
    %select_n3A_1636 = arith.select %eq3A_1635, %select_n3A_1603, %select_n3A_1632 : vector<256x128xi1>, vector<256x128xi32>
    %select_n3A_1637 = arith.select %eq3A_1635, %select_n3A_1632, %select_n3A_1603 : vector<256x128xi1>, vector<256x128xi32>
    %min3A_1638 = arith.minsi %min3A_1605, %max3A_1634 : vector<256x128xi32>
    %eq3A_1639 = arith.cmpi eq, %min3A_1638, %min3A_1605 : vector<256x128xi32>
    %select_n3A_1640 = arith.select %eq3A_1639, %select_n3A_1607, %select_n3A_1637 : vector<256x128xi1>, vector<256x128xi32>
    %slice3A_1641 = vector.extract_strided_slice %select_n3A {offsets = [0, 6272], sizes = [256, 128], strides = [1, 1]} : vector<256x8192xi32> to vector<256x128xi32>
    %min3A_1642 = arith.minsi %min3A_1609, %slice3A_1641 : vector<256x128xi32>
    %max3A_1643 = arith.maxsi %min3A_1609, %slice3A_1641 : vector<256x128xi32>
    %eq3A_1644 = arith.cmpi eq, %min3A_1642, %min3A_1609 : vector<256x128xi32>
    %jit3A_1645 = arith.constant 49 : i32
    %broadcast_in_dim3A_1646 = vector.broadcast %jit3A_1645 : i32 to vector<256x128xi32>
    %select_n3A_1647 = arith.select %eq3A_1644, %select_n3A_1614, %broadcast_in_dim3A_1646 : vector<256x128xi1>, vector<256x128xi32>
    %jit3A_1648 = arith.constant 49 : i32
    %broadcast_in_dim3A_1649 = vector.broadcast %jit3A_1648 : i32 to vector<256x128xi32>
    %select_n3A_1650 = arith.select %eq3A_1644, %broadcast_in_dim3A_1649, %select_n3A_1614 : vector<256x128xi1>, vector<256x128xi32>
    %min3A_1651 = arith.minsi %min3A_1618, %max3A_1643 : vector<256x128xi32>
    %max3A_1652 = arith.maxsi %min3A_1618, %max3A_1643 : vector<256x128xi32>
    %eq3A_1653 = arith.cmpi eq, %min3A_1651, %min3A_1618 : vector<256x128xi32>
    %select_n3A_1654 = arith.select %eq3A_1653, %select_n3A_1621, %select_n3A_1650 : vector<256x128xi1>, vector<256x128xi32>
    %select_n3A_1655 = arith.select %eq3A_1653, %select_n3A_1650, %select_n3A_1621 : vector<256x128xi1>, vector<256x128xi32>
    %min3A_1656 = arith.minsi %min3A_1623, %max3A_1652 : vector<256x128xi32>
    %max3A_1657 = arith.maxsi %min3A_1623, %max3A_1652 : vector<256x128xi32>
    %eq3A_1658 = arith.cmpi eq, %min3A_1656, %min3A_1623 : vector<256x128xi32>
    %select_n3A_1659 = arith.select %eq3A_1658, %select_n3A_1626, %select_n3A_1655 : vector<256x128xi1>, vector<256x128xi32>
    %select_n3A_1660 = arith.select %eq3A_1658, %select_n3A_1655, %select_n3A_1626 : vector<256x128xi1>, vector<256x128xi32>
    %min3A_1661 = arith.minsi %min3A_1628, %max3A_1657 : vector<256x128xi32>
    %max3A_1662 = arith.maxsi %min3A_1628, %max3A_1657 : vector<256x128xi32>
    %eq3A_1663 = arith.cmpi eq, %min3A_1661, %min3A_1628 : vector<256x128xi32>
    %select_n3A_1664 = arith.select %eq3A_1663, %select_n3A_1631, %select_n3A_1660 : vector<256x128xi1>, vector<256x128xi32>
    %select_n3A_1665 = arith.select %eq3A_1663, %select_n3A_1660, %select_n3A_1631 : vector<256x128xi1>, vector<256x128xi32>
    %min3A_1666 = arith.minsi %min3A_1633, %max3A_1662 : vector<256x128xi32>
    %max3A_1667 = arith.maxsi %min3A_1633, %max3A_1662 : vector<256x128xi32>
    %eq3A_1668 = arith.cmpi eq, %min3A_1666, %min3A_1633 : vector<256x128xi32>
    %select_n3A_1669 = arith.select %eq3A_1668, %select_n3A_1636, %select_n3A_1665 : vector<256x128xi1>, vector<256x128xi32>
    %select_n3A_1670 = arith.select %eq3A_1668, %select_n3A_1665, %select_n3A_1636 : vector<256x128xi1>, vector<256x128xi32>
    %min3A_1671 = arith.minsi %min3A_1638, %max3A_1667 : vector<256x128xi32>
    %eq3A_1672 = arith.cmpi eq, %min3A_1671, %min3A_1638 : vector<256x128xi32>
    %select_n3A_1673 = arith.select %eq3A_1672, %select_n3A_1640, %select_n3A_1670 : vector<256x128xi1>, vector<256x128xi32>
    %slice3A_1674 = vector.extract_strided_slice %select_n3A {offsets = [0, 6400], sizes = [256, 128], strides = [1, 1]} : vector<256x8192xi32> to vector<256x128xi32>
    %min3A_1675 = arith.minsi %min3A_1642, %slice3A_1674 : vector<256x128xi32>
    %max3A_1676 = arith.maxsi %min3A_1642, %slice3A_1674 : vector<256x128xi32>
    %eq3A_1677 = arith.cmpi eq, %min3A_1675, %min3A_1642 : vector<256x128xi32>
    %jit3A_1678 = arith.constant 50 : i32
    %broadcast_in_dim3A_1679 = vector.broadcast %jit3A_1678 : i32 to vector<256x128xi32>
    %select_n3A_1680 = arith.select %eq3A_1677, %select_n3A_1647, %broadcast_in_dim3A_1679 : vector<256x128xi1>, vector<256x128xi32>
    %jit3A_1681 = arith.constant 50 : i32
    %broadcast_in_dim3A_1682 = vector.broadcast %jit3A_1681 : i32 to vector<256x128xi32>
    %select_n3A_1683 = arith.select %eq3A_1677, %broadcast_in_dim3A_1682, %select_n3A_1647 : vector<256x128xi1>, vector<256x128xi32>
    %min3A_1684 = arith.minsi %min3A_1651, %max3A_1676 : vector<256x128xi32>
    %max3A_1685 = arith.maxsi %min3A_1651, %max3A_1676 : vector<256x128xi32>
    %eq3A_1686 = arith.cmpi eq, %min3A_1684, %min3A_1651 : vector<256x128xi32>
    %select_n3A_1687 = arith.select %eq3A_1686, %select_n3A_1654, %select_n3A_1683 : vector<256x128xi1>, vector<256x128xi32>
    %select_n3A_1688 = arith.select %eq3A_1686, %select_n3A_1683, %select_n3A_1654 : vector<256x128xi1>, vector<256x128xi32>
    %min3A_1689 = arith.minsi %min3A_1656, %max3A_1685 : vector<256x128xi32>
    %max3A_1690 = arith.maxsi %min3A_1656, %max3A_1685 : vector<256x128xi32>
    %eq3A_1691 = arith.cmpi eq, %min3A_1689, %min3A_1656 : vector<256x128xi32>
    %select_n3A_1692 = arith.select %eq3A_1691, %select_n3A_1659, %select_n3A_1688 : vector<256x128xi1>, vector<256x128xi32>
    %select_n3A_1693 = arith.select %eq3A_1691, %select_n3A_1688, %select_n3A_1659 : vector<256x128xi1>, vector<256x128xi32>
    %min3A_1694 = arith.minsi %min3A_1661, %max3A_1690 : vector<256x128xi32>
    %max3A_1695 = arith.maxsi %min3A_1661, %max3A_1690 : vector<256x128xi32>
    %eq3A_1696 = arith.cmpi eq, %min3A_1694, %min3A_1661 : vector<256x128xi32>
    %select_n3A_1697 = arith.select %eq3A_1696, %select_n3A_1664, %select_n3A_1693 : vector<256x128xi1>, vector<256x128xi32>
    %select_n3A_1698 = arith.select %eq3A_1696, %select_n3A_1693, %select_n3A_1664 : vector<256x128xi1>, vector<256x128xi32>
    %min3A_1699 = arith.minsi %min3A_1666, %max3A_1695 : vector<256x128xi32>
    %max3A_1700 = arith.maxsi %min3A_1666, %max3A_1695 : vector<256x128xi32>
    %eq3A_1701 = arith.cmpi eq, %min3A_1699, %min3A_1666 : vector<256x128xi32>
    %select_n3A_1702 = arith.select %eq3A_1701, %select_n3A_1669, %select_n3A_1698 : vector<256x128xi1>, vector<256x128xi32>
    %select_n3A_1703 = arith.select %eq3A_1701, %select_n3A_1698, %select_n3A_1669 : vector<256x128xi1>, vector<256x128xi32>
    %min3A_1704 = arith.minsi %min3A_1671, %max3A_1700 : vector<256x128xi32>
    %eq3A_1705 = arith.cmpi eq, %min3A_1704, %min3A_1671 : vector<256x128xi32>
    %select_n3A_1706 = arith.select %eq3A_1705, %select_n3A_1673, %select_n3A_1703 : vector<256x128xi1>, vector<256x128xi32>
    %slice3A_1707 = vector.extract_strided_slice %select_n3A {offsets = [0, 6528], sizes = [256, 128], strides = [1, 1]} : vector<256x8192xi32> to vector<256x128xi32>
    %min3A_1708 = arith.minsi %min3A_1675, %slice3A_1707 : vector<256x128xi32>
    %max3A_1709 = arith.maxsi %min3A_1675, %slice3A_1707 : vector<256x128xi32>
    %eq3A_1710 = arith.cmpi eq, %min3A_1708, %min3A_1675 : vector<256x128xi32>
    %jit3A_1711 = arith.constant 51 : i32
    %broadcast_in_dim3A_1712 = vector.broadcast %jit3A_1711 : i32 to vector<256x128xi32>
    %select_n3A_1713 = arith.select %eq3A_1710, %select_n3A_1680, %broadcast_in_dim3A_1712 : vector<256x128xi1>, vector<256x128xi32>
    %jit3A_1714 = arith.constant 51 : i32
    %broadcast_in_dim3A_1715 = vector.broadcast %jit3A_1714 : i32 to vector<256x128xi32>
    %select_n3A_1716 = arith.select %eq3A_1710, %broadcast_in_dim3A_1715, %select_n3A_1680 : vector<256x128xi1>, vector<256x128xi32>
    %min3A_1717 = arith.minsi %min3A_1684, %max3A_1709 : vector<256x128xi32>
    %max3A_1718 = arith.maxsi %min3A_1684, %max3A_1709 : vector<256x128xi32>
    %eq3A_1719 = arith.cmpi eq, %min3A_1717, %min3A_1684 : vector<256x128xi32>
    %select_n3A_1720 = arith.select %eq3A_1719, %select_n3A_1687, %select_n3A_1716 : vector<256x128xi1>, vector<256x128xi32>
    %select_n3A_1721 = arith.select %eq3A_1719, %select_n3A_1716, %select_n3A_1687 : vector<256x128xi1>, vector<256x128xi32>
    %min3A_1722 = arith.minsi %min3A_1689, %max3A_1718 : vector<256x128xi32>
    %max3A_1723 = arith.maxsi %min3A_1689, %max3A_1718 : vector<256x128xi32>
    %eq3A_1724 = arith.cmpi eq, %min3A_1722, %min3A_1689 : vector<256x128xi32>
    %select_n3A_1725 = arith.select %eq3A_1724, %select_n3A_1692, %select_n3A_1721 : vector<256x128xi1>, vector<256x128xi32>
    %select_n3A_1726 = arith.select %eq3A_1724, %select_n3A_1721, %select_n3A_1692 : vector<256x128xi1>, vector<256x128xi32>
    %min3A_1727 = arith.minsi %min3A_1694, %max3A_1723 : vector<256x128xi32>
    %max3A_1728 = arith.maxsi %min3A_1694, %max3A_1723 : vector<256x128xi32>
    %eq3A_1729 = arith.cmpi eq, %min3A_1727, %min3A_1694 : vector<256x128xi32>
    %select_n3A_1730 = arith.select %eq3A_1729, %select_n3A_1697, %select_n3A_1726 : vector<256x128xi1>, vector<256x128xi32>
    %select_n3A_1731 = arith.select %eq3A_1729, %select_n3A_1726, %select_n3A_1697 : vector<256x128xi1>, vector<256x128xi32>
    %min3A_1732 = arith.minsi %min3A_1699, %max3A_1728 : vector<256x128xi32>
    %max3A_1733 = arith.maxsi %min3A_1699, %max3A_1728 : vector<256x128xi32>
    %eq3A_1734 = arith.cmpi eq, %min3A_1732, %min3A_1699 : vector<256x128xi32>
    %select_n3A_1735 = arith.select %eq3A_1734, %select_n3A_1702, %select_n3A_1731 : vector<256x128xi1>, vector<256x128xi32>
    %select_n3A_1736 = arith.select %eq3A_1734, %select_n3A_1731, %select_n3A_1702 : vector<256x128xi1>, vector<256x128xi32>
    %min3A_1737 = arith.minsi %min3A_1704, %max3A_1733 : vector<256x128xi32>
    %eq3A_1738 = arith.cmpi eq, %min3A_1737, %min3A_1704 : vector<256x128xi32>
    %select_n3A_1739 = arith.select %eq3A_1738, %select_n3A_1706, %select_n3A_1736 : vector<256x128xi1>, vector<256x128xi32>
    %slice3A_1740 = vector.extract_strided_slice %select_n3A {offsets = [0, 6656], sizes = [256, 128], strides = [1, 1]} : vector<256x8192xi32> to vector<256x128xi32>
    %min3A_1741 = arith.minsi %min3A_1708, %slice3A_1740 : vector<256x128xi32>
    %max3A_1742 = arith.maxsi %min3A_1708, %slice3A_1740 : vector<256x128xi32>
    %eq3A_1743 = arith.cmpi eq, %min3A_1741, %min3A_1708 : vector<256x128xi32>
    %jit3A_1744 = arith.constant 52 : i32
    %broadcast_in_dim3A_1745 = vector.broadcast %jit3A_1744 : i32 to vector<256x128xi32>
    %select_n3A_1746 = arith.select %eq3A_1743, %select_n3A_1713, %broadcast_in_dim3A_1745 : vector<256x128xi1>, vector<256x128xi32>
    %jit3A_1747 = arith.constant 52 : i32
    %broadcast_in_dim3A_1748 = vector.broadcast %jit3A_1747 : i32 to vector<256x128xi32>
    %select_n3A_1749 = arith.select %eq3A_1743, %broadcast_in_dim3A_1748, %select_n3A_1713 : vector<256x128xi1>, vector<256x128xi32>
    %min3A_1750 = arith.minsi %min3A_1717, %max3A_1742 : vector<256x128xi32>
    %max3A_1751 = arith.maxsi %min3A_1717, %max3A_1742 : vector<256x128xi32>
    %eq3A_1752 = arith.cmpi eq, %min3A_1750, %min3A_1717 : vector<256x128xi32>
    %select_n3A_1753 = arith.select %eq3A_1752, %select_n3A_1720, %select_n3A_1749 : vector<256x128xi1>, vector<256x128xi32>
    %select_n3A_1754 = arith.select %eq3A_1752, %select_n3A_1749, %select_n3A_1720 : vector<256x128xi1>, vector<256x128xi32>
    %min3A_1755 = arith.minsi %min3A_1722, %max3A_1751 : vector<256x128xi32>
    %max3A_1756 = arith.maxsi %min3A_1722, %max3A_1751 : vector<256x128xi32>
    %eq3A_1757 = arith.cmpi eq, %min3A_1755, %min3A_1722 : vector<256x128xi32>
    %select_n3A_1758 = arith.select %eq3A_1757, %select_n3A_1725, %select_n3A_1754 : vector<256x128xi1>, vector<256x128xi32>
    %select_n3A_1759 = arith.select %eq3A_1757, %select_n3A_1754, %select_n3A_1725 : vector<256x128xi1>, vector<256x128xi32>
    %min3A_1760 = arith.minsi %min3A_1727, %max3A_1756 : vector<256x128xi32>
    %max3A_1761 = arith.maxsi %min3A_1727, %max3A_1756 : vector<256x128xi32>
    %eq3A_1762 = arith.cmpi eq, %min3A_1760, %min3A_1727 : vector<256x128xi32>
    %select_n3A_1763 = arith.select %eq3A_1762, %select_n3A_1730, %select_n3A_1759 : vector<256x128xi1>, vector<256x128xi32>
    %select_n3A_1764 = arith.select %eq3A_1762, %select_n3A_1759, %select_n3A_1730 : vector<256x128xi1>, vector<256x128xi32>
    %min3A_1765 = arith.minsi %min3A_1732, %max3A_1761 : vector<256x128xi32>
    %max3A_1766 = arith.maxsi %min3A_1732, %max3A_1761 : vector<256x128xi32>
    %eq3A_1767 = arith.cmpi eq, %min3A_1765, %min3A_1732 : vector<256x128xi32>
    %select_n3A_1768 = arith.select %eq3A_1767, %select_n3A_1735, %select_n3A_1764 : vector<256x128xi1>, vector<256x128xi32>
    %select_n3A_1769 = arith.select %eq3A_1767, %select_n3A_1764, %select_n3A_1735 : vector<256x128xi1>, vector<256x128xi32>
    %min3A_1770 = arith.minsi %min3A_1737, %max3A_1766 : vector<256x128xi32>
    %eq3A_1771 = arith.cmpi eq, %min3A_1770, %min3A_1737 : vector<256x128xi32>
    %select_n3A_1772 = arith.select %eq3A_1771, %select_n3A_1739, %select_n3A_1769 : vector<256x128xi1>, vector<256x128xi32>
    %slice3A_1773 = vector.extract_strided_slice %select_n3A {offsets = [0, 6784], sizes = [256, 128], strides = [1, 1]} : vector<256x8192xi32> to vector<256x128xi32>
    %min3A_1774 = arith.minsi %min3A_1741, %slice3A_1773 : vector<256x128xi32>
    %max3A_1775 = arith.maxsi %min3A_1741, %slice3A_1773 : vector<256x128xi32>
    %eq3A_1776 = arith.cmpi eq, %min3A_1774, %min3A_1741 : vector<256x128xi32>
    %jit3A_1777 = arith.constant 53 : i32
    %broadcast_in_dim3A_1778 = vector.broadcast %jit3A_1777 : i32 to vector<256x128xi32>
    %select_n3A_1779 = arith.select %eq3A_1776, %select_n3A_1746, %broadcast_in_dim3A_1778 : vector<256x128xi1>, vector<256x128xi32>
    %jit3A_1780 = arith.constant 53 : i32
    %broadcast_in_dim3A_1781 = vector.broadcast %jit3A_1780 : i32 to vector<256x128xi32>
    %select_n3A_1782 = arith.select %eq3A_1776, %broadcast_in_dim3A_1781, %select_n3A_1746 : vector<256x128xi1>, vector<256x128xi32>
    %min3A_1783 = arith.minsi %min3A_1750, %max3A_1775 : vector<256x128xi32>
    %max3A_1784 = arith.maxsi %min3A_1750, %max3A_1775 : vector<256x128xi32>
    %eq3A_1785 = arith.cmpi eq, %min3A_1783, %min3A_1750 : vector<256x128xi32>
    %select_n3A_1786 = arith.select %eq3A_1785, %select_n3A_1753, %select_n3A_1782 : vector<256x128xi1>, vector<256x128xi32>
    %select_n3A_1787 = arith.select %eq3A_1785, %select_n3A_1782, %select_n3A_1753 : vector<256x128xi1>, vector<256x128xi32>
    %min3A_1788 = arith.minsi %min3A_1755, %max3A_1784 : vector<256x128xi32>
    %max3A_1789 = arith.maxsi %min3A_1755, %max3A_1784 : vector<256x128xi32>
    %eq3A_1790 = arith.cmpi eq, %min3A_1788, %min3A_1755 : vector<256x128xi32>
    %select_n3A_1791 = arith.select %eq3A_1790, %select_n3A_1758, %select_n3A_1787 : vector<256x128xi1>, vector<256x128xi32>
    %select_n3A_1792 = arith.select %eq3A_1790, %select_n3A_1787, %select_n3A_1758 : vector<256x128xi1>, vector<256x128xi32>
    %min3A_1793 = arith.minsi %min3A_1760, %max3A_1789 : vector<256x128xi32>
    %max3A_1794 = arith.maxsi %min3A_1760, %max3A_1789 : vector<256x128xi32>
    %eq3A_1795 = arith.cmpi eq, %min3A_1793, %min3A_1760 : vector<256x128xi32>
    %select_n3A_1796 = arith.select %eq3A_1795, %select_n3A_1763, %select_n3A_1792 : vector<256x128xi1>, vector<256x128xi32>
    %select_n3A_1797 = arith.select %eq3A_1795, %select_n3A_1792, %select_n3A_1763 : vector<256x128xi1>, vector<256x128xi32>
    %min3A_1798 = arith.minsi %min3A_1765, %max3A_1794 : vector<256x128xi32>
    %max3A_1799 = arith.maxsi %min3A_1765, %max3A_1794 : vector<256x128xi32>
    %eq3A_1800 = arith.cmpi eq, %min3A_1798, %min3A_1765 : vector<256x128xi32>
    %select_n3A_1801 = arith.select %eq3A_1800, %select_n3A_1768, %select_n3A_1797 : vector<256x128xi1>, vector<256x128xi32>
    %select_n3A_1802 = arith.select %eq3A_1800, %select_n3A_1797, %select_n3A_1768 : vector<256x128xi1>, vector<256x128xi32>
    %min3A_1803 = arith.minsi %min3A_1770, %max3A_1799 : vector<256x128xi32>
    %eq3A_1804 = arith.cmpi eq, %min3A_1803, %min3A_1770 : vector<256x128xi32>
    %select_n3A_1805 = arith.select %eq3A_1804, %select_n3A_1772, %select_n3A_1802 : vector<256x128xi1>, vector<256x128xi32>
    %slice3A_1806 = vector.extract_strided_slice %select_n3A {offsets = [0, 6912], sizes = [256, 128], strides = [1, 1]} : vector<256x8192xi32> to vector<256x128xi32>
    %min3A_1807 = arith.minsi %min3A_1774, %slice3A_1806 : vector<256x128xi32>
    %max3A_1808 = arith.maxsi %min3A_1774, %slice3A_1806 : vector<256x128xi32>
    %eq3A_1809 = arith.cmpi eq, %min3A_1807, %min3A_1774 : vector<256x128xi32>
    %jit3A_1810 = arith.constant 54 : i32
    %broadcast_in_dim3A_1811 = vector.broadcast %jit3A_1810 : i32 to vector<256x128xi32>
    %select_n3A_1812 = arith.select %eq3A_1809, %select_n3A_1779, %broadcast_in_dim3A_1811 : vector<256x128xi1>, vector<256x128xi32>
    %jit3A_1813 = arith.constant 54 : i32
    %broadcast_in_dim3A_1814 = vector.broadcast %jit3A_1813 : i32 to vector<256x128xi32>
    %select_n3A_1815 = arith.select %eq3A_1809, %broadcast_in_dim3A_1814, %select_n3A_1779 : vector<256x128xi1>, vector<256x128xi32>
    %min3A_1816 = arith.minsi %min3A_1783, %max3A_1808 : vector<256x128xi32>
    %max3A_1817 = arith.maxsi %min3A_1783, %max3A_1808 : vector<256x128xi32>
    %eq3A_1818 = arith.cmpi eq, %min3A_1816, %min3A_1783 : vector<256x128xi32>
    %select_n3A_1819 = arith.select %eq3A_1818, %select_n3A_1786, %select_n3A_1815 : vector<256x128xi1>, vector<256x128xi32>
    %select_n3A_1820 = arith.select %eq3A_1818, %select_n3A_1815, %select_n3A_1786 : vector<256x128xi1>, vector<256x128xi32>
    %min3A_1821 = arith.minsi %min3A_1788, %max3A_1817 : vector<256x128xi32>
    %max3A_1822 = arith.maxsi %min3A_1788, %max3A_1817 : vector<256x128xi32>
    %eq3A_1823 = arith.cmpi eq, %min3A_1821, %min3A_1788 : vector<256x128xi32>
    %select_n3A_1824 = arith.select %eq3A_1823, %select_n3A_1791, %select_n3A_1820 : vector<256x128xi1>, vector<256x128xi32>
    %select_n3A_1825 = arith.select %eq3A_1823, %select_n3A_1820, %select_n3A_1791 : vector<256x128xi1>, vector<256x128xi32>
    %min3A_1826 = arith.minsi %min3A_1793, %max3A_1822 : vector<256x128xi32>
    %max3A_1827 = arith.maxsi %min3A_1793, %max3A_1822 : vector<256x128xi32>
    %eq3A_1828 = arith.cmpi eq, %min3A_1826, %min3A_1793 : vector<256x128xi32>
    %select_n3A_1829 = arith.select %eq3A_1828, %select_n3A_1796, %select_n3A_1825 : vector<256x128xi1>, vector<256x128xi32>
    %select_n3A_1830 = arith.select %eq3A_1828, %select_n3A_1825, %select_n3A_1796 : vector<256x128xi1>, vector<256x128xi32>
    %min3A_1831 = arith.minsi %min3A_1798, %max3A_1827 : vector<256x128xi32>
    %max3A_1832 = arith.maxsi %min3A_1798, %max3A_1827 : vector<256x128xi32>
    %eq3A_1833 = arith.cmpi eq, %min3A_1831, %min3A_1798 : vector<256x128xi32>
    %select_n3A_1834 = arith.select %eq3A_1833, %select_n3A_1801, %select_n3A_1830 : vector<256x128xi1>, vector<256x128xi32>
    %select_n3A_1835 = arith.select %eq3A_1833, %select_n3A_1830, %select_n3A_1801 : vector<256x128xi1>, vector<256x128xi32>
    %min3A_1836 = arith.minsi %min3A_1803, %max3A_1832 : vector<256x128xi32>
    %eq3A_1837 = arith.cmpi eq, %min3A_1836, %min3A_1803 : vector<256x128xi32>
    %select_n3A_1838 = arith.select %eq3A_1837, %select_n3A_1805, %select_n3A_1835 : vector<256x128xi1>, vector<256x128xi32>
    %slice3A_1839 = vector.extract_strided_slice %select_n3A {offsets = [0, 7040], sizes = [256, 128], strides = [1, 1]} : vector<256x8192xi32> to vector<256x128xi32>
    %min3A_1840 = arith.minsi %min3A_1807, %slice3A_1839 : vector<256x128xi32>
    %max3A_1841 = arith.maxsi %min3A_1807, %slice3A_1839 : vector<256x128xi32>
    %eq3A_1842 = arith.cmpi eq, %min3A_1840, %min3A_1807 : vector<256x128xi32>
    %jit3A_1843 = arith.constant 55 : i32
    %broadcast_in_dim3A_1844 = vector.broadcast %jit3A_1843 : i32 to vector<256x128xi32>
    %select_n3A_1845 = arith.select %eq3A_1842, %select_n3A_1812, %broadcast_in_dim3A_1844 : vector<256x128xi1>, vector<256x128xi32>
    %jit3A_1846 = arith.constant 55 : i32
    %broadcast_in_dim3A_1847 = vector.broadcast %jit3A_1846 : i32 to vector<256x128xi32>
    %select_n3A_1848 = arith.select %eq3A_1842, %broadcast_in_dim3A_1847, %select_n3A_1812 : vector<256x128xi1>, vector<256x128xi32>
    %min3A_1849 = arith.minsi %min3A_1816, %max3A_1841 : vector<256x128xi32>
    %max3A_1850 = arith.maxsi %min3A_1816, %max3A_1841 : vector<256x128xi32>
    %eq3A_1851 = arith.cmpi eq, %min3A_1849, %min3A_1816 : vector<256x128xi32>
    %select_n3A_1852 = arith.select %eq3A_1851, %select_n3A_1819, %select_n3A_1848 : vector<256x128xi1>, vector<256x128xi32>
    %select_n3A_1853 = arith.select %eq3A_1851, %select_n3A_1848, %select_n3A_1819 : vector<256x128xi1>, vector<256x128xi32>
    %min3A_1854 = arith.minsi %min3A_1821, %max3A_1850 : vector<256x128xi32>
    %max3A_1855 = arith.maxsi %min3A_1821, %max3A_1850 : vector<256x128xi32>
    %eq3A_1856 = arith.cmpi eq, %min3A_1854, %min3A_1821 : vector<256x128xi32>
    %select_n3A_1857 = arith.select %eq3A_1856, %select_n3A_1824, %select_n3A_1853 : vector<256x128xi1>, vector<256x128xi32>
    %select_n3A_1858 = arith.select %eq3A_1856, %select_n3A_1853, %select_n3A_1824 : vector<256x128xi1>, vector<256x128xi32>
    %min3A_1859 = arith.minsi %min3A_1826, %max3A_1855 : vector<256x128xi32>
    %max3A_1860 = arith.maxsi %min3A_1826, %max3A_1855 : vector<256x128xi32>
    %eq3A_1861 = arith.cmpi eq, %min3A_1859, %min3A_1826 : vector<256x128xi32>
    %select_n3A_1862 = arith.select %eq3A_1861, %select_n3A_1829, %select_n3A_1858 : vector<256x128xi1>, vector<256x128xi32>
    %select_n3A_1863 = arith.select %eq3A_1861, %select_n3A_1858, %select_n3A_1829 : vector<256x128xi1>, vector<256x128xi32>
    %min3A_1864 = arith.minsi %min3A_1831, %max3A_1860 : vector<256x128xi32>
    %max3A_1865 = arith.maxsi %min3A_1831, %max3A_1860 : vector<256x128xi32>
    %eq3A_1866 = arith.cmpi eq, %min3A_1864, %min3A_1831 : vector<256x128xi32>
    %select_n3A_1867 = arith.select %eq3A_1866, %select_n3A_1834, %select_n3A_1863 : vector<256x128xi1>, vector<256x128xi32>
    %select_n3A_1868 = arith.select %eq3A_1866, %select_n3A_1863, %select_n3A_1834 : vector<256x128xi1>, vector<256x128xi32>
    %min3A_1869 = arith.minsi %min3A_1836, %max3A_1865 : vector<256x128xi32>
    %eq3A_1870 = arith.cmpi eq, %min3A_1869, %min3A_1836 : vector<256x128xi32>
    %select_n3A_1871 = arith.select %eq3A_1870, %select_n3A_1838, %select_n3A_1868 : vector<256x128xi1>, vector<256x128xi32>
    %slice3A_1872 = vector.extract_strided_slice %select_n3A {offsets = [0, 7168], sizes = [256, 128], strides = [1, 1]} : vector<256x8192xi32> to vector<256x128xi32>
    %min3A_1873 = arith.minsi %min3A_1840, %slice3A_1872 : vector<256x128xi32>
    %max3A_1874 = arith.maxsi %min3A_1840, %slice3A_1872 : vector<256x128xi32>
    %eq3A_1875 = arith.cmpi eq, %min3A_1873, %min3A_1840 : vector<256x128xi32>
    %jit3A_1876 = arith.constant 56 : i32
    %broadcast_in_dim3A_1877 = vector.broadcast %jit3A_1876 : i32 to vector<256x128xi32>
    %select_n3A_1878 = arith.select %eq3A_1875, %select_n3A_1845, %broadcast_in_dim3A_1877 : vector<256x128xi1>, vector<256x128xi32>
    %jit3A_1879 = arith.constant 56 : i32
    %broadcast_in_dim3A_1880 = vector.broadcast %jit3A_1879 : i32 to vector<256x128xi32>
    %select_n3A_1881 = arith.select %eq3A_1875, %broadcast_in_dim3A_1880, %select_n3A_1845 : vector<256x128xi1>, vector<256x128xi32>
    %min3A_1882 = arith.minsi %min3A_1849, %max3A_1874 : vector<256x128xi32>
    %max3A_1883 = arith.maxsi %min3A_1849, %max3A_1874 : vector<256x128xi32>
    %eq3A_1884 = arith.cmpi eq, %min3A_1882, %min3A_1849 : vector<256x128xi32>
    %select_n3A_1885 = arith.select %eq3A_1884, %select_n3A_1852, %select_n3A_1881 : vector<256x128xi1>, vector<256x128xi32>
    %select_n3A_1886 = arith.select %eq3A_1884, %select_n3A_1881, %select_n3A_1852 : vector<256x128xi1>, vector<256x128xi32>
    %min3A_1887 = arith.minsi %min3A_1854, %max3A_1883 : vector<256x128xi32>
    %max3A_1888 = arith.maxsi %min3A_1854, %max3A_1883 : vector<256x128xi32>
    %eq3A_1889 = arith.cmpi eq, %min3A_1887, %min3A_1854 : vector<256x128xi32>
    %select_n3A_1890 = arith.select %eq3A_1889, %select_n3A_1857, %select_n3A_1886 : vector<256x128xi1>, vector<256x128xi32>
    %select_n3A_1891 = arith.select %eq3A_1889, %select_n3A_1886, %select_n3A_1857 : vector<256x128xi1>, vector<256x128xi32>
    %min3A_1892 = arith.minsi %min3A_1859, %max3A_1888 : vector<256x128xi32>
    %max3A_1893 = arith.maxsi %min3A_1859, %max3A_1888 : vector<256x128xi32>
    %eq3A_1894 = arith.cmpi eq, %min3A_1892, %min3A_1859 : vector<256x128xi32>
    %select_n3A_1895 = arith.select %eq3A_1894, %select_n3A_1862, %select_n3A_1891 : vector<256x128xi1>, vector<256x128xi32>
    %select_n3A_1896 = arith.select %eq3A_1894, %select_n3A_1891, %select_n3A_1862 : vector<256x128xi1>, vector<256x128xi32>
    %min3A_1897 = arith.minsi %min3A_1864, %max3A_1893 : vector<256x128xi32>
    %max3A_1898 = arith.maxsi %min3A_1864, %max3A_1893 : vector<256x128xi32>
    %eq3A_1899 = arith.cmpi eq, %min3A_1897, %min3A_1864 : vector<256x128xi32>
    %select_n3A_1900 = arith.select %eq3A_1899, %select_n3A_1867, %select_n3A_1896 : vector<256x128xi1>, vector<256x128xi32>
    %select_n3A_1901 = arith.select %eq3A_1899, %select_n3A_1896, %select_n3A_1867 : vector<256x128xi1>, vector<256x128xi32>
    %min3A_1902 = arith.minsi %min3A_1869, %max3A_1898 : vector<256x128xi32>
    %eq3A_1903 = arith.cmpi eq, %min3A_1902, %min3A_1869 : vector<256x128xi32>
    %select_n3A_1904 = arith.select %eq3A_1903, %select_n3A_1871, %select_n3A_1901 : vector<256x128xi1>, vector<256x128xi32>
    %slice3A_1905 = vector.extract_strided_slice %select_n3A {offsets = [0, 7296], sizes = [256, 128], strides = [1, 1]} : vector<256x8192xi32> to vector<256x128xi32>
    %min3A_1906 = arith.minsi %min3A_1873, %slice3A_1905 : vector<256x128xi32>
    %max3A_1907 = arith.maxsi %min3A_1873, %slice3A_1905 : vector<256x128xi32>
    %eq3A_1908 = arith.cmpi eq, %min3A_1906, %min3A_1873 : vector<256x128xi32>
    %jit3A_1909 = arith.constant 57 : i32
    %broadcast_in_dim3A_1910 = vector.broadcast %jit3A_1909 : i32 to vector<256x128xi32>
    %select_n3A_1911 = arith.select %eq3A_1908, %select_n3A_1878, %broadcast_in_dim3A_1910 : vector<256x128xi1>, vector<256x128xi32>
    %jit3A_1912 = arith.constant 57 : i32
    %broadcast_in_dim3A_1913 = vector.broadcast %jit3A_1912 : i32 to vector<256x128xi32>
    %select_n3A_1914 = arith.select %eq3A_1908, %broadcast_in_dim3A_1913, %select_n3A_1878 : vector<256x128xi1>, vector<256x128xi32>
    %min3A_1915 = arith.minsi %min3A_1882, %max3A_1907 : vector<256x128xi32>
    %max3A_1916 = arith.maxsi %min3A_1882, %max3A_1907 : vector<256x128xi32>
    %eq3A_1917 = arith.cmpi eq, %min3A_1915, %min3A_1882 : vector<256x128xi32>
    %select_n3A_1918 = arith.select %eq3A_1917, %select_n3A_1885, %select_n3A_1914 : vector<256x128xi1>, vector<256x128xi32>
    %select_n3A_1919 = arith.select %eq3A_1917, %select_n3A_1914, %select_n3A_1885 : vector<256x128xi1>, vector<256x128xi32>
    %min3A_1920 = arith.minsi %min3A_1887, %max3A_1916 : vector<256x128xi32>
    %max3A_1921 = arith.maxsi %min3A_1887, %max3A_1916 : vector<256x128xi32>
    %eq3A_1922 = arith.cmpi eq, %min3A_1920, %min3A_1887 : vector<256x128xi32>
    %select_n3A_1923 = arith.select %eq3A_1922, %select_n3A_1890, %select_n3A_1919 : vector<256x128xi1>, vector<256x128xi32>
    %select_n3A_1924 = arith.select %eq3A_1922, %select_n3A_1919, %select_n3A_1890 : vector<256x128xi1>, vector<256x128xi32>
    %min3A_1925 = arith.minsi %min3A_1892, %max3A_1921 : vector<256x128xi32>
    %max3A_1926 = arith.maxsi %min3A_1892, %max3A_1921 : vector<256x128xi32>
    %eq3A_1927 = arith.cmpi eq, %min3A_1925, %min3A_1892 : vector<256x128xi32>
    %select_n3A_1928 = arith.select %eq3A_1927, %select_n3A_1895, %select_n3A_1924 : vector<256x128xi1>, vector<256x128xi32>
    %select_n3A_1929 = arith.select %eq3A_1927, %select_n3A_1924, %select_n3A_1895 : vector<256x128xi1>, vector<256x128xi32>
    %min3A_1930 = arith.minsi %min3A_1897, %max3A_1926 : vector<256x128xi32>
    %max3A_1931 = arith.maxsi %min3A_1897, %max3A_1926 : vector<256x128xi32>
    %eq3A_1932 = arith.cmpi eq, %min3A_1930, %min3A_1897 : vector<256x128xi32>
    %select_n3A_1933 = arith.select %eq3A_1932, %select_n3A_1900, %select_n3A_1929 : vector<256x128xi1>, vector<256x128xi32>
    %select_n3A_1934 = arith.select %eq3A_1932, %select_n3A_1929, %select_n3A_1900 : vector<256x128xi1>, vector<256x128xi32>
    %min3A_1935 = arith.minsi %min3A_1902, %max3A_1931 : vector<256x128xi32>
    %eq3A_1936 = arith.cmpi eq, %min3A_1935, %min3A_1902 : vector<256x128xi32>
    %select_n3A_1937 = arith.select %eq3A_1936, %select_n3A_1904, %select_n3A_1934 : vector<256x128xi1>, vector<256x128xi32>
    %slice3A_1938 = vector.extract_strided_slice %select_n3A {offsets = [0, 7424], sizes = [256, 128], strides = [1, 1]} : vector<256x8192xi32> to vector<256x128xi32>
    %min3A_1939 = arith.minsi %min3A_1906, %slice3A_1938 : vector<256x128xi32>
    %max3A_1940 = arith.maxsi %min3A_1906, %slice3A_1938 : vector<256x128xi32>
    %eq3A_1941 = arith.cmpi eq, %min3A_1939, %min3A_1906 : vector<256x128xi32>
    %jit3A_1942 = arith.constant 58 : i32
    %broadcast_in_dim3A_1943 = vector.broadcast %jit3A_1942 : i32 to vector<256x128xi32>
    %select_n3A_1944 = arith.select %eq3A_1941, %select_n3A_1911, %broadcast_in_dim3A_1943 : vector<256x128xi1>, vector<256x128xi32>
    %jit3A_1945 = arith.constant 58 : i32
    %broadcast_in_dim3A_1946 = vector.broadcast %jit3A_1945 : i32 to vector<256x128xi32>
    %select_n3A_1947 = arith.select %eq3A_1941, %broadcast_in_dim3A_1946, %select_n3A_1911 : vector<256x128xi1>, vector<256x128xi32>
    %min3A_1948 = arith.minsi %min3A_1915, %max3A_1940 : vector<256x128xi32>
    %max3A_1949 = arith.maxsi %min3A_1915, %max3A_1940 : vector<256x128xi32>
    %eq3A_1950 = arith.cmpi eq, %min3A_1948, %min3A_1915 : vector<256x128xi32>
    %select_n3A_1951 = arith.select %eq3A_1950, %select_n3A_1918, %select_n3A_1947 : vector<256x128xi1>, vector<256x128xi32>
    %select_n3A_1952 = arith.select %eq3A_1950, %select_n3A_1947, %select_n3A_1918 : vector<256x128xi1>, vector<256x128xi32>
    %min3A_1953 = arith.minsi %min3A_1920, %max3A_1949 : vector<256x128xi32>
    %max3A_1954 = arith.maxsi %min3A_1920, %max3A_1949 : vector<256x128xi32>
    %eq3A_1955 = arith.cmpi eq, %min3A_1953, %min3A_1920 : vector<256x128xi32>
    %select_n3A_1956 = arith.select %eq3A_1955, %select_n3A_1923, %select_n3A_1952 : vector<256x128xi1>, vector<256x128xi32>
    %select_n3A_1957 = arith.select %eq3A_1955, %select_n3A_1952, %select_n3A_1923 : vector<256x128xi1>, vector<256x128xi32>
    %min3A_1958 = arith.minsi %min3A_1925, %max3A_1954 : vector<256x128xi32>
    %max3A_1959 = arith.maxsi %min3A_1925, %max3A_1954 : vector<256x128xi32>
    %eq3A_1960 = arith.cmpi eq, %min3A_1958, %min3A_1925 : vector<256x128xi32>
    %select_n3A_1961 = arith.select %eq3A_1960, %select_n3A_1928, %select_n3A_1957 : vector<256x128xi1>, vector<256x128xi32>
    %select_n3A_1962 = arith.select %eq3A_1960, %select_n3A_1957, %select_n3A_1928 : vector<256x128xi1>, vector<256x128xi32>
    %min3A_1963 = arith.minsi %min3A_1930, %max3A_1959 : vector<256x128xi32>
    %max3A_1964 = arith.maxsi %min3A_1930, %max3A_1959 : vector<256x128xi32>
    %eq3A_1965 = arith.cmpi eq, %min3A_1963, %min3A_1930 : vector<256x128xi32>
    %select_n3A_1966 = arith.select %eq3A_1965, %select_n3A_1933, %select_n3A_1962 : vector<256x128xi1>, vector<256x128xi32>
    %select_n3A_1967 = arith.select %eq3A_1965, %select_n3A_1962, %select_n3A_1933 : vector<256x128xi1>, vector<256x128xi32>
    %min3A_1968 = arith.minsi %min3A_1935, %max3A_1964 : vector<256x128xi32>
    %eq3A_1969 = arith.cmpi eq, %min3A_1968, %min3A_1935 : vector<256x128xi32>
    %select_n3A_1970 = arith.select %eq3A_1969, %select_n3A_1937, %select_n3A_1967 : vector<256x128xi1>, vector<256x128xi32>
    %slice3A_1971 = vector.extract_strided_slice %select_n3A {offsets = [0, 7552], sizes = [256, 128], strides = [1, 1]} : vector<256x8192xi32> to vector<256x128xi32>
    %min3A_1972 = arith.minsi %min3A_1939, %slice3A_1971 : vector<256x128xi32>
    %max3A_1973 = arith.maxsi %min3A_1939, %slice3A_1971 : vector<256x128xi32>
    %eq3A_1974 = arith.cmpi eq, %min3A_1972, %min3A_1939 : vector<256x128xi32>
    %jit3A_1975 = arith.constant 59 : i32
    %broadcast_in_dim3A_1976 = vector.broadcast %jit3A_1975 : i32 to vector<256x128xi32>
    %select_n3A_1977 = arith.select %eq3A_1974, %select_n3A_1944, %broadcast_in_dim3A_1976 : vector<256x128xi1>, vector<256x128xi32>
    %jit3A_1978 = arith.constant 59 : i32
    %broadcast_in_dim3A_1979 = vector.broadcast %jit3A_1978 : i32 to vector<256x128xi32>
    %select_n3A_1980 = arith.select %eq3A_1974, %broadcast_in_dim3A_1979, %select_n3A_1944 : vector<256x128xi1>, vector<256x128xi32>
    %min3A_1981 = arith.minsi %min3A_1948, %max3A_1973 : vector<256x128xi32>
    %max3A_1982 = arith.maxsi %min3A_1948, %max3A_1973 : vector<256x128xi32>
    %eq3A_1983 = arith.cmpi eq, %min3A_1981, %min3A_1948 : vector<256x128xi32>
    %select_n3A_1984 = arith.select %eq3A_1983, %select_n3A_1951, %select_n3A_1980 : vector<256x128xi1>, vector<256x128xi32>
    %select_n3A_1985 = arith.select %eq3A_1983, %select_n3A_1980, %select_n3A_1951 : vector<256x128xi1>, vector<256x128xi32>
    %min3A_1986 = arith.minsi %min3A_1953, %max3A_1982 : vector<256x128xi32>
    %max3A_1987 = arith.maxsi %min3A_1953, %max3A_1982 : vector<256x128xi32>
    %eq3A_1988 = arith.cmpi eq, %min3A_1986, %min3A_1953 : vector<256x128xi32>
    %select_n3A_1989 = arith.select %eq3A_1988, %select_n3A_1956, %select_n3A_1985 : vector<256x128xi1>, vector<256x128xi32>
    %select_n3A_1990 = arith.select %eq3A_1988, %select_n3A_1985, %select_n3A_1956 : vector<256x128xi1>, vector<256x128xi32>
    %min3A_1991 = arith.minsi %min3A_1958, %max3A_1987 : vector<256x128xi32>
    %max3A_1992 = arith.maxsi %min3A_1958, %max3A_1987 : vector<256x128xi32>
    %eq3A_1993 = arith.cmpi eq, %min3A_1991, %min3A_1958 : vector<256x128xi32>
    %select_n3A_1994 = arith.select %eq3A_1993, %select_n3A_1961, %select_n3A_1990 : vector<256x128xi1>, vector<256x128xi32>
    %select_n3A_1995 = arith.select %eq3A_1993, %select_n3A_1990, %select_n3A_1961 : vector<256x128xi1>, vector<256x128xi32>
    %min3A_1996 = arith.minsi %min3A_1963, %max3A_1992 : vector<256x128xi32>
    %max3A_1997 = arith.maxsi %min3A_1963, %max3A_1992 : vector<256x128xi32>
    %eq3A_1998 = arith.cmpi eq, %min3A_1996, %min3A_1963 : vector<256x128xi32>
    %select_n3A_1999 = arith.select %eq3A_1998, %select_n3A_1966, %select_n3A_1995 : vector<256x128xi1>, vector<256x128xi32>
    %select_n3A_2000 = arith.select %eq3A_1998, %select_n3A_1995, %select_n3A_1966 : vector<256x128xi1>, vector<256x128xi32>
    %min3A_2001 = arith.minsi %min3A_1968, %max3A_1997 : vector<256x128xi32>
    %eq3A_2002 = arith.cmpi eq, %min3A_2001, %min3A_1968 : vector<256x128xi32>
    %select_n3A_2003 = arith.select %eq3A_2002, %select_n3A_1970, %select_n3A_2000 : vector<256x128xi1>, vector<256x128xi32>
    %slice3A_2004 = vector.extract_strided_slice %select_n3A {offsets = [0, 7680], sizes = [256, 128], strides = [1, 1]} : vector<256x8192xi32> to vector<256x128xi32>
    %min3A_2005 = arith.minsi %min3A_1972, %slice3A_2004 : vector<256x128xi32>
    %max3A_2006 = arith.maxsi %min3A_1972, %slice3A_2004 : vector<256x128xi32>
    %eq3A_2007 = arith.cmpi eq, %min3A_2005, %min3A_1972 : vector<256x128xi32>
    %jit3A_2008 = arith.constant 60 : i32
    %broadcast_in_dim3A_2009 = vector.broadcast %jit3A_2008 : i32 to vector<256x128xi32>
    %select_n3A_2010 = arith.select %eq3A_2007, %select_n3A_1977, %broadcast_in_dim3A_2009 : vector<256x128xi1>, vector<256x128xi32>
    %jit3A_2011 = arith.constant 60 : i32
    %broadcast_in_dim3A_2012 = vector.broadcast %jit3A_2011 : i32 to vector<256x128xi32>
    %select_n3A_2013 = arith.select %eq3A_2007, %broadcast_in_dim3A_2012, %select_n3A_1977 : vector<256x128xi1>, vector<256x128xi32>
    %min3A_2014 = arith.minsi %min3A_1981, %max3A_2006 : vector<256x128xi32>
    %max3A_2015 = arith.maxsi %min3A_1981, %max3A_2006 : vector<256x128xi32>
    %eq3A_2016 = arith.cmpi eq, %min3A_2014, %min3A_1981 : vector<256x128xi32>
    %select_n3A_2017 = arith.select %eq3A_2016, %select_n3A_1984, %select_n3A_2013 : vector<256x128xi1>, vector<256x128xi32>
    %select_n3A_2018 = arith.select %eq3A_2016, %select_n3A_2013, %select_n3A_1984 : vector<256x128xi1>, vector<256x128xi32>
    %min3A_2019 = arith.minsi %min3A_1986, %max3A_2015 : vector<256x128xi32>
    %max3A_2020 = arith.maxsi %min3A_1986, %max3A_2015 : vector<256x128xi32>
    %eq3A_2021 = arith.cmpi eq, %min3A_2019, %min3A_1986 : vector<256x128xi32>
    %select_n3A_2022 = arith.select %eq3A_2021, %select_n3A_1989, %select_n3A_2018 : vector<256x128xi1>, vector<256x128xi32>
    %select_n3A_2023 = arith.select %eq3A_2021, %select_n3A_2018, %select_n3A_1989 : vector<256x128xi1>, vector<256x128xi32>
    %min3A_2024 = arith.minsi %min3A_1991, %max3A_2020 : vector<256x128xi32>
    %max3A_2025 = arith.maxsi %min3A_1991, %max3A_2020 : vector<256x128xi32>
    %eq3A_2026 = arith.cmpi eq, %min3A_2024, %min3A_1991 : vector<256x128xi32>
    %select_n3A_2027 = arith.select %eq3A_2026, %select_n3A_1994, %select_n3A_2023 : vector<256x128xi1>, vector<256x128xi32>
    %select_n3A_2028 = arith.select %eq3A_2026, %select_n3A_2023, %select_n3A_1994 : vector<256x128xi1>, vector<256x128xi32>
    %min3A_2029 = arith.minsi %min3A_1996, %max3A_2025 : vector<256x128xi32>
    %max3A_2030 = arith.maxsi %min3A_1996, %max3A_2025 : vector<256x128xi32>
    %eq3A_2031 = arith.cmpi eq, %min3A_2029, %min3A_1996 : vector<256x128xi32>
    %select_n3A_2032 = arith.select %eq3A_2031, %select_n3A_1999, %select_n3A_2028 : vector<256x128xi1>, vector<256x128xi32>
    %select_n3A_2033 = arith.select %eq3A_2031, %select_n3A_2028, %select_n3A_1999 : vector<256x128xi1>, vector<256x128xi32>
    %min3A_2034 = arith.minsi %min3A_2001, %max3A_2030 : vector<256x128xi32>
    %eq3A_2035 = arith.cmpi eq, %min3A_2034, %min3A_2001 : vector<256x128xi32>
    %select_n3A_2036 = arith.select %eq3A_2035, %select_n3A_2003, %select_n3A_2033 : vector<256x128xi1>, vector<256x128xi32>
    %slice3A_2037 = vector.extract_strided_slice %select_n3A {offsets = [0, 7808], sizes = [256, 128], strides = [1, 1]} : vector<256x8192xi32> to vector<256x128xi32>
    %min3A_2038 = arith.minsi %min3A_2005, %slice3A_2037 : vector<256x128xi32>
    %max3A_2039 = arith.maxsi %min3A_2005, %slice3A_2037 : vector<256x128xi32>
    %eq3A_2040 = arith.cmpi eq, %min3A_2038, %min3A_2005 : vector<256x128xi32>
    %jit3A_2041 = arith.constant 61 : i32
    %broadcast_in_dim3A_2042 = vector.broadcast %jit3A_2041 : i32 to vector<256x128xi32>
    %select_n3A_2043 = arith.select %eq3A_2040, %select_n3A_2010, %broadcast_in_dim3A_2042 : vector<256x128xi1>, vector<256x128xi32>
    %jit3A_2044 = arith.constant 61 : i32
    %broadcast_in_dim3A_2045 = vector.broadcast %jit3A_2044 : i32 to vector<256x128xi32>
    %select_n3A_2046 = arith.select %eq3A_2040, %broadcast_in_dim3A_2045, %select_n3A_2010 : vector<256x128xi1>, vector<256x128xi32>
    %min3A_2047 = arith.minsi %min3A_2014, %max3A_2039 : vector<256x128xi32>
    %max3A_2048 = arith.maxsi %min3A_2014, %max3A_2039 : vector<256x128xi32>
    %eq3A_2049 = arith.cmpi eq, %min3A_2047, %min3A_2014 : vector<256x128xi32>
    %select_n3A_2050 = arith.select %eq3A_2049, %select_n3A_2017, %select_n3A_2046 : vector<256x128xi1>, vector<256x128xi32>
    %select_n3A_2051 = arith.select %eq3A_2049, %select_n3A_2046, %select_n3A_2017 : vector<256x128xi1>, vector<256x128xi32>
    %min3A_2052 = arith.minsi %min3A_2019, %max3A_2048 : vector<256x128xi32>
    %max3A_2053 = arith.maxsi %min3A_2019, %max3A_2048 : vector<256x128xi32>
    %eq3A_2054 = arith.cmpi eq, %min3A_2052, %min3A_2019 : vector<256x128xi32>
    %select_n3A_2055 = arith.select %eq3A_2054, %select_n3A_2022, %select_n3A_2051 : vector<256x128xi1>, vector<256x128xi32>
    %select_n3A_2056 = arith.select %eq3A_2054, %select_n3A_2051, %select_n3A_2022 : vector<256x128xi1>, vector<256x128xi32>
    %min3A_2057 = arith.minsi %min3A_2024, %max3A_2053 : vector<256x128xi32>
    %max3A_2058 = arith.maxsi %min3A_2024, %max3A_2053 : vector<256x128xi32>
    %eq3A_2059 = arith.cmpi eq, %min3A_2057, %min3A_2024 : vector<256x128xi32>
    %select_n3A_2060 = arith.select %eq3A_2059, %select_n3A_2027, %select_n3A_2056 : vector<256x128xi1>, vector<256x128xi32>
    %select_n3A_2061 = arith.select %eq3A_2059, %select_n3A_2056, %select_n3A_2027 : vector<256x128xi1>, vector<256x128xi32>
    %min3A_2062 = arith.minsi %min3A_2029, %max3A_2058 : vector<256x128xi32>
    %max3A_2063 = arith.maxsi %min3A_2029, %max3A_2058 : vector<256x128xi32>
    %eq3A_2064 = arith.cmpi eq, %min3A_2062, %min3A_2029 : vector<256x128xi32>
    %select_n3A_2065 = arith.select %eq3A_2064, %select_n3A_2032, %select_n3A_2061 : vector<256x128xi1>, vector<256x128xi32>
    %select_n3A_2066 = arith.select %eq3A_2064, %select_n3A_2061, %select_n3A_2032 : vector<256x128xi1>, vector<256x128xi32>
    %min3A_2067 = arith.minsi %min3A_2034, %max3A_2063 : vector<256x128xi32>
    %eq3A_2068 = arith.cmpi eq, %min3A_2067, %min3A_2034 : vector<256x128xi32>
    %select_n3A_2069 = arith.select %eq3A_2068, %select_n3A_2036, %select_n3A_2066 : vector<256x128xi1>, vector<256x128xi32>
    %slice3A_2070 = vector.extract_strided_slice %select_n3A {offsets = [0, 7936], sizes = [256, 128], strides = [1, 1]} : vector<256x8192xi32> to vector<256x128xi32>
    %min3A_2071 = arith.minsi %min3A_2038, %slice3A_2070 : vector<256x128xi32>
    %max3A_2072 = arith.maxsi %min3A_2038, %slice3A_2070 : vector<256x128xi32>
    %eq3A_2073 = arith.cmpi eq, %min3A_2071, %min3A_2038 : vector<256x128xi32>
    %jit3A_2074 = arith.constant 62 : i32
    %broadcast_in_dim3A_2075 = vector.broadcast %jit3A_2074 : i32 to vector<256x128xi32>
    %select_n3A_2076 = arith.select %eq3A_2073, %select_n3A_2043, %broadcast_in_dim3A_2075 : vector<256x128xi1>, vector<256x128xi32>
    %jit3A_2077 = arith.constant 62 : i32
    %broadcast_in_dim3A_2078 = vector.broadcast %jit3A_2077 : i32 to vector<256x128xi32>
    %select_n3A_2079 = arith.select %eq3A_2073, %broadcast_in_dim3A_2078, %select_n3A_2043 : vector<256x128xi1>, vector<256x128xi32>
    %min3A_2080 = arith.minsi %min3A_2047, %max3A_2072 : vector<256x128xi32>
    %max3A_2081 = arith.maxsi %min3A_2047, %max3A_2072 : vector<256x128xi32>
    %eq3A_2082 = arith.cmpi eq, %min3A_2080, %min3A_2047 : vector<256x128xi32>
    %select_n3A_2083 = arith.select %eq3A_2082, %select_n3A_2050, %select_n3A_2079 : vector<256x128xi1>, vector<256x128xi32>
    %select_n3A_2084 = arith.select %eq3A_2082, %select_n3A_2079, %select_n3A_2050 : vector<256x128xi1>, vector<256x128xi32>
    %min3A_2085 = arith.minsi %min3A_2052, %max3A_2081 : vector<256x128xi32>
    %max3A_2086 = arith.maxsi %min3A_2052, %max3A_2081 : vector<256x128xi32>
    %eq3A_2087 = arith.cmpi eq, %min3A_2085, %min3A_2052 : vector<256x128xi32>
    %select_n3A_2088 = arith.select %eq3A_2087, %select_n3A_2055, %select_n3A_2084 : vector<256x128xi1>, vector<256x128xi32>
    %select_n3A_2089 = arith.select %eq3A_2087, %select_n3A_2084, %select_n3A_2055 : vector<256x128xi1>, vector<256x128xi32>
    %min3A_2090 = arith.minsi %min3A_2057, %max3A_2086 : vector<256x128xi32>
    %max3A_2091 = arith.maxsi %min3A_2057, %max3A_2086 : vector<256x128xi32>
    %eq3A_2092 = arith.cmpi eq, %min3A_2090, %min3A_2057 : vector<256x128xi32>
    %select_n3A_2093 = arith.select %eq3A_2092, %select_n3A_2060, %select_n3A_2089 : vector<256x128xi1>, vector<256x128xi32>
    %select_n3A_2094 = arith.select %eq3A_2092, %select_n3A_2089, %select_n3A_2060 : vector<256x128xi1>, vector<256x128xi32>
    %min3A_2095 = arith.minsi %min3A_2062, %max3A_2091 : vector<256x128xi32>
    %max3A_2096 = arith.maxsi %min3A_2062, %max3A_2091 : vector<256x128xi32>
    %eq3A_2097 = arith.cmpi eq, %min3A_2095, %min3A_2062 : vector<256x128xi32>
    %select_n3A_2098 = arith.select %eq3A_2097, %select_n3A_2065, %select_n3A_2094 : vector<256x128xi1>, vector<256x128xi32>
    %select_n3A_2099 = arith.select %eq3A_2097, %select_n3A_2094, %select_n3A_2065 : vector<256x128xi1>, vector<256x128xi32>
    %min3A_2100 = arith.minsi %min3A_2067, %max3A_2096 : vector<256x128xi32>
    %eq3A_2101 = arith.cmpi eq, %min3A_2100, %min3A_2067 : vector<256x128xi32>
    %select_n3A_2102 = arith.select %eq3A_2101, %select_n3A_2069, %select_n3A_2099 : vector<256x128xi1>, vector<256x128xi32>
    %slice3A_2103 = vector.extract_strided_slice %select_n3A {offsets = [0, 8064], sizes = [256, 128], strides = [1, 1]} : vector<256x8192xi32> to vector<256x128xi32>
    %min3A_2104 = arith.minsi %min3A_2071, %slice3A_2103 : vector<256x128xi32>
    %max3A_2105 = arith.maxsi %min3A_2071, %slice3A_2103 : vector<256x128xi32>
    %eq3A_2106 = arith.cmpi eq, %min3A_2104, %min3A_2071 : vector<256x128xi32>
    %jit3A_2107 = arith.constant 63 : i32
    %broadcast_in_dim3A_2108 = vector.broadcast %jit3A_2107 : i32 to vector<256x128xi32>
    %select_n3A_2109 = arith.select %eq3A_2106, %select_n3A_2076, %broadcast_in_dim3A_2108 : vector<256x128xi1>, vector<256x128xi32>
    %jit3A_2110 = arith.constant 63 : i32
    %broadcast_in_dim3A_2111 = vector.broadcast %jit3A_2110 : i32 to vector<256x128xi32>
    %select_n3A_2112 = arith.select %eq3A_2106, %broadcast_in_dim3A_2111, %select_n3A_2076 : vector<256x128xi1>, vector<256x128xi32>
    %min3A_2113 = arith.minsi %min3A_2080, %max3A_2105 : vector<256x128xi32>
    %max3A_2114 = arith.maxsi %min3A_2080, %max3A_2105 : vector<256x128xi32>
    %eq3A_2115 = arith.cmpi eq, %min3A_2113, %min3A_2080 : vector<256x128xi32>
    %select_n3A_2116 = arith.select %eq3A_2115, %select_n3A_2083, %select_n3A_2112 : vector<256x128xi1>, vector<256x128xi32>
    %select_n3A_2117 = arith.select %eq3A_2115, %select_n3A_2112, %select_n3A_2083 : vector<256x128xi1>, vector<256x128xi32>
    %min3A_2118 = arith.minsi %min3A_2085, %max3A_2114 : vector<256x128xi32>
    %max3A_2119 = arith.maxsi %min3A_2085, %max3A_2114 : vector<256x128xi32>
    %eq3A_2120 = arith.cmpi eq, %min3A_2118, %min3A_2085 : vector<256x128xi32>
    %select_n3A_2121 = arith.select %eq3A_2120, %select_n3A_2088, %select_n3A_2117 : vector<256x128xi1>, vector<256x128xi32>
    %select_n3A_2122 = arith.select %eq3A_2120, %select_n3A_2117, %select_n3A_2088 : vector<256x128xi1>, vector<256x128xi32>
    %min3A_2123 = arith.minsi %min3A_2090, %max3A_2119 : vector<256x128xi32>
    %max3A_2124 = arith.maxsi %min3A_2090, %max3A_2119 : vector<256x128xi32>
    %eq3A_2125 = arith.cmpi eq, %min3A_2123, %min3A_2090 : vector<256x128xi32>
    %select_n3A_2126 = arith.select %eq3A_2125, %select_n3A_2093, %select_n3A_2122 : vector<256x128xi1>, vector<256x128xi32>
    %select_n3A_2127 = arith.select %eq3A_2125, %select_n3A_2122, %select_n3A_2093 : vector<256x128xi1>, vector<256x128xi32>
    %min3A_2128 = arith.minsi %min3A_2095, %max3A_2124 : vector<256x128xi32>
    %max3A_2129 = arith.maxsi %min3A_2095, %max3A_2124 : vector<256x128xi32>
    %eq3A_2130 = arith.cmpi eq, %min3A_2128, %min3A_2095 : vector<256x128xi32>
    %select_n3A_2131 = arith.select %eq3A_2130, %select_n3A_2098, %select_n3A_2127 : vector<256x128xi1>, vector<256x128xi32>
    %select_n3A_2132 = arith.select %eq3A_2130, %select_n3A_2127, %select_n3A_2098 : vector<256x128xi1>, vector<256x128xi32>
    %min3A_2133 = arith.minsi %min3A_2100, %max3A_2129 : vector<256x128xi32>
    %eq3A_2134 = arith.cmpi eq, %min3A_2133, %min3A_2100 : vector<256x128xi32>
    %select_n3A_2135 = arith.select %eq3A_2134, %select_n3A_2102, %select_n3A_2132 : vector<256x128xi1>, vector<256x128xi32>
    %iota3A = tpu.iota {dimensions = array<i32: 1>} : vector<256x128xi32>
    %reduce_min3A = arith.constant dense<2147483647> : vector<256xi32>
    %reduce_min3A_2136 = vector.multi_reduction <minsi>, %min3A_2104, %reduce_min3A [1] : vector<256x128xi32> to vector<256xi32>
    %broadcast_in_dim3A_2137 = vector.shape_cast %reduce_min3A_2136 : vector<256xi32> to vector<256x1xi32>
    %mul3A = arith.constant 128 : i32
    %mul3A_2138 = vector.broadcast %mul3A : i32 to vector<256x128xi32>
    %mul3A_2139 = arith.muli %select_n3A_2109, %mul3A_2138 : vector<256x128xi32>
    %add3A = arith.addi %mul3A_2139, %iota3A : vector<256x128xi32>
    %eq3A_2140 = vector.broadcast %broadcast_in_dim3A_2137 : vector<256x1xi32> to vector<256x128xi32>
    %eq3A_2141 = arith.cmpi eq, %min3A_2104, %eq3A_2140 : vector<256x128xi32>
    %jit3A_2142 = arith.constant 2147483647 : i32
    %broadcast_in_dim3A_2143 = vector.broadcast %jit3A_2142 : i32 to vector<256x128xi32>
    %select_n3A_2144 = arith.select %eq3A_2141, %add3A, %broadcast_in_dim3A_2143 : vector<256x128xi1>, vector<256x128xi32>
    %reduce_min3A_2145 = arith.constant dense<2147483647> : vector<256xi32>
    %reduce_min3A_2146 = vector.multi_reduction <minsi>, %select_n3A_2144, %reduce_min3A_2145 [1] : vector<256x128xi32> to vector<256xi32>
    %broadcast_in_dim3A_2147 = vector.shape_cast %reduce_min3A_2146 : vector<256xi32> to vector<256x1xi32>
    %eq3A_2148 = vector.broadcast %broadcast_in_dim3A_2137 : vector<256x1xi32> to vector<256x128xi32>
    %eq3A_2149 = arith.cmpi eq, %min3A_2104, %eq3A_2148 : vector<256x128xi32>
    %eq3A_2150 = vector.broadcast %broadcast_in_dim3A_2147 : vector<256x1xi32> to vector<256x128xi32>
    %eq3A_2151 = arith.cmpi eq, %add3A, %eq3A_2150 : vector<256x128xi32>
    %and3A = arith.andi %eq3A_2149, %eq3A_2151 : vector<256x128xi1>
    %select_n3A_2152 = arith.select %and3A, %min3A_2113, %min3A_2104 : vector<256x128xi1>, vector<256x128xi32>
    %select_n3A_2153 = arith.select %and3A, %select_n3A_2116, %select_n3A_2109 : vector<256x128xi1>, vector<256x128xi32>
    %select_n3A_2154 = arith.select %and3A, %min3A_2118, %min3A_2113 : vector<256x128xi1>, vector<256x128xi32>
    %select_n3A_2155 = arith.select %and3A, %select_n3A_2121, %select_n3A_2116 : vector<256x128xi1>, vector<256x128xi32>
    %select_n3A_2156 = arith.select %and3A, %min3A_2123, %min3A_2118 : vector<256x128xi1>, vector<256x128xi32>
    %select_n3A_2157 = arith.select %and3A, %select_n3A_2126, %select_n3A_2121 : vector<256x128xi1>, vector<256x128xi32>
    %select_n3A_2158 = arith.select %and3A, %min3A_2128, %min3A_2123 : vector<256x128xi1>, vector<256x128xi32>
    %select_n3A_2159 = arith.select %and3A, %select_n3A_2131, %select_n3A_2126 : vector<256x128xi1>, vector<256x128xi32>
    %select_n3A_2160 = arith.select %and3A, %min3A_2133, %min3A_2128 : vector<256x128xi1>, vector<256x128xi32>
    %select_n3A_2161 = arith.select %and3A, %select_n3A_2135, %select_n3A_2131 : vector<256x128xi1>, vector<256x128xi32>
    %jit3A_2162 = arith.constant 2147483647 : i32
    %broadcast_in_dim3A_2163 = vector.broadcast %jit3A_2162 : i32 to vector<256x128xi32>
    %select_n3A_2164 = arith.select %and3A, %broadcast_in_dim3A_2163, %min3A_2133 : vector<256x128xi1>, vector<256x128xi32>
    %reduce_min3A_2165 = arith.constant dense<2147483647> : vector<256xi32>
    %reduce_min3A_2166 = vector.multi_reduction <minsi>, %select_n3A_2152, %reduce_min3A_2165 [1] : vector<256x128xi32> to vector<256xi32>
    %broadcast_in_dim3A_2167 = vector.shape_cast %reduce_min3A_2166 : vector<256xi32> to vector<256x1xi32>
    %mul3A_2168 = arith.constant 128 : i32
    %mul3A_2169 = vector.broadcast %mul3A_2168 : i32 to vector<256x128xi32>
    %mul3A_2170 = arith.muli %select_n3A_2153, %mul3A_2169 : vector<256x128xi32>
    %add3A_2171 = arith.addi %mul3A_2170, %iota3A : vector<256x128xi32>
    %eq3A_2172 = vector.broadcast %broadcast_in_dim3A_2167 : vector<256x1xi32> to vector<256x128xi32>
    %eq3A_2173 = arith.cmpi eq, %select_n3A_2152, %eq3A_2172 : vector<256x128xi32>
    %jit3A_2174 = arith.constant 2147483647 : i32
    %broadcast_in_dim3A_2175 = vector.broadcast %jit3A_2174 : i32 to vector<256x128xi32>
    %select_n3A_2176 = arith.select %eq3A_2173, %add3A_2171, %broadcast_in_dim3A_2175 : vector<256x128xi1>, vector<256x128xi32>
    %reduce_min3A_2177 = arith.constant dense<2147483647> : vector<256xi32>
    %reduce_min3A_2178 = vector.multi_reduction <minsi>, %select_n3A_2176, %reduce_min3A_2177 [1] : vector<256x128xi32> to vector<256xi32>
    %broadcast_in_dim3A_2179 = vector.shape_cast %reduce_min3A_2178 : vector<256xi32> to vector<256x1xi32>
    %eq3A_2180 = vector.broadcast %broadcast_in_dim3A_2167 : vector<256x1xi32> to vector<256x128xi32>
    %eq3A_2181 = arith.cmpi eq, %select_n3A_2152, %eq3A_2180 : vector<256x128xi32>
    %eq3A_2182 = vector.broadcast %broadcast_in_dim3A_2179 : vector<256x1xi32> to vector<256x128xi32>
    %eq3A_2183 = arith.cmpi eq, %add3A_2171, %eq3A_2182 : vector<256x128xi32>
    %and3A_2184 = arith.andi %eq3A_2181, %eq3A_2183 : vector<256x128xi1>
    %select_n3A_2185 = arith.select %and3A_2184, %select_n3A_2154, %select_n3A_2152 : vector<256x128xi1>, vector<256x128xi32>
    %select_n3A_2186 = arith.select %and3A_2184, %select_n3A_2155, %select_n3A_2153 : vector<256x128xi1>, vector<256x128xi32>
    %select_n3A_2187 = arith.select %and3A_2184, %select_n3A_2156, %select_n3A_2154 : vector<256x128xi1>, vector<256x128xi32>
    %select_n3A_2188 = arith.select %and3A_2184, %select_n3A_2157, %select_n3A_2155 : vector<256x128xi1>, vector<256x128xi32>
    %select_n3A_2189 = arith.select %and3A_2184, %select_n3A_2158, %select_n3A_2156 : vector<256x128xi1>, vector<256x128xi32>
    %select_n3A_2190 = arith.select %and3A_2184, %select_n3A_2159, %select_n3A_2157 : vector<256x128xi1>, vector<256x128xi32>
    %select_n3A_2191 = arith.select %and3A_2184, %select_n3A_2160, %select_n3A_2158 : vector<256x128xi1>, vector<256x128xi32>
    %select_n3A_2192 = arith.select %and3A_2184, %select_n3A_2161, %select_n3A_2159 : vector<256x128xi1>, vector<256x128xi32>
    %select_n3A_2193 = arith.select %and3A_2184, %select_n3A_2164, %select_n3A_2160 : vector<256x128xi1>, vector<256x128xi32>
    %select_n3A_2194 = arith.select %and3A_2184, %select_n3A_2135, %select_n3A_2161 : vector<256x128xi1>, vector<256x128xi32>
    %jit3A_2195 = arith.constant 2147483647 : i32
    %broadcast_in_dim3A_2196 = vector.broadcast %jit3A_2195 : i32 to vector<256x128xi32>
    %select_n3A_2197 = arith.select %and3A_2184, %broadcast_in_dim3A_2196, %select_n3A_2164 : vector<256x128xi1>, vector<256x128xi32>
    %reduce_min3A_2198 = arith.constant dense<2147483647> : vector<256xi32>
    %reduce_min3A_2199 = vector.multi_reduction <minsi>, %select_n3A_2185, %reduce_min3A_2198 [1] : vector<256x128xi32> to vector<256xi32>
    %broadcast_in_dim3A_2200 = vector.shape_cast %reduce_min3A_2199 : vector<256xi32> to vector<256x1xi32>
    %mul3A_2201 = arith.constant 128 : i32
    %mul3A_2202 = vector.broadcast %mul3A_2201 : i32 to vector<256x128xi32>
    %mul3A_2203 = arith.muli %select_n3A_2186, %mul3A_2202 : vector<256x128xi32>
    %add3A_2204 = arith.addi %mul3A_2203, %iota3A : vector<256x128xi32>
    %eq3A_2205 = vector.broadcast %broadcast_in_dim3A_2200 : vector<256x1xi32> to vector<256x128xi32>
    %eq3A_2206 = arith.cmpi eq, %select_n3A_2185, %eq3A_2205 : vector<256x128xi32>
    %jit3A_2207 = arith.constant 2147483647 : i32
    %broadcast_in_dim3A_2208 = vector.broadcast %jit3A_2207 : i32 to vector<256x128xi32>
    %select_n3A_2209 = arith.select %eq3A_2206, %add3A_2204, %broadcast_in_dim3A_2208 : vector<256x128xi1>, vector<256x128xi32>
    %reduce_min3A_2210 = arith.constant dense<2147483647> : vector<256xi32>
    %reduce_min3A_2211 = vector.multi_reduction <minsi>, %select_n3A_2209, %reduce_min3A_2210 [1] : vector<256x128xi32> to vector<256xi32>
    %broadcast_in_dim3A_2212 = vector.shape_cast %reduce_min3A_2211 : vector<256xi32> to vector<256x1xi32>
    %eq3A_2213 = vector.broadcast %broadcast_in_dim3A_2200 : vector<256x1xi32> to vector<256x128xi32>
    %eq3A_2214 = arith.cmpi eq, %select_n3A_2185, %eq3A_2213 : vector<256x128xi32>
    %eq3A_2215 = vector.broadcast %broadcast_in_dim3A_2212 : vector<256x1xi32> to vector<256x128xi32>
    %eq3A_2216 = arith.cmpi eq, %add3A_2204, %eq3A_2215 : vector<256x128xi32>
    %and3A_2217 = arith.andi %eq3A_2214, %eq3A_2216 : vector<256x128xi1>
    %select_n3A_2218 = arith.select %and3A_2217, %select_n3A_2187, %select_n3A_2185 : vector<256x128xi1>, vector<256x128xi32>
    %select_n3A_2219 = arith.select %and3A_2217, %select_n3A_2188, %select_n3A_2186 : vector<256x128xi1>, vector<256x128xi32>
    %select_n3A_2220 = arith.select %and3A_2217, %select_n3A_2189, %select_n3A_2187 : vector<256x128xi1>, vector<256x128xi32>
    %select_n3A_2221 = arith.select %and3A_2217, %select_n3A_2190, %select_n3A_2188 : vector<256x128xi1>, vector<256x128xi32>
    %select_n3A_2222 = arith.select %and3A_2217, %select_n3A_2191, %select_n3A_2189 : vector<256x128xi1>, vector<256x128xi32>
    %select_n3A_2223 = arith.select %and3A_2217, %select_n3A_2192, %select_n3A_2190 : vector<256x128xi1>, vector<256x128xi32>
    %select_n3A_2224 = arith.select %and3A_2217, %select_n3A_2193, %select_n3A_2191 : vector<256x128xi1>, vector<256x128xi32>
    %select_n3A_2225 = arith.select %and3A_2217, %select_n3A_2194, %select_n3A_2192 : vector<256x128xi1>, vector<256x128xi32>
    %select_n3A_2226 = arith.select %and3A_2217, %select_n3A_2197, %select_n3A_2193 : vector<256x128xi1>, vector<256x128xi32>
    %select_n3A_2227 = arith.select %and3A_2217, %select_n3A_2135, %select_n3A_2194 : vector<256x128xi1>, vector<256x128xi32>
    %jit3A_2228 = arith.constant 2147483647 : i32
    %broadcast_in_dim3A_2229 = vector.broadcast %jit3A_2228 : i32 to vector<256x128xi32>
    %select_n3A_2230 = arith.select %and3A_2217, %broadcast_in_dim3A_2229, %select_n3A_2197 : vector<256x128xi1>, vector<256x128xi32>
    %reduce_min3A_2231 = arith.constant dense<2147483647> : vector<256xi32>
    %reduce_min3A_2232 = vector.multi_reduction <minsi>, %select_n3A_2218, %reduce_min3A_2231 [1] : vector<256x128xi32> to vector<256xi32>
    %broadcast_in_dim3A_2233 = vector.shape_cast %reduce_min3A_2232 : vector<256xi32> to vector<256x1xi32>
    %mul3A_2234 = arith.constant 128 : i32
    %mul3A_2235 = vector.broadcast %mul3A_2234 : i32 to vector<256x128xi32>
    %mul3A_2236 = arith.muli %select_n3A_2219, %mul3A_2235 : vector<256x128xi32>
    %add3A_2237 = arith.addi %mul3A_2236, %iota3A : vector<256x128xi32>
    %eq3A_2238 = vector.broadcast %broadcast_in_dim3A_2233 : vector<256x1xi32> to vector<256x128xi32>
    %eq3A_2239 = arith.cmpi eq, %select_n3A_2218, %eq3A_2238 : vector<256x128xi32>
    %jit3A_2240 = arith.constant 2147483647 : i32
    %broadcast_in_dim3A_2241 = vector.broadcast %jit3A_2240 : i32 to vector<256x128xi32>
    %select_n3A_2242 = arith.select %eq3A_2239, %add3A_2237, %broadcast_in_dim3A_2241 : vector<256x128xi1>, vector<256x128xi32>
    %reduce_min3A_2243 = arith.constant dense<2147483647> : vector<256xi32>
    %reduce_min3A_2244 = vector.multi_reduction <minsi>, %select_n3A_2242, %reduce_min3A_2243 [1] : vector<256x128xi32> to vector<256xi32>
    %broadcast_in_dim3A_2245 = vector.shape_cast %reduce_min3A_2244 : vector<256xi32> to vector<256x1xi32>
    %eq3A_2246 = vector.broadcast %broadcast_in_dim3A_2233 : vector<256x1xi32> to vector<256x128xi32>
    %eq3A_2247 = arith.cmpi eq, %select_n3A_2218, %eq3A_2246 : vector<256x128xi32>
    %eq3A_2248 = vector.broadcast %broadcast_in_dim3A_2245 : vector<256x1xi32> to vector<256x128xi32>
    %eq3A_2249 = arith.cmpi eq, %add3A_2237, %eq3A_2248 : vector<256x128xi32>
    %and3A_2250 = arith.andi %eq3A_2247, %eq3A_2249 : vector<256x128xi1>
    %select_n3A_2251 = arith.select %and3A_2250, %select_n3A_2220, %select_n3A_2218 : vector<256x128xi1>, vector<256x128xi32>
    %select_n3A_2252 = arith.select %and3A_2250, %select_n3A_2221, %select_n3A_2219 : vector<256x128xi1>, vector<256x128xi32>
    %select_n3A_2253 = arith.select %and3A_2250, %select_n3A_2222, %select_n3A_2220 : vector<256x128xi1>, vector<256x128xi32>
    %select_n3A_2254 = arith.select %and3A_2250, %select_n3A_2223, %select_n3A_2221 : vector<256x128xi1>, vector<256x128xi32>
    %select_n3A_2255 = arith.select %and3A_2250, %select_n3A_2224, %select_n3A_2222 : vector<256x128xi1>, vector<256x128xi32>
    %select_n3A_2256 = arith.select %and3A_2250, %select_n3A_2225, %select_n3A_2223 : vector<256x128xi1>, vector<256x128xi32>
    %select_n3A_2257 = arith.select %and3A_2250, %select_n3A_2226, %select_n3A_2224 : vector<256x128xi1>, vector<256x128xi32>
    %select_n3A_2258 = arith.select %and3A_2250, %select_n3A_2227, %select_n3A_2225 : vector<256x128xi1>, vector<256x128xi32>
    %select_n3A_2259 = arith.select %and3A_2250, %select_n3A_2230, %select_n3A_2226 : vector<256x128xi1>, vector<256x128xi32>
    %select_n3A_2260 = arith.select %and3A_2250, %select_n3A_2135, %select_n3A_2227 : vector<256x128xi1>, vector<256x128xi32>
    %jit3A_2261 = arith.constant 2147483647 : i32
    %broadcast_in_dim3A_2262 = vector.broadcast %jit3A_2261 : i32 to vector<256x128xi32>
    %select_n3A_2263 = arith.select %and3A_2250, %broadcast_in_dim3A_2262, %select_n3A_2230 : vector<256x128xi1>, vector<256x128xi32>
    %reduce_min3A_2264 = arith.constant dense<2147483647> : vector<256xi32>
    %reduce_min3A_2265 = vector.multi_reduction <minsi>, %select_n3A_2251, %reduce_min3A_2264 [1] : vector<256x128xi32> to vector<256xi32>
    %broadcast_in_dim3A_2266 = vector.shape_cast %reduce_min3A_2265 : vector<256xi32> to vector<256x1xi32>
    %mul3A_2267 = arith.constant 128 : i32
    %mul3A_2268 = vector.broadcast %mul3A_2267 : i32 to vector<256x128xi32>
    %mul3A_2269 = arith.muli %select_n3A_2252, %mul3A_2268 : vector<256x128xi32>
    %add3A_2270 = arith.addi %mul3A_2269, %iota3A : vector<256x128xi32>
    %eq3A_2271 = vector.broadcast %broadcast_in_dim3A_2266 : vector<256x1xi32> to vector<256x128xi32>
    %eq3A_2272 = arith.cmpi eq, %select_n3A_2251, %eq3A_2271 : vector<256x128xi32>
    %jit3A_2273 = arith.constant 2147483647 : i32
    %broadcast_in_dim3A_2274 = vector.broadcast %jit3A_2273 : i32 to vector<256x128xi32>
    %select_n3A_2275 = arith.select %eq3A_2272, %add3A_2270, %broadcast_in_dim3A_2274 : vector<256x128xi1>, vector<256x128xi32>
    %reduce_min3A_2276 = arith.constant dense<2147483647> : vector<256xi32>
    %reduce_min3A_2277 = vector.multi_reduction <minsi>, %select_n3A_2275, %reduce_min3A_2276 [1] : vector<256x128xi32> to vector<256xi32>
    %broadcast_in_dim3A_2278 = vector.shape_cast %reduce_min3A_2277 : vector<256xi32> to vector<256x1xi32>
    %eq3A_2279 = vector.broadcast %broadcast_in_dim3A_2266 : vector<256x1xi32> to vector<256x128xi32>
    %eq3A_2280 = arith.cmpi eq, %select_n3A_2251, %eq3A_2279 : vector<256x128xi32>
    %eq3A_2281 = vector.broadcast %broadcast_in_dim3A_2278 : vector<256x1xi32> to vector<256x128xi32>
    %eq3A_2282 = arith.cmpi eq, %add3A_2270, %eq3A_2281 : vector<256x128xi32>
    %and3A_2283 = arith.andi %eq3A_2280, %eq3A_2282 : vector<256x128xi1>
    %select_n3A_2284 = arith.select %and3A_2283, %select_n3A_2253, %select_n3A_2251 : vector<256x128xi1>, vector<256x128xi32>
    %select_n3A_2285 = arith.select %and3A_2283, %select_n3A_2254, %select_n3A_2252 : vector<256x128xi1>, vector<256x128xi32>
    %select_n3A_2286 = arith.select %and3A_2283, %select_n3A_2255, %select_n3A_2253 : vector<256x128xi1>, vector<256x128xi32>
    %select_n3A_2287 = arith.select %and3A_2283, %select_n3A_2256, %select_n3A_2254 : vector<256x128xi1>, vector<256x128xi32>
    %select_n3A_2288 = arith.select %and3A_2283, %select_n3A_2257, %select_n3A_2255 : vector<256x128xi1>, vector<256x128xi32>
    %select_n3A_2289 = arith.select %and3A_2283, %select_n3A_2258, %select_n3A_2256 : vector<256x128xi1>, vector<256x128xi32>
    %select_n3A_2290 = arith.select %and3A_2283, %select_n3A_2259, %select_n3A_2257 : vector<256x128xi1>, vector<256x128xi32>
    %select_n3A_2291 = arith.select %and3A_2283, %select_n3A_2260, %select_n3A_2258 : vector<256x128xi1>, vector<256x128xi32>
    %select_n3A_2292 = arith.select %and3A_2283, %select_n3A_2263, %select_n3A_2259 : vector<256x128xi1>, vector<256x128xi32>
    %select_n3A_2293 = arith.select %and3A_2283, %select_n3A_2135, %select_n3A_2260 : vector<256x128xi1>, vector<256x128xi32>
    %jit3A_2294 = arith.constant 2147483647 : i32
    %broadcast_in_dim3A_2295 = vector.broadcast %jit3A_2294 : i32 to vector<256x128xi32>
    %select_n3A_2296 = arith.select %and3A_2283, %broadcast_in_dim3A_2295, %select_n3A_2263 : vector<256x128xi1>, vector<256x128xi32>
    %reduce_min3A_2297 = arith.constant dense<2147483647> : vector<256xi32>
    %reduce_min3A_2298 = vector.multi_reduction <minsi>, %select_n3A_2284, %reduce_min3A_2297 [1] : vector<256x128xi32> to vector<256xi32>
    %broadcast_in_dim3A_2299 = vector.shape_cast %reduce_min3A_2298 : vector<256xi32> to vector<256x1xi32>
    %mul3A_2300 = arith.constant 128 : i32
    %mul3A_2301 = vector.broadcast %mul3A_2300 : i32 to vector<256x128xi32>
    %mul3A_2302 = arith.muli %select_n3A_2285, %mul3A_2301 : vector<256x128xi32>
    %add3A_2303 = arith.addi %mul3A_2302, %iota3A : vector<256x128xi32>
    %eq3A_2304 = vector.broadcast %broadcast_in_dim3A_2299 : vector<256x1xi32> to vector<256x128xi32>
    %eq3A_2305 = arith.cmpi eq, %select_n3A_2284, %eq3A_2304 : vector<256x128xi32>
    %jit3A_2306 = arith.constant 2147483647 : i32
    %broadcast_in_dim3A_2307 = vector.broadcast %jit3A_2306 : i32 to vector<256x128xi32>
    %select_n3A_2308 = arith.select %eq3A_2305, %add3A_2303, %broadcast_in_dim3A_2307 : vector<256x128xi1>, vector<256x128xi32>
    %reduce_min3A_2309 = arith.constant dense<2147483647> : vector<256xi32>
    %reduce_min3A_2310 = vector.multi_reduction <minsi>, %select_n3A_2308, %reduce_min3A_2309 [1] : vector<256x128xi32> to vector<256xi32>
    %broadcast_in_dim3A_2311 = vector.shape_cast %reduce_min3A_2310 : vector<256xi32> to vector<256x1xi32>
    %eq3A_2312 = vector.broadcast %broadcast_in_dim3A_2299 : vector<256x1xi32> to vector<256x128xi32>
    %eq3A_2313 = arith.cmpi eq, %select_n3A_2284, %eq3A_2312 : vector<256x128xi32>
    %eq3A_2314 = vector.broadcast %broadcast_in_dim3A_2311 : vector<256x1xi32> to vector<256x128xi32>
    %eq3A_2315 = arith.cmpi eq, %add3A_2303, %eq3A_2314 : vector<256x128xi32>
    %and3A_2316 = arith.andi %eq3A_2313, %eq3A_2315 : vector<256x128xi1>
    %select_n3A_2317 = arith.select %and3A_2316, %select_n3A_2286, %select_n3A_2284 : vector<256x128xi1>, vector<256x128xi32>
    %select_n3A_2318 = arith.select %and3A_2316, %select_n3A_2287, %select_n3A_2285 : vector<256x128xi1>, vector<256x128xi32>
    %select_n3A_2319 = arith.select %and3A_2316, %select_n3A_2288, %select_n3A_2286 : vector<256x128xi1>, vector<256x128xi32>
    %select_n3A_2320 = arith.select %and3A_2316, %select_n3A_2289, %select_n3A_2287 : vector<256x128xi1>, vector<256x128xi32>
    %select_n3A_2321 = arith.select %and3A_2316, %select_n3A_2290, %select_n3A_2288 : vector<256x128xi1>, vector<256x128xi32>
    %select_n3A_2322 = arith.select %and3A_2316, %select_n3A_2291, %select_n3A_2289 : vector<256x128xi1>, vector<256x128xi32>
    %select_n3A_2323 = arith.select %and3A_2316, %select_n3A_2292, %select_n3A_2290 : vector<256x128xi1>, vector<256x128xi32>
    %select_n3A_2324 = arith.select %and3A_2316, %select_n3A_2293, %select_n3A_2291 : vector<256x128xi1>, vector<256x128xi32>
    %select_n3A_2325 = arith.select %and3A_2316, %select_n3A_2296, %select_n3A_2292 : vector<256x128xi1>, vector<256x128xi32>
    %select_n3A_2326 = arith.select %and3A_2316, %select_n3A_2135, %select_n3A_2293 : vector<256x128xi1>, vector<256x128xi32>
    %jit3A_2327 = arith.constant 2147483647 : i32
    %broadcast_in_dim3A_2328 = vector.broadcast %jit3A_2327 : i32 to vector<256x128xi32>
    %select_n3A_2329 = arith.select %and3A_2316, %broadcast_in_dim3A_2328, %select_n3A_2296 : vector<256x128xi1>, vector<256x128xi32>
    %reduce_min3A_2330 = arith.constant dense<2147483647> : vector<256xi32>
    %reduce_min3A_2331 = vector.multi_reduction <minsi>, %select_n3A_2317, %reduce_min3A_2330 [1] : vector<256x128xi32> to vector<256xi32>
    %broadcast_in_dim3A_2332 = vector.shape_cast %reduce_min3A_2331 : vector<256xi32> to vector<256x1xi32>
    %mul3A_2333 = arith.constant 128 : i32
    %mul3A_2334 = vector.broadcast %mul3A_2333 : i32 to vector<256x128xi32>
    %mul3A_2335 = arith.muli %select_n3A_2318, %mul3A_2334 : vector<256x128xi32>
    %add3A_2336 = arith.addi %mul3A_2335, %iota3A : vector<256x128xi32>
    %eq3A_2337 = vector.broadcast %broadcast_in_dim3A_2332 : vector<256x1xi32> to vector<256x128xi32>
    %eq3A_2338 = arith.cmpi eq, %select_n3A_2317, %eq3A_2337 : vector<256x128xi32>
    %jit3A_2339 = arith.constant 2147483647 : i32
    %broadcast_in_dim3A_2340 = vector.broadcast %jit3A_2339 : i32 to vector<256x128xi32>
    %select_n3A_2341 = arith.select %eq3A_2338, %add3A_2336, %broadcast_in_dim3A_2340 : vector<256x128xi1>, vector<256x128xi32>
    %reduce_min3A_2342 = arith.constant dense<2147483647> : vector<256xi32>
    %reduce_min3A_2343 = vector.multi_reduction <minsi>, %select_n3A_2341, %reduce_min3A_2342 [1] : vector<256x128xi32> to vector<256xi32>
    %broadcast_in_dim3A_2344 = vector.shape_cast %reduce_min3A_2343 : vector<256xi32> to vector<256x1xi32>
    %eq3A_2345 = vector.broadcast %broadcast_in_dim3A_2332 : vector<256x1xi32> to vector<256x128xi32>
    %eq3A_2346 = arith.cmpi eq, %select_n3A_2317, %eq3A_2345 : vector<256x128xi32>
    %eq3A_2347 = vector.broadcast %broadcast_in_dim3A_2344 : vector<256x1xi32> to vector<256x128xi32>
    %eq3A_2348 = arith.cmpi eq, %add3A_2336, %eq3A_2347 : vector<256x128xi32>
    %and3A_2349 = arith.andi %eq3A_2346, %eq3A_2348 : vector<256x128xi1>
    %select_n3A_2350 = arith.select %and3A_2349, %select_n3A_2319, %select_n3A_2317 : vector<256x128xi1>, vector<256x128xi32>
    %select_n3A_2351 = arith.select %and3A_2349, %select_n3A_2320, %select_n3A_2318 : vector<256x128xi1>, vector<256x128xi32>
    %select_n3A_2352 = arith.select %and3A_2349, %select_n3A_2321, %select_n3A_2319 : vector<256x128xi1>, vector<256x128xi32>
    %select_n3A_2353 = arith.select %and3A_2349, %select_n3A_2322, %select_n3A_2320 : vector<256x128xi1>, vector<256x128xi32>
    %select_n3A_2354 = arith.select %and3A_2349, %select_n3A_2323, %select_n3A_2321 : vector<256x128xi1>, vector<256x128xi32>
    %select_n3A_2355 = arith.select %and3A_2349, %select_n3A_2324, %select_n3A_2322 : vector<256x128xi1>, vector<256x128xi32>
    %select_n3A_2356 = arith.select %and3A_2349, %select_n3A_2325, %select_n3A_2323 : vector<256x128xi1>, vector<256x128xi32>
    %select_n3A_2357 = arith.select %and3A_2349, %select_n3A_2326, %select_n3A_2324 : vector<256x128xi1>, vector<256x128xi32>
    %select_n3A_2358 = arith.select %and3A_2349, %select_n3A_2329, %select_n3A_2325 : vector<256x128xi1>, vector<256x128xi32>
    %select_n3A_2359 = arith.select %and3A_2349, %select_n3A_2135, %select_n3A_2326 : vector<256x128xi1>, vector<256x128xi32>
    %jit3A_2360 = arith.constant 2147483647 : i32
    %broadcast_in_dim3A_2361 = vector.broadcast %jit3A_2360 : i32 to vector<256x128xi32>
    %select_n3A_2362 = arith.select %and3A_2349, %broadcast_in_dim3A_2361, %select_n3A_2329 : vector<256x128xi1>, vector<256x128xi32>
    %reduce_min3A_2363 = arith.constant dense<2147483647> : vector<256xi32>
    %reduce_min3A_2364 = vector.multi_reduction <minsi>, %select_n3A_2350, %reduce_min3A_2363 [1] : vector<256x128xi32> to vector<256xi32>
    %broadcast_in_dim3A_2365 = vector.shape_cast %reduce_min3A_2364 : vector<256xi32> to vector<256x1xi32>
    %mul3A_2366 = arith.constant 128 : i32
    %mul3A_2367 = vector.broadcast %mul3A_2366 : i32 to vector<256x128xi32>
    %mul3A_2368 = arith.muli %select_n3A_2351, %mul3A_2367 : vector<256x128xi32>
    %add3A_2369 = arith.addi %mul3A_2368, %iota3A : vector<256x128xi32>
    %eq3A_2370 = vector.broadcast %broadcast_in_dim3A_2365 : vector<256x1xi32> to vector<256x128xi32>
    %eq3A_2371 = arith.cmpi eq, %select_n3A_2350, %eq3A_2370 : vector<256x128xi32>
    %jit3A_2372 = arith.constant 2147483647 : i32
    %broadcast_in_dim3A_2373 = vector.broadcast %jit3A_2372 : i32 to vector<256x128xi32>
    %select_n3A_2374 = arith.select %eq3A_2371, %add3A_2369, %broadcast_in_dim3A_2373 : vector<256x128xi1>, vector<256x128xi32>
    %reduce_min3A_2375 = arith.constant dense<2147483647> : vector<256xi32>
    %reduce_min3A_2376 = vector.multi_reduction <minsi>, %select_n3A_2374, %reduce_min3A_2375 [1] : vector<256x128xi32> to vector<256xi32>
    %broadcast_in_dim3A_2377 = vector.shape_cast %reduce_min3A_2376 : vector<256xi32> to vector<256x1xi32>
    %eq3A_2378 = vector.broadcast %broadcast_in_dim3A_2365 : vector<256x1xi32> to vector<256x128xi32>
    %eq3A_2379 = arith.cmpi eq, %select_n3A_2350, %eq3A_2378 : vector<256x128xi32>
    %eq3A_2380 = vector.broadcast %broadcast_in_dim3A_2377 : vector<256x1xi32> to vector<256x128xi32>
    %eq3A_2381 = arith.cmpi eq, %add3A_2369, %eq3A_2380 : vector<256x128xi32>
    %and3A_2382 = arith.andi %eq3A_2379, %eq3A_2381 : vector<256x128xi1>
    %select_n3A_2383 = arith.select %and3A_2382, %select_n3A_2352, %select_n3A_2350 : vector<256x128xi1>, vector<256x128xi32>
    %select_n3A_2384 = arith.select %and3A_2382, %select_n3A_2353, %select_n3A_2351 : vector<256x128xi1>, vector<256x128xi32>
    %select_n3A_2385 = arith.select %and3A_2382, %select_n3A_2354, %select_n3A_2352 : vector<256x128xi1>, vector<256x128xi32>
    %select_n3A_2386 = arith.select %and3A_2382, %select_n3A_2355, %select_n3A_2353 : vector<256x128xi1>, vector<256x128xi32>
    %select_n3A_2387 = arith.select %and3A_2382, %select_n3A_2356, %select_n3A_2354 : vector<256x128xi1>, vector<256x128xi32>
    %select_n3A_2388 = arith.select %and3A_2382, %select_n3A_2357, %select_n3A_2355 : vector<256x128xi1>, vector<256x128xi32>
    %select_n3A_2389 = arith.select %and3A_2382, %select_n3A_2358, %select_n3A_2356 : vector<256x128xi1>, vector<256x128xi32>
    %select_n3A_2390 = arith.select %and3A_2382, %select_n3A_2359, %select_n3A_2357 : vector<256x128xi1>, vector<256x128xi32>
    %select_n3A_2391 = arith.select %and3A_2382, %select_n3A_2362, %select_n3A_2358 : vector<256x128xi1>, vector<256x128xi32>
    %select_n3A_2392 = arith.select %and3A_2382, %select_n3A_2135, %select_n3A_2359 : vector<256x128xi1>, vector<256x128xi32>
    %jit3A_2393 = arith.constant 2147483647 : i32
    %broadcast_in_dim3A_2394 = vector.broadcast %jit3A_2393 : i32 to vector<256x128xi32>
    %select_n3A_2395 = arith.select %and3A_2382, %broadcast_in_dim3A_2394, %select_n3A_2362 : vector<256x128xi1>, vector<256x128xi32>
    %reduce_min3A_2396 = arith.constant dense<2147483647> : vector<256xi32>
    %reduce_min3A_2397 = vector.multi_reduction <minsi>, %select_n3A_2383, %reduce_min3A_2396 [1] : vector<256x128xi32> to vector<256xi32>
    %broadcast_in_dim3A_2398 = vector.shape_cast %reduce_min3A_2397 : vector<256xi32> to vector<256x1xi32>
    %mul3A_2399 = arith.constant 128 : i32
    %mul3A_2400 = vector.broadcast %mul3A_2399 : i32 to vector<256x128xi32>
    %mul3A_2401 = arith.muli %select_n3A_2384, %mul3A_2400 : vector<256x128xi32>
    %add3A_2402 = arith.addi %mul3A_2401, %iota3A : vector<256x128xi32>
    %eq3A_2403 = vector.broadcast %broadcast_in_dim3A_2398 : vector<256x1xi32> to vector<256x128xi32>
    %eq3A_2404 = arith.cmpi eq, %select_n3A_2383, %eq3A_2403 : vector<256x128xi32>
    %jit3A_2405 = arith.constant 2147483647 : i32
    %broadcast_in_dim3A_2406 = vector.broadcast %jit3A_2405 : i32 to vector<256x128xi32>
    %select_n3A_2407 = arith.select %eq3A_2404, %add3A_2402, %broadcast_in_dim3A_2406 : vector<256x128xi1>, vector<256x128xi32>
    %reduce_min3A_2408 = arith.constant dense<2147483647> : vector<256xi32>
    %reduce_min3A_2409 = vector.multi_reduction <minsi>, %select_n3A_2407, %reduce_min3A_2408 [1] : vector<256x128xi32> to vector<256xi32>
    %broadcast_in_dim3A_2410 = vector.shape_cast %reduce_min3A_2409 : vector<256xi32> to vector<256x1xi32>
    %eq3A_2411 = vector.broadcast %broadcast_in_dim3A_2398 : vector<256x1xi32> to vector<256x128xi32>
    %eq3A_2412 = arith.cmpi eq, %select_n3A_2383, %eq3A_2411 : vector<256x128xi32>
    %eq3A_2413 = vector.broadcast %broadcast_in_dim3A_2410 : vector<256x1xi32> to vector<256x128xi32>
    %eq3A_2414 = arith.cmpi eq, %add3A_2402, %eq3A_2413 : vector<256x128xi32>
    %and3A_2415 = arith.andi %eq3A_2412, %eq3A_2414 : vector<256x128xi1>
    %select_n3A_2416 = arith.select %and3A_2415, %select_n3A_2385, %select_n3A_2383 : vector<256x128xi1>, vector<256x128xi32>
    %select_n3A_2417 = arith.select %and3A_2415, %select_n3A_2386, %select_n3A_2384 : vector<256x128xi1>, vector<256x128xi32>
    %select_n3A_2418 = arith.select %and3A_2415, %select_n3A_2387, %select_n3A_2385 : vector<256x128xi1>, vector<256x128xi32>
    %select_n3A_2419 = arith.select %and3A_2415, %select_n3A_2388, %select_n3A_2386 : vector<256x128xi1>, vector<256x128xi32>
    %select_n3A_2420 = arith.select %and3A_2415, %select_n3A_2389, %select_n3A_2387 : vector<256x128xi1>, vector<256x128xi32>
    %select_n3A_2421 = arith.select %and3A_2415, %select_n3A_2390, %select_n3A_2388 : vector<256x128xi1>, vector<256x128xi32>
    %select_n3A_2422 = arith.select %and3A_2415, %select_n3A_2391, %select_n3A_2389 : vector<256x128xi1>, vector<256x128xi32>
    %select_n3A_2423 = arith.select %and3A_2415, %select_n3A_2392, %select_n3A_2390 : vector<256x128xi1>, vector<256x128xi32>
    %select_n3A_2424 = arith.select %and3A_2415, %select_n3A_2395, %select_n3A_2391 : vector<256x128xi1>, vector<256x128xi32>
    %select_n3A_2425 = arith.select %and3A_2415, %select_n3A_2135, %select_n3A_2392 : vector<256x128xi1>, vector<256x128xi32>
    %jit3A_2426 = arith.constant 2147483647 : i32
    %broadcast_in_dim3A_2427 = vector.broadcast %jit3A_2426 : i32 to vector<256x128xi32>
    %select_n3A_2428 = arith.select %and3A_2415, %broadcast_in_dim3A_2427, %select_n3A_2395 : vector<256x128xi1>, vector<256x128xi32>
    %reduce_min3A_2429 = arith.constant dense<2147483647> : vector<256xi32>
    %reduce_min3A_2430 = vector.multi_reduction <minsi>, %select_n3A_2416, %reduce_min3A_2429 [1] : vector<256x128xi32> to vector<256xi32>
    %broadcast_in_dim3A_2431 = vector.shape_cast %reduce_min3A_2430 : vector<256xi32> to vector<256x1xi32>
    %mul3A_2432 = arith.constant 128 : i32
    %mul3A_2433 = vector.broadcast %mul3A_2432 : i32 to vector<256x128xi32>
    %mul3A_2434 = arith.muli %select_n3A_2417, %mul3A_2433 : vector<256x128xi32>
    %add3A_2435 = arith.addi %mul3A_2434, %iota3A : vector<256x128xi32>
    %eq3A_2436 = vector.broadcast %broadcast_in_dim3A_2431 : vector<256x1xi32> to vector<256x128xi32>
    %eq3A_2437 = arith.cmpi eq, %select_n3A_2416, %eq3A_2436 : vector<256x128xi32>
    %jit3A_2438 = arith.constant 2147483647 : i32
    %broadcast_in_dim3A_2439 = vector.broadcast %jit3A_2438 : i32 to vector<256x128xi32>
    %select_n3A_2440 = arith.select %eq3A_2437, %add3A_2435, %broadcast_in_dim3A_2439 : vector<256x128xi1>, vector<256x128xi32>
    %reduce_min3A_2441 = arith.constant dense<2147483647> : vector<256xi32>
    %reduce_min3A_2442 = vector.multi_reduction <minsi>, %select_n3A_2440, %reduce_min3A_2441 [1] : vector<256x128xi32> to vector<256xi32>
    %broadcast_in_dim3A_2443 = vector.shape_cast %reduce_min3A_2442 : vector<256xi32> to vector<256x1xi32>
    %eq3A_2444 = vector.broadcast %broadcast_in_dim3A_2431 : vector<256x1xi32> to vector<256x128xi32>
    %eq3A_2445 = arith.cmpi eq, %select_n3A_2416, %eq3A_2444 : vector<256x128xi32>
    %eq3A_2446 = vector.broadcast %broadcast_in_dim3A_2443 : vector<256x1xi32> to vector<256x128xi32>
    %eq3A_2447 = arith.cmpi eq, %add3A_2435, %eq3A_2446 : vector<256x128xi32>
    %and3A_2448 = arith.andi %eq3A_2445, %eq3A_2447 : vector<256x128xi1>
    %select_n3A_2449 = arith.select %and3A_2448, %select_n3A_2418, %select_n3A_2416 : vector<256x128xi1>, vector<256x128xi32>
    %select_n3A_2450 = arith.select %and3A_2448, %select_n3A_2419, %select_n3A_2417 : vector<256x128xi1>, vector<256x128xi32>
    %select_n3A_2451 = arith.select %and3A_2448, %select_n3A_2420, %select_n3A_2418 : vector<256x128xi1>, vector<256x128xi32>
    %select_n3A_2452 = arith.select %and3A_2448, %select_n3A_2421, %select_n3A_2419 : vector<256x128xi1>, vector<256x128xi32>
    %select_n3A_2453 = arith.select %and3A_2448, %select_n3A_2422, %select_n3A_2420 : vector<256x128xi1>, vector<256x128xi32>
    %select_n3A_2454 = arith.select %and3A_2448, %select_n3A_2423, %select_n3A_2421 : vector<256x128xi1>, vector<256x128xi32>
    %select_n3A_2455 = arith.select %and3A_2448, %select_n3A_2424, %select_n3A_2422 : vector<256x128xi1>, vector<256x128xi32>
    %select_n3A_2456 = arith.select %and3A_2448, %select_n3A_2425, %select_n3A_2423 : vector<256x128xi1>, vector<256x128xi32>
    %select_n3A_2457 = arith.select %and3A_2448, %select_n3A_2428, %select_n3A_2424 : vector<256x128xi1>, vector<256x128xi32>
    %select_n3A_2458 = arith.select %and3A_2448, %select_n3A_2135, %select_n3A_2425 : vector<256x128xi1>, vector<256x128xi32>
    %jit3A_2459 = arith.constant 2147483647 : i32
    %broadcast_in_dim3A_2460 = vector.broadcast %jit3A_2459 : i32 to vector<256x128xi32>
    %select_n3A_2461 = arith.select %and3A_2448, %broadcast_in_dim3A_2460, %select_n3A_2428 : vector<256x128xi1>, vector<256x128xi32>
    %reduce_min3A_2462 = arith.constant dense<2147483647> : vector<256xi32>
    %reduce_min3A_2463 = vector.multi_reduction <minsi>, %select_n3A_2449, %reduce_min3A_2462 [1] : vector<256x128xi32> to vector<256xi32>
    %broadcast_in_dim3A_2464 = vector.shape_cast %reduce_min3A_2463 : vector<256xi32> to vector<256x1xi32>
    %mul3A_2465 = arith.constant 128 : i32
    %mul3A_2466 = vector.broadcast %mul3A_2465 : i32 to vector<256x128xi32>
    %mul3A_2467 = arith.muli %select_n3A_2450, %mul3A_2466 : vector<256x128xi32>
    %add3A_2468 = arith.addi %mul3A_2467, %iota3A : vector<256x128xi32>
    %eq3A_2469 = vector.broadcast %broadcast_in_dim3A_2464 : vector<256x1xi32> to vector<256x128xi32>
    %eq3A_2470 = arith.cmpi eq, %select_n3A_2449, %eq3A_2469 : vector<256x128xi32>
    %jit3A_2471 = arith.constant 2147483647 : i32
    %broadcast_in_dim3A_2472 = vector.broadcast %jit3A_2471 : i32 to vector<256x128xi32>
    %select_n3A_2473 = arith.select %eq3A_2470, %add3A_2468, %broadcast_in_dim3A_2472 : vector<256x128xi1>, vector<256x128xi32>
    %reduce_min3A_2474 = arith.constant dense<2147483647> : vector<256xi32>
    %reduce_min3A_2475 = vector.multi_reduction <minsi>, %select_n3A_2473, %reduce_min3A_2474 [1] : vector<256x128xi32> to vector<256xi32>
    %broadcast_in_dim3A_2476 = vector.shape_cast %reduce_min3A_2475 : vector<256xi32> to vector<256x1xi32>
    %eq3A_2477 = vector.broadcast %broadcast_in_dim3A_2464 : vector<256x1xi32> to vector<256x128xi32>
    %eq3A_2478 = arith.cmpi eq, %select_n3A_2449, %eq3A_2477 : vector<256x128xi32>
    %eq3A_2479 = vector.broadcast %broadcast_in_dim3A_2476 : vector<256x1xi32> to vector<256x128xi32>
    %eq3A_2480 = arith.cmpi eq, %add3A_2468, %eq3A_2479 : vector<256x128xi32>
    %and3A_2481 = arith.andi %eq3A_2478, %eq3A_2480 : vector<256x128xi1>
    %select_n3A_2482 = arith.select %and3A_2481, %select_n3A_2451, %select_n3A_2449 : vector<256x128xi1>, vector<256x128xi32>
    %select_n3A_2483 = arith.select %and3A_2481, %select_n3A_2452, %select_n3A_2450 : vector<256x128xi1>, vector<256x128xi32>
    %select_n3A_2484 = arith.select %and3A_2481, %select_n3A_2453, %select_n3A_2451 : vector<256x128xi1>, vector<256x128xi32>
    %select_n3A_2485 = arith.select %and3A_2481, %select_n3A_2454, %select_n3A_2452 : vector<256x128xi1>, vector<256x128xi32>
    %select_n3A_2486 = arith.select %and3A_2481, %select_n3A_2455, %select_n3A_2453 : vector<256x128xi1>, vector<256x128xi32>
    %select_n3A_2487 = arith.select %and3A_2481, %select_n3A_2456, %select_n3A_2454 : vector<256x128xi1>, vector<256x128xi32>
    %select_n3A_2488 = arith.select %and3A_2481, %select_n3A_2457, %select_n3A_2455 : vector<256x128xi1>, vector<256x128xi32>
    %select_n3A_2489 = arith.select %and3A_2481, %select_n3A_2458, %select_n3A_2456 : vector<256x128xi1>, vector<256x128xi32>
    %select_n3A_2490 = arith.select %and3A_2481, %select_n3A_2461, %select_n3A_2457 : vector<256x128xi1>, vector<256x128xi32>
    %select_n3A_2491 = arith.select %and3A_2481, %select_n3A_2135, %select_n3A_2458 : vector<256x128xi1>, vector<256x128xi32>
    %reduce_min3A_2492 = arith.constant dense<2147483647> : vector<256xi32>
    %reduce_min3A_2493 = vector.multi_reduction <minsi>, %select_n3A_2482, %reduce_min3A_2492 [1] : vector<256x128xi32> to vector<256xi32>
    %broadcast_in_dim3A_2494 = vector.shape_cast %reduce_min3A_2493 : vector<256xi32> to vector<256x1xi32>
    %mul3A_2495 = arith.constant 128 : i32
    %mul3A_2496 = vector.broadcast %mul3A_2495 : i32 to vector<256x128xi32>
    %mul3A_2497 = arith.muli %select_n3A_2483, %mul3A_2496 : vector<256x128xi32>
    %add3A_2498 = arith.addi %mul3A_2497, %iota3A : vector<256x128xi32>
    %eq3A_2499 = vector.broadcast %broadcast_in_dim3A_2494 : vector<256x1xi32> to vector<256x128xi32>
    %eq3A_2500 = arith.cmpi eq, %select_n3A_2482, %eq3A_2499 : vector<256x128xi32>
    %jit3A_2501 = arith.constant 2147483647 : i32
    %broadcast_in_dim3A_2502 = vector.broadcast %jit3A_2501 : i32 to vector<256x128xi32>
    %select_n3A_2503 = arith.select %eq3A_2500, %add3A_2498, %broadcast_in_dim3A_2502 : vector<256x128xi1>, vector<256x128xi32>
    %reduce_min3A_2504 = arith.constant dense<2147483647> : vector<256xi32>
    %reduce_min3A_2505 = vector.multi_reduction <minsi>, %select_n3A_2503, %reduce_min3A_2504 [1] : vector<256x128xi32> to vector<256xi32>
    %broadcast_in_dim3A_2506 = vector.shape_cast %reduce_min3A_2505 : vector<256xi32> to vector<256x1xi32>
    %eq3A_2507 = vector.broadcast %broadcast_in_dim3A_2494 : vector<256x1xi32> to vector<256x128xi32>
    %eq3A_2508 = arith.cmpi eq, %select_n3A_2482, %eq3A_2507 : vector<256x128xi32>
    %eq3A_2509 = vector.broadcast %broadcast_in_dim3A_2506 : vector<256x1xi32> to vector<256x128xi32>
    %eq3A_2510 = arith.cmpi eq, %add3A_2498, %eq3A_2509 : vector<256x128xi32>
    %and3A_2511 = arith.andi %eq3A_2508, %eq3A_2510 : vector<256x128xi1>
    %select_n3A_2512 = arith.select %and3A_2511, %select_n3A_2484, %select_n3A_2482 : vector<256x128xi1>, vector<256x128xi32>
    %select_n3A_2513 = arith.select %and3A_2511, %select_n3A_2485, %select_n3A_2483 : vector<256x128xi1>, vector<256x128xi32>
    %select_n3A_2514 = arith.select %and3A_2511, %select_n3A_2486, %select_n3A_2484 : vector<256x128xi1>, vector<256x128xi32>
    %select_n3A_2515 = arith.select %and3A_2511, %select_n3A_2487, %select_n3A_2485 : vector<256x128xi1>, vector<256x128xi32>
    %select_n3A_2516 = arith.select %and3A_2511, %select_n3A_2488, %select_n3A_2486 : vector<256x128xi1>, vector<256x128xi32>
    %select_n3A_2517 = arith.select %and3A_2511, %select_n3A_2489, %select_n3A_2487 : vector<256x128xi1>, vector<256x128xi32>
    %select_n3A_2518 = arith.select %and3A_2511, %select_n3A_2490, %select_n3A_2488 : vector<256x128xi1>, vector<256x128xi32>
    %select_n3A_2519 = arith.select %and3A_2511, %select_n3A_2491, %select_n3A_2489 : vector<256x128xi1>, vector<256x128xi32>
    %reduce_min3A_2520 = arith.constant dense<2147483647> : vector<256xi32>
    %reduce_min3A_2521 = vector.multi_reduction <minsi>, %select_n3A_2512, %reduce_min3A_2520 [1] : vector<256x128xi32> to vector<256xi32>
    %broadcast_in_dim3A_2522 = vector.shape_cast %reduce_min3A_2521 : vector<256xi32> to vector<256x1xi32>
    %mul3A_2523 = arith.constant 128 : i32
    %mul3A_2524 = vector.broadcast %mul3A_2523 : i32 to vector<256x128xi32>
    %mul3A_2525 = arith.muli %select_n3A_2513, %mul3A_2524 : vector<256x128xi32>
    %add3A_2526 = arith.addi %mul3A_2525, %iota3A : vector<256x128xi32>
    %eq3A_2527 = vector.broadcast %broadcast_in_dim3A_2522 : vector<256x1xi32> to vector<256x128xi32>
    %eq3A_2528 = arith.cmpi eq, %select_n3A_2512, %eq3A_2527 : vector<256x128xi32>
    %jit3A_2529 = arith.constant 2147483647 : i32
    %broadcast_in_dim3A_2530 = vector.broadcast %jit3A_2529 : i32 to vector<256x128xi32>
    %select_n3A_2531 = arith.select %eq3A_2528, %add3A_2526, %broadcast_in_dim3A_2530 : vector<256x128xi1>, vector<256x128xi32>
    %reduce_min3A_2532 = arith.constant dense<2147483647> : vector<256xi32>
    %reduce_min3A_2533 = vector.multi_reduction <minsi>, %select_n3A_2531, %reduce_min3A_2532 [1] : vector<256x128xi32> to vector<256xi32>
    %broadcast_in_dim3A_2534 = vector.shape_cast %reduce_min3A_2533 : vector<256xi32> to vector<256x1xi32>
    %eq3A_2535 = vector.broadcast %broadcast_in_dim3A_2522 : vector<256x1xi32> to vector<256x128xi32>
    %eq3A_2536 = arith.cmpi eq, %select_n3A_2512, %eq3A_2535 : vector<256x128xi32>
    %eq3A_2537 = vector.broadcast %broadcast_in_dim3A_2534 : vector<256x1xi32> to vector<256x128xi32>
    %eq3A_2538 = arith.cmpi eq, %add3A_2526, %eq3A_2537 : vector<256x128xi32>
    %and3A_2539 = arith.andi %eq3A_2536, %eq3A_2538 : vector<256x128xi1>
    %select_n3A_2540 = arith.select %and3A_2539, %select_n3A_2514, %select_n3A_2512 : vector<256x128xi1>, vector<256x128xi32>
    %select_n3A_2541 = arith.select %and3A_2539, %select_n3A_2515, %select_n3A_2513 : vector<256x128xi1>, vector<256x128xi32>
    %select_n3A_2542 = arith.select %and3A_2539, %select_n3A_2516, %select_n3A_2514 : vector<256x128xi1>, vector<256x128xi32>
    %select_n3A_2543 = arith.select %and3A_2539, %select_n3A_2517, %select_n3A_2515 : vector<256x128xi1>, vector<256x128xi32>
    %select_n3A_2544 = arith.select %and3A_2539, %select_n3A_2518, %select_n3A_2516 : vector<256x128xi1>, vector<256x128xi32>
    %select_n3A_2545 = arith.select %and3A_2539, %select_n3A_2519, %select_n3A_2517 : vector<256x128xi1>, vector<256x128xi32>
    %reduce_min3A_2546 = arith.constant dense<2147483647> : vector<256xi32>
    %reduce_min3A_2547 = vector.multi_reduction <minsi>, %select_n3A_2540, %reduce_min3A_2546 [1] : vector<256x128xi32> to vector<256xi32>
    %broadcast_in_dim3A_2548 = vector.shape_cast %reduce_min3A_2547 : vector<256xi32> to vector<256x1xi32>
    %mul3A_2549 = arith.constant 128 : i32
    %mul3A_2550 = vector.broadcast %mul3A_2549 : i32 to vector<256x128xi32>
    %mul3A_2551 = arith.muli %select_n3A_2541, %mul3A_2550 : vector<256x128xi32>
    %add3A_2552 = arith.addi %mul3A_2551, %iota3A : vector<256x128xi32>
    %eq3A_2553 = vector.broadcast %broadcast_in_dim3A_2548 : vector<256x1xi32> to vector<256x128xi32>
    %eq3A_2554 = arith.cmpi eq, %select_n3A_2540, %eq3A_2553 : vector<256x128xi32>
    %jit3A_2555 = arith.constant 2147483647 : i32
    %broadcast_in_dim3A_2556 = vector.broadcast %jit3A_2555 : i32 to vector<256x128xi32>
    %select_n3A_2557 = arith.select %eq3A_2554, %add3A_2552, %broadcast_in_dim3A_2556 : vector<256x128xi1>, vector<256x128xi32>
    %reduce_min3A_2558 = arith.constant dense<2147483647> : vector<256xi32>
    %reduce_min3A_2559 = vector.multi_reduction <minsi>, %select_n3A_2557, %reduce_min3A_2558 [1] : vector<256x128xi32> to vector<256xi32>
    %broadcast_in_dim3A_2560 = vector.shape_cast %reduce_min3A_2559 : vector<256xi32> to vector<256x1xi32>
    %eq3A_2561 = vector.broadcast %broadcast_in_dim3A_2548 : vector<256x1xi32> to vector<256x128xi32>
    %eq3A_2562 = arith.cmpi eq, %select_n3A_2540, %eq3A_2561 : vector<256x128xi32>
    %eq3A_2563 = vector.broadcast %broadcast_in_dim3A_2560 : vector<256x1xi32> to vector<256x128xi32>
    %eq3A_2564 = arith.cmpi eq, %add3A_2552, %eq3A_2563 : vector<256x128xi32>
    %and3A_2565 = arith.andi %eq3A_2562, %eq3A_2564 : vector<256x128xi1>
    %select_n3A_2566 = arith.select %and3A_2565, %select_n3A_2542, %select_n3A_2540 : vector<256x128xi1>, vector<256x128xi32>
    %select_n3A_2567 = arith.select %and3A_2565, %select_n3A_2543, %select_n3A_2541 : vector<256x128xi1>, vector<256x128xi32>
    %select_n3A_2568 = arith.select %and3A_2565, %select_n3A_2544, %select_n3A_2542 : vector<256x128xi1>, vector<256x128xi32>
    %select_n3A_2569 = arith.select %and3A_2565, %select_n3A_2545, %select_n3A_2543 : vector<256x128xi1>, vector<256x128xi32>
    %reduce_min3A_2570 = arith.constant dense<2147483647> : vector<256xi32>
    %reduce_min3A_2571 = vector.multi_reduction <minsi>, %select_n3A_2566, %reduce_min3A_2570 [1] : vector<256x128xi32> to vector<256xi32>
    %broadcast_in_dim3A_2572 = vector.shape_cast %reduce_min3A_2571 : vector<256xi32> to vector<256x1xi32>
    %mul3A_2573 = arith.constant 128 : i32
    %mul3A_2574 = vector.broadcast %mul3A_2573 : i32 to vector<256x128xi32>
    %mul3A_2575 = arith.muli %select_n3A_2567, %mul3A_2574 : vector<256x128xi32>
    %add3A_2576 = arith.addi %mul3A_2575, %iota3A : vector<256x128xi32>
    %eq3A_2577 = vector.broadcast %broadcast_in_dim3A_2572 : vector<256x1xi32> to vector<256x128xi32>
    %eq3A_2578 = arith.cmpi eq, %select_n3A_2566, %eq3A_2577 : vector<256x128xi32>
    %jit3A_2579 = arith.constant 2147483647 : i32
    %broadcast_in_dim3A_2580 = vector.broadcast %jit3A_2579 : i32 to vector<256x128xi32>
    %select_n3A_2581 = arith.select %eq3A_2578, %add3A_2576, %broadcast_in_dim3A_2580 : vector<256x128xi1>, vector<256x128xi32>
    %reduce_min3A_2582 = arith.constant dense<2147483647> : vector<256xi32>
    %reduce_min3A_2583 = vector.multi_reduction <minsi>, %select_n3A_2581, %reduce_min3A_2582 [1] : vector<256x128xi32> to vector<256xi32>
    %broadcast_in_dim3A_2584 = vector.shape_cast %reduce_min3A_2583 : vector<256xi32> to vector<256x1xi32>
    %eq3A_2585 = vector.broadcast %broadcast_in_dim3A_2572 : vector<256x1xi32> to vector<256x128xi32>
    %eq3A_2586 = arith.cmpi eq, %select_n3A_2566, %eq3A_2585 : vector<256x128xi32>
    %eq3A_2587 = vector.broadcast %broadcast_in_dim3A_2584 : vector<256x1xi32> to vector<256x128xi32>
    %eq3A_2588 = arith.cmpi eq, %add3A_2576, %eq3A_2587 : vector<256x128xi32>
    %and3A_2589 = arith.andi %eq3A_2586, %eq3A_2588 : vector<256x128xi1>
    %select_n3A_2590 = arith.select %and3A_2589, %select_n3A_2568, %select_n3A_2566 : vector<256x128xi1>, vector<256x128xi32>
    %select_n3A_2591 = arith.select %and3A_2589, %select_n3A_2569, %select_n3A_2567 : vector<256x128xi1>, vector<256x128xi32>
    %reduce_min3A_2592 = arith.constant dense<2147483647> : vector<256xi32>
    %reduce_min3A_2593 = vector.multi_reduction <minsi>, %select_n3A_2590, %reduce_min3A_2592 [1] : vector<256x128xi32> to vector<256xi32>
    %broadcast_in_dim3A_2594 = vector.shape_cast %reduce_min3A_2593 : vector<256xi32> to vector<256x1xi32>
    %mul3A_2595 = arith.constant 128 : i32
    %mul3A_2596 = vector.broadcast %mul3A_2595 : i32 to vector<256x128xi32>
    %mul3A_2597 = arith.muli %select_n3A_2591, %mul3A_2596 : vector<256x128xi32>
    %add3A_2598 = arith.addi %mul3A_2597, %iota3A : vector<256x128xi32>
    %eq3A_2599 = vector.broadcast %broadcast_in_dim3A_2594 : vector<256x1xi32> to vector<256x128xi32>
    %eq3A_2600 = arith.cmpi eq, %select_n3A_2590, %eq3A_2599 : vector<256x128xi32>
    %jit3A_2601 = arith.constant 2147483647 : i32
    %broadcast_in_dim3A_2602 = vector.broadcast %jit3A_2601 : i32 to vector<256x128xi32>
    %select_n3A_2603 = arith.select %eq3A_2600, %add3A_2598, %broadcast_in_dim3A_2602 : vector<256x128xi1>, vector<256x128xi32>
    %reduce_min3A_2604 = arith.constant dense<2147483647> : vector<256xi32>
    %reduce_min3A_2605 = vector.multi_reduction <minsi>, %select_n3A_2603, %reduce_min3A_2604 [1] : vector<256x128xi32> to vector<256xi32>
    %broadcast_in_dim3A_2606 = vector.shape_cast %reduce_min3A_2605 : vector<256xi32> to vector<256x1xi32>
    %concatenate3A = tpu.concatenate %broadcast_in_dim3A_2147, %broadcast_in_dim3A_2179, %broadcast_in_dim3A_2212, %broadcast_in_dim3A_2245, %broadcast_in_dim3A_2278, %broadcast_in_dim3A_2311, %broadcast_in_dim3A_2344, %broadcast_in_dim3A_2377, %broadcast_in_dim3A_2410, %broadcast_in_dim3A_2443, %broadcast_in_dim3A_2476, %broadcast_in_dim3A_2506, %broadcast_in_dim3A_2534, %broadcast_in_dim3A_2560, %broadcast_in_dim3A_2584, %broadcast_in_dim3A_2606 in 1 : vector<256x1xi32>, vector<256x1xi32>, vector<256x1xi32>, vector<256x1xi32>, vector<256x1xi32>, vector<256x1xi32>, vector<256x1xi32>, vector<256x1xi32>, vector<256x1xi32>, vector<256x1xi32>, vector<256x1xi32>, vector<256x1xi32>, vector<256x1xi32>, vector<256x1xi32>, vector<256x1xi32>, vector<256x1xi32> -> vector<256x16xi32>
    %swap3A = arith.constant 0 : index
    %swap3A_2607 = arith.constant 0 : index
    %swap3A_2608 = vector.load %arg2[%swap3A, %swap3A_2607] : memref<256x16xi32, #tpu.memory_space<vmem>>, vector<256x16xi32>
    tpu.vector_store %arg2[%swap3A, %swap3A_2607], %concatenate3A {strides = array<i32>} : memref<256x16xi32, #tpu.memory_space<vmem>>, vector<256x16xi32>,
    return
  }
  func.func @transform_0(%arg0: i32) -> (i32, i32) {
    %c0_i32 = arith.constant 0 : i32
    %c0_i32_0 = arith.constant 0 : i32
    return %arg0, %c0_i32 : i32, i32
  }
  func.func @transform_1(%arg0: i32) -> (i32, i32) {
    %c0_i32 = arith.constant 0 : i32
    %c0_i32_0 = arith.constant 0 : i32
    return %arg0, %c0_i32 : i32, i32
  }
}

module attributes {stable_mosaic.version = 14 : i64} {
  func.func @_final_body(%arg0: i32, %arg1: memref<1024x128xf32, #tpu.memory_space<vmem>>, %arg2: memref<1024x128xf32, #tpu.memory_space<vmem>>, %arg3: memref<128x128xf32, #tpu.memory_space<vmem>>, %arg4: memref<128x128xf32, #tpu.memory_space<vmem>>, %arg5: memref<8x128xf32, #tpu.memory_space<vmem>>, %arg6: memref<1024x128xf32, #tpu.memory_space<vmem>>, %arg7: memref<1024x128xf32, #tpu.memory_space<vmem>>) attributes {dimension_semantics = [#tpu.dimension_semantics<arbitrary>], iteration_bounds = array<i64: 8>, scalar_prefetch = 0 : i64, scratch_operands = 0 : i64, tpu.core_type = #tpu.core_type<tc>, window_params = [{transform_indices = @transform_0, window_bounds = array<i64: 1024, 128>}, {transform_indices = @transform_1, window_bounds = array<i64: 1024, 128>}, {pipeline_mode = #tpu.pipeline_mode<synchronous>, transform_indices = @transform_2, window_bounds = array<i64: 128, 128>}, {pipeline_mode = #tpu.pipeline_mode<synchronous>, transform_indices = @transform_3, window_bounds = array<i64: 128, 128>}, {pipeline_mode = #tpu.pipeline_mode<synchronous>, transform_indices = @transform_4, window_bounds = array<i64: 8, 128>}, {transform_indices = @transform_5, window_bounds = array<i64: 1024, 128>}, {transform_indices = @transform_6, window_bounds = array<i64: 1024, 128>}]} {
    %get3A = arith.constant 0 : index
    %get3A_0 = arith.constant 0 : index
    %get3A_1 = vector.load %arg1[%get3A, %get3A_0] : memref<1024x128xf32, #tpu.memory_space<vmem>>, vector<1024x128xf32>
    %get3A_2 = arith.constant 0 : index
    %get3A_3 = arith.constant 0 : index
    %get3A_4 = vector.load %arg3[%get3A_2, %get3A_3] : memref<128x128xf32, #tpu.memory_space<vmem>>, vector<128x128xf32>
    %dot_general3A = arith.constant dense<0.000000e+00> : vector<1024x128xf32>
    %dot_general3A_5 = tpu.matmul %get3A_1, %get3A_4, %dot_general3A {dimension_numbers = #tpu.dot_dimension_numbers<[1], [0], [0], [1], [0, 0, 1, 1], [], []>, precision = #tpu.contract_precision<fp32>, transpose_lhs_hint = false} : vector<1024x128xf32>, vector<128x128xf32>, vector<1024x128xf32> -> vector<1024x128xf32>
    %get3A_6 = arith.constant 0 : index
    %get3A_7 = arith.constant 0 : index
    %get3A_8 = vector.load %arg2[%get3A_6, %get3A_7] : memref<1024x128xf32, #tpu.memory_space<vmem>>, vector<1024x128xf32>
    %get3A_9 = arith.constant 0 : index
    %get3A_10 = arith.constant 0 : index
    %get3A_11 = vector.load %arg4[%get3A_9, %get3A_10] : memref<128x128xf32, #tpu.memory_space<vmem>>, vector<128x128xf32>
    %dot_general3A_12 = arith.constant dense<0.000000e+00> : vector<1024x128xf32>
    %dot_general3A_13 = tpu.matmul %get3A_8, %get3A_11, %dot_general3A_12 {dimension_numbers = #tpu.dot_dimension_numbers<[1], [0], [0], [1], [0, 0, 1, 1], [], []>, precision = #tpu.contract_precision<fp32>, transpose_lhs_hint = false} : vector<1024x128xf32>, vector<128x128xf32>, vector<1024x128xf32> -> vector<1024x128xf32>
    %get3A_14 = arith.constant 0 : index
    %get3A_15 = arith.constant 0 : index
    %get3A_16 = vector.load %arg5[%get3A_14, %get3A_15] : memref<8x128xf32, #tpu.memory_space<vmem>>, vector<1x128xf32>
    %add3A = vector.broadcast %get3A_16 : vector<1x128xf32> to vector<1024x128xf32>
    %add3A_17 = arith.addf %dot_general3A_5, %add3A : vector<1024x128xf32>
    %swap3A = arith.constant 0 : index
    %swap3A_18 = arith.constant 0 : index
    %swap3A_19 = vector.load %arg6[%swap3A, %swap3A_18] : memref<1024x128xf32, #tpu.memory_space<vmem>>, vector<1024x128xf32>
    tpu.vector_store %arg6[%swap3A, %swap3A_18], %add3A_17 {strides = array<i32>} : memref<1024x128xf32, #tpu.memory_space<vmem>>, vector<1024x128xf32>,
    %get3A_20 = arith.constant 1 : index
    %get3A_21 = arith.constant 0 : index
    %get3A_22 = vector.load %arg5[%get3A_20, %get3A_21] : memref<8x128xf32, #tpu.memory_space<vmem>>, vector<1x128xf32>
    %add3A_23 = vector.broadcast %get3A_22 : vector<1x128xf32> to vector<1024x128xf32>
    %add3A_24 = arith.addf %dot_general3A_13, %add3A_23 : vector<1024x128xf32>
    %swap3A_25 = arith.constant 0 : index
    %swap3A_26 = arith.constant 0 : index
    %swap3A_27 = vector.load %arg7[%swap3A_25, %swap3A_26] : memref<1024x128xf32, #tpu.memory_space<vmem>>, vector<1024x128xf32>
    tpu.vector_store %arg7[%swap3A_25, %swap3A_26], %add3A_24 {strides = array<i32>} : memref<1024x128xf32, #tpu.memory_space<vmem>>, vector<1024x128xf32>,
    return
  }
  func.func @transform_0(%arg0: i32) -> (i32, i32) {
    %c0_i32 = arith.constant 0 : i32
    %c0_i32_0 = arith.constant 0 : i32
    return %arg0, %c0_i32 : i32, i32
  }
  func.func @transform_1(%arg0: i32) -> (i32, i32) {
    %c0_i32 = arith.constant 0 : i32
    %c0_i32_0 = arith.constant 0 : i32
    return %arg0, %c0_i32 : i32, i32
  }
  func.func @transform_2(%arg0: i32) -> (i32, i32) {
    %c0_i32 = arith.constant 0 : i32
    %c0_i32_0 = arith.constant 0 : i32
    %c0_i32_1 = arith.constant 0 : i32
    return %c0_i32, %c0_i32_0 : i32, i32
  }
  func.func @transform_3(%arg0: i32) -> (i32, i32) {
    %c0_i32 = arith.constant 0 : i32
    %c0_i32_0 = arith.constant 0 : i32
    %c0_i32_1 = arith.constant 0 : i32
    return %c0_i32, %c0_i32_0 : i32, i32
  }
  func.func @transform_4(%arg0: i32) -> (i32, i32) {
    %c0_i32 = arith.constant 0 : i32
    %c0_i32_0 = arith.constant 0 : i32
    %c0_i32_1 = arith.constant 0 : i32
    return %c0_i32, %c0_i32_0 : i32, i32
  }
  func.func @transform_5(%arg0: i32) -> (i32, i32) {
    %c0_i32 = arith.constant 0 : i32
    %c0_i32_0 = arith.constant 0 : i32
    return %arg0, %c0_i32 : i32, i32
  }
  func.func @transform_6(%arg0: i32) -> (i32, i32) {
    %c0_i32 = arith.constant 0 : i32
    %c0_i32_0 = arith.constant 0 : i32
    return %arg0, %c0_i32 : i32, i32
  }
}

</mosaic_0001>

<sc_bundles>
// kernel: kernel.5.cloned.1.call-start
scs
__scs_entry_jumppad:
0x0: {  	(pc) =	sbr.rel $0x88, $3  }
0x1: {  	(tag) =	ssettag $0x0;
	lr =	simm.s32 $0x1  }
0x2: {  	[smem:$0x3F94] =	sst lr;
	_ =	strace $0xD0000000  }
0x3: {  	_ = 	snop  }
0x4: {  	_ = 	snop  }
0x5: {  	_ = 	snop  }
0x6: {  	_ = 	snop  }
0x7: {  	_ = 	snop  }
__scs_overlays_trampoline_lowered:
0x8: {  	[smem:$0x3FA3] =	sst s0  }
0x9: {  	[smem:$0x3FA4] =	sst s1  }
0xa: {  	[smem:$0x3FA5] =	sst s2  }
0xb: {  	[smem:$0x3FA6] =	sst s3  }
0xc: {  	[smem:$0x3FA7] =	sst s4  }
0xd: {  	[smem:$0x3FA8] =	sst s5  }
0xe: {  	[smem:$0x3FA9] =	sst s6  }
0xf: {  	[smem:$0x3FAA] =	sst s7  }
0x10: {  	[smem:$0x3FAB] =	sst s8  }
0x11: {  	[smem:$0x3FAC] =	sst s9;
	s0 =	simm.s32 @!p0 $0x0  }
0x12: {  	s1 =	sld [smem:$0x3F92];
	s0 =	simm.s32 @p0 $0x1  }
0x13: {  	[smem:$0x3FAD] =	sst s0;
	s0 =	simm.s32 @!p1 $0x0  }
0x14: {  	s2 =	sld [smem:$0x3F91];
	s0 =	simm.s32 @p1 $0x1  }
0x15: {  	[smem:$0x3FAE] =	sst s0;
	s0 =	simm.s32 @!p2 $0x0  }
0x16: {  	s3 =	sld [smem:$0x3FDB];
	s0 =	simm.s32 @p2 $0x1  }
0x17: {  	s4 =	simm.s32 $0x1BF5;
	[smem:$0x3FB0] =	sst s0  }
0x18: {  	s0 =	sld [smem:$0x3F93];
	_ =	swait.ge [sflag:s4], $0x0  }
0x19: {  	s7 =	sld [smem:$0x3F94]  }
0x1a: {  	s8 =	sadd.s32 $0xFFFFE003, lr  }
0x1b: {  	s9 =	sadd.s32 $0xFFFFFEF7, lr;
	s5 =	simm.s32 $0xFFFFFFFF;
	p2 =	slt.u32 s8, $0xFFFFF086  }
0x1c: {  	p1 =	slt.u32 s9, $0xF7A;
	s5 =	simm.s32 @!p2 $0x0  }
0x1d: {  	s5 =	simm.s32 @p1 $0x1;
	p0 =	seq.s32 s7, s2  }
0x1e: {  	s7 =	smul.u32 @!p0 $0xF7A, s2;
	p2 =	seq.s32 @!p0 s5, $0x0  }
0x1f: {  	s9 =	smul.u32 $0xF7A, s1;
	s8 =	simm.s32 @!p0 $0x1BF5;
	p2 =	por !p2, p0  }
0x20: {  	[sflag:s8] =	ssyncset.s32 @!p0 $0xFFFFF086;
	s6 =	sadd.s32 @!p0 s3, s7;
	s7 =	simm.s32 @!p0 $0x108  }
0x21: {  	s3 =	sadd.s32 s3, s9;
	s6 =	sadd.s32 @!p0 $0x88, s6;
	s7 =	simm.s32 @p2 $0x1082  }
0x22: {  	[simem:s7], [sflag:s8] =	dma.local @!p0 [hbm:s6], $0xF7A  }
0x23: {  	s9 =	sor.u32 $0xD0000000, s2;
	s6 =	simm.s32 $0x108;
	_ =	swait.ge @!p0 [sflag:s8], $0x0  }
0x24: {  	s3 =	sadd.s32 $0x88, s3;
	s6 =	simm.s32 @!p1 $0x1082;
	[sflag:s4] =	ssyncset.s32 $0xFFFFF086  }
0x25: {  	[simem:s6], [sflag:s4] =	dma.local [hbm:s3], $0xF7A  }
0x26: {  	[smem:$0x3F94] =	sst s1;
	(tag) =	ssettag s2;
	_ =	strace s9  }
0x27: {  	s1 =	sld [smem:$0x3FA4]  }
0x28: {  	s2 =	sld [smem:$0x3FA5]  }
0x29: {  	s4 =	sld [smem:$0x3FA7]  }
0x2a: {  	p0 =	seq.s32 s5, $0x0;
	s5 =	sld [smem:$0x3FA8]  }
0x2b: {  	s6 =	sld [smem:$0x3FA9]  }
0x2c: {  	s7 =	sld [smem:$0x3FAA]  }
0x2d: {  	s3 =	simm.s32 $0x108;
	s8 =	sld [smem:$0x3FAB]  }
0x2e: {  	s3 =	simm.s32 @!p0 $0x1082;
	s9 =	sld [smem:$0x3FAC]  }
0x2f: {  	lr =	sadd.s32 s0, s3;
	s0 =	sld [smem:$0x3FA3]  }
0x30: {  	s3 =	sld [smem:$0x3FA6]  }
0x31: {  	[smem:$0x3FAF] =	sst s10  }
0x32: {  	s10 =	sld [smem:$0x3FAD];
	_ =	sdelay $0x3  }
0x33: {  	p0 =	seq.s32 s10, $0x1;
	s10 =	sld [smem:$0x3FAF];
	_ =	sdelay $0x3  }
0x34: {  	[smem:$0x3FAF] =	sst s10  }
0x35: {  	s10 =	sld [smem:$0x3FAE];
	_ =	sdelay $0x3  }
0x36: {  	p1 =	seq.s32 s10, $0x1;
	s10 =	sld [smem:$0x3FAF];
	_ =	sdelay $0x3  }
0x37: {  	[smem:$0x3FAF] =	sst s10  }
0x38: {  	s10 =	sld [smem:$0x3FB0]  }
0x39: {  	_ = 	snop;
	(pc) =	sbr.ind lr, $3  }
0x3a: {  	_ = 	snop  }
0x3b: {  	_ = 	snop  }
0x3c: {  	p2 =	seq.s32 s10, $0x1;
	s10 =	sld [smem:$0x3FAF]  }
0x3d: {  	_ =	shalt  }
0x3e: {  	_ =	shalt  }
0x3f: {  	_ =	shalt  }
0x40: {  	_ =	shalt  }
0x41: {  	_ =	shalt  }
0x42: {  	_ =	shalt  }
0x43: {  	_ =	shalt  }
0x44: {  	_ =	shalt  }
0x45: {  	_ =	shalt  }
0x46: {  	_ =	shalt  }
0x47: {  	_ =	shalt  }
0x48: {  	_ =	shalt  }
0x49: {  	_ =	shalt  }
0x4a: {  	_ =	shalt  }
0x4b: {  	_ =	shalt  }
0x4c: {  	_ =	shalt  }
0x4d: {  	_ =	shalt  }
0x4e: {  	_ =	shalt  }
0x4f: {  	_ =	shalt  }
0x50: {  	_ =	shalt  }
0x51: {  	_ =	shalt  }
0x52: {  	_ =	shalt  }
0x53: {  	_ =	shalt  }
0x54: {  	_ =	shalt  }
0x55: {  	_ =	shalt  }
0x56: {  	_ =	shalt  }
0x57: {  	_ =	shalt  }
0x58: {  	_ =	shalt  }
0x59: {  	_ =	shalt  }
0x5a: {  	_ =	shalt  }
0x5b: {  	_ =	shalt  }
0x5c: {  	_ =	shalt  }
0x5d: {  	_ =	shalt  }
0x5e: {  	_ =	shalt  }
0x5f: {  	_ =	shalt  }
0x60: {  	_ =	shalt  }
0x61: {  	_ =	shalt  }
0x62: {  	_ =	shalt  }
0x63: {  	_ =	shalt  }
0x64: {  	_ =	shalt  }
0x65: {  	_ =	shalt  }
0x66: {  	_ =	shalt  }
0x67: {  	_ =	shalt  }
0x68: {  	_ =	shalt  }
0x69: {  	_ =	shalt  }
0x6a: {  	_ =	shalt  }
0x6b: {  	_ =	shalt  }
0x6c: {  	_ =	shalt  }
0x6d: {  	_ =	shalt  }
0x6e: {  	_ =	shalt  }
0x6f: {  	_ =	shalt  }
0x70: {  	_ =	shalt  }
0x71: {  	_ =	shalt  }
0x72: {  	_ =	shalt  }
0x73: {  	_ =	shalt  }
0x74: {  	_ =	shalt  }
0x75: {  	_ =	shalt  }
0x76: {  	_ =	shalt  }
0x77: {  	_ =	shalt  }
0x78: {  	_ =	shalt  }
0x79: {  	_ =	shalt  }
0x7a: {  	_ =	shalt  }
0x7b: {  	_ =	shalt  }
0x7c: {  	_ =	shalt  }
0x7d: {  	_ =	shalt  }
0x7e: {  	_ =	shalt  }
0x7f: {  	_ =	shalt  }
0x80: {  	_ =	shalt  }
0x81: {  	_ =	shalt  }
0x82: {  	_ =	shalt  }
0x83: {  	_ =	shalt  }
0x84: {  	_ =	shalt  }
0x85: {  	_ =	shalt  }
0x86: {  	_ =	shalt  }
0x87: {  	_ =	shalt  }
.Lfunc_end0:
.L_simem_size_0:
called_computation_lowered:
.L_overlay_start_0:
0x88: {  	s2 =	sld [smem:$0x3FD9]  }
0x89: {  	s3 =	sld [smem:$0x3FFE];
	_ =	sdelay $0x1  }
0x8a: {  	s1 =	srdreg.scid  }
0x8b: {  	s0 =	sand.u32 $0x1, s1  }
0x8c: {  	s17 =	sshll.u32 s0, $0xA;
	s2 =	sadd.s32 s3, s2  }
0x8d: {  	s2 =	sadd.s32 s2, s17  }
0x8e: {  	[smem:$0x3FBB] =	sst s2  }
0x8f: {  	_ = 	snop  }
0x90: {  	s2 =	sld [smem:$0x3FD0];
	(tm) =	ssettm $0x1  }
0x91: {  	s18 =	sld [smem:$0x3FFB];
	_ =	sdelay $0x3  }
0x92: {  	_ =	strace s18  }
0x93: {  	s3 =	sld [smem:$0x3FFC];
	_ =	sdelay $0x3  }
0x94: {  	_ =	strace s3  }
0x95: {  	s3 =	sld [smem:$0x3FFD];
	_ =	sdelay $0x3  }
0x96: {  	_ =	strace s3  }
0x97: {  	_ =	strace $0x8FFFFFFF  }
0x98: {  	s19 =	sld [smem:$0x3FDB];
	_ =	sdelay $0x1  }
0x99: {  	s4 =	simm.s32 $_scs_section_size  }
0x9a: {  	s5 =	simm.s32 $_size__tile_overlayer_lowered;
	s6 =	simm.s32 $_tile_overlayer_lowered  }
0x9b: {  	s22 =	simm.s32 $0x1BFF;
	s21 =	sshll.u32 s6, $0x1;
	s3 =	sadd.s32 s4, s19  }
0x9c: {  	s7 =	simm.s32 $0x0;
	s20 =	sshll.u32 s5, $0x1;
	s5 =	sadd.s32 s21, s3  }
0x9d: {  	[timem:s7], [sflag:s22] =	dma.local [hbm:s5], s20  }
0x9e: {  	_ =	swait.ge [sflag:s22], s20  }
0x9f: {  	s4 =	ssub.s32 $0x0, s20;
	[sflag:s22] =	ssyncset.done $0x0  }
0xa0: {  	[sflag:s22] =	ssyncadd.s32 s4;
	_ =	sdelay $0x1  }
0xa1: {  	s23 =	simm.s32 $0x1B8B  }
0xa2: {  	_ =	swait.ge [sflag:s23], $0x1  }
0xa3: {  	[sflag:s23] =	ssyncset.done $0x0  }
0xa4: {  	s25 =	simm.s32 $0x1B8E;
	s24 =	sld [smem:$0x3FFE];
	[sflag:s23] =	ssyncadd.s32 $0xFFFFFFFF  }
0xa5: {  	s26 =	simm.s32 $execute0_lowered;
	[smem:$0x3FD2] =	sst s25  }
0xa6: {  	s5 =	sshll.u32 s26, $0x1;
	_ =	strace $0x80000046;
	[dreg:$0x1] =	wrdreg $0xFFFFFFFF  }
0xa7: {  	s28 =	simm.s32 $_size_execute0_lowered;
	s3 =	sadd.s32 s3, s5;
	[dreg:$0x0] =	wrdreg $0x0  }
0xa8: {  	s5 =	sshll.u32 s28, $0x1;
	[dreg:$0x2] =	wrdreg s3  }
0xa9: {  	[dreg:$0x3] =	wrdreg s5  }
0xaa: {  	[dreg:$0x4] =	wrdreg $0xC0  }
0xab: {  	_ =	task [dreg:s7], $0x5FFFF  }
0xac: {  	[dreg:$0x1] =	wrdreg $0xFFFFFFFF  }
0xad: {  	[dreg:$0x0] =	wrdreg $0x60  }
0xae: {  	[dreg:$0x2] =	wrdreg s2  }
0xaf: {  	[dreg:$0x3] =	wrdreg s24  }
0xb0: {  	[dreg:$0x4] =	wrdreg $0x9  }
0xb1: {  	_ =	task.clear_ibuf [dreg:s7], $0x5FFFF;
	_ =	strace $0x90000046  }
0xb2: {  	s29 =	simm.s32 $0x9;
	_ =	strace $0x80000048  }
0xb3: {  	_ =	swait.ge [sflag:s29], $0x1  }
0xb4: {  	[sflag:s29] =	ssyncadd.s32 $0xFFFFFFFF  }
0xb5: {  	_ =	strace $0x90000048  }
0xb6: {  	_ =	sfence  }
0xb7: {  	s30 =	sld [smem:$0x0];
	_ =	sdelay $0x2  }
0xb8: {  	s31 =	sshll.u32 s1, $0xD;
	s1 =	sshrl.u32 s1, $0x2  }
0xb9: {  	s3 =	sand.u32 $0x4000, s31;
	s1 =	sadd.s32 s1, s30  }
0xba: {  	s0 =	sor.u32 s3, s0;
	s1 =	sshll.u32 s1, $0x11  }
0xbb: {  	s0 =	sor.u32 s1, s0  }
0xbc: {  	s0 =	sadd.s32 $0x8F2B, s0  }
0xbd: {  	[sflag:s0] =	ssyncadd.remote.s32 $0x1  }
0xbe: {  	_ =	sfence.sel $0xFFFF  }
0xbf: {  	[dreg:$0x0] =	wrdreg $0xFFFFFFFF;
	(pc) =	sbr.abs _section_cstart, $3  }
0xc0: {  	[dreg:$0x1] =	wrdreg $0xFFFFFFFF  }
0xc1: {  	_ =	task.clear_ibuf [dreg:s7], $0x2FFFF;
	_ =	strace $0x9FFFFFFF  }
0xc2: {  	(tm) =	ssettm $0x7FFFFFFF  }
0xc3: {  	_ =	shalt  }
tec
execute0_lowered:
.L_overlay_start_1:
0x0: {  	(tag) =	ssettag $0x1  }
0x1: {  	s1 =	rddreg [dreg:$0x0]  }
0x2: {  	s4 =	rddreg [dreg:$0x1]  }
0x3: {  	s0 =	rddreg [dreg:$0x2];
	s3 =	simm.s32 $0x0;
	s5 =	srdreg.scid  }
0x4: {  	s2 =	stileid.u32;
	s9 =	simm.s32 $0x1000;
	s10 =	simm.s32 $0x5000  }
0x5: {  	s11 =	simm.s32 $0x1;
	s12 =	simm.s32 $0x2;
	s13 =	simm.s32 $0x9000  }
0x6: {  	[smem:$0x7FF] =	sst s3;
	s5 =	sand.u32 $0x1, s5;
	s6 =	sshll.u32 s2, $0x1  }
0x7: {  	s14 =	simm.s32 $0x0;
	_ =	strace $0x80000047;
	s6 =	sor.u32 s5, s6  }
0x8: {  	s5 =	ssub.s32 $0x2, s5;
	s7 =	sshll.u32 s6, $0x9;
	s6 =	sshll.u32 s6, $0xC  }
0x9: {  	s31 =	sshrl.u32 s5, $0x1;
	s7 =	sadd.s32 s7, s4;
	s6 =	sadd.s32 s6, s4  }
0xa: {  	s8 =	ssub.s32 s5, s31;
	s4 =	sadd.s32 $0x1E00, s7;
	s5 =	sadd.s32 $0x5E00, s6  }
0xb: {  	vm0 =	vmmov $0x7;
	s6 =	smax.u32 s8, $0x1;
	s7 =	simm.s32 $0x3;
	s8 =	simm.s32 $0x80  }
.LBB2_1:
0xc: {  	[tilespmem:s3], [sflag:$0x3] =	stream.linear.gather [hbm4b:s4+s3], $0x1000, $0x38;
	[tilespmem:$0x11000] =	vst v63  }
0xd: {  	_ =	swait.ge [sflag:s7], $0x1000  }
0xe: {  	s15 =	simm.s32 $0x9070;
	[sflag:s7] =	ssyncset.done $0x0  }
0xf: {  	s16 =	simm.s32 $0x9470;
	s17 =	simm.s32 $0x0;
	[sflag:s7] =	ssyncadd.s32 $0xFFFFF000  }
0x10: {  	[tilespmem:s9], [sflag:$0x1] =	stream.indirect.gather [hbm4b:s1+s8], $0x80, s3, s8, $0xb8;
	[tilespmem:$0x11000] =	vst v63  }
.LBB2_2:
0x11: {  	s18 =	sshll.u32 s17, $0x8  }
0x12: {  	s18 =	sor.u32 $0x80, s18  }
0x13: {  	s18 =	sand.u32 $0x3FFFFF80, s18  }
0x14: {  	[tilespmem:s10], [sflag:$0x2] =	stream.indirect.gather [hbm4b:s1+s8], $0x80, s18, s8, $0xb8;
	[tilespmem:$0x11000] =	vst v63  }
0x15: {  	_ =	swait.ge [sflag:s11], $0x4000  }
0x16: {  	[sflag:s11] =	ssyncset.done $0x0  }
0x17: {  	s18 =	simm.s32 $0x1400;
	[sflag:s11] =	ssyncadd.s32 $0xFFFFC000  }
0x18: {  	v0 =	vld [tilespmem:s18+$0xFFFFFC80]  }
0x19: {  	v1 =	vld [tilespmem:s18+$0xFFFFFC00];
	_ =	sdelay $0x1  }
0x1a: {  	v2 =	vld [tilespmem:s18+$0xFFFFFD00];
	_ =	sdelay $0x1  }
0x1b: {  	v3 =	vld [tilespmem:s18+$0xFFFFFD80]  }
0x1c: {  	v0 =	vadd.f32 v0, v1  }
0x1d: {  	v1 =	vld [tilespmem:s18+$0xFFFFFE00]  }
0x1e: {  	v0 =	vadd.f32 v2, v0  }
0x1f: {  	v2 =	vld [tilespmem:s18+$0xFFFFFE80]  }
0x20: {  	v0 =	vadd.f32 v3, v0  }
0x21: {  	v3 =	vld [tilespmem:s18+$0xFFFFFF00]  }
0x22: {  	v0 =	vadd.f32 v1, v0  }
0x23: {  	v1 =	vld [tilespmem:s18+$0xFFFFFF80]  }
0x24: {  	v0 =	vadd.f32 v2, v0  }
0x25: {  	v2 =	vld [tilespmem:s18+$0x0]  }
0x26: {  	v0 =	vadd.f32 v3, v0  }
0x27: {  	v3 =	vld [tilespmem:s18+$0x80]  }
0x28: {  	v0 =	vadd.f32 v1, v0  }
0x29: {  	v1 =	vld [tilespmem:s18+$0x100]  }
0x2a: {  	v0 =	vadd.f32 v2, v0  }
0x2b: {  	v2 =	vld [tilespmem:s18+$0x180]  }
0x2c: {  	v0 =	vadd.f32 v3, v0  }
0x2d: {  	v3 =	vld [tilespmem:s18+$0x200]  }
0x2e: {  	v0 =	vadd.f32 v1, v0  }
0x2f: {  	v1 =	vld [tilespmem:s18+$0x280]  }
0x30: {  	v0 =	vadd.f32 v2, v0  }
0x31: {  	v2 =	vld [tilespmem:s18+$0x300]  }
0x32: {  	v0 =	vadd.f32 v3, v0  }
0x33: {  	v3 =	vld [tilespmem:s18+$0x380]  }
0x34: {  	v1 =	vadd.f32 v1, v0  }
0x35: {  	v0 =	vmov s15  }
0x36: {  	v1 =	vadd.f32 v2, v1;
	_ =	sdelay $0x1  }
0x37: {  	v1 =	vadd.f32 v3, v1  }
0x38: {  	s19 =	simm.s32 $0x0  }
0x39: {  	[tilespmem:v0+s19+$0xFFFFFF90 ss:$0x1] =	vst.idx.msk $0xffff, v1  }
0x3a: {  	v1 =	vld [tilespmem:s18+$0xFFFFFC10]  }
0x3b: {  	v2 =	vld [tilespmem:s18+$0xFFFFFC90];
	_ =	sdelay $0x1  }
0x3c: {  	v3 =	vld [tilespmem:s18+$0xFFFFFD10];
	_ =	sdelay $0x1  }
0x3d: {  	v4 =	vld [tilespmem:s18+$0xFFFFFD90]  }
0x3e: {  	v1 =	vadd.f32 v2, v1  }
0x3f: {  	v2 =	vld [tilespmem:s18+$0xFFFFFE10]  }
0x40: {  	v1 =	vadd.f32 v3, v1  }
0x41: {  	v3 =	vld [tilespmem:s18+$0xFFFFFE90]  }
0x42: {  	v1 =	vadd.f32 v4, v1  }
0x43: {  	v4 =	vld [tilespmem:s18+$0xFFFFFF10]  }
0x44: {  	v1 =	vadd.f32 v2, v1  }
0x45: {  	v2 =	vld [tilespmem:s18+$0xFFFFFF90]  }
0x46: {  	v1 =	vadd.f32 v3, v1  }
0x47: {  	v3 =	vld [tilespmem:s18+$0x10]  }
0x48: {  	v1 =	vadd.f32 v4, v1  }
0x49: {  	v4 =	vld [tilespmem:s18+$0x90]  }
0x4a: {  	v1 =	vadd.f32 v2, v1  }
0x4b: {  	v2 =	vld [tilespmem:s18+$0x110]  }
0x4c: {  	v1 =	vadd.f32 v3, v1  }
0x4d: {  	v3 =	vld [tilespmem:s18+$0x190]  }
0x4e: {  	v1 =	vadd.f32 v4, v1  }
0x4f: {  	v4 =	vld [tilespmem:s18+$0x210]  }
0x50: {  	v1 =	vadd.f32 v2, v1  }
0x51: {  	v2 =	vld [tilespmem:s18+$0x290]  }
0x52: {  	v1 =	vadd.f32 v3, v1  }
0x53: {  	v3 =	vld [tilespmem:s18+$0x310]  }
0x54: {  	v1 =	vadd.f32 v4, v1  }
0x55: {  	v4 =	vld [tilespmem:s18+$0x390]  }
0x56: {  	v1 =	vadd.f32 v2, v1;
	_ =	sdelay $0x1  }
0x57: {  	v1 =	vadd.f32 v3, v1;
	_ =	sdelay $0x1  }
0x58: {  	v1 =	vadd.f32 v4, v1;
	_ =	sdelay $0x1  }
0x59: {  	[tilespmem:v0+s19+$0xFFFFFFA0 ss:$0x1] =	vst.idx.msk $0xffff, v1  }
0x5a: {  	v1 =	vld [tilespmem:s18+$0xFFFFFC20]  }
0x5b: {  	v2 =	vld [tilespmem:s18+$0xFFFFFCA0];
	_ =	sdelay $0x1  }
0x5c: {  	v3 =	vld [tilespmem:s18+$0xFFFFFD20];
	_ =	sdelay $0x1  }
0x5d: {  	v4 =	vld [tilespmem:s18+$0xFFFFFDA0]  }
0x5e: {  	v1 =	vadd.f32 v2, v1  }
0x5f: {  	v2 =	vld [tilespmem:s18+$0xFFFFFE20]  }
0x60: {  	v1 =	vadd.f32 v3, v1  }
0x61: {  	v3 =	vld [tilespmem:s18+$0xFFFFFEA0]  }
0x62: {  	v1 =	vadd.f32 v4, v1  }
0x63: {  	v4 =	vld [tilespmem:s18+$0xFFFFFF20]  }
0x64: {  	v1 =	vadd.f32 v2, v1  }
0x65: {  	v2 =	vld [tilespmem:s18+$0xFFFFFFA0]  }
0x66: {  	v1 =	vadd.f32 v3, v1  }
0x67: {  	v3 =	vld [tilespmem:s18+$0x20]  }
0x68: {  	v1 =	vadd.f32 v4, v1  }
0x69: {  	v4 =	vld [tilespmem:s18+$0xA0]  }
0x6a: {  	v1 =	vadd.f32 v2, v1  }
0x6b: {  	v2 =	vld [tilespmem:s18+$0x120]  }
0x6c: {  	v1 =	vadd.f32 v3, v1  }
0x6d: {  	v3 =	vld [tilespmem:s18+$0x1A0]  }
0x6e: {  	v1 =	vadd.f32 v4, v1  }
0x6f: {  	v4 =	vld [tilespmem:s18+$0x220]  }
0x70: {  	v1 =	vadd.f32 v2, v1  }
0x71: {  	v2 =	vld [tilespmem:s18+$0x2A0]  }
0x72: {  	v1 =	vadd.f32 v3, v1  }
0x73: {  	v3 =	vld [tilespmem:s18+$0x320]  }
0x74: {  	v1 =	vadd.f32 v4, v1  }
0x75: {  	v4 =	vld [tilespmem:s18+$0x3A0]  }
0x76: {  	v1 =	vadd.f32 v2, v1;
	_ =	sdelay $0x1  }
0x77: {  	v1 =	vadd.f32 v3, v1;
	_ =	sdelay $0x1  }
0x78: {  	v1 =	vadd.f32 v4, v1;
	_ =	sdelay $0x1  }
0x79: {  	[tilespmem:v0+s19+$0xFFFFFFB0 ss:$0x1] =	vst.idx.msk $0xffff, v1  }
0x7a: {  	v1 =	vld [tilespmem:s18+$0xFFFFFC30]  }
0x7b: {  	v2 =	vld [tilespmem:s18+$0xFFFFFCB0];
	_ =	sdelay $0x1  }
0x7c: {  	v3 =	vld [tilespmem:s18+$0xFFFFFD30];
	_ =	sdelay $0x1  }
0x7d: {  	v4 =	vld [tilespmem:s18+$0xFFFFFDB0]  }
0x7e: {  	v1 =	vadd.f32 v2, v1  }
0x7f: {  	v2 =	vld [tilespmem:s18+$0xFFFFFE30]  }
0x80: {  	v1 =	vadd.f32 v3, v1  }
0x81: {  	v3 =	vld [tilespmem:s18+$0xFFFFFEB0]  }
0x82: {  	v1 =	vadd.f32 v4, v1  }
0x83: {  	v4 =	vld [tilespmem:s18+$0xFFFFFF30]  }
0x84: {  	v1 =	vadd.f32 v2, v1  }
0x85: {  	v2 =	vld [tilespmem:s18+$0xFFFFFFB0]  }
0x86: {  	v1 =	vadd.f32 v3, v1  }
0x87: {  	v3 =	vld [tilespmem:s18+$0x30]  }
0x88: {  	v1 =	vadd.f32 v4, v1  }
0x89: {  	v4 =	vld [tilespmem:s18+$0xB0]  }
0x8a: {  	v1 =	vadd.f32 v2, v1  }
0x8b: {  	v2 =	vld [tilespmem:s18+$0x130]  }
0x8c: {  	v1 =	vadd.f32 v3, v1  }
0x8d: {  	v3 =	vld [tilespmem:s18+$0x1B0]  }
0x8e: {  	v1 =	vadd.f32 v4, v1  }
0x8f: {  	v4 =	vld [tilespmem:s18+$0x230]  }
0x90: {  	v1 =	vadd.f32 v2, v1  }
0x91: {  	v2 =	vld [tilespmem:s18+$0x2B0]  }
0x92: {  	v1 =	vadd.f32 v3, v1  }
0x93: {  	v3 =	vld [tilespmem:s18+$0x330]  }
0x94: {  	v1 =	vadd.f32 v4, v1  }
0x95: {  	v4 =	vld [tilespmem:s18+$0x3B0]  }
0x96: {  	v1 =	vadd.f32 v2, v1;
	_ =	sdelay $0x1  }
0x97: {  	v1 =	vadd.f32 v3, v1;
	_ =	sdelay $0x1  }
0x98: {  	v1 =	vadd.f32 v4, v1;
	_ =	sdelay $0x1  }
0x99: {  	[tilespmem:v0+s19+$0xFFFFFFC0 ss:$0x1] =	vst.idx.msk $0xffff, v1  }
0x9a: {  	v1 =	vld [tilespmem:s18+$0xFFFFFC40]  }
0x9b: {  	v2 =	vld [tilespmem:s18+$0xFFFFFCC0];
	_ =	sdelay $0x1  }
0x9c: {  	v3 =	vld [tilespmem:s18+$0xFFFFFD40];
	_ =	sdelay $0x1  }
0x9d: {  	v4 =	vld [tilespmem:s18+$0xFFFFFDC0]  }
0x9e: {  	v2 =	vadd.f32 v2, v1  }
0x9f: {  	v5 =	vld [tilespmem:s18+$0xFFFFFE40]  }
0xa0: {  	v2 =	vadd.f32 v3, v2  }
0xa1: {  	v3 =	vld [tilespmem:s18+$0xFFFFFEC0]  }
0xa2: {  	v2 =	vadd.f32 v4, v2  }
0xa3: {  	v4 =	vld [tilespmem:s18+$0xFFFFFF40]  }
0xa4: {  	v2 =	vadd.f32 v5, v2  }
0xa5: {  	v5 =	vld [tilespmem:s18+$0xFFFFFFC0]  }
0xa6: {  	v2 =	vadd.f32 v3, v2  }
0xa7: {  	v3 =	vld [tilespmem:s18+$0x40]  }
0xa8: {  	v2 =	vadd.f32 v4, v2  }
0xa9: {  	v4 =	vld [tilespmem:s18+$0xC0]  }
0xaa: {  	v2 =	vadd.f32 v5, v2  }
0xab: {  	v5 =	vld [tilespmem:s18+$0x140]  }
0xac: {  	v2 =	vadd.f32 v3, v2  }
0xad: {  	v3 =	vld [tilespmem:s18+$0x1C0]  }
0xae: {  	v2 =	vadd.f32 v4, v2  }
0xaf: {  	v4 =	vld [tilespmem:s18+$0x240]  }
0xb0: {  	v2 =	vadd.f32 v5, v2  }
0xb1: {  	v5 =	vld [tilespmem:s18+$0x2C0]  }
0xb2: {  	v2 =	vadd.f32 v3, v2  }
0xb3: {  	v3 =	vld [tilespmem:s18+$0x340]  }
0xb4: {  	v2 =	vadd.f32 v4, v2  }
0xb5: {  	v4 =	vld [tilespmem:s18+$0x3C0]  }
0xb6: {  	v2 =	vadd.f32 v5, v2;
	_ =	sdelay $0x1  }
0xb7: {  	v2 =	vadd.f32 v3, v2;
	_ =	sdelay $0x1  }
0xb8: {  	v1 =	vmul.f32 $-1.600000000e+01, v1;
	v2 =	vadd.f32 v4, v2;
	_ =	sdelay $0x1  }
0xb9: {  	v1 =	vadd.f32 v1, v2;
	_ =	sdelay $0x1  }
0xba: {  	v1 =	vsel vm0, v1, v2  }
0xbb: {  	[tilespmem:v0+s19+$0xFFFFFFD0 ss:$0x1] =	vst.idx.msk $0xffff, v1  }
0xbc: {  	v1 =	vld [tilespmem:s18+$0xFFFFFC50]  }
0xbd: {  	v2 =	vld [tilespmem:s18+$0xFFFFFCD0];
	_ =	sdelay $0x1  }
0xbe: {  	v3 =	vld [tilespmem:s18+$0xFFFFFD50];
	_ =	sdelay $0x1  }
0xbf: {  	v4 =	vld [tilespmem:s18+$0xFFFFFDD0]  }
0xc0: {  	v1 =	vadd.f32 v2, v1  }
0xc1: {  	v2 =	vld [tilespmem:s18+$0xFFFFFE50]  }
0xc2: {  	v1 =	vadd.f32 v3, v1  }
0xc3: {  	v3 =	vld [tilespmem:s18+$0xFFFFFED0]  }
0xc4: {  	v1 =	vadd.f32 v4, v1  }
0xc5: {  	v4 =	vld [tilespmem:s18+$0xFFFFFF50]  }
0xc6: {  	v1 =	vadd.f32 v2, v1  }
0xc7: {  	v2 =	vld [tilespmem:s18+$0xFFFFFFD0]  }
0xc8: {  	v1 =	vadd.f32 v3, v1  }
0xc9: {  	v3 =	vld [tilespmem:s18+$0x50]  }
0xca: {  	v1 =	vadd.f32 v4, v1  }
0xcb: {  	v4 =	vld [tilespmem:s18+$0xD0]  }
0xcc: {  	v1 =	vadd.f32 v2, v1  }
0xcd: {  	v2 =	vld [tilespmem:s18+$0x150]  }
0xce: {  	v1 =	vadd.f32 v3, v1  }
0xcf: {  	v3 =	vld [tilespmem:s18+$0x1D0]  }
0xd0: {  	v1 =	vadd.f32 v4, v1  }
0xd1: {  	v4 =	vld [tilespmem:s18+$0x250]  }
0xd2: {  	v1 =	vadd.f32 v2, v1  }
0xd3: {  	v2 =	vld [tilespmem:s18+$0x2D0]  }
0xd4: {  	v1 =	vadd.f32 v3, v1  }
0xd5: {  	v3 =	vld [tilespmem:s18+$0x350]  }
0xd6: {  	v1 =	vadd.f32 v4, v1  }
0xd7: {  	v4 =	vld [tilespmem:s18+$0x3D0]  }
0xd8: {  	v1 =	vadd.f32 v2, v1;
	_ =	sdelay $0x1  }
0xd9: {  	v1 =	vadd.f32 v3, v1;
	_ =	sdelay $0x1  }
0xda: {  	v1 =	vadd.f32 v4, v1;
	_ =	sdelay $0x1  }
0xdb: {  	[tilespmem:v0+s19+$0xFFFFFFE0 ss:$0x1] =	vst.idx.msk $0xffff, v1  }
0xdc: {  	v1 =	vld [tilespmem:s18+$0xFFFFFC60]  }
0xdd: {  	v2 =	vld [tilespmem:s18+$0xFFFFFCE0];
	_ =	sdelay $0x1  }
0xde: {  	v3 =	vld [tilespmem:s18+$0xFFFFFD60];
	_ =	sdelay $0x1  }
0xdf: {  	v4 =	vld [tilespmem:s18+$0xFFFFFDE0]  }
0xe0: {  	v1 =	vadd.f32 v2, v1  }
0xe1: {  	v2 =	vld [tilespmem:s18+$0xFFFFFE60]  }
0xe2: {  	v1 =	vadd.f32 v3, v1  }
0xe3: {  	v3 =	vld [tilespmem:s18+$0xFFFFFEE0]  }
0xe4: {  	v1 =	vadd.f32 v4, v1  }
0xe5: {  	v4 =	vld [tilespmem:s18+$0xFFFFFF60]  }
0xe6: {  	v1 =	vadd.f32 v2, v1  }
0xe7: {  	v2 =	vld [tilespmem:s18+$0xFFFFFFE0]  }
0xe8: {  	v1 =	vadd.f32 v3, v1  }
0xe9: {  	v3 =	vld [tilespmem:s18+$0x60]  }
0xea: {  	v1 =	vadd.f32 v4, v1  }
0xeb: {  	v4 =	vld [tilespmem:s18+$0xE0]  }
0xec: {  	v1 =	vadd.f32 v2, v1  }
0xed: {  	v2 =	vld [tilespmem:s18+$0x160]  }
0xee: {  	v1 =	vadd.f32 v3, v1  }
0xef: {  	v3 =	vld [tilespmem:s18+$0x1E0]  }
0xf0: {  	v1 =	vadd.f32 v4, v1  }
0xf1: {  	v4 =	vld [tilespmem:s18+$0x260]  }
0xf2: {  	v1 =	vadd.f32 v2, v1  }
0xf3: {  	v2 =	vld [tilespmem:s18+$0x2E0]  }
0xf4: {  	v1 =	vadd.f32 v3, v1  }
0xf5: {  	v3 =	vld [tilespmem:s18+$0x360]  }
0xf6: {  	v1 =	vadd.f32 v4, v1  }
0xf7: {  	v4 =	vld [tilespmem:s18+$0x3E0]  }
0xf8: {  	v1 =	vadd.f32 v2, v1;
	_ =	sdelay $0x1  }
0xf9: {  	v1 =	vadd.f32 v3, v1;
	_ =	sdelay $0x1  }
0xfa: {  	v1 =	vadd.f32 v4, v1;
	_ =	sdelay $0x1  }
0xfb: {  	[tilespmem:v0+s19+$0xFFFFFFF0 ss:$0x1] =	vst.idx.msk $0xffff, v1  }
0xfc: {  	v1 =	vld [tilespmem:s18+$0xFFFFFC70]  }
0xfd: {  	v2 =	vld [tilespmem:s18+$0xFFFFFCF0];
	_ =	sdelay $0x1  }
0xfe: {  	v3 =	vld [tilespmem:s18+$0xFFFFFD70];
	_ =	sdelay $0x1  }
0xff: {  	v4 =	vld [tilespmem:s18+$0xFFFFFDF0]  }
0x100: {  	v1 =	vadd.f32 v2, v1  }
0x101: {  	v2 =	vld [tilespmem:s18+$0xFFFFFE70]  }
0x102: {  	v1 =	vadd.f32 v3, v1  }
0x103: {  	v3 =	vld [tilespmem:s18+$0xFFFFFEF0]  }
0x104: {  	v1 =	vadd.f32 v4, v1  }
0x105: {  	v4 =	vld [tilespmem:s18+$0xFFFFFF70]  }
0x106: {  	v1 =	vadd.f32 v2, v1  }
0x107: {  	v2 =	vld [tilespmem:s18+$0xFFFFFFF0]  }
0x108: {  	v1 =	vadd.f32 v3, v1  }
0x109: {  	v3 =	vld [tilespmem:s18+$0x70]  }
0x10a: {  	v1 =	vadd.f32 v4, v1  }
0x10b: {  	v4 =	vld [tilespmem:s18+$0xF0]  }
0x10c: {  	v1 =	vadd.f32 v2, v1  }
0x10d: {  	v2 =	vld [tilespmem:s18+$0x170]  }
0x10e: {  	v1 =	vadd.f32 v3, v1  }
0x10f: {  	v5 =	vld [tilespmem:s18+$0x1F0]  }
0x110: {  	v3 =	vadd.f32 v4, v1  }
0x111: {  	v4 =	vld [tilespmem:s18+$0x270]  }
0x112: {  	v1 =	vld [tilespmem:s18+$0x2F0];
	v6 =	vadd.f32 v2, v3  }
0x113: {  	v3 =	vld [tilespmem:s18+$0x370]  }
0x114: {  	s20 =	simm.s32 $0x200;
	v2 =	vld [tilespmem:s18+$0x3F0];
	v5 =	vadd.f32 v5, v6  }
.LBB2_3:
0x115: {  	p0 =	sne.s32 s20, $0xE00  }
0x116: {  	s18 =	sadd.s32 $0x800, s18;
	s21 =	smov.u32 s20;
	s20 =	sadd.s32 $0x200, s20;
	v4 =	vadd.f32 v4, v5  }
0x117: {  	_ = 	snop  }
0x118: {  	v1 =	vadd.f32 v1, v4;
	_ =	sdelay $0x1  }
0x119: {  	v1 =	vadd.f32 v3, v1;
	_ =	sdelay $0x1  }
0x11a: {  	v1 =	vadd.f32 v2, v1;
	_ =	sdelay $0x1  }
0x11b: {  	[tilespmem:v0+s19+$0x0 ss:$0x1] =	vst.idx.msk $0xffff, v1  }
0x11c: {  	v1 =	vld [tilespmem:s18+$0xFFFFFC80]  }
0x11d: {  	v2 =	vld [tilespmem:s18+$0xFFFFFC00]  }
0x11e: {  	v3 =	vld [tilespmem:s18+$0xFFFFFD00];
	_ =	sdelay $0x2  }
0x11f: {  	v4 =	vld [tilespmem:s18+$0xFFFFFD80]  }
0x120: {  	v1 =	vadd.f32 v1, v2  }
0x121: {  	v2 =	vld [tilespmem:s18+$0xFFFFFE00]  }
0x122: {  	v1 =	vadd.f32 v3, v1  }
0x123: {  	v3 =	vld [tilespmem:s18+$0xFFFFFE80]  }
0x124: {  	v1 =	vadd.f32 v4, v1  }
0x125: {  	v4 =	vld [tilespmem:s18+$0xFFFFFF00]  }
0x126: {  	v1 =	vadd.f32 v2, v1  }
0x127: {  	v2 =	vld [tilespmem:s18+$0xFFFFFF80]  }
0x128: {  	v1 =	vadd.f32 v3, v1  }
0x129: {  	v3 =	vld [tilespmem:s18+$0x0]  }
0x12a: {  	v1 =	vadd.f32 v4, v1  }
0x12b: {  	v4 =	vld [tilespmem:s18+$0x80]  }
0x12c: {  	v1 =	vadd.f32 v2, v1  }
0x12d: {  	v2 =	vld [tilespmem:s18+$0x100]  }
0x12e: {  	v1 =	vadd.f32 v3, v1  }
0x12f: {  	v3 =	vld [tilespmem:s18+$0x180]  }
0x130: {  	v1 =	vadd.f32 v4, v1  }
0x131: {  	v4 =	vld [tilespmem:s18+$0x200]  }
0x132: {  	v1 =	vadd.f32 v2, v1  }
0x133: {  	v2 =	vld [tilespmem:s18+$0x280]  }
0x134: {  	v1 =	vadd.f32 v3, v1  }
0x135: {  	v3 =	vld [tilespmem:s18+$0x300]  }
0x136: {  	v1 =	vadd.f32 v4, v1  }
0x137: {  	v4 =	vld [tilespmem:s18+$0x380]  }
0x138: {  	v1 =	vadd.f32 v2, v1;
	_ =	sdelay $0x1  }
0x139: {  	v1 =	vadd.f32 v3, v1;
	_ =	sdelay $0x1  }
0x13a: {  	v1 =	vadd.f32 v4, v1  }
0x13b: {  	s19 =	sshra.s32 s21, $0x2  }
0x13c: {  	[tilespmem:v0+s19+$0xFFFFFF90 ss:$0x1] =	vst.idx.msk $0xffff, v1  }
0x13d: {  	v1 =	vld [tilespmem:s18+$0xFFFFFC10]  }
0x13e: {  	v2 =	vld [tilespmem:s18+$0xFFFFFC90];
	_ =	sdelay $0x1  }
0x13f: {  	v3 =	vld [tilespmem:s18+$0xFFFFFD10];
	_ =	sdelay $0x1  }
0x140: {  	v4 =	vld [tilespmem:s18+$0xFFFFFD90]  }
0x141: {  	v1 =	vadd.f32 v2, v1  }
0x142: {  	v2 =	vld [tilespmem:s18+$0xFFFFFE10]  }
0x143: {  	v1 =	vadd.f32 v3, v1  }
0x144: {  	v3 =	vld [tilespmem:s18+$0xFFFFFE90]  }
0x145: {  	v1 =	vadd.f32 v4, v1  }
0x146: {  	v4 =	vld [tilespmem:s18+$0xFFFFFF10]  }
0x147: {  	v1 =	vadd.f32 v2, v1  }
0x148: {  	v2 =	vld [tilespmem:s18+$0xFFFFFF90]  }
0x149: {  	v1 =	vadd.f32 v3, v1  }
0x14a: {  	v3 =	vld [tilespmem:s18+$0x10]  }
0x14b: {  	v1 =	vadd.f32 v4, v1  }
0x14c: {  	v4 =	vld [tilespmem:s18+$0x90]  }
0x14d: {  	v1 =	vadd.f32 v2, v1  }
0x14e: {  	v2 =	vld [tilespmem:s18+$0x110]  }
0x14f: {  	v1 =	vadd.f32 v3, v1  }
0x150: {  	v3 =	vld [tilespmem:s18+$0x190]  }
0x151: {  	v1 =	vadd.f32 v4, v1  }
0x152: {  	v4 =	vld [tilespmem:s18+$0x210]  }
0x153: {  	v1 =	vadd.f32 v2, v1  }
0x154: {  	v2 =	vld [tilespmem:s18+$0x290]  }
0x155: {  	v1 =	vadd.f32 v3, v1  }
0x156: {  	v3 =	vld [tilespmem:s18+$0x310]  }
0x157: {  	v1 =	vadd.f32 v4, v1  }
0x158: {  	v4 =	vld [tilespmem:s18+$0x390]  }
0x159: {  	v1 =	vadd.f32 v2, v1;
	_ =	sdelay $0x1  }
0x15a: {  	v1 =	vadd.f32 v3, v1;
	_ =	sdelay $0x1  }
0x15b: {  	v1 =	vadd.f32 v4, v1;
	_ =	sdelay $0x1  }
0x15c: {  	[tilespmem:v0+s19+$0xFFFFFFA0 ss:$0x1] =	vst.idx.msk $0xffff, v1  }
0x15d: {  	v1 =	vld [tilespmem:s18+$0xFFFFFC20]  }
0x15e: {  	v2 =	vld [tilespmem:s18+$0xFFFFFCA0];
	_ =	sdelay $0x1  }
0x15f: {  	v3 =	vld [tilespmem:s18+$0xFFFFFD20];
	_ =	sdelay $0x1  }
0x160: {  	v4 =	vld [tilespmem:s18+$0xFFFFFDA0]  }
0x161: {  	v1 =	vadd.f32 v2, v1  }
0x162: {  	v2 =	vld [tilespmem:s18+$0xFFFFFE20]  }
0x163: {  	v1 =	vadd.f32 v3, v1  }
0x164: {  	v3 =	vld [tilespmem:s18+$0xFFFFFEA0]  }
0x165: {  	v1 =	vadd.f32 v4, v1  }
0x166: {  	v4 =	vld [tilespmem:s18+$0xFFFFFF20]  }
0x167: {  	v1 =	vadd.f32 v2, v1  }
0x168: {  	v2 =	vld [tilespmem:s18+$0xFFFFFFA0]  }
0x169: {  	v1 =	vadd.f32 v3, v1  }
0x16a: {  	v3 =	vld [tilespmem:s18+$0x20]  }
0x16b: {  	v1 =	vadd.f32 v4, v1  }
0x16c: {  	v4 =	vld [tilespmem:s18+$0xA0]  }
0x16d: {  	v1 =	vadd.f32 v2, v1  }
0x16e: {  	v2 =	vld [tilespmem:s18+$0x120]  }
0x16f: {  	v1 =	vadd.f32 v3, v1  }
0x170: {  	v3 =	vld [tilespmem:s18+$0x1A0]  }
0x171: {  	v1 =	vadd.f32 v4, v1  }
0x172: {  	v4 =	vld [tilespmem:s18+$0x220]  }
0x173: {  	v1 =	vadd.f32 v2, v1  }
0x174: {  	v2 =	vld [tilespmem:s18+$0x2A0]  }
0x175: {  	v1 =	vadd.f32 v3, v1  }
0x176: {  	v3 =	vld [tilespmem:s18+$0x320]  }
0x177: {  	v1 =	vadd.f32 v4, v1  }
0x178: {  	v4 =	vld [tilespmem:s18+$0x3A0]  }
0x179: {  	v1 =	vadd.f32 v2, v1;
	_ =	sdelay $0x1  }
0x17a: {  	v1 =	vadd.f32 v3, v1;
	_ =	sdelay $0x1  }
0x17b: {  	v1 =	vadd.f32 v4, v1;
	_ =	sdelay $0x1  }
0x17c: {  	[tilespmem:v0+s19+$0xFFFFFFB0 ss:$0x1] =	vst.idx.msk $0xffff, v1  }
0x17d: {  	v1 =	vld [tilespmem:s18+$0xFFFFFC30]  }
0x17e: {  	v2 =	vld [tilespmem:s18+$0xFFFFFCB0]  }
0x17f: {  	v3 =	vld [tilespmem:s18+$0xFFFFFD30];
	_ =	sdelay $0x2  }
0x180: {  	v4 =	vld [tilespmem:s18+$0xFFFFFDB0]  }
0x181: {  	v1 =	vadd.f32 v2, v1  }
0x182: {  	v2 =	vld [tilespmem:s18+$0xFFFFFE30]  }
0x183: {  	v1 =	vadd.f32 v3, v1  }
0x184: {  	v3 =	vld [tilespmem:s18+$0xFFFFFEB0]  }
0x185: {  	v1 =	vadd.f32 v4, v1  }
0x186: {  	v4 =	vld [tilespmem:s18+$0xFFFFFF30]  }
0x187: {  	v1 =	vadd.f32 v2, v1  }
0x188: {  	v2 =	vld [tilespmem:s18+$0xFFFFFFB0]  }
0x189: {  	v1 =	vadd.f32 v3, v1  }
0x18a: {  	v3 =	vld [tilespmem:s18+$0x30]  }
0x18b: {  	v1 =	vadd.f32 v4, v1  }
0x18c: {  	v4 =	vld [tilespmem:s18+$0xB0]  }
0x18d: {  	v1 =	vadd.f32 v2, v1  }
0x18e: {  	v2 =	vld [tilespmem:s18+$0x130]  }
0x18f: {  	v1 =	vadd.f32 v3, v1  }
0x190: {  	v3 =	vld [tilespmem:s18+$0x1B0]  }
0x191: {  	v1 =	vadd.f32 v4, v1  }
0x192: {  	v4 =	vld [tilespmem:s18+$0x230]  }
0x193: {  	v1 =	vadd.f32 v2, v1  }
0x194: {  	v2 =	vld [tilespmem:s18+$0x2B0]  }
0x195: {  	v1 =	vadd.f32 v3, v1  }
0x196: {  	v3 =	vld [tilespmem:s18+$0x330]  }
0x197: {  	v1 =	vadd.f32 v4, v1  }
0x198: {  	v4 =	vld [tilespmem:s18+$0x3B0]  }
0x199: {  	v1 =	vadd.f32 v2, v1;
	_ =	sdelay $0x1  }
0x19a: {  	v1 =	vadd.f32 v3, v1;
	_ =	sdelay $0x1  }
0x19b: {  	v1 =	vadd.f32 v4, v1;
	_ =	sdelay $0x1  }
0x19c: {  	[tilespmem:v0+s19+$0xFFFFFFC0 ss:$0x1] =	vst.idx.msk $0xffff, v1  }
0x19d: {  	v1 =	vld [tilespmem:s18+$0xFFFFFC40]  }
0x19e: {  	v2 =	vld [tilespmem:s18+$0xFFFFFCC0];
	_ =	sdelay $0x1  }
0x19f: {  	v3 =	vld [tilespmem:s18+$0xFFFFFD40];
	_ =	sdelay $0x1  }
0x1a0: {  	v4 =	vld [tilespmem:s18+$0xFFFFFDC0]  }
0x1a1: {  	v2 =	vadd.f32 v2, v1  }
0x1a2: {  	v5 =	vld [tilespmem:s18+$0xFFFFFE40]  }
0x1a3: {  	v2 =	vadd.f32 v3, v2  }
0x1a4: {  	v3 =	vld [tilespmem:s18+$0xFFFFFEC0]  }
0x1a5: {  	v2 =	vadd.f32 v4, v2  }
0x1a6: {  	v4 =	vld [tilespmem:s18+$0xFFFFFF40]  }
0x1a7: {  	v2 =	vadd.f32 v5, v2  }
0x1a8: {  	v5 =	vld [tilespmem:s18+$0xFFFFFFC0]  }
0x1a9: {  	v2 =	vadd.f32 v3, v2  }
0x1aa: {  	v3 =	vld [tilespmem:s18+$0x40]  }
0x1ab: {  	v2 =	vadd.f32 v4, v2  }
0x1ac: {  	v4 =	vld [tilespmem:s18+$0xC0]  }
0x1ad: {  	v2 =	vadd.f32 v5, v2  }
0x1ae: {  	v5 =	vld [tilespmem:s18+$0x140]  }
0x1af: {  	v2 =	vadd.f32 v3, v2  }
0x1b0: {  	v3 =	vld [tilespmem:s18+$0x1C0]  }
0x1b1: {  	v2 =	vadd.f32 v4, v2  }
0x1b2: {  	v4 =	vld [tilespmem:s18+$0x240]  }
0x1b3: {  	v2 =	vadd.f32 v5, v2  }
0x1b4: {  	v5 =	vld [tilespmem:s18+$0x2C0]  }
0x1b5: {  	v2 =	vadd.f32 v3, v2  }
0x1b6: {  	v3 =	vld [tilespmem:s18+$0x340]  }
0x1b7: {  	v2 =	vadd.f32 v4, v2  }
0x1b8: {  	v4 =	vld [tilespmem:s18+$0x3C0]  }
0x1b9: {  	v2 =	vadd.f32 v5, v2;
	_ =	sdelay $0x1  }
0x1ba: {  	v2 =	vadd.f32 v3, v2;
	_ =	sdelay $0x1  }
0x1bb: {  	v1 =	vmul.f32 $-1.600000000e+01, v1;
	v2 =	vadd.f32 v4, v2;
	_ =	sdelay $0x1  }
0x1bc: {  	v1 =	vadd.f32 v1, v2;
	_ =	sdelay $0x1  }
0x1bd: {  	v1 =	vsel vm0, v1, v2  }
0x1be: {  	[tilespmem:v0+s19+$0xFFFFFFD0 ss:$0x1] =	vst.idx.msk $0xffff, v1  }
0x1bf: {  	v1 =	vld [tilespmem:s18+$0xFFFFFC50]  }
0x1c0: {  	v2 =	vld [tilespmem:s18+$0xFFFFFCD0]  }
0x1c1: {  	v3 =	vld [tilespmem:s18+$0xFFFFFD50]  }
0x1c2: {  	v4 =	vld [tilespmem:s18+$0xFFFFFDD0]  }
0x1c3: {  	v5 =	vld [tilespmem:s18+$0xFFFFFE50]  }
0x1c4: {  	v6 =	vld [tilespmem:s18+$0xFFFFFED0]  }
0x1c5: {  	v1 =	vadd.f32 v2, v1;
	v2 =	vld [tilespmem:s18+$0xFFFFFF50]  }
0x1c6: {  	v7 =	vld [tilespmem:s18+$0xFFFFFFD0]  }
0x1c7: {  	v1 =	vadd.f32 v3, v1;
	v3 =	vld [tilespmem:s18+$0x50]  }
0x1c8: {  	v8 =	vld [tilespmem:s18+$0xD0]  }
0x1c9: {  	v1 =	vadd.f32 v4, v1;
	v4 =	vld [tilespmem:s18+$0x150]  }
0x1ca: {  	v9 =	vld [tilespmem:s18+$0x1D0]  }
0x1cb: {  	v1 =	vadd.f32 v5, v1;
	v5 =	vld [tilespmem:s18+$0x250]  }
0x1cc: {  	v10 =	vld [tilespmem:s18+$0x2D0]  }
0x1cd: {  	v1 =	vadd.f32 v6, v1;
	v6 =	vld [tilespmem:s18+$0x350]  }
0x1ce: {  	v11 =	vld [tilespmem:s18+$0x3D0]  }
0x1cf: {  	v1 =	vadd.f32 v2, v1;
	_ =	sdelay $0x1  }
0x1d0: {  	v1 =	vadd.f32 v7, v1;
	_ =	sdelay $0x1  }
0x1d1: {  	v1 =	vadd.f32 v3, v1;
	_ =	sdelay $0x1  }
0x1d2: {  	v1 =	vadd.f32 v8, v1;
	_ =	sdelay $0x1  }
0x1d3: {  	v1 =	vadd.f32 v4, v1;
	_ =	sdelay $0x1  }
0x1d4: {  	v1 =	vadd.f32 v9, v1;
	_ =	sdelay $0x1  }
0x1d5: {  	v1 =	vadd.f32 v5, v1;
	_ =	sdelay $0x1  }
0x1d6: {  	v1 =	vadd.f32 v10, v1;
	_ =	sdelay $0x1  }
0x1d7: {  	v1 =	vadd.f32 v6, v1;
	_ =	sdelay $0x1  }
0x1d8: {  	v1 =	vadd.f32 v11, v1;
	_ =	sdelay $0x1  }
0x1d9: {  	[tilespmem:v0+s19+$0xFFFFFFE0 ss:$0x1] =	vst.idx.msk $0xffff, v1  }
0x1da: {  	v1 =	vld [tilespmem:s18+$0xFFFFFC60]  }
0x1db: {  	v2 =	vld [tilespmem:s18+$0xFFFFFCE0]  }
0x1dc: {  	v3 =	vld [tilespmem:s18+$0xFFFFFD60]  }
0x1dd: {  	v4 =	vld [tilespmem:s18+$0xFFFFFDE0]  }
0x1de: {  	v5 =	vld [tilespmem:s18+$0xFFFFFE60]  }
0x1df: {  	v6 =	vld [tilespmem:s18+$0xFFFFFEE0]  }
0x1e0: {  	v1 =	vadd.f32 v2, v1;
	v2 =	vld [tilespmem:s18+$0xFFFFFF60]  }
0x1e1: {  	v7 =	vld [tilespmem:s18+$0xFFFFFFE0]  }
0x1e2: {  	v1 =	vadd.f32 v3, v1;
	v3 =	vld [tilespmem:s18+$0x60]  }
0x1e3: {  	v8 =	vld [tilespmem:s18+$0xE0]  }
0x1e4: {  	v1 =	vadd.f32 v4, v1;
	v4 =	vld [tilespmem:s18+$0x160]  }
0x1e5: {  	v9 =	vld [tilespmem:s18+$0x1E0]  }
0x1e6: {  	v1 =	vadd.f32 v5, v1;
	v5 =	vld [tilespmem:s18+$0x260]  }
0x1e7: {  	v10 =	vld [tilespmem:s18+$0x2E0]  }
0x1e8: {  	v1 =	vadd.f32 v6, v1;
	v6 =	vld [tilespmem:s18+$0x360]  }
0x1e9: {  	v11 =	vld [tilespmem:s18+$0x3E0]  }
0x1ea: {  	v1 =	vadd.f32 v2, v1;
	_ =	sdelay $0x1  }
0x1eb: {  	v1 =	vadd.f32 v7, v1;
	_ =	sdelay $0x1  }
0x1ec: {  	v1 =	vadd.f32 v3, v1;
	_ =	sdelay $0x1  }
0x1ed: {  	v1 =	vadd.f32 v8, v1;
	_ =	sdelay $0x1  }
0x1ee: {  	v1 =	vadd.f32 v4, v1;
	_ =	sdelay $0x1  }
0x1ef: {  	v1 =	vadd.f32 v9, v1;
	_ =	sdelay $0x1  }
0x1f0: {  	v1 =	vadd.f32 v5, v1;
	_ =	sdelay $0x1  }
0x1f1: {  	v1 =	vadd.f32 v10, v1;
	_ =	sdelay $0x1  }
0x1f2: {  	v1 =	vadd.f32 v6, v1;
	_ =	sdelay $0x1  }
0x1f3: {  	v1 =	vadd.f32 v11, v1;
	_ =	sdelay $0x1  }
0x1f4: {  	[tilespmem:v0+s19+$0xFFFFFFF0 ss:$0x1] =	vst.idx.msk $0xffff, v1  }
0x1f5: {  	v1 =	vld [tilespmem:s18+$0xFFFFFC70]  }
0x1f6: {  	v2 =	vld [tilespmem:s18+$0xFFFFFCF0]  }
0x1f7: {  	v3 =	vld [tilespmem:s18+$0xFFFFFD70]  }
0x1f8: {  	v4 =	vld [tilespmem:s18+$0xFFFFFDF0]  }
0x1f9: {  	v5 =	vld [tilespmem:s18+$0xFFFFFE70]  }
0x1fa: {  	v6 =	vld [tilespmem:s18+$0xFFFFFEF0]  }
0x1fb: {  	v1 =	vadd.f32 v2, v1;
	v7 =	vld [tilespmem:s18+$0xFFFFFF70]  }
0x1fc: {  	v8 =	vld [tilespmem:s18+$0xFFFFFFF0]  }
0x1fd: {  	v1 =	vadd.f32 v3, v1;
	v9 =	vld [tilespmem:s18+$0xF0]  }
0x1fe: {  	v10 =	vld [tilespmem:s18+$0x70]  }
0x1ff: {  	v1 =	vadd.f32 v4, v1;
	v11 =	vld [tilespmem:s18+$0x170]  }
0x200: {  	v12 =	vld [tilespmem:s18+$0x1F0]  }
0x201: {  	v2 =	vadd.f32 v5, v1;
	v4 =	vld [tilespmem:s18+$0x270]  }
0x202: {  	v1 =	vld [tilespmem:s18+$0x2F0]  }
0x203: {  	v5 =	vadd.f32 v6, v2;
	v3 =	vld [tilespmem:s18+$0x370]  }
0x204: {  	v2 =	vld [tilespmem:s18+$0x3F0]  }
0x205: {  	v5 =	vadd.f32 v7, v5;
	_ =	sdelay $0x1  }
0x206: {  	v5 =	vadd.f32 v8, v5;
	_ =	sdelay $0x1  }
0x207: {  	v5 =	vadd.f32 v10, v5;
	_ =	sdelay $0x1  }
.Ltmp0:
0x208: {  	v5 =	vadd.f32 v9, v5;
	(pc) =	sbr.rel @p0 .LBB2_3-.Ltmp0, $3  }
0x209: {  	_ = 	snop  }
0x20a: {  	v5 =	vadd.f32 v11, v5;
	_ =	sdelay $0x1  }
0x20b: {  	v5 =	vadd.f32 v12, v5  }
0x20c: {  	_ = 	snop  }
0x20d: {  	v4 =	vadd.f32 v4, v5;
	_ =	sdelay $0x1  }
0x20e: {  	v1 =	vadd.f32 v1, v4;
	_ =	sdelay $0x1  }
0x20f: {  	v1 =	vadd.f32 v3, v1  }
0x210: {  	p0 =	seq.s32 s17, $0xF  }
0x211: {  	s18 =	sshll.u32 @!p0 s17, $0x8;
	v1 =	vadd.f32 v2, v1  }
0x212: {  	s18 =	sand.u32 @!p0 $0x3FFFFF00, s18  }
0x213: {  	s20 =	simm.s32 @!p0 $0x1000;
	s18 =	sadd.s32 @!p0 $0x100, s18;
	[tilespmem:v0+s19+$0x0 ss:$0x1] =	vst.idx.msk $0xffff, v1;
	s19 =	simm.s32 @!p0 $0x80  }
0x214: {  	[tilespmem:s20], [sflag:$0x1] =	stream.indirect.gather @!p0 [hbm4b:s1+s19], $0x80, s18, s19, $0xb8;
	[tilespmem:$0x11000] =	vst v63  }
0x215: {  	_ =	swait.ge [sflag:s12], $0x4000  }
0x216: {  	[sflag:s12] =	ssyncset.done $0x0  }
0x217: {  	s18 =	simm.s32 $0x5400;
	[sflag:s12] =	ssyncadd.s32 $0xFFFFC000  }
0x218: {  	v0 =	vld [tilespmem:s18+$0xFFFFFC80]  }
0x219: {  	v1 =	vld [tilespmem:s18+$0xFFFFFC00];
	_ =	sdelay $0x1  }
0x21a: {  	v2 =	vld [tilespmem:s18+$0xFFFFFD00];
	_ =	sdelay $0x1  }
0x21b: {  	v3 =	vld [tilespmem:s18+$0xFFFFFD80]  }
0x21c: {  	v0 =	vadd.f32 v0, v1  }
0x21d: {  	v1 =	vld [tilespmem:s18+$0xFFFFFE00]  }
0x21e: {  	v0 =	vadd.f32 v2, v0  }
0x21f: {  	v2 =	vld [tilespmem:s18+$0xFFFFFE80]  }
0x220: {  	v0 =	vadd.f32 v3, v0  }
0x221: {  	v3 =	vld [tilespmem:s18+$0xFFFFFF00]  }
0x222: {  	v0 =	vadd.f32 v1, v0  }
0x223: {  	v1 =	vld [tilespmem:s18+$0xFFFFFF80]  }
0x224: {  	v0 =	vadd.f32 v2, v0  }
0x225: {  	v2 =	vld [tilespmem:s18+$0x0]  }
0x226: {  	v0 =	vadd.f32 v3, v0  }
0x227: {  	v3 =	vld [tilespmem:s18+$0x80]  }
0x228: {  	v0 =	vadd.f32 v1, v0  }
0x229: {  	v1 =	vld [tilespmem:s18+$0x100]  }
0x22a: {  	v0 =	vadd.f32 v2, v0  }
0x22b: {  	v2 =	vld [tilespmem:s18+$0x180]  }
0x22c: {  	v0 =	vadd.f32 v3, v0  }
0x22d: {  	v3 =	vld [tilespmem:s18+$0x200]  }
0x22e: {  	v0 =	vadd.f32 v1, v0  }
0x22f: {  	v1 =	vld [tilespmem:s18+$0x280]  }
0x230: {  	v0 =	vadd.f32 v2, v0  }
0x231: {  	v2 =	vld [tilespmem:s18+$0x300]  }
0x232: {  	v0 =	vadd.f32 v3, v0  }
0x233: {  	v3 =	vld [tilespmem:s18+$0x380]  }
0x234: {  	v1 =	vadd.f32 v1, v0  }
0x235: {  	v0 =	vmov s16  }
0x236: {  	v1 =	vadd.f32 v2, v1;
	_ =	sdelay $0x1  }
0x237: {  	v1 =	vadd.f32 v3, v1  }
0x238: {  	s19 =	simm.s32 $0x0  }
0x239: {  	[tilespmem:v0+s19+$0xFFFFFF90 ss:$0x1] =	vst.idx.msk $0xffff, v1  }
0x23a: {  	v1 =	vld [tilespmem:s18+$0xFFFFFC10]  }
0x23b: {  	v2 =	vld [tilespmem:s18+$0xFFFFFC90];
	_ =	sdelay $0x1  }
0x23c: {  	v3 =	vld [tilespmem:s18+$0xFFFFFD10];
	_ =	sdelay $0x1  }
0x23d: {  	v4 =	vld [tilespmem:s18+$0xFFFFFD90]  }
0x23e: {  	v1 =	vadd.f32 v2, v1  }
0x23f: {  	v2 =	vld [tilespmem:s18+$0xFFFFFE10]  }
0x240: {  	v1 =	vadd.f32 v3, v1  }
0x241: {  	v3 =	vld [tilespmem:s18+$0xFFFFFE90]  }
0x242: {  	v1 =	vadd.f32 v4, v1  }
0x243: {  	v4 =	vld [tilespmem:s18+$0xFFFFFF10]  }
0x244: {  	v1 =	vadd.f32 v2, v1  }
0x245: {  	v2 =	vld [tilespmem:s18+$0xFFFFFF90]  }
0x246: {  	v1 =	vadd.f32 v3, v1  }
0x247: {  	v3 =	vld [tilespmem:s18+$0x10]  }
0x248: {  	v1 =	vadd.f32 v4, v1  }
0x249: {  	v4 =	vld [tilespmem:s18+$0x90]  }
0x24a: {  	v1 =	vadd.f32 v2, v1  }
0x24b: {  	v2 =	vld [tilespmem:s18+$0x110]  }
0x24c: {  	v1 =	vadd.f32 v3, v1  }
0x24d: {  	v3 =	vld [tilespmem:s18+$0x190]  }
0x24e: {  	v1 =	vadd.f32 v4, v1  }
0x24f: {  	v4 =	vld [tilespmem:s18+$0x210]  }
0x250: {  	v1 =	vadd.f32 v2, v1  }
0x251: {  	v2 =	vld [tilespmem:s18+$0x290]  }
0x252: {  	v1 =	vadd.f32 v3, v1  }
0x253: {  	v3 =	vld [tilespmem:s18+$0x310]  }
0x254: {  	v1 =	vadd.f32 v4, v1  }
0x255: {  	v4 =	vld [tilespmem:s18+$0x390]  }
0x256: {  	v1 =	vadd.f32 v2, v1;
	_ =	sdelay $0x1  }
0x257: {  	v1 =	vadd.f32 v3, v1;
	_ =	sdelay $0x1  }
0x258: {  	v1 =	vadd.f32 v4, v1;
	_ =	sdelay $0x1  }
0x259: {  	[tilespmem:v0+s19+$0xFFFFFFA0 ss:$0x1] =	vst.idx.msk $0xffff, v1  }
0x25a: {  	v1 =	vld [tilespmem:s18+$0xFFFFFC20]  }
0x25b: {  	v2 =	vld [tilespmem:s18+$0xFFFFFCA0];
	_ =	sdelay $0x1  }
0x25c: {  	v3 =	vld [tilespmem:s18+$0xFFFFFD20];
	_ =	sdelay $0x1  }
0x25d: {  	v4 =	vld [tilespmem:s18+$0xFFFFFDA0]  }
0x25e: {  	v1 =	vadd.f32 v2, v1  }
0x25f: {  	v2 =	vld [tilespmem:s18+$0xFFFFFE20]  }
0x260: {  	v1 =	vadd.f32 v3, v1  }
0x261: {  	v3 =	vld [tilespmem:s18+$0xFFFFFEA0]  }
0x262: {  	v1 =	vadd.f32 v4, v1  }
0x263: {  	v4 =	vld [tilespmem:s18+$0xFFFFFF20]  }
0x264: {  	v1 =	vadd.f32 v2, v1  }
0x265: {  	v2 =	vld [tilespmem:s18+$0xFFFFFFA0]  }
0x266: {  	v1 =	vadd.f32 v3, v1  }
0x267: {  	v3 =	vld [tilespmem:s18+$0x20]  }
0x268: {  	v1 =	vadd.f32 v4, v1  }
0x269: {  	v4 =	vld [tilespmem:s18+$0xA0]  }
0x26a: {  	v1 =	vadd.f32 v2, v1  }
0x26b: {  	v2 =	vld [tilespmem:s18+$0x120]  }
0x26c: {  	v1 =	vadd.f32 v3, v1  }
0x26d: {  	v3 =	vld [tilespmem:s18+$0x1A0]  }
0x26e: {  	v1 =	vadd.f32 v4, v1  }
0x26f: {  	v4 =	vld [tilespmem:s18+$0x220]  }
0x270: {  	v1 =	vadd.f32 v2, v1  }
0x271: {  	v2 =	vld [tilespmem:s18+$0x2A0]  }
0x272: {  	v1 =	vadd.f32 v3, v1  }
0x273: {  	v3 =	vld [tilespmem:s18+$0x320]  }
0x274: {  	v1 =	vadd.f32 v4, v1  }
0x275: {  	v4 =	vld [tilespmem:s18+$0x3A0]  }
0x276: {  	v1 =	vadd.f32 v2, v1;
	_ =	sdelay $0x1  }
0x277: {  	v1 =	vadd.f32 v3, v1;
	_ =	sdelay $0x1  }
0x278: {  	v1 =	vadd.f32 v4, v1;
	_ =	sdelay $0x1  }
0x279: {  	[tilespmem:v0+s19+$0xFFFFFFB0 ss:$0x1] =	vst.idx.msk $0xffff, v1  }
0x27a: {  	v1 =	vld [tilespmem:s18+$0xFFFFFC30]  }
0x27b: {  	v2 =	vld [tilespmem:s18+$0xFFFFFCB0];
	_ =	sdelay $0x1  }
0x27c: {  	v3 =	vld [tilespmem:s18+$0xFFFFFD30];
	_ =	sdelay $0x1  }
0x27d: {  	v4 =	vld [tilespmem:s18+$0xFFFFFDB0]  }
0x27e: {  	v1 =	vadd.f32 v2, v1  }
0x27f: {  	v2 =	vld [tilespmem:s18+$0xFFFFFE30]  }
0x280: {  	v1 =	vadd.f32 v3, v1  }
0x281: {  	v3 =	vld [tilespmem:s18+$0xFFFFFEB0]  }
0x282: {  	v1 =	vadd.f32 v4, v1  }
0x283: {  	v4 =	vld [tilespmem:s18+$0xFFFFFF30]  }
0x284: {  	v1 =	vadd.f32 v2, v1  }
0x285: {  	v2 =	vld [tilespmem:s18+$0xFFFFFFB0]  }
0x286: {  	v1 =	vadd.f32 v3, v1  }
0x287: {  	v3 =	vld [tilespmem:s18+$0x30]  }
0x288: {  	v1 =	vadd.f32 v4, v1  }
0x289: {  	v4 =	vld [tilespmem:s18+$0xB0]  }
0x28a: {  	v1 =	vadd.f32 v2, v1  }
0x28b: {  	v2 =	vld [tilespmem:s18+$0x130]  }
0x28c: {  	v1 =	vadd.f32 v3, v1  }
0x28d: {  	v3 =	vld [tilespmem:s18+$0x1B0]  }
0x28e: {  	v1 =	vadd.f32 v4, v1  }
0x28f: {  	v4 =	vld [tilespmem:s18+$0x230]  }
0x290: {  	v1 =	vadd.f32 v2, v1  }
0x291: {  	v2 =	vld [tilespmem:s18+$0x2B0]  }
0x292: {  	v1 =	vadd.f32 v3, v1  }
0x293: {  	v3 =	vld [tilespmem:s18+$0x330]  }
0x294: {  	v1 =	vadd.f32 v4, v1  }
0x295: {  	v4 =	vld [tilespmem:s18+$0x3B0]  }
0x296: {  	v1 =	vadd.f32 v2, v1;
	_ =	sdelay $0x1  }
0x297: {  	v1 =	vadd.f32 v3, v1;
	_ =	sdelay $0x1  }
0x298: {  	v1 =	vadd.f32 v4, v1;
	_ =	sdelay $0x1  }
0x299: {  	[tilespmem:v0+s19+$0xFFFFFFC0 ss:$0x1] =	vst.idx.msk $0xffff, v1  }
0x29a: {  	v1 =	vld [tilespmem:s18+$0xFFFFFC40]  }
0x29b: {  	v2 =	vld [tilespmem:s18+$0xFFFFFCC0];
	_ =	sdelay $0x1  }
0x29c: {  	v3 =	vld [tilespmem:s18+$0xFFFFFD40];
	_ =	sdelay $0x1  }
0x29d: {  	v4 =	vld [tilespmem:s18+$0xFFFFFDC0]  }
0x29e: {  	v2 =	vadd.f32 v2, v1  }
0x29f: {  	v5 =	vld [tilespmem:s18+$0xFFFFFE40]  }
0x2a0: {  	v2 =	vadd.f32 v3, v2  }
0x2a1: {  	v3 =	vld [tilespmem:s18+$0xFFFFFEC0]  }
0x2a2: {  	v2 =	vadd.f32 v4, v2  }
0x2a3: {  	v4 =	vld [tilespmem:s18+$0xFFFFFF40]  }
0x2a4: {  	v2 =	vadd.f32 v5, v2  }
0x2a5: {  	v5 =	vld [tilespmem:s18+$0xFFFFFFC0]  }
0x2a6: {  	v2 =	vadd.f32 v3, v2  }
0x2a7: {  	v3 =	vld [tilespmem:s18+$0x40]  }
0x2a8: {  	v2 =	vadd.f32 v4, v2  }
0x2a9: {  	v4 =	vld [tilespmem:s18+$0xC0]  }
0x2aa: {  	v2 =	vadd.f32 v5, v2  }
0x2ab: {  	v5 =	vld [tilespmem:s18+$0x140]  }
0x2ac: {  	v2 =	vadd.f32 v3, v2  }
0x2ad: {  	v3 =	vld [tilespmem:s18+$0x1C0]  }
0x2ae: {  	v2 =	vadd.f32 v4, v2  }
0x2af: {  	v4 =	vld [tilespmem:s18+$0x240]  }
0x2b0: {  	v2 =	vadd.f32 v5, v2  }
0x2b1: {  	v5 =	vld [tilespmem:s18+$0x2C0]  }
0x2b2: {  	v2 =	vadd.f32 v3, v2  }
0x2b3: {  	v3 =	vld [tilespmem:s18+$0x340]  }
0x2b4: {  	v2 =	vadd.f32 v4, v2  }
0x2b5: {  	v4 =	vld [tilespmem:s18+$0x3C0]  }
0x2b6: {  	v2 =	vadd.f32 v5, v2;
	_ =	sdelay $0x1  }
0x2b7: {  	v2 =	vadd.f32 v3, v2;
	_ =	sdelay $0x1  }
0x2b8: {  	v1 =	vmul.f32 $-1.600000000e+01, v1;
	v2 =	vadd.f32 v4, v2;
	_ =	sdelay $0x1  }
0x2b9: {  	v1 =	vadd.f32 v1, v2;
	_ =	sdelay $0x1  }
0x2ba: {  	v1 =	vsel vm0, v1, v2  }
0x2bb: {  	[tilespmem:v0+s19+$0xFFFFFFD0 ss:$0x1] =	vst.idx.msk $0xffff, v1  }
0x2bc: {  	v1 =	vld [tilespmem:s18+$0xFFFFFC50]  }
0x2bd: {  	v2 =	vld [tilespmem:s18+$0xFFFFFCD0];
	_ =	sdelay $0x1  }
0x2be: {  	v3 =	vld [tilespmem:s18+$0xFFFFFD50];
	_ =	sdelay $0x1  }
0x2bf: {  	v4 =	vld [tilespmem:s18+$0xFFFFFDD0]  }
0x2c0: {  	v1 =	vadd.f32 v2, v1  }
0x2c1: {  	v2 =	vld [tilespmem:s18+$0xFFFFFE50]  }
0x2c2: {  	v1 =	vadd.f32 v3, v1  }
0x2c3: {  	v3 =	vld [tilespmem:s18+$0xFFFFFED0]  }
0x2c4: {  	v1 =	vadd.f32 v4, v1  }
0x2c5: {  	v4 =	vld [tilespmem:s18+$0xFFFFFF50]  }
0x2c6: {  	v1 =	vadd.f32 v2, v1  }
0x2c7: {  	v2 =	vld [tilespmem:s18+$0xFFFFFFD0]  }
0x2c8: {  	v1 =	vadd.f32 v3, v1  }
0x2c9: {  	v3 =	vld [tilespmem:s18+$0x50]  }
0x2ca: {  	v1 =	vadd.f32 v4, v1  }
0x2cb: {  	v4 =	vld [tilespmem:s18+$0xD0]  }
0x2cc: {  	v1 =	vadd.f32 v2, v1  }
0x2cd: {  	v2 =	vld [tilespmem:s18+$0x150]  }
0x2ce: {  	v1 =	vadd.f32 v3, v1  }
0x2cf: {  	v3 =	vld [tilespmem:s18+$0x1D0]  }
0x2d0: {  	v1 =	vadd.f32 v4, v1  }
0x2d1: {  	v4 =	vld [tilespmem:s18+$0x250]  }
0x2d2: {  	v1 =	vadd.f32 v2, v1  }
0x2d3: {  	v2 =	vld [tilespmem:s18+$0x2D0]  }
0x2d4: {  	v1 =	vadd.f32 v3, v1  }
0x2d5: {  	v3 =	vld [tilespmem:s18+$0x350]  }
0x2d6: {  	v1 =	vadd.f32 v4, v1  }
0x2d7: {  	v4 =	vld [tilespmem:s18+$0x3D0]  }
0x2d8: {  	v1 =	vadd.f32 v2, v1;
	_ =	sdelay $0x1  }
0x2d9: {  	v1 =	vadd.f32 v3, v1;
	_ =	sdelay $0x1  }
0x2da: {  	v1 =	vadd.f32 v4, v1;
	_ =	sdelay $0x1  }
0x2db: {  	[tilespmem:v0+s19+$0xFFFFFFE0 ss:$0x1] =	vst.idx.msk $0xffff, v1  }
0x2dc: {  	v1 =	vld [tilespmem:s18+$0xFFFFFC60]  }
0x2dd: {  	v2 =	vld [tilespmem:s18+$0xFFFFFCE0];
	_ =	sdelay $0x1  }
0x2de: {  	v3 =	vld [tilespmem:s18+$0xFFFFFD60];
	_ =	sdelay $0x1  }
0x2df: {  	v4 =	vld [tilespmem:s18+$0xFFFFFDE0]  }
0x2e0: {  	v1 =	vadd.f32 v2, v1  }
0x2e1: {  	v2 =	vld [tilespmem:s18+$0xFFFFFE60]  }
0x2e2: {  	v1 =	vadd.f32 v3, v1  }
0x2e3: {  	v3 =	vld [tilespmem:s18+$0xFFFFFEE0]  }
0x2e4: {  	v1 =	vadd.f32 v4, v1  }
0x2e5: {  	v4 =	vld [tilespmem:s18+$0xFFFFFF60]  }
0x2e6: {  	v1 =	vadd.f32 v2, v1  }
0x2e7: {  	v2 =	vld [tilespmem:s18+$0xFFFFFFE0]  }
0x2e8: {  	v1 =	vadd.f32 v3, v1  }
0x2e9: {  	v3 =	vld [tilespmem:s18+$0x60]  }
0x2ea: {  	v1 =	vadd.f32 v4, v1  }
0x2eb: {  	v4 =	vld [tilespmem:s18+$0xE0]  }
0x2ec: {  	v1 =	vadd.f32 v2, v1  }
0x2ed: {  	v2 =	vld [tilespmem:s18+$0x160]  }
0x2ee: {  	v1 =	vadd.f32 v3, v1  }
0x2ef: {  	v3 =	vld [tilespmem:s18+$0x1E0]  }
0x2f0: {  	v1 =	vadd.f32 v4, v1  }
0x2f1: {  	v4 =	vld [tilespmem:s18+$0x260]  }
0x2f2: {  	v1 =	vadd.f32 v2, v1  }
0x2f3: {  	v2 =	vld [tilespmem:s18+$0x2E0]  }
0x2f4: {  	v1 =	vadd.f32 v3, v1  }
0x2f5: {  	v3 =	vld [tilespmem:s18+$0x360]  }
0x2f6: {  	v1 =	vadd.f32 v4, v1  }
0x2f7: {  	v4 =	vld [tilespmem:s18+$0x3E0]  }
0x2f8: {  	v1 =	vadd.f32 v2, v1;
	_ =	sdelay $0x1  }
0x2f9: {  	v1 =	vadd.f32 v3, v1;
	_ =	sdelay $0x1  }
0x2fa: {  	v1 =	vadd.f32 v4, v1;
	_ =	sdelay $0x1  }
0x2fb: {  	[tilespmem:v0+s19+$0xFFFFFFF0 ss:$0x1] =	vst.idx.msk $0xffff, v1  }
0x2fc: {  	v1 =	vld [tilespmem:s18+$0xFFFFFC70]  }
0x2fd: {  	v2 =	vld [tilespmem:s18+$0xFFFFFCF0];
	_ =	sdelay $0x1  }
0x2fe: {  	v3 =	vld [tilespmem:s18+$0xFFFFFD70];
	_ =	sdelay $0x1  }
0x2ff: {  	v4 =	vld [tilespmem:s18+$0xFFFFFDF0]  }
0x300: {  	v1 =	vadd.f32 v2, v1  }
0x301: {  	v2 =	vld [tilespmem:s18+$0xFFFFFE70]  }
0x302: {  	v1 =	vadd.f32 v3, v1  }
0x303: {  	v3 =	vld [tilespmem:s18+$0xFFFFFEF0]  }
0x304: {  	v1 =	vadd.f32 v4, v1  }
0x305: {  	v4 =	vld [tilespmem:s18+$0xFFFFFF70]  }
0x306: {  	v1 =	vadd.f32 v2, v1  }
0x307: {  	v2 =	vld [tilespmem:s18+$0xFFFFFFF0]  }
0x308: {  	v1 =	vadd.f32 v3, v1  }
0x309: {  	v3 =	vld [tilespmem:s18+$0x70]  }
0x30a: {  	v1 =	vadd.f32 v4, v1  }
0x30b: {  	v4 =	vld [tilespmem:s18+$0xF0]  }
0x30c: {  	v1 =	vadd.f32 v2, v1  }
0x30d: {  	v2 =	vld [tilespmem:s18+$0x170]  }
0x30e: {  	v1 =	vadd.f32 v3, v1  }
0x30f: {  	v5 =	vld [tilespmem:s18+$0x1F0]  }
0x310: {  	v3 =	vadd.f32 v4, v1  }
0x311: {  	v4 =	vld [tilespmem:s18+$0x270]  }
0x312: {  	v1 =	vld [tilespmem:s18+$0x2F0];
	v6 =	vadd.f32 v2, v3  }
0x313: {  	v2 =	vld [tilespmem:s18+$0x370]  }
0x314: {  	s20 =	simm.s32 $0x200;
	v3 =	vld [tilespmem:s18+$0x3F0];
	v5 =	vadd.f32 v5, v6  }
.LBB2_5:
0x315: {  	p0 =	sne.s32 s20, $0xE00  }
0x316: {  	s18 =	sadd.s32 $0x800, s18;
	s21 =	smov.u32 s20;
	s20 =	sadd.s32 $0x200, s20;
	v4 =	vadd.f32 v4, v5  }
0x317: {  	_ = 	snop  }
0x318: {  	v1 =	vadd.f32 v1, v4;
	_ =	sdelay $0x1  }
0x319: {  	v1 =	vadd.f32 v2, v1;
	_ =	sdelay $0x1  }
0x31a: {  	v1 =	vadd.f32 v3, v1;
	_ =	sdelay $0x1  }
0x31b: {  	[tilespmem:v0+s19+$0x0 ss:$0x1] =	vst.idx.msk $0xffff, v1  }
0x31c: {  	v1 =	vld [tilespmem:s18+$0xFFFFFC80]  }
0x31d: {  	v2 =	vld [tilespmem:s18+$0xFFFFFC00]  }
0x31e: {  	v3 =	vld [tilespmem:s18+$0xFFFFFD00];
	_ =	sdelay $0x2  }
0x31f: {  	v4 =	vld [tilespmem:s18+$0xFFFFFD80]  }
0x320: {  	v1 =	vadd.f32 v1, v2  }
0x321: {  	v2 =	vld [tilespmem:s18+$0xFFFFFE00]  }
0x322: {  	v1 =	vadd.f32 v3, v1  }
0x323: {  	v3 =	vld [tilespmem:s18+$0xFFFFFE80]  }
0x324: {  	v1 =	vadd.f32 v4, v1  }
0x325: {  	v4 =	vld [tilespmem:s18+$0xFFFFFF00]  }
0x326: {  	v1 =	vadd.f32 v2, v1  }
0x327: {  	v2 =	vld [tilespmem:s18+$0xFFFFFF80]  }
0x328: {  	v1 =	vadd.f32 v3, v1  }
0x329: {  	v3 =	vld [tilespmem:s18+$0x0]  }
0x32a: {  	v1 =	vadd.f32 v4, v1  }
0x32b: {  	v4 =	vld [tilespmem:s18+$0x80]  }
0x32c: {  	v1 =	vadd.f32 v2, v1  }
0x32d: {  	v2 =	vld [tilespmem:s18+$0x100]  }
0x32e: {  	v1 =	vadd.f32 v3, v1  }
0x32f: {  	v3 =	vld [tilespmem:s18+$0x180]  }
0x330: {  	v1 =	vadd.f32 v4, v1  }
0x331: {  	v4 =	vld [tilespmem:s18+$0x200]  }
0x332: {  	v1 =	vadd.f32 v2, v1  }
0x333: {  	v2 =	vld [tilespmem:s18+$0x280]  }
0x334: {  	v1 =	vadd.f32 v3, v1  }
0x335: {  	v3 =	vld [tilespmem:s18+$0x300]  }
0x336: {  	v1 =	vadd.f32 v4, v1  }
0x337: {  	v4 =	vld [tilespmem:s18+$0x380]  }
0x338: {  	v1 =	vadd.f32 v2, v1;
	_ =	sdelay $0x1  }
0x339: {  	v1 =	vadd.f32 v3, v1;
	_ =	sdelay $0x1  }
0x33a: {  	v1 =	vadd.f32 v4, v1  }
0x33b: {  	s19 =	sshra.s32 s21, $0x2  }
0x33c: {  	[tilespmem:v0+s19+$0xFFFFFF90 ss:$0x1] =	vst.idx.msk $0xffff, v1  }
0x33d: {  	v1 =	vld [tilespmem:s18+$0xFFFFFC10]  }
0x33e: {  	v2 =	vld [tilespmem:s18+$0xFFFFFC90];
	_ =	sdelay $0x1  }
0x33f: {  	v3 =	vld [tilespmem:s18+$0xFFFFFD10];
	_ =	sdelay $0x1  }
0x340: {  	v4 =	vld [tilespmem:s18+$0xFFFFFD90]  }
0x341: {  	v1 =	vadd.f32 v2, v1  }
0x342: {  	v2 =	vld [tilespmem:s18+$0xFFFFFE10]  }
0x343: {  	v1 =	vadd.f32 v3, v1  }
0x344: {  	v3 =	vld [tilespmem:s18+$0xFFFFFE90]  }
0x345: {  	v1 =	vadd.f32 v4, v1  }
0x346: {  	v4 =	vld [tilespmem:s18+$0xFFFFFF10]  }
0x347: {  	v1 =	vadd.f32 v2, v1  }
0x348: {  	v2 =	vld [tilespmem:s18+$0xFFFFFF90]  }
0x349: {  	v1 =	vadd.f32 v3, v1  }
0x34a: {  	v3 =	vld [tilespmem:s18+$0x10]  }
0x34b: {  	v1 =	vadd.f32 v4, v1  }
0x34c: {  	v4 =	vld [tilespmem:s18+$0x90]  }
0x34d: {  	v1 =	vadd.f32 v2, v1  }
0x34e: {  	v2 =	vld [tilespmem:s18+$0x110]  }
0x34f: {  	v1 =	vadd.f32 v3, v1  }
0x350: {  	v3 =	vld [tilespmem:s18+$0x190]  }
0x351: {  	v1 =	vadd.f32 v4, v1  }
0x352: {  	v4 =	vld [tilespmem:s18+$0x210]  }
0x353: {  	v1 =	vadd.f32 v2, v1  }
0x354: {  	v2 =	vld [tilespmem:s18+$0x290]  }
0x355: {  	v1 =	vadd.f32 v3, v1  }
0x356: {  	v3 =	vld [tilespmem:s18+$0x310]  }
0x357: {  	v1 =	vadd.f32 v4, v1  }
0x358: {  	v4 =	vld [tilespmem:s18+$0x390]  }
0x359: {  	v1 =	vadd.f32 v2, v1;
	_ =	sdelay $0x1  }
0x35a: {  	v1 =	vadd.f32 v3, v1;
	_ =	sdelay $0x1  }
0x35b: {  	v1 =	vadd.f32 v4, v1;
	_ =	sdelay $0x1  }
0x35c: {  	[tilespmem:v0+s19+$0xFFFFFFA0 ss:$0x1] =	vst.idx.msk $0xffff, v1  }
0x35d: {  	v1 =	vld [tilespmem:s18+$0xFFFFFC20]  }
0x35e: {  	v2 =	vld [tilespmem:s18+$0xFFFFFCA0];
	_ =	sdelay $0x1  }
0x35f: {  	v3 =	vld [tilespmem:s18+$0xFFFFFD20];
	_ =	sdelay $0x1  }
0x360: {  	v4 =	vld [tilespmem:s18+$0xFFFFFDA0]  }
0x361: {  	v1 =	vadd.f32 v2, v1  }
0x362: {  	v2 =	vld [tilespmem:s18+$0xFFFFFE20]  }
0x363: {  	v1 =	vadd.f32 v3, v1  }
0x364: {  	v3 =	vld [tilespmem:s18+$0xFFFFFEA0]  }
0x365: {  	v1 =	vadd.f32 v4, v1  }
0x366: {  	v4 =	vld [tilespmem:s18+$0xFFFFFF20]  }
0x367: {  	v1 =	vadd.f32 v2, v1  }
0x368: {  	v2 =	vld [tilespmem:s18+$0xFFFFFFA0]  }
0x369: {  	v1 =	vadd.f32 v3, v1  }
0x36a: {  	v3 =	vld [tilespmem:s18+$0x20]  }
0x36b: {  	v1 =	vadd.f32 v4, v1  }
0x36c: {  	v4 =	vld [tilespmem:s18+$0xA0]  }
0x36d: {  	v1 =	vadd.f32 v2, v1  }
0x36e: {  	v2 =	vld [tilespmem:s18+$0x120]  }
0x36f: {  	v1 =	vadd.f32 v3, v1  }
0x370: {  	v3 =	vld [tilespmem:s18+$0x1A0]  }
0x371: {  	v1 =	vadd.f32 v4, v1  }
0x372: {  	v4 =	vld [tilespmem:s18+$0x220]  }
0x373: {  	v1 =	vadd.f32 v2, v1  }
0x374: {  	v2 =	vld [tilespmem:s18+$0x2A0]  }
0x375: {  	v1 =	vadd.f32 v3, v1  }
0x376: {  	v3 =	vld [tilespmem:s18+$0x320]  }
0x377: {  	v1 =	vadd.f32 v4, v1  }
0x378: {  	v4 =	vld [tilespmem:s18+$0x3A0]  }
0x379: {  	v1 =	vadd.f32 v2, v1;
	_ =	sdelay $0x1  }
0x37a: {  	v1 =	vadd.f32 v3, v1;
	_ =	sdelay $0x1  }
0x37b: {  	v1 =	vadd.f32 v4, v1;
	_ =	sdelay $0x1  }
0x37c: {  	[tilespmem:v0+s19+$0xFFFFFFB0 ss:$0x1] =	vst.idx.msk $0xffff, v1  }
0x37d: {  	v1 =	vld [tilespmem:s18+$0xFFFFFC30]  }
0x37e: {  	v2 =	vld [tilespmem:s18+$0xFFFFFCB0]  }
0x37f: {  	v3 =	vld [tilespmem:s18+$0xFFFFFD30];
	_ =	sdelay $0x2  }
0x380: {  	v4 =	vld [tilespmem:s18+$0xFFFFFDB0]  }
0x381: {  	v1 =	vadd.f32 v2, v1  }
0x382: {  	v2 =	vld [tilespmem:s18+$0xFFFFFE30]  }
0x383: {  	v1 =	vadd.f32 v3, v1  }
0x384: {  	v3 =	vld [tilespmem:s18+$0xFFFFFEB0]  }
0x385: {  	v1 =	vadd.f32 v4, v1  }
0x386: {  	v4 =	vld [tilespmem:s18+$0xFFFFFF30]  }
0x387: {  	v1 =	vadd.f32 v2, v1  }
0x388: {  	v2 =	vld [tilespmem:s18+$0xFFFFFFB0]  }
0x389: {  	v1 =	vadd.f32 v3, v1  }
0x38a: {  	v3 =	vld [tilespmem:s18+$0x30]  }
0x38b: {  	v1 =	vadd.f32 v4, v1  }
0x38c: {  	v4 =	vld [tilespmem:s18+$0xB0]  }
0x38d: {  	v1 =	vadd.f32 v2, v1  }
0x38e: {  	v2 =	vld [tilespmem:s18+$0x130]  }
0x38f: {  	v1 =	vadd.f32 v3, v1  }
0x390: {  	v3 =	vld [tilespmem:s18+$0x1B0]  }
0x391: {  	v1 =	vadd.f32 v4, v1  }
0x392: {  	v4 =	vld [tilespmem:s18+$0x230]  }
0x393: {  	v1 =	vadd.f32 v2, v1  }
0x394: {  	v2 =	vld [tilespmem:s18+$0x2B0]  }
0x395: {  	v1 =	vadd.f32 v3, v1  }
0x396: {  	v3 =	vld [tilespmem:s18+$0x330]  }
0x397: {  	v1 =	vadd.f32 v4, v1  }
0x398: {  	v4 =	vld [tilespmem:s18+$0x3B0]  }
0x399: {  	v1 =	vadd.f32 v2, v1;
	_ =	sdelay $0x1  }
0x39a: {  	v1 =	vadd.f32 v3, v1;
	_ =	sdelay $0x1  }
0x39b: {  	v1 =	vadd.f32 v4, v1;
	_ =	sdelay $0x1  }
0x39c: {  	[tilespmem:v0+s19+$0xFFFFFFC0 ss:$0x1] =	vst.idx.msk $0xffff, v1  }
0x39d: {  	v1 =	vld [tilespmem:s18+$0xFFFFFC40]  }
0x39e: {  	v2 =	vld [tilespmem:s18+$0xFFFFFCC0];
	_ =	sdelay $0x1  }
0x39f: {  	v3 =	vld [tilespmem:s18+$0xFFFFFD40];
	_ =	sdelay $0x1  }
0x3a0: {  	v4 =	vld [tilespmem:s18+$0xFFFFFDC0]  }
0x3a1: {  	v2 =	vadd.f32 v2, v1  }
0x3a2: {  	v5 =	vld [tilespmem:s18+$0xFFFFFE40]  }
0x3a3: {  	v2 =	vadd.f32 v3, v2  }
0x3a4: {  	v3 =	vld [tilespmem:s18+$0xFFFFFEC0]  }
0x3a5: {  	v2 =	vadd.f32 v4, v2  }
0x3a6: {  	v4 =	vld [tilespmem:s18+$0xFFFFFF40]  }
0x3a7: {  	v2 =	vadd.f32 v5, v2  }
0x3a8: {  	v5 =	vld [tilespmem:s18+$0xFFFFFFC0]  }
0x3a9: {  	v2 =	vadd.f32 v3, v2  }
0x3aa: {  	v3 =	vld [tilespmem:s18+$0x40]  }
0x3ab: {  	v2 =	vadd.f32 v4, v2  }
0x3ac: {  	v4 =	vld [tilespmem:s18+$0xC0]  }
0x3ad: {  	v2 =	vadd.f32 v5, v2  }
0x3ae: {  	v5 =	vld [tilespmem:s18+$0x140]  }
0x3af: {  	v2 =	vadd.f32 v3, v2  }
0x3b0: {  	v3 =	vld [tilespmem:s18+$0x1C0]  }
0x3b1: {  	v2 =	vadd.f32 v4, v2  }
0x3b2: {  	v4 =	vld [tilespmem:s18+$0x240]  }
0x3b3: {  	v2 =	vadd.f32 v5, v2  }
0x3b4: {  	v5 =	vld [tilespmem:s18+$0x2C0]  }
0x3b5: {  	v2 =	vadd.f32 v3, v2  }
0x3b6: {  	v3 =	vld [tilespmem:s18+$0x340]  }
0x3b7: {  	v2 =	vadd.f32 v4, v2  }
0x3b8: {  	v4 =	vld [tilespmem:s18+$0x3C0]  }
0x3b9: {  	v2 =	vadd.f32 v5, v2;
	_ =	sdelay $0x1  }
0x3ba: {  	v2 =	vadd.f32 v3, v2;
	_ =	sdelay $0x1  }
0x3bb: {  	v1 =	vmul.f32 $-1.600000000e+01, v1;
	v2 =	vadd.f32 v4, v2;
	_ =	sdelay $0x1  }
0x3bc: {  	v1 =	vadd.f32 v1, v2;
	_ =	sdelay $0x1  }
0x3bd: {  	v1 =	vsel vm0, v1, v2  }
0x3be: {  	[tilespmem:v0+s19+$0xFFFFFFD0 ss:$0x1] =	vst.idx.msk $0xffff, v1  }
0x3bf: {  	v1 =	vld [tilespmem:s18+$0xFFFFFC50]  }
0x3c0: {  	v2 =	vld [tilespmem:s18+$0xFFFFFCD0]  }
0x3c1: {  	v3 =	vld [tilespmem:s18+$0xFFFFFD50]  }
0x3c2: {  	v4 =	vld [tilespmem:s18+$0xFFFFFDD0]  }
0x3c3: {  	v5 =	vld [tilespmem:s18+$0xFFFFFE50]  }
0x3c4: {  	v6 =	vld [tilespmem:s18+$0xFFFFFED0]  }
0x3c5: {  	v1 =	vadd.f32 v2, v1;
	v2 =	vld [tilespmem:s18+$0xFFFFFF50]  }
0x3c6: {  	v7 =	vld [tilespmem:s18+$0xFFFFFFD0]  }
0x3c7: {  	v1 =	vadd.f32 v3, v1;
	v3 =	vld [tilespmem:s18+$0x50]  }
0x3c8: {  	v8 =	vld [tilespmem:s18+$0xD0]  }
0x3c9: {  	v1 =	vadd.f32 v4, v1;
	v4 =	vld [tilespmem:s18+$0x150]  }
0x3ca: {  	v9 =	vld [tilespmem:s18+$0x1D0]  }
0x3cb: {  	v1 =	vadd.f32 v5, v1;
	v5 =	vld [tilespmem:s18+$0x250]  }
0x3cc: {  	v10 =	vld [tilespmem:s18+$0x2D0]  }
0x3cd: {  	v1 =	vadd.f32 v6, v1;
	v6 =	vld [tilespmem:s18+$0x350]  }
0x3ce: {  	v11 =	vld [tilespmem:s18+$0x3D0]  }
0x3cf: {  	v1 =	vadd.f32 v2, v1;
	_ =	sdelay $0x1  }
0x3d0: {  	v1 =	vadd.f32 v7, v1;
	_ =	sdelay $0x1  }
0x3d1: {  	v1 =	vadd.f32 v3, v1;
	_ =	sdelay $0x1  }
0x3d2: {  	v1 =	vadd.f32 v8, v1;
	_ =	sdelay $0x1  }
0x3d3: {  	v1 =	vadd.f32 v4, v1;
	_ =	sdelay $0x1  }
0x3d4: {  	v1 =	vadd.f32 v9, v1;
	_ =	sdelay $0x1  }
0x3d5: {  	v1 =	vadd.f32 v5, v1;
	_ =	sdelay $0x1  }
0x3d6: {  	v1 =	vadd.f32 v10, v1;
	_ =	sdelay $0x1  }
0x3d7: {  	v1 =	vadd.f32 v6, v1;
	_ =	sdelay $0x1  }
0x3d8: {  	v1 =	vadd.f32 v11, v1;
	_ =	sdelay $0x1  }
0x3d9: {  	[tilespmem:v0+s19+$0xFFFFFFE0 ss:$0x1] =	vst.idx.msk $0xffff, v1  }
0x3da: {  	v1 =	vld [tilespmem:s18+$0xFFFFFC60]  }
0x3db: {  	v2 =	vld [tilespmem:s18+$0xFFFFFCE0]  }
0x3dc: {  	v3 =	vld [tilespmem:s18+$0xFFFFFD60]  }
0x3dd: {  	v4 =	vld [tilespmem:s18+$0xFFFFFDE0]  }
0x3de: {  	v5 =	vld [tilespmem:s18+$0xFFFFFE60]  }
0x3df: {  	v6 =	vld [tilespmem:s18+$0xFFFFFEE0]  }
0x3e0: {  	v1 =	vadd.f32 v2, v1;
	v2 =	vld [tilespmem:s18+$0xFFFFFF60]  }
0x3e1: {  	v7 =	vld [tilespmem:s18+$0xFFFFFFE0]  }
0x3e2: {  	v1 =	vadd.f32 v3, v1;
	v3 =	vld [tilespmem:s18+$0x60]  }
0x3e3: {  	v8 =	vld [tilespmem:s18+$0xE0]  }
0x3e4: {  	v1 =	vadd.f32 v4, v1;
	v4 =	vld [tilespmem:s18+$0x160]  }
0x3e5: {  	v9 =	vld [tilespmem:s18+$0x1E0]  }
0x3e6: {  	v1 =	vadd.f32 v5, v1;
	v5 =	vld [tilespmem:s18+$0x260]  }
0x3e7: {  	v10 =	vld [tilespmem:s18+$0x2E0]  }
0x3e8: {  	v1 =	vadd.f32 v6, v1;
	v6 =	vld [tilespmem:s18+$0x360]  }
0x3e9: {  	v11 =	vld [tilespmem:s18+$0x3E0]  }
0x3ea: {  	v1 =	vadd.f32 v2, v1;
	_ =	sdelay $0x1  }
0x3eb: {  	v1 =	vadd.f32 v7, v1;
	_ =	sdelay $0x1  }
0x3ec: {  	v1 =	vadd.f32 v3, v1;
	_ =	sdelay $0x1  }
0x3ed: {  	v1 =	vadd.f32 v8, v1;
	_ =	sdelay $0x1  }
0x3ee: {  	v1 =	vadd.f32 v4, v1;
	_ =	sdelay $0x1  }
0x3ef: {  	v1 =	vadd.f32 v9, v1;
	_ =	sdelay $0x1  }
0x3f0: {  	v1 =	vadd.f32 v5, v1;
	_ =	sdelay $0x1  }
0x3f1: {  	v1 =	vadd.f32 v10, v1;
	_ =	sdelay $0x1  }
0x3f2: {  	v1 =	vadd.f32 v6, v1;
	_ =	sdelay $0x1  }
0x3f3: {  	v1 =	vadd.f32 v11, v1;
	_ =	sdelay $0x1  }
0x3f4: {  	[tilespmem:v0+s19+$0xFFFFFFF0 ss:$0x1] =	vst.idx.msk $0xffff, v1  }
0x3f5: {  	v1 =	vld [tilespmem:s18+$0xFFFFFC70]  }
0x3f6: {  	v2 =	vld [tilespmem:s18+$0xFFFFFCF0]  }
0x3f7: {  	v3 =	vld [tilespmem:s18+$0xFFFFFD70]  }
0x3f8: {  	v4 =	vld [tilespmem:s18+$0xFFFFFDF0]  }
0x3f9: {  	v5 =	vld [tilespmem:s18+$0xFFFFFE70]  }
0x3fa: {  	v6 =	vld [tilespmem:s18+$0xFFFFFEF0]  }
0x3fb: {  	v1 =	vadd.f32 v2, v1;
	v7 =	vld [tilespmem:s18+$0xFFFFFF70]  }
0x3fc: {  	v8 =	vld [tilespmem:s18+$0xFFFFFFF0]  }
0x3fd: {  	v1 =	vadd.f32 v3, v1;
	v9 =	vld [tilespmem:s18+$0xF0]  }
0x3fe: {  	v10 =	vld [tilespmem:s18+$0x70]  }
0x3ff: {  	v1 =	vadd.f32 v4, v1;
	v11 =	vld [tilespmem:s18+$0x170]  }
0x400: {  	v12 =	vld [tilespmem:s18+$0x1F0]  }
0x401: {  	v2 =	vadd.f32 v5, v1;
	v4 =	vld [tilespmem:s18+$0x270]  }
0x402: {  	v1 =	vld [tilespmem:s18+$0x2F0]  }
0x403: {  	v5 =	vadd.f32 v6, v2;
	v2 =	vld [tilespmem:s18+$0x370]  }
0x404: {  	v3 =	vld [tilespmem:s18+$0x3F0]  }
0x405: {  	v5 =	vadd.f32 v7, v5;
	_ =	sdelay $0x1  }
0x406: {  	v5 =	vadd.f32 v8, v5;
	_ =	sdelay $0x1  }
0x407: {  	v5 =	vadd.f32 v10, v5;
	_ =	sdelay $0x1  }
.Ltmp1:
0x408: {  	v5 =	vadd.f32 v9, v5;
	(pc) =	sbr.rel @p0 .LBB2_5-.Ltmp1, $3  }
0x409: {  	_ = 	snop  }
0x40a: {  	v5 =	vadd.f32 v11, v5;
	_ =	sdelay $0x1  }
0x40b: {  	v5 =	vadd.f32 v12, v5  }
0x40c: {  	_ = 	snop  }
0x40d: {  	v4 =	vadd.f32 v4, v5;
	_ =	sdelay $0x1  }
0x40e: {  	s17 =	sadd.s32 $0x1, s17;
	v1 =	vadd.f32 v1, v4  }
0x40f: {  	p0 =	sne.s32 s17, $0x10  }
.Ltmp2:
0x410: {  	v1 =	vadd.f32 v2, v1;
	(pc) =	sbr.rel @p0 .LBB2_2-.Ltmp2, $3  }
0x411: {  	_ = 	snop  }
0x412: {  	v1 =	vadd.f32 v3, v1;
	_ =	sdelay $0x1  }
0x413: {  	s15 =	sadd.s32 $0x800, s15;
	s16 =	sadd.s32 $0x800, s16;
	[tilespmem:v0+s19+$0x0 ss:$0x1] =	vst.idx.msk $0xffff, v1  }
0x414: {  	s14 =	sadd.s32 $0x1, s14  }
0x415: {  	p0 =	sne.s32 s14, s6  }
.Ltmp3:
0x416: {  	_ = 	snop;
	(pc) =	sbr.rel @p0 .LBB2_1-.Ltmp3, $4  }
0x417: {  	[hbm4b:s5+s3] =	stream.linear.scatter [tilespmem:s13], [sflag:$0x3], $0x8000, $0x38;
	[tilespmem:$0x11000] =	vst v63  }
0x418: {  	_ =	swait.ge [sflag:s7], $0x8000  }
0x419: {  	[sflag:s7] =	ssyncset.done $0x0  }
0x41a: {  	[sflag:s7] =	ssyncadd.s32 $0xFFFF8000  }
0x41b: {  	_ =	sfence.sel $0x180000  }
0x41c: {  	[bflag:$0x0] =	sbarrier.arrive $0xFFFF  }
0x41d: {  	p0 =	sne.s32 s2, $0x0;
	_ =	strace $0x90000047  }
0x41e: {  	s0 =	sadd.s32 @!p0 $0x100000, s0;
	[bflag:$0x2] =	sbarrier.arrive $0xFFFF  }
0x41f: {  	[sflag:s0] =	ssyncadd.tile.s32 @!p0 $0x1;
	_ =	shalt  }
.Lfunc_end2:
_tile_overlayer_lowered:
.L_overlay_start_2:
0x420: {  	(tag) =	ssettag $0x2  }
0x421: {  	s0 =	rddreg [dreg:$0x0];
	s2 =	stileid.u32  }
0x422: {  	s1 =	rddreg [dreg:$0x1];
	p0 =	sne.s32 s2, $0x0  }
0x423: {  	s3 =	rddreg [dreg:$0x2];
	[bflag:$0x3] =	sbarrier.arrive $0xFFFF;
	s2 =	simm.s32 @!p0 $0x1C03  }
0x424: {  	[timem:s3], [sflag:s2] =	dma.local @!p0 [hbm:s0], s1  }
0x425: {  	s0 =	simm.s32 @!p0 $0x3  }
0x426: {  	_ =	swait.ge @!p0 [sflag:s0], s1  }
0x427: {  	s1 =	ssub.s32 @!p0 $0x0, s1;
	[sflag:s0] =	ssyncset.done @!p0 $0x0  }
0x428: {  	[sflag:s0] =	ssyncadd.s32 @!p0 s1  }
0x429: {  	[bflag:$0x3] =	sbarrier.arrive $0xFFFF  }
0x42a: {  	_ =	shalt  }

</sc_bundles>
